<compile_context>
chip_gen: v7x
topology: tpu7x:2x2x1
jax: 0.10.2.dev20260603
libtpu: 0.0.44.dev20260713+nightly
codegen_flags: <defaults>
</compile_context>

<pallas_src>
import functools

import jax
import jax.numpy as jnp
from jax import lax
from jax.experimental import pallas as pl
from jax.experimental.pallas import tpu as pltpu
from jax.experimental.pallas import tpu_sc as plsc

_N = 10000
_E = 320000
_D = 128
_DEPTH = 4
_EPS = 1e-5

_NC = 2
_NS = 16
_NW = _NC * _NS
_EPW = _E // _NW
_CH = 80
_NCHUNK = _EPW // _CH
_EPWP = _NCHUNK * _CH
_NR = _N
_NZFULL = _N // _CH

_mesh = plsc.VectorSubcoreMesh(core_axis_name="c", subcore_axis_name="s")

@functools.partial(
    pl.kernel,
    out_type=jax.ShapeDtypeStruct((_NC * _N, _D), jnp.float32),
    mesh=_mesh,
    scratch_types=[
        pltpu.VMEM((_NCHUNK, _CH), jnp.int32),
        pltpu.VMEM((_CH, _D), jnp.float32),
        pltpu.VMEM((_CH, _D), jnp.float32),
        pltpu.VMEM_SHARED((_NR, _D), jnp.float32),
    ],
)
def _deg_kernel(dst_hbm, out_hbm, dst_v, ones_v, zeros_v, acc_s):
    cid = lax.axis_index("c")
    sid = lax.axis_index("s")
    wid = sid * _NC + cid

    def fill(i, carry):
        for k in range(_D // 16):
            ones_v[i, pl.ds(k * 16, 16)] = jnp.ones((16,), jnp.float32)
            zeros_v[i, pl.ds(k * 16, 16)] = jnp.zeros((16,), jnp.float32)
        return carry
    lax.fori_loop(0, _CH, fill, 0)
    for t in range(pl.cdiv(_NZFULL, _NS)):
        c = sid + t * _NS
        @pl.when(c < _NZFULL)
        def _zero():
            pltpu.sync_copy(zeros_v, acc_s.at[pl.ds(c * _CH, _CH)])
    pltpu.sync_copy(dst_hbm.at[wid], dst_v)
    plsc.subcore_barrier()
    def body(j, carry):
        pltpu.sync_copy(ones_v, acc_s.at[dst_v.at[j]], add=True)
        return carry
    lax.fori_loop(0, _NCHUNK, body, 0)
    plsc.subcore_barrier()
    @pl.when(sid < 10)
    def _dump():
        pltpu.sync_copy(acc_s.at[pl.ds(sid * 1000, 1000)],
                        out_hbm.at[pl.ds(cid * _N + sid * 1000, 1000)])


@functools.partial(
    pl.kernel,
    out_type=jax.ShapeDtypeStruct((_NC * _N, _D), jnp.float32),
    mesh=_mesh,
    scratch_types=[
        pltpu.VMEM((_EPWP,), jnp.int32),
        pltpu.VMEM((_NCHUNK, _CH), jnp.int32),
        pltpu.VMEM((_CH, _D), jnp.float32),
        pltpu.VMEM((_CH, _D), jnp.float32),
        pltpu.VMEM_SHARED((_NR, _D), jnp.float32),
        pltpu.SemaphoreType.DMA,
        pltpu.SemaphoreType.DMA,
        pltpu.SemaphoreType.DMA,
        pltpu.SemaphoreType.DMA,
    ],
)
def _agg_kernel(xs_hbm, src_hbm, dst_hbm, out_hbm,
                src_v, dst_v, buf0, buf1, acc_s, semg0, semg1, sems0, sems1):
    cid = lax.axis_index("c")
    sid = lax.axis_index("s")
    wid = sid * _NC + cid
    def zrow(i, carry):
        for k in range(_D // 16):
            buf0[i, pl.ds(k * 16, 16)] = jnp.zeros((16,), jnp.float32)
        return carry
    lax.fori_loop(0, _CH, zrow, 0)
    for t in range(pl.cdiv(_NZFULL, _NS)):
        c = sid + t * _NS
        @pl.when(c < _NZFULL)
        def _zero():
            pltpu.sync_copy(buf0, acc_s.at[pl.ds(c * _CH, _CH)])
    pltpu.sync_copy(src_hbm.at[wid], src_v)
    pltpu.sync_copy(dst_hbm.at[wid], dst_v)
    plsc.subcore_barrier()
    def src_at(j):
        return src_v.at[pl.ds(j * _CH, _CH)]

    pltpu.async_copy(xs_hbm.at[src_at(0)], buf0, semg0)
    pltpu.async_copy(xs_hbm.at[src_at(1)], buf1, semg1)

    def body(jj, carry):
        j0 = 2 * jj
        pltpu.make_async_copy(xs_hbm.at[src_at(j0)], buf0, semg0).wait()
        pltpu.async_copy(buf0, acc_s.at[dst_v.at[j0]], sems0, add=True)
        @pl.when(j0 + 1 < _NCHUNK)
        def _b1():
            pltpu.make_async_copy(xs_hbm.at[src_at(j0 + 1)], buf1,
                                  semg1).wait()
            pltpu.async_copy(buf1, acc_s.at[dst_v.at[j0 + 1]], sems1,
                             add=True)
        @pl.when(j0 + 2 < _NCHUNK)
        def _g0():
            pltpu.make_async_copy(buf0, acc_s.at[dst_v.at[j0]],
                                  sems0).wait()
            pltpu.async_copy(xs_hbm.at[src_at(j0 + 2)], buf0, semg0)
        @pl.when(j0 + 3 < _NCHUNK)
        def _g1():
            pltpu.make_async_copy(buf1, acc_s.at[dst_v.at[j0 + 1]],
                                  sems1).wait()
            pltpu.async_copy(xs_hbm.at[src_at(j0 + 3)], buf1, semg1)
        return carry
    lax.fori_loop(0, pl.cdiv(_NCHUNK, 2), body, 0)
    pltpu.make_async_copy(buf0, acc_s.at[dst_v.at[_NCHUNK - 1]],
                          sems0).wait()
    pltpu.make_async_copy(buf1, acc_s.at[dst_v.at[_NCHUNK - 2]],
                          sems1).wait()
    plsc.subcore_barrier()
    @pl.when(sid < 10)
    def _dump():
        pltpu.sync_copy(acc_s.at[pl.ds(sid * 1000, 1000)],
                        out_hbm.at[pl.ds(cid * _N + sid * 1000, 1000)])


def _tc_first(x_ref, w_ref, deg_ref, xs_ref, dis_ref):
    deg = deg_ref[0, :, 0:1] + deg_ref[1, :, 0:1]
    dis = jnp.where(deg > 0, lax.rsqrt(deg), 0.0)
    dis_ref[...] = dis
    xw = jnp.dot(x_ref[...], w_ref[...], preferred_element_type=jnp.float32)
    xs_ref[...] = dis * xw


def _post_layer(agg_ref, dis, b, gamma, beta, h_prev):
    s = agg_ref[0] + agg_ref[1]
    pre = dis * s + b[None, :]
    mu = jnp.mean(pre, axis=0, keepdims=True)
    var = jnp.mean((pre - mu) ** 2, axis=0, keepdims=True)
    hb = gamma[None, :] * (pre - mu) / jnp.sqrt(var + _EPS) + beta[None, :]
    return jnp.maximum(hb, 0.0) + h_prev


def _tc_mid(agg_ref, dis_ref, b_ref, g_ref, bt_ref, h_ref, w_ref,
            h_out_ref, xs_ref):
    dis = dis_ref[...]
    h_new = _post_layer(agg_ref, dis, b_ref[...], g_ref[...], bt_ref[...],
                        h_ref[...])
    h_out_ref[...] = h_new
    xw = jnp.dot(h_new, w_ref[...], preferred_element_type=jnp.float32)
    xs_ref[...] = dis * xw


def _tc_last(agg_ref, dis_ref, b_ref, g_ref, bt_ref, h_ref,
             rw0_ref, rb0_ref, rw1_ref, rb1_ref, rw2_ref, rb2_ref, y_ref):
    h_new = _post_layer(agg_ref, dis_ref[...], b_ref[...], g_ref[...],
                        bt_ref[...], h_ref[...])
    g = jnp.mean(h_new, axis=0, keepdims=True)
    y = jnp.dot(g, rw0_ref[...], preferred_element_type=jnp.float32)
    y = jnp.maximum(y + rb0_ref[...][None, :], 0.0)
    y = jnp.dot(y, rw1_ref[...], preferred_element_type=jnp.float32)
    y = jnp.maximum(y + rb1_ref[...][None, :], 0.0)
    y = jnp.dot(y, rw2_ref[...], preferred_element_type=jnp.float32)
    y_ref[...] = y + rb2_ref[...][None, :]


_f32 = jnp.float32


def kernel(x, edge_index, W, b, gamma, beta, rW0, rb0, rW1, rb1, rW2, rb2):
    src2 = edge_index[0].reshape(_NW, _EPW)
    dst3 = edge_index[1].reshape(_NW, _NCHUNK, _CH)

    deg2 = _deg_kernel(dst3).reshape(_NC, _N, _D)

    xs, dis = pl.pallas_call(
        _tc_first,
        out_shape=(jax.ShapeDtypeStruct((_N, _D), _f32),
                   jax.ShapeDtypeStruct((_N, 1), _f32)),
    )(x, W[0], deg2)

    h = x
    for i in range(_DEPTH - 1):
        agg2 = _agg_kernel(xs, src2, dst3).reshape(_NC, _N, _D)
        h, xs = pl.pallas_call(
            _tc_mid,
            out_shape=(jax.ShapeDtypeStruct((_N, _D), _f32),
                       jax.ShapeDtypeStruct((_N, _D), _f32)),
        )(agg2, dis, b[i], gamma[i], beta[i], h, W[i + 1])

    agg2 = _agg_kernel(xs, src2, dst3).reshape(_NC, _N, _D)
    y = pl.pallas_call(
        _tc_last,
        out_shape=jax.ShapeDtypeStruct((1, len(rb2)), _f32),
    )(agg2, dis, b[_DEPTH - 1], gamma[_DEPTH - 1], beta[_DEPTH - 1], h,
      rW0, rb0, rW1, rb1, rW2, rb2)
    return y.reshape(-1)

# --- scband reference (transcript-rebuilt; emitter-appended) ---
"""Pipeline reference for scband-pygmpnet-30296699306199 (READ-ONLY COPY).

The authoritative reference and input builder live on the scoring server;
editing this copy changes nothing except your own understanding.
"""

import jax, jax.numpy as jnp
import numpy as np

N = 10000
E = 320000
D = 128
DEPTH = 4
OUT = 10
EPS = 1e-5


def setup_inputs(seed: int = 0) -> dict:
    key = jax.random.key(seed)
    ks = jax.random.split(key, 10)
    x = jax.random.normal(ks[0], (N, D), dtype=jnp.float32)
    edge_index = jax.random.randint(ks[1], (2, E), 0, N, dtype=jnp.int32)
    W = jax.random.normal(ks[2], (DEPTH, D, D), dtype=jnp.float32) * (1.0 / np.sqrt(D))
    b = jnp.zeros((DEPTH, D), dtype=jnp.float32)
    gamma = jnp.ones((DEPTH, D), dtype=jnp.float32)
    beta = jnp.zeros((DEPTH, D), dtype=jnp.float32)
    rW0 = jax.random.normal(ks[3], (D, D // 2), dtype=jnp.float32) * (1.0 / np.sqrt(D))
    rb0 = jnp.zeros((D // 2,), dtype=jnp.float32)
    rW1 = jax.random.normal(ks[4], (D // 2, D // 4), dtype=jnp.float32) * (1.0 / np.sqrt(D // 2))
    rb1 = jnp.zeros((D // 4,), dtype=jnp.float32)
    rW2 = jax.random.normal(ks[5], (D // 4, OUT), dtype=jnp.float32) * (1.0 / np.sqrt(D // 4))
    rb2 = jnp.zeros((OUT,), dtype=jnp.float32)
    return {"x": x, "edge_index": edge_index, "W": W, "b": b, "gamma": gamma, "beta": beta,
            "rW0": rW0, "rb0": rb0, "rW1": rW1, "rb1": rb1, "rW2": rW2, "rb2": rb2}


def _gcn_layer(h, edge_index, W_i, b_i):
    # GCNConv without self loops: symmetric normalization D^{-1/2} A D^{-1/2} X W + b
    src = edge_index[0]
    dst = edge_index[1]
    deg = jax.ops.segment_sum(jnp.ones((E,), dtype=h.dtype), dst, num_segments=N)
    deg_inv_sqrt = jnp.where(deg > 0, deg ** -0.5, 0.0)
    norm = deg_inv_sqrt[src] * deg_inv_sqrt[dst]
    xw = h @ W_i
    msg = xw[src] * norm[:, None]          # gather over edges
    agg = jnp.zeros((N, xw.shape[1]), dtype=h.dtype).at[dst].add(msg)  # scatter-add
    return agg + b_i


def _batch_norm(h, gamma_i, beta_i):
    mu = jnp.mean(h, axis=0, keepdims=True)
    var = jnp.var(h, axis=0, keepdims=True)
    return gamma_i * (h - mu) / jnp.sqrt(var + EPS) + beta_i


def reference(x, edge_index, W, b, gamma, beta, rW0, rb0, rW1, rb1, rW2, rb2):
    h = x
    for i in range(DEPTH):
        h_in = h
        h = _gcn_layer(h, edge_index, W[i], b[i])
        h = _batch_norm(h, gamma[i], beta[i])
        h = jax.nn.relu(h)
        h = h + h_in  # residual
        # dropout p=0.0 -> identity
    # mean readout over all nodes (single graph)
    g = jnp.mean(h, axis=0)
    # MLPReadout: 128 -> 64 -> 32 -> 10
    y = jax.nn.relu(g @ rW0 + rb0)
    y = jax.nn.relu(y @ rW1 + rb1)
    y = y @ rW2 + rb2
    return y

if __name__ == "__main__":
    import jax
    _d = setup_inputs()
    print(jax.jit(kernel)(*tuple(_d.values())))

</pallas_src>

<mosaic_0001>
#map = affine_map<(d0, d1) -> (0, 0)>
#map1 = affine_map<(d0, d1) -> (0, 0, 0)>
module attributes {stable_mosaic.version = 14 : i64} {
  func.func @_agg_kernel(%arg0: i32, %arg1: i32, %arg2: memref<10000x128xf32, #tpu.memory_space<hbm>>, %arg3: memref<32x10000xi32, #tpu.memory_space<hbm>>, %arg4: memref<32x125x80xi32, #tpu.memory_space<hbm>>, %arg5: memref<20000x128xf32, #tpu.memory_space<hbm>>, %arg6: memref<10000xi32, #tpu.memory_space<vmem>>, %arg7: memref<125x80xi32, #tpu.memory_space<vmem>>, %arg8: memref<80x128xf32, #tpu.memory_space<vmem>>, %arg9: memref<80x128xf32, #tpu.memory_space<vmem>>, %arg10: memref<10000x128xf32, #tpu.memory_space<vmem_shared>>, %arg11: memref<!tpu.dma_semaphore, #tpu.memory_space<semaphore_mem>>, %arg12: memref<!tpu.dma_semaphore, #tpu.memory_space<semaphore_mem>>, %arg13: memref<!tpu.dma_semaphore, #tpu.memory_space<semaphore_mem>>, %arg14: memref<!tpu.dma_semaphore, #tpu.memory_space<semaphore_mem>>) attributes {dimension_semantics = [#tpu.dimension_semantics<core_parallel>, #tpu.dimension_semantics<subcore_parallel>], iteration_bounds = array<i64: 2, 16>, scalar_prefetch = 0 : i64, scratch_operands = 9 : i64, tpu.core_type = #tpu.core_type<sc_vector_subcore>, window_params = [{transform_indices = #map}, {transform_indices = #map}, {transform_indices = #map1}, {transform_indices = #map}]} {
    %mul3A = arith.constant 2 : i32
    %mul3A_0 = arith.muli %arg1, %mul3A : i32
    %add3A = arith.addi %mul3A_0, %arg0 : i32
    %scan3A = arith.constant 0 : i32
    %scan3A_1 = arith.constant 0 : i32
    %scan3A_2 = arith.constant 80 : i32
    %scan3A_3 = arith.addi %scan3A_1, %scan3A_2 : i32
    %scan3A_4 = arith.constant 1 : i32
    scf.for %scan3A_93 = %scan3A_1 to %scan3A_3 step %scan3A_4  : i32 {
      %broadcast_in_dim3A = arith.constant 0.000000e+00 : f32
      %broadcast_in_dim3A_94 = vector.broadcast %broadcast_in_dim3A : f32 to vector<16xf32>
      %swap3A = arith.index_cast %scan3A_93 : i32 to index
      %swap3A_95 = arith.constant 0 : index
      %swap3A_96 = tpu.vector_load %arg8[%swap3A, %swap3A_95] {strides = array<i32>} : memref<80x128xf32, #tpu.memory_space<vmem>>, vector<1x16xf32>,
      %swap3A_97 = vector.shape_cast %swap3A_96 : vector<1x16xf32> to vector<16xf32>
      %swap3A_98 = vector.shape_cast %broadcast_in_dim3A_94 : vector<16xf32> to vector<1x16xf32>
      tpu.vector_store %arg8[%swap3A, %swap3A_95], %swap3A_98 {strides = array<i32>} : memref<80x128xf32, #tpu.memory_space<vmem>>, vector<1x16xf32>,
      %broadcast_in_dim3A_99 = arith.constant 0.000000e+00 : f32
      %broadcast_in_dim3A_100 = vector.broadcast %broadcast_in_dim3A_99 : f32 to vector<16xf32>
      %swap3A_101 = arith.index_cast %scan3A_93 : i32 to index
      %swap3A_102 = arith.constant 16 : index
      %swap3A_103 = tpu.vector_load %arg8[%swap3A_101, %swap3A_102] {strides = array<i32>} : memref<80x128xf32, #tpu.memory_space<vmem>>, vector<1x16xf32>,
      %swap3A_104 = vector.shape_cast %swap3A_103 : vector<1x16xf32> to vector<16xf32>
      %swap3A_105 = vector.shape_cast %broadcast_in_dim3A_100 : vector<16xf32> to vector<1x16xf32>
      tpu.vector_store %arg8[%swap3A_101, %swap3A_102], %swap3A_105 {strides = array<i32>} : memref<80x128xf32, #tpu.memory_space<vmem>>, vector<1x16xf32>,
      %broadcast_in_dim3A_106 = arith.constant 0.000000e+00 : f32
      %broadcast_in_dim3A_107 = vector.broadcast %broadcast_in_dim3A_106 : f32 to vector<16xf32>
      %swap3A_108 = arith.index_cast %scan3A_93 : i32 to index
      %swap3A_109 = arith.constant 32 : index
      %swap3A_110 = tpu.vector_load %arg8[%swap3A_108, %swap3A_109] {strides = array<i32>} : memref<80x128xf32, #tpu.memory_space<vmem>>, vector<1x16xf32>,
      %swap3A_111 = vector.shape_cast %swap3A_110 : vector<1x16xf32> to vector<16xf32>
      %swap3A_112 = vector.shape_cast %broadcast_in_dim3A_107 : vector<16xf32> to vector<1x16xf32>
      tpu.vector_store %arg8[%swap3A_108, %swap3A_109], %swap3A_112 {strides = array<i32>} : memref<80x128xf32, #tpu.memory_space<vmem>>, vector<1x16xf32>,
      %broadcast_in_dim3A_113 = arith.constant 0.000000e+00 : f32
      %broadcast_in_dim3A_114 = vector.broadcast %broadcast_in_dim3A_113 : f32 to vector<16xf32>
      %swap3A_115 = arith.index_cast %scan3A_93 : i32 to index
      %swap3A_116 = arith.constant 48 : index
      %swap3A_117 = tpu.vector_load %arg8[%swap3A_115, %swap3A_116] {strides = array<i32>} : memref<80x128xf32, #tpu.memory_space<vmem>>, vector<1x16xf32>,
      %swap3A_118 = vector.shape_cast %swap3A_117 : vector<1x16xf32> to vector<16xf32>
      %swap3A_119 = vector.shape_cast %broadcast_in_dim3A_114 : vector<16xf32> to vector<1x16xf32>
      tpu.vector_store %arg8[%swap3A_115, %swap3A_116], %swap3A_119 {strides = array<i32>} : memref<80x128xf32, #tpu.memory_space<vmem>>, vector<1x16xf32>,
      %broadcast_in_dim3A_120 = arith.constant 0.000000e+00 : f32
      %broadcast_in_dim3A_121 = vector.broadcast %broadcast_in_dim3A_120 : f32 to vector<16xf32>
      %swap3A_122 = arith.index_cast %scan3A_93 : i32 to index
      %swap3A_123 = arith.constant 64 : index
      %swap3A_124 = tpu.vector_load %arg8[%swap3A_122, %swap3A_123] {strides = array<i32>} : memref<80x128xf32, #tpu.memory_space<vmem>>, vector<1x16xf32>,
      %swap3A_125 = vector.shape_cast %swap3A_124 : vector<1x16xf32> to vector<16xf32>
      %swap3A_126 = vector.shape_cast %broadcast_in_dim3A_121 : vector<16xf32> to vector<1x16xf32>
      tpu.vector_store %arg8[%swap3A_122, %swap3A_123], %swap3A_126 {strides = array<i32>} : memref<80x128xf32, #tpu.memory_space<vmem>>, vector<1x16xf32>,
      %broadcast_in_dim3A_127 = arith.constant 0.000000e+00 : f32
      %broadcast_in_dim3A_128 = vector.broadcast %broadcast_in_dim3A_127 : f32 to vector<16xf32>
      %swap3A_129 = arith.index_cast %scan3A_93 : i32 to index
      %swap3A_130 = arith.constant 80 : index
      %swap3A_131 = tpu.vector_load %arg8[%swap3A_129, %swap3A_130] {strides = array<i32>} : memref<80x128xf32, #tpu.memory_space<vmem>>, vector<1x16xf32>,
      %swap3A_132 = vector.shape_cast %swap3A_131 : vector<1x16xf32> to vector<16xf32>
      %swap3A_133 = vector.shape_cast %broadcast_in_dim3A_128 : vector<16xf32> to vector<1x16xf32>
      tpu.vector_store %arg8[%swap3A_129, %swap3A_130], %swap3A_133 {strides = array<i32>} : memref<80x128xf32, #tpu.memory_space<vmem>>, vector<1x16xf32>,
      %broadcast_in_dim3A_134 = arith.constant 0.000000e+00 : f32
      %broadcast_in_dim3A_135 = vector.broadcast %broadcast_in_dim3A_134 : f32 to vector<16xf32>
      %swap3A_136 = arith.index_cast %scan3A_93 : i32 to index
      %swap3A_137 = arith.constant 96 : index
      %swap3A_138 = tpu.vector_load %arg8[%swap3A_136, %swap3A_137] {strides = array<i32>} : memref<80x128xf32, #tpu.memory_space<vmem>>, vector<1x16xf32>,
      %swap3A_139 = vector.shape_cast %swap3A_138 : vector<1x16xf32> to vector<16xf32>
      %swap3A_140 = vector.shape_cast %broadcast_in_dim3A_135 : vector<16xf32> to vector<1x16xf32>
      tpu.vector_store %arg8[%swap3A_136, %swap3A_137], %swap3A_140 {strides = array<i32>} : memref<80x128xf32, #tpu.memory_space<vmem>>, vector<1x16xf32>,
      %broadcast_in_dim3A_141 = arith.constant 0.000000e+00 : f32
      %broadcast_in_dim3A_142 = vector.broadcast %broadcast_in_dim3A_141 : f32 to vector<16xf32>
      %swap3A_143 = arith.index_cast %scan3A_93 : i32 to index
      %swap3A_144 = arith.constant 112 : index
      %swap3A_145 = tpu.vector_load %arg8[%swap3A_143, %swap3A_144] {strides = array<i32>} : memref<80x128xf32, #tpu.memory_space<vmem>>, vector<1x16xf32>,
      %swap3A_146 = vector.shape_cast %swap3A_145 : vector<1x16xf32> to vector<16xf32>
      %swap3A_147 = vector.shape_cast %broadcast_in_dim3A_142 : vector<16xf32> to vector<1x16xf32>
      tpu.vector_store %arg8[%swap3A_143, %swap3A_144], %swap3A_147 {strides = array<i32>} : memref<80x128xf32, #tpu.memory_space<vmem>>, vector<1x16xf32>,
    }
    %scan3A_5 = arith.constant 80 : i32
    %add3A_6 = arith.constant 0 : i32
    %add3A_7 = arith.addi %arg1, %add3A_6 : i32
    %lt3A = arith.constant 125 : i32
    %lt3A_8 = arith.cmpi slt, %add3A_7, %lt3A : i32
    %convert_element_type3A = arith.extui %lt3A_8 : i1 to i32
    %cond3A = arith.constant 0 : i32
    %cond3A_9 = arith.cmpi ne, %convert_element_type3A, %cond3A : i32
    scf.if %cond3A_9 {
      %mul3A_93 = arith.constant 80 : i32
      %mul3A_94 = arith.muli %add3A_7, %mul3A_93 : i32
      "tpu.region"() ({
        %run_scoped3A = tpu.sem_alloc : memref<!tpu.dma_semaphore, #tpu.memory_space<semaphore_mem>>
        %dma_start3A_95 = arith.constant 0 : i32
        %dma_start3A_96 = tpu.memref_slice %arg10[%mul3A_94, %dma_start3A_95] : memref<10000x128xf32, #tpu.memory_space<vmem_shared>> -> memref<80x128xf32, #tpu.memory_space<vmem_shared>>
        %dma_start3A_97 = arith.constant 0 : i32
        %dma_start3A_98 = tpu.memref_slice %arg10[%mul3A_94, %dma_start3A_97] : memref<10000x128xf32, #tpu.memory_space<vmem_shared>> -> memref<80x128xf32, #tpu.memory_space<vmem_shared>>
        tpu.enqueue_dma source(%arg8 : memref<80x128xf32, #tpu.memory_space<vmem>>) target(%dma_start3A_98 : memref<80x128xf32, #tpu.memory_space<vmem_shared>>) target_semaphore(%run_scoped3A : memref<!tpu.dma_semaphore, #tpu.memory_space<semaphore_mem>>)
        %dma_wait3A_99 = arith.constant 0 : i32
        %dma_wait3A_100 = tpu.memref_slice %arg10[%mul3A_94, %dma_wait3A_99] : memref<10000x128xf32, #tpu.memory_space<vmem_shared>> -> memref<80x128xf32, #tpu.memory_space<vmem_shared>>
        %dma_wait3A_101 = arith.constant 0 : i32
        %dma_wait3A_102 = tpu.memref_slice %arg10[%mul3A_94, %dma_wait3A_101] : memref<10000x128xf32, #tpu.memory_space<vmem_shared>> -> memref<80x128xf32, #tpu.memory_space<vmem_shared>>
        tpu.wait_dma2 semaphore(%run_scoped3A : memref<!tpu.dma_semaphore, #tpu.memory_space<semaphore_mem>>) src(%arg8 : memref<80x128xf32, #tpu.memory_space<vmem>>) dst(%dma_wait3A_102 : memref<80x128xf32, #tpu.memory_space<vmem_shared>>)
        tpu.yield
      }) : () -> ()
    } else {
    }
    %add3A_10 = arith.constant 16 : i32
    %add3A_11 = arith.addi %arg1, %add3A_10 : i32
    %lt3A_12 = arith.constant 125 : i32
    %lt3A_13 = arith.cmpi slt, %add3A_11, %lt3A_12 : i32
    %convert_element_type3A_14 = arith.extui %lt3A_13 : i1 to i32
    %cond3A_15 = arith.constant 0 : i32
    %cond3A_16 = arith.cmpi ne, %convert_element_type3A_14, %cond3A_15 : i32
    scf.if %cond3A_16 {
      %mul3A_93 = arith.constant 80 : i32
      %mul3A_94 = arith.muli %add3A_11, %mul3A_93 : i32
      "tpu.region"() ({
        %run_scoped3A = tpu.sem_alloc : memref<!tpu.dma_semaphore, #tpu.memory_space<semaphore_mem>>
        %dma_start3A_95 = arith.constant 0 : i32
        %dma_start3A_96 = tpu.memref_slice %arg10[%mul3A_94, %dma_start3A_95] : memref<10000x128xf32, #tpu.memory_space<vmem_shared>> -> memref<80x128xf32, #tpu.memory_space<vmem_shared>>
        %dma_start3A_97 = arith.constant 0 : i32
        %dma_start3A_98 = tpu.memref_slice %arg10[%mul3A_94, %dma_start3A_97] : memref<10000x128xf32, #tpu.memory_space<vmem_shared>> -> memref<80x128xf32, #tpu.memory_space<vmem_shared>>
        tpu.enqueue_dma source(%arg8 : memref<80x128xf32, #tpu.memory_space<vmem>>) target(%dma_start3A_98 : memref<80x128xf32, #tpu.memory_space<vmem_shared>>) target_semaphore(%run_scoped3A : memref<!tpu.dma_semaphore, #tpu.memory_space<semaphore_mem>>)
        %dma_wait3A_99 = arith.constant 0 : i32
        %dma_wait3A_100 = tpu.memref_slice %arg10[%mul3A_94, %dma_wait3A_99] : memref<10000x128xf32, #tpu.memory_space<vmem_shared>> -> memref<80x128xf32, #tpu.memory_space<vmem_shared>>
        %dma_wait3A_101 = arith.constant 0 : i32
        %dma_wait3A_102 = tpu.memref_slice %arg10[%mul3A_94, %dma_wait3A_101] : memref<10000x128xf32, #tpu.memory_space<vmem_shared>> -> memref<80x128xf32, #tpu.memory_space<vmem_shared>>
        tpu.wait_dma2 semaphore(%run_scoped3A : memref<!tpu.dma_semaphore, #tpu.memory_space<semaphore_mem>>) src(%arg8 : memref<80x128xf32, #tpu.memory_space<vmem>>) dst(%dma_wait3A_102 : memref<80x128xf32, #tpu.memory_space<vmem_shared>>)
        tpu.yield
      }) : () -> ()
    } else {
    }
    %add3A_17 = arith.constant 32 : i32
    %add3A_18 = arith.addi %arg1, %add3A_17 : i32
    %lt3A_19 = arith.constant 125 : i32
    %lt3A_20 = arith.cmpi slt, %add3A_18, %lt3A_19 : i32
    %convert_element_type3A_21 = arith.extui %lt3A_20 : i1 to i32
    %cond3A_22 = arith.constant 0 : i32
    %cond3A_23 = arith.cmpi ne, %convert_element_type3A_21, %cond3A_22 : i32
    scf.if %cond3A_23 {
      %mul3A_93 = arith.constant 80 : i32
      %mul3A_94 = arith.muli %add3A_18, %mul3A_93 : i32
      "tpu.region"() ({
        %run_scoped3A = tpu.sem_alloc : memref<!tpu.dma_semaphore, #tpu.memory_space<semaphore_mem>>
        %dma_start3A_95 = arith.constant 0 : i32
        %dma_start3A_96 = tpu.memref_slice %arg10[%mul3A_94, %dma_start3A_95] : memref<10000x128xf32, #tpu.memory_space<vmem_shared>> -> memref<80x128xf32, #tpu.memory_space<vmem_shared>>
        %dma_start3A_97 = arith.constant 0 : i32
        %dma_start3A_98 = tpu.memref_slice %arg10[%mul3A_94, %dma_start3A_97] : memref<10000x128xf32, #tpu.memory_space<vmem_shared>> -> memref<80x128xf32, #tpu.memory_space<vmem_shared>>
        tpu.enqueue_dma source(%arg8 : memref<80x128xf32, #tpu.memory_space<vmem>>) target(%dma_start3A_98 : memref<80x128xf32, #tpu.memory_space<vmem_shared>>) target_semaphore(%run_scoped3A : memref<!tpu.dma_semaphore, #tpu.memory_space<semaphore_mem>>)
        %dma_wait3A_99 = arith.constant 0 : i32
        %dma_wait3A_100 = tpu.memref_slice %arg10[%mul3A_94, %dma_wait3A_99] : memref<10000x128xf32, #tpu.memory_space<vmem_shared>> -> memref<80x128xf32, #tpu.memory_space<vmem_shared>>
        %dma_wait3A_101 = arith.constant 0 : i32
        %dma_wait3A_102 = tpu.memref_slice %arg10[%mul3A_94, %dma_wait3A_101] : memref<10000x128xf32, #tpu.memory_space<vmem_shared>> -> memref<80x128xf32, #tpu.memory_space<vmem_shared>>
        tpu.wait_dma2 semaphore(%run_scoped3A : memref<!tpu.dma_semaphore, #tpu.memory_space<semaphore_mem>>) src(%arg8 : memref<80x128xf32, #tpu.memory_space<vmem>>) dst(%dma_wait3A_102 : memref<80x128xf32, #tpu.memory_space<vmem_shared>>)
        tpu.yield
      }) : () -> ()
    } else {
    }
    %add3A_24 = arith.constant 48 : i32
    %add3A_25 = arith.addi %arg1, %add3A_24 : i32
    %lt3A_26 = arith.constant 125 : i32
    %lt3A_27 = arith.cmpi slt, %add3A_25, %lt3A_26 : i32
    %convert_element_type3A_28 = arith.extui %lt3A_27 : i1 to i32
    %cond3A_29 = arith.constant 0 : i32
    %cond3A_30 = arith.cmpi ne, %convert_element_type3A_28, %cond3A_29 : i32
    scf.if %cond3A_30 {
      %mul3A_93 = arith.constant 80 : i32
      %mul3A_94 = arith.muli %add3A_25, %mul3A_93 : i32
      "tpu.region"() ({
        %run_scoped3A = tpu.sem_alloc : memref<!tpu.dma_semaphore, #tpu.memory_space<semaphore_mem>>
        %dma_start3A_95 = arith.constant 0 : i32
        %dma_start3A_96 = tpu.memref_slice %arg10[%mul3A_94, %dma_start3A_95] : memref<10000x128xf32, #tpu.memory_space<vmem_shared>> -> memref<80x128xf32, #tpu.memory_space<vmem_shared>>
        %dma_start3A_97 = arith.constant 0 : i32
        %dma_start3A_98 = tpu.memref_slice %arg10[%mul3A_94, %dma_start3A_97] : memref<10000x128xf32, #tpu.memory_space<vmem_shared>> -> memref<80x128xf32, #tpu.memory_space<vmem_shared>>
        tpu.enqueue_dma source(%arg8 : memref<80x128xf32, #tpu.memory_space<vmem>>) target(%dma_start3A_98 : memref<80x128xf32, #tpu.memory_space<vmem_shared>>) target_semaphore(%run_scoped3A : memref<!tpu.dma_semaphore, #tpu.memory_space<semaphore_mem>>)
        %dma_wait3A_99 = arith.constant 0 : i32
        %dma_wait3A_100 = tpu.memref_slice %arg10[%mul3A_94, %dma_wait3A_99] : memref<10000x128xf32, #tpu.memory_space<vmem_shared>> -> memref<80x128xf32, #tpu.memory_space<vmem_shared>>
        %dma_wait3A_101 = arith.constant 0 : i32
        %dma_wait3A_102 = tpu.memref_slice %arg10[%mul3A_94, %dma_wait3A_101] : memref<10000x128xf32, #tpu.memory_space<vmem_shared>> -> memref<80x128xf32, #tpu.memory_space<vmem_shared>>
        tpu.wait_dma2 semaphore(%run_scoped3A : memref<!tpu.dma_semaphore, #tpu.memory_space<semaphore_mem>>) src(%arg8 : memref<80x128xf32, #tpu.memory_space<vmem>>) dst(%dma_wait3A_102 : memref<80x128xf32, #tpu.memory_space<vmem_shared>>)
        tpu.yield
      }) : () -> ()
    } else {
    }
    %add3A_31 = arith.constant 64 : i32
    %add3A_32 = arith.addi %arg1, %add3A_31 : i32
    %lt3A_33 = arith.constant 125 : i32
    %lt3A_34 = arith.cmpi slt, %add3A_32, %lt3A_33 : i32
    %convert_element_type3A_35 = arith.extui %lt3A_34 : i1 to i32
    %cond3A_36 = arith.constant 0 : i32
    %cond3A_37 = arith.cmpi ne, %convert_element_type3A_35, %cond3A_36 : i32
    scf.if %cond3A_37 {
      %mul3A_93 = arith.constant 80 : i32
      %mul3A_94 = arith.muli %add3A_32, %mul3A_93 : i32
      "tpu.region"() ({
        %run_scoped3A = tpu.sem_alloc : memref<!tpu.dma_semaphore, #tpu.memory_space<semaphore_mem>>
        %dma_start3A_95 = arith.constant 0 : i32
        %dma_start3A_96 = tpu.memref_slice %arg10[%mul3A_94, %dma_start3A_95] : memref<10000x128xf32, #tpu.memory_space<vmem_shared>> -> memref<80x128xf32, #tpu.memory_space<vmem_shared>>
        %dma_start3A_97 = arith.constant 0 : i32
        %dma_start3A_98 = tpu.memref_slice %arg10[%mul3A_94, %dma_start3A_97] : memref<10000x128xf32, #tpu.memory_space<vmem_shared>> -> memref<80x128xf32, #tpu.memory_space<vmem_shared>>
        tpu.enqueue_dma source(%arg8 : memref<80x128xf32, #tpu.memory_space<vmem>>) target(%dma_start3A_98 : memref<80x128xf32, #tpu.memory_space<vmem_shared>>) target_semaphore(%run_scoped3A : memref<!tpu.dma_semaphore, #tpu.memory_space<semaphore_mem>>)
        %dma_wait3A_99 = arith.constant 0 : i32
        %dma_wait3A_100 = tpu.memref_slice %arg10[%mul3A_94, %dma_wait3A_99] : memref<10000x128xf32, #tpu.memory_space<vmem_shared>> -> memref<80x128xf32, #tpu.memory_space<vmem_shared>>
        %dma_wait3A_101 = arith.constant 0 : i32
        %dma_wait3A_102 = tpu.memref_slice %arg10[%mul3A_94, %dma_wait3A_101] : memref<10000x128xf32, #tpu.memory_space<vmem_shared>> -> memref<80x128xf32, #tpu.memory_space<vmem_shared>>
        tpu.wait_dma2 semaphore(%run_scoped3A : memref<!tpu.dma_semaphore, #tpu.memory_space<semaphore_mem>>) src(%arg8 : memref<80x128xf32, #tpu.memory_space<vmem>>) dst(%dma_wait3A_102 : memref<80x128xf32, #tpu.memory_space<vmem_shared>>)
        tpu.yield
      }) : () -> ()
    } else {
    }
    %add3A_38 = arith.constant 80 : i32
    %add3A_39 = arith.addi %arg1, %add3A_38 : i32
    %lt3A_40 = arith.constant 125 : i32
    %lt3A_41 = arith.cmpi slt, %add3A_39, %lt3A_40 : i32
    %convert_element_type3A_42 = arith.extui %lt3A_41 : i1 to i32
    %cond3A_43 = arith.constant 0 : i32
    %cond3A_44 = arith.cmpi ne, %convert_element_type3A_42, %cond3A_43 : i32
    scf.if %cond3A_44 {
      %mul3A_93 = arith.constant 80 : i32
      %mul3A_94 = arith.muli %add3A_39, %mul3A_93 : i32
      "tpu.region"() ({
        %run_scoped3A = tpu.sem_alloc : memref<!tpu.dma_semaphore, #tpu.memory_space<semaphore_mem>>
        %dma_start3A_95 = arith.constant 0 : i32
        %dma_start3A_96 = tpu.memref_slice %arg10[%mul3A_94, %dma_start3A_95] : memref<10000x128xf32, #tpu.memory_space<vmem_shared>> -> memref<80x128xf32, #tpu.memory_space<vmem_shared>>
        %dma_start3A_97 = arith.constant 0 : i32
        %dma_start3A_98 = tpu.memref_slice %arg10[%mul3A_94, %dma_start3A_97] : memref<10000x128xf32, #tpu.memory_space<vmem_shared>> -> memref<80x128xf32, #tpu.memory_space<vmem_shared>>
        tpu.enqueue_dma source(%arg8 : memref<80x128xf32, #tpu.memory_space<vmem>>) target(%dma_start3A_98 : memref<80x128xf32, #tpu.memory_space<vmem_shared>>) target_semaphore(%run_scoped3A : memref<!tpu.dma_semaphore, #tpu.memory_space<semaphore_mem>>)
        %dma_wait3A_99 = arith.constant 0 : i32
        %dma_wait3A_100 = tpu.memref_slice %arg10[%mul3A_94, %dma_wait3A_99] : memref<10000x128xf32, #tpu.memory_space<vmem_shared>> -> memref<80x128xf32, #tpu.memory_space<vmem_shared>>
        %dma_wait3A_101 = arith.constant 0 : i32
        %dma_wait3A_102 = tpu.memref_slice %arg10[%mul3A_94, %dma_wait3A_101] : memref<10000x128xf32, #tpu.memory_space<vmem_shared>> -> memref<80x128xf32, #tpu.memory_space<vmem_shared>>
        tpu.wait_dma2 semaphore(%run_scoped3A : memref<!tpu.dma_semaphore, #tpu.memory_space<semaphore_mem>>) src(%arg8 : memref<80x128xf32, #tpu.memory_space<vmem>>) dst(%dma_wait3A_102 : memref<80x128xf32, #tpu.memory_space<vmem_shared>>)
        tpu.yield
      }) : () -> ()
    } else {
    }
    %add3A_45 = arith.constant 96 : i32
    %add3A_46 = arith.addi %arg1, %add3A_45 : i32
    %lt3A_47 = arith.constant 125 : i32
    %lt3A_48 = arith.cmpi slt, %add3A_46, %lt3A_47 : i32
    %convert_element_type3A_49 = arith.extui %lt3A_48 : i1 to i32
    %cond3A_50 = arith.constant 0 : i32
    %cond3A_51 = arith.cmpi ne, %convert_element_type3A_49, %cond3A_50 : i32
    scf.if %cond3A_51 {
      %mul3A_93 = arith.constant 80 : i32
      %mul3A_94 = arith.muli %add3A_46, %mul3A_93 : i32
      "tpu.region"() ({
        %run_scoped3A = tpu.sem_alloc : memref<!tpu.dma_semaphore, #tpu.memory_space<semaphore_mem>>
        %dma_start3A_95 = arith.constant 0 : i32
        %dma_start3A_96 = tpu.memref_slice %arg10[%mul3A_94, %dma_start3A_95] : memref<10000x128xf32, #tpu.memory_space<vmem_shared>> -> memref<80x128xf32, #tpu.memory_space<vmem_shared>>
        %dma_start3A_97 = arith.constant 0 : i32
        %dma_start3A_98 = tpu.memref_slice %arg10[%mul3A_94, %dma_start3A_97] : memref<10000x128xf32, #tpu.memory_space<vmem_shared>> -> memref<80x128xf32, #tpu.memory_space<vmem_shared>>
        tpu.enqueue_dma source(%arg8 : memref<80x128xf32, #tpu.memory_space<vmem>>) target(%dma_start3A_98 : memref<80x128xf32, #tpu.memory_space<vmem_shared>>) target_semaphore(%run_scoped3A : memref<!tpu.dma_semaphore, #tpu.memory_space<semaphore_mem>>)
        %dma_wait3A_99 = arith.constant 0 : i32
        %dma_wait3A_100 = tpu.memref_slice %arg10[%mul3A_94, %dma_wait3A_99] : memref<10000x128xf32, #tpu.memory_space<vmem_shared>> -> memref<80x128xf32, #tpu.memory_space<vmem_shared>>
        %dma_wait3A_101 = arith.constant 0 : i32
        %dma_wait3A_102 = tpu.memref_slice %arg10[%mul3A_94, %dma_wait3A_101] : memref<10000x128xf32, #tpu.memory_space<vmem_shared>> -> memref<80x128xf32, #tpu.memory_space<vmem_shared>>
        tpu.wait_dma2 semaphore(%run_scoped3A : memref<!tpu.dma_semaphore, #tpu.memory_space<semaphore_mem>>) src(%arg8 : memref<80x128xf32, #tpu.memory_space<vmem>>) dst(%dma_wait3A_102 : memref<80x128xf32, #tpu.memory_space<vmem_shared>>)
        tpu.yield
      }) : () -> ()
    } else {
    }
    %add3A_52 = arith.constant 112 : i32
    %add3A_53 = arith.addi %arg1, %add3A_52 : i32
    %lt3A_54 = arith.constant 125 : i32
    %lt3A_55 = arith.cmpi slt, %add3A_53, %lt3A_54 : i32
    %convert_element_type3A_56 = arith.extui %lt3A_55 : i1 to i32
    %cond3A_57 = arith.constant 0 : i32
    %cond3A_58 = arith.cmpi ne, %convert_element_type3A_56, %cond3A_57 : i32
    scf.if %cond3A_58 {
      %mul3A_93 = arith.constant 80 : i32
      %mul3A_94 = arith.muli %add3A_53, %mul3A_93 : i32
      "tpu.region"() ({
        %run_scoped3A = tpu.sem_alloc : memref<!tpu.dma_semaphore, #tpu.memory_space<semaphore_mem>>
        %dma_start3A_95 = arith.constant 0 : i32
        %dma_start3A_96 = tpu.memref_slice %arg10[%mul3A_94, %dma_start3A_95] : memref<10000x128xf32, #tpu.memory_space<vmem_shared>> -> memref<80x128xf32, #tpu.memory_space<vmem_shared>>
        %dma_start3A_97 = arith.constant 0 : i32
        %dma_start3A_98 = tpu.memref_slice %arg10[%mul3A_94, %dma_start3A_97] : memref<10000x128xf32, #tpu.memory_space<vmem_shared>> -> memref<80x128xf32, #tpu.memory_space<vmem_shared>>
        tpu.enqueue_dma source(%arg8 : memref<80x128xf32, #tpu.memory_space<vmem>>) target(%dma_start3A_98 : memref<80x128xf32, #tpu.memory_space<vmem_shared>>) target_semaphore(%run_scoped3A : memref<!tpu.dma_semaphore, #tpu.memory_space<semaphore_mem>>)
        %dma_wait3A_99 = arith.constant 0 : i32
        %dma_wait3A_100 = tpu.memref_slice %arg10[%mul3A_94, %dma_wait3A_99] : memref<10000x128xf32, #tpu.memory_space<vmem_shared>> -> memref<80x128xf32, #tpu.memory_space<vmem_shared>>
        %dma_wait3A_101 = arith.constant 0 : i32
        %dma_wait3A_102 = tpu.memref_slice %arg10[%mul3A_94, %dma_wait3A_101] : memref<10000x128xf32, #tpu.memory_space<vmem_shared>> -> memref<80x128xf32, #tpu.memory_space<vmem_shared>>
        tpu.wait_dma2 semaphore(%run_scoped3A : memref<!tpu.dma_semaphore, #tpu.memory_space<semaphore_mem>>) src(%arg8 : memref<80x128xf32, #tpu.memory_space<vmem>>) dst(%dma_wait3A_102 : memref<80x128xf32, #tpu.memory_space<vmem_shared>>)
        tpu.yield
      }) : () -> ()
    } else {
    }
    "tpu.region"() ({
      %run_scoped3A = tpu.sem_alloc : memref<!tpu.dma_semaphore, #tpu.memory_space<semaphore_mem>>
      %dma_start3A_93 = arith.constant 0 : i32
      %dma_start3A_94 = tpu.memref_slice %arg3[%add3A, %dma_start3A_93] : memref<32x10000xi32, #tpu.memory_space<hbm>> -> memref<1x10000xi32, #tpu.memory_space<hbm>>
      %dma_start3A_95 = tpu.memref_squeeze %dma_start3A_94 : memref<1x10000xi32, #tpu.memory_space<hbm>> -> memref<10000xi32, #tpu.memory_space<hbm>>
      %dma_start3A_96 = arith.constant 0 : i32
      %dma_start3A_97 = tpu.memref_slice %arg3[%add3A, %dma_start3A_96] : memref<32x10000xi32, #tpu.memory_space<hbm>> -> memref<1x10000xi32, #tpu.memory_space<hbm>>
      %dma_start3A_98 = tpu.memref_squeeze %dma_start3A_97 : memref<1x10000xi32, #tpu.memory_space<hbm>> -> memref<10000xi32, #tpu.memory_space<hbm>>
      tpu.enqueue_dma source(%dma_start3A_98 : memref<10000xi32, #tpu.memory_space<hbm>>) target(%arg6 : memref<10000xi32, #tpu.memory_space<vmem>>) target_semaphore(%run_scoped3A : memref<!tpu.dma_semaphore, #tpu.memory_space<semaphore_mem>>)
      %dma_wait3A_99 = arith.constant 0 : i32
      %dma_wait3A_100 = tpu.memref_slice %arg3[%add3A, %dma_wait3A_99] : memref<32x10000xi32, #tpu.memory_space<hbm>> -> memref<1x10000xi32, #tpu.memory_space<hbm>>
      %dma_wait3A_101 = tpu.memref_squeeze %dma_wait3A_100 : memref<1x10000xi32, #tpu.memory_space<hbm>> -> memref<10000xi32, #tpu.memory_space<hbm>>
      %dma_wait3A_102 = arith.constant 0 : i32
      %dma_wait3A_103 = tpu.memref_slice %arg3[%add3A, %dma_wait3A_102] : memref<32x10000xi32, #tpu.memory_space<hbm>> -> memref<1x10000xi32, #tpu.memory_space<hbm>>
      %dma_wait3A_104 = tpu.memref_squeeze %dma_wait3A_103 : memref<1x10000xi32, #tpu.memory_space<hbm>> -> memref<10000xi32, #tpu.memory_space<hbm>>
      tpu.wait_dma2 semaphore(%run_scoped3A : memref<!tpu.dma_semaphore, #tpu.memory_space<semaphore_mem>>) src(%dma_wait3A_104 : memref<10000xi32, #tpu.memory_space<hbm>>) dst(%arg6 : memref<10000xi32, #tpu.memory_space<vmem>>)
      tpu.yield
    }) : () -> ()
    "tpu.region"() ({
      %run_scoped3A = tpu.sem_alloc : memref<!tpu.dma_semaphore, #tpu.memory_space<semaphore_mem>>
      %dma_start3A_93 = arith.constant 0 : i32
      %dma_start3A_94 = arith.constant 0 : i32
      %dma_start3A_95 = tpu.memref_slice %arg4[%add3A, %dma_start3A_93, %dma_start3A_94] : memref<32x125x80xi32, #tpu.memory_space<hbm>> -> memref<1x125x80xi32, #tpu.memory_space<hbm>>
      %dma_start3A_96 = tpu.memref_squeeze %dma_start3A_95 : memref<1x125x80xi32, #tpu.memory_space<hbm>> -> memref<125x80xi32, #tpu.memory_space<hbm>>
      %dma_start3A_97 = arith.constant 0 : i32
      %dma_start3A_98 = arith.constant 0 : i32
      %dma_start3A_99 = tpu.memref_slice %arg4[%add3A, %dma_start3A_97, %dma_start3A_98] : memref<32x125x80xi32, #tpu.memory_space<hbm>> -> memref<1x125x80xi32, #tpu.memory_space<hbm>>
      %dma_start3A_100 = tpu.memref_squeeze %dma_start3A_99 : memref<1x125x80xi32, #tpu.memory_space<hbm>> -> memref<125x80xi32, #tpu.memory_space<hbm>>
      tpu.enqueue_dma source(%dma_start3A_100 : memref<125x80xi32, #tpu.memory_space<hbm>>) target(%arg7 : memref<125x80xi32, #tpu.memory_space<vmem>>) target_semaphore(%run_scoped3A : memref<!tpu.dma_semaphore, #tpu.memory_space<semaphore_mem>>)
      %dma_wait3A_101 = arith.constant 0 : i32
      %dma_wait3A_102 = arith.constant 0 : i32
      %dma_wait3A_103 = tpu.memref_slice %arg4[%add3A, %dma_wait3A_101, %dma_wait3A_102] : memref<32x125x80xi32, #tpu.memory_space<hbm>> -> memref<1x125x80xi32, #tpu.memory_space<hbm>>
      %dma_wait3A_104 = tpu.memref_squeeze %dma_wait3A_103 : memref<1x125x80xi32, #tpu.memory_space<hbm>> -> memref<125x80xi32, #tpu.memory_space<hbm>>
      %dma_wait3A_105 = arith.constant 0 : i32
      %dma_wait3A_106 = arith.constant 0 : i32
      %dma_wait3A_107 = tpu.memref_slice %arg4[%add3A, %dma_wait3A_105, %dma_wait3A_106] : memref<32x125x80xi32, #tpu.memory_space<hbm>> -> memref<1x125x80xi32, #tpu.memory_space<hbm>>
      %dma_wait3A_108 = tpu.memref_squeeze %dma_wait3A_107 : memref<1x125x80xi32, #tpu.memory_space<hbm>> -> memref<125x80xi32, #tpu.memory_space<hbm>>
      tpu.wait_dma2 semaphore(%run_scoped3A : memref<!tpu.dma_semaphore, #tpu.memory_space<semaphore_mem>>) src(%dma_wait3A_108 : memref<125x80xi32, #tpu.memory_space<hbm>>) dst(%arg7 : memref<125x80xi32, #tpu.memory_space<vmem>>)
      tpu.yield
    }) : () -> ()
    %barrier3A = arith.constant 0 : index
    tpu.barrier barrier_id(%barrier3A)
    %dma_start3A = arith.constant 0 : i32
    %dma_start3A_59 = tpu.memref_slice %arg6[%dma_start3A] : memref<10000xi32, #tpu.memory_space<vmem>> -> memref<80xi32, #tpu.memory_space<vmem>>
    %dma_start3A_60 = arith.constant 0 : i32
    %dma_start3A_61 = arith.constant 0 : i32
    %dma_start3A_62 = tpu.memref_slice %arg2[%dma_start3A_60, %dma_start3A_61] : memref<10000x128xf32, #tpu.memory_space<hbm>> -> memref<10000x128xf32, #tpu.memory_space<hbm>>
    tpu.enqueue_indirect_dma source(%dma_start3A_62 : memref<10000x128xf32, #tpu.memory_space<hbm>>) target(%arg8 : memref<80x128xf32, #tpu.memory_space<vmem>>) offsets(%dma_start3A_59 : memref<80xi32, #tpu.memory_space<vmem>>) semaphore(%arg11 : memref<!tpu.dma_semaphore, #tpu.memory_space<semaphore_mem>>)
    %dma_start3A_63 = arith.constant 80 : i32
    %dma_start3A_64 = tpu.memref_slice %arg6[%dma_start3A_63] : memref<10000xi32, #tpu.memory_space<vmem>> -> memref<80xi32, #tpu.memory_space<vmem>>
    %dma_start3A_65 = arith.constant 0 : i32
    %dma_start3A_66 = arith.constant 0 : i32
    %dma_start3A_67 = tpu.memref_slice %arg2[%dma_start3A_65, %dma_start3A_66] : memref<10000x128xf32, #tpu.memory_space<hbm>> -> memref<10000x128xf32, #tpu.memory_space<hbm>>
    tpu.enqueue_indirect_dma source(%dma_start3A_67 : memref<10000x128xf32, #tpu.memory_space<hbm>>) target(%arg9 : memref<80x128xf32, #tpu.memory_space<vmem>>) offsets(%dma_start3A_64 : memref<80xi32, #tpu.memory_space<vmem>>) semaphore(%arg12 : memref<!tpu.dma_semaphore, #tpu.memory_space<semaphore_mem>>)
    %scan3A_68 = arith.constant 0 : i32
    %scan3A_69 = arith.constant 0 : i32
    %scan3A_70 = arith.constant 63 : i32
    %scan3A_71 = arith.addi %scan3A_69, %scan3A_70 : i32
    %scan3A_72 = arith.constant 1 : i32
    scf.for %scan3A_93 = %scan3A_69 to %scan3A_71 step %scan3A_72  : i32 {
      %mul3A_94 = arith.constant 2 : i32
      %mul3A_95 = arith.muli %mul3A_94, %scan3A_93 : i32
      %mul3A_96 = arith.constant 80 : i32
      %mul3A_97 = arith.muli %mul3A_95, %mul3A_96 : i32
      %dma_wait3A_98 = tpu.memref_slice %arg6[%mul3A_97] : memref<10000xi32, #tpu.memory_space<vmem>> -> memref<80xi32, #tpu.memory_space<vmem>>
      %dma_wait3A_99 = arith.constant 0 : i32
      %dma_wait3A_100 = arith.constant 0 : i32
      %dma_wait3A_101 = tpu.memref_slice %arg2[%dma_wait3A_99, %dma_wait3A_100] : memref<10000x128xf32, #tpu.memory_space<hbm>> -> memref<10000x128xf32, #tpu.memory_space<hbm>>
      tpu.wait_indirect_dma semaphore(%arg11 : memref<!tpu.dma_semaphore, #tpu.memory_space<semaphore_mem>>) src(%dma_wait3A_101 : memref<10000x128xf32, #tpu.memory_space<hbm>>) dst(%arg8 : memref<80x128xf32, #tpu.memory_space<vmem>>)
      %dma_start3A_102 = arith.constant 0 : i32
      %dma_start3A_103 = tpu.memref_slice %arg7[%mul3A_95, %dma_start3A_102] : memref<125x80xi32, #tpu.memory_space<vmem>> -> memref<1x80xi32, #tpu.memory_space<vmem>>
      %dma_start3A_104 = tpu.memref_squeeze %dma_start3A_103 : memref<1x80xi32, #tpu.memory_space<vmem>> -> memref<80xi32, #tpu.memory_space<vmem>>
      %dma_start3A_105 = arith.constant 0 : i32
      %dma_start3A_106 = arith.constant 0 : i32
      %dma_start3A_107 = tpu.memref_slice %arg10[%dma_start3A_105, %dma_start3A_106] : memref<10000x128xf32, #tpu.memory_space<vmem_shared>> -> memref<10000x128xf32, #tpu.memory_space<vmem_shared>>
      tpu.enqueue_indirect_dma source(%arg8 : memref<80x128xf32, #tpu.memory_space<vmem>>) target(%dma_start3A_107 : memref<10000x128xf32, #tpu.memory_space<vmem_shared>>) offsets(%dma_start3A_104 : memref<80xi32, #tpu.memory_space<vmem>>) semaphore(%arg13 : memref<!tpu.dma_semaphore, #tpu.memory_space<semaphore_mem>>) {add = true}
      %add3A_108 = arith.constant 1 : i32
      %add3A_109 = arith.addi %mul3A_95, %add3A_108 : i32
      %lt3A_110 = arith.constant 125 : i32
      %lt3A_111 = arith.cmpi slt, %add3A_109, %lt3A_110 : i32
      %convert_element_type3A_112 = arith.extui %lt3A_111 : i1 to i32
      %cond3A_113 = arith.constant 0 : i32
      %cond3A_114 = arith.cmpi ne, %convert_element_type3A_112, %cond3A_113 : i32
      scf.if %cond3A_114 {
        %add3A_129 = arith.constant 1 : i32
        %add3A_130 = arith.addi %mul3A_95, %add3A_129 : i32
        %mul3A_131 = arith.constant 80 : i32
        %mul3A_132 = arith.muli %add3A_130, %mul3A_131 : i32
        %dma_wait3A_133 = tpu.memref_slice %arg6[%mul3A_132] : memref<10000xi32, #tpu.memory_space<vmem>> -> memref<80xi32, #tpu.memory_space<vmem>>
        %dma_wait3A_134 = arith.constant 0 : i32
        %dma_wait3A_135 = arith.constant 0 : i32
        %dma_wait3A_136 = tpu.memref_slice %arg2[%dma_wait3A_134, %dma_wait3A_135] : memref<10000x128xf32, #tpu.memory_space<hbm>> -> memref<10000x128xf32, #tpu.memory_space<hbm>>
        tpu.wait_indirect_dma semaphore(%arg12 : memref<!tpu.dma_semaphore, #tpu.memory_space<semaphore_mem>>) src(%dma_wait3A_136 : memref<10000x128xf32, #tpu.memory_space<hbm>>) dst(%arg9 : memref<80x128xf32, #tpu.memory_space<vmem>>)
        %add3A_137 = arith.constant 1 : i32
        %add3A_138 = arith.addi %mul3A_95, %add3A_137 : i32
        %dma_start3A_139 = arith.constant 0 : i32
        %dma_start3A_140 = tpu.memref_slice %arg7[%add3A_138, %dma_start3A_139] : memref<125x80xi32, #tpu.memory_space<vmem>> -> memref<1x80xi32, #tpu.memory_space<vmem>>
        %dma_start3A_141 = tpu.memref_squeeze %dma_start3A_140 : memref<1x80xi32, #tpu.memory_space<vmem>> -> memref<80xi32, #tpu.memory_space<vmem>>
        %dma_start3A_142 = arith.constant 0 : i32
        %dma_start3A_143 = arith.constant 0 : i32
        %dma_start3A_144 = tpu.memref_slice %arg10[%dma_start3A_142, %dma_start3A_143] : memref<10000x128xf32, #tpu.memory_space<vmem_shared>> -> memref<10000x128xf32, #tpu.memory_space<vmem_shared>>
        tpu.enqueue_indirect_dma source(%arg9 : memref<80x128xf32, #tpu.memory_space<vmem>>) target(%dma_start3A_144 : memref<10000x128xf32, #tpu.memory_space<vmem_shared>>) offsets(%dma_start3A_141 : memref<80xi32, #tpu.memory_space<vmem>>) semaphore(%arg14 : memref<!tpu.dma_semaphore, #tpu.memory_space<semaphore_mem>>) {add = true}
      } else {
      }
      %add3A_115 = arith.constant 2 : i32
      %add3A_116 = arith.addi %mul3A_95, %add3A_115 : i32
      %lt3A_117 = arith.constant 125 : i32
      %lt3A_118 = arith.cmpi slt, %add3A_116, %lt3A_117 : i32
      %convert_element_type3A_119 = arith.extui %lt3A_118 : i1 to i32
      %cond3A_120 = arith.constant 0 : i32
      %cond3A_121 = arith.cmpi ne, %convert_element_type3A_119, %cond3A_120 : i32
      scf.if %cond3A_121 {
        %dma_wait3A_129 = arith.constant 0 : i32
        %dma_wait3A_130 = tpu.memref_slice %arg7[%mul3A_95, %dma_wait3A_129] : memref<125x80xi32, #tpu.memory_space<vmem>> -> memref<1x80xi32, #tpu.memory_space<vmem>>
        %dma_wait3A_131 = tpu.memref_squeeze %dma_wait3A_130 : memref<1x80xi32, #tpu.memory_space<vmem>> -> memref<80xi32, #tpu.memory_space<vmem>>
        %dma_wait3A_132 = arith.constant 0 : i32
        %dma_wait3A_133 = arith.constant 0 : i32
        %dma_wait3A_134 = tpu.memref_slice %arg10[%dma_wait3A_132, %dma_wait3A_133] : memref<10000x128xf32, #tpu.memory_space<vmem_shared>> -> memref<10000x128xf32, #tpu.memory_space<vmem_shared>>
        tpu.wait_indirect_dma semaphore(%arg13 : memref<!tpu.dma_semaphore, #tpu.memory_space<semaphore_mem>>) src(%arg8 : memref<80x128xf32, #tpu.memory_space<vmem>>) dst(%dma_wait3A_134 : memref<10000x128xf32, #tpu.memory_space<vmem_shared>>)
        %add3A_135 = arith.constant 2 : i32
        %add3A_136 = arith.addi %mul3A_95, %add3A_135 : i32
        %mul3A_137 = arith.constant 80 : i32
        %mul3A_138 = arith.muli %add3A_136, %mul3A_137 : i32
        %dma_start3A_139 = tpu.memref_slice %arg6[%mul3A_138] : memref<10000xi32, #tpu.memory_space<vmem>> -> memref<80xi32, #tpu.memory_space<vmem>>
        %dma_start3A_140 = arith.constant 0 : i32
        %dma_start3A_141 = arith.constant 0 : i32
        %dma_start3A_142 = tpu.memref_slice %arg2[%dma_start3A_140, %dma_start3A_141] : memref<10000x128xf32, #tpu.memory_space<hbm>> -> memref<10000x128xf32, #tpu.memory_space<hbm>>
        tpu.enqueue_indirect_dma source(%dma_start3A_142 : memref<10000x128xf32, #tpu.memory_space<hbm>>) target(%arg8 : memref<80x128xf32, #tpu.memory_space<vmem>>) offsets(%dma_start3A_139 : memref<80xi32, #tpu.memory_space<vmem>>) semaphore(%arg11 : memref<!tpu.dma_semaphore, #tpu.memory_space<semaphore_mem>>)
      } else {
      }
      %add3A_122 = arith.constant 3 : i32
      %add3A_123 = arith.addi %mul3A_95, %add3A_122 : i32
      %lt3A_124 = arith.constant 125 : i32
      %lt3A_125 = arith.cmpi slt, %add3A_123, %lt3A_124 : i32
      %convert_element_type3A_126 = arith.extui %lt3A_125 : i1 to i32
      %cond3A_127 = arith.constant 0 : i32
      %cond3A_128 = arith.cmpi ne, %convert_element_type3A_126, %cond3A_127 : i32
      scf.if %cond3A_128 {
        %add3A_129 = arith.constant 1 : i32
        %add3A_130 = arith.addi %mul3A_95, %add3A_129 : i32
        %dma_wait3A_131 = arith.constant 0 : i32
        %dma_wait3A_132 = tpu.memref_slice %arg7[%add3A_130, %dma_wait3A_131] : memref<125x80xi32, #tpu.memory_space<vmem>> -> memref<1x80xi32, #tpu.memory_space<vmem>>
        %dma_wait3A_133 = tpu.memref_squeeze %dma_wait3A_132 : memref<1x80xi32, #tpu.memory_space<vmem>> -> memref<80xi32, #tpu.memory_space<vmem>>
        %dma_wait3A_134 = arith.constant 0 : i32
        %dma_wait3A_135 = arith.constant 0 : i32
        %dma_wait3A_136 = tpu.memref_slice %arg10[%dma_wait3A_134, %dma_wait3A_135] : memref<10000x128xf32, #tpu.memory_space<vmem_shared>> -> memref<10000x128xf32, #tpu.memory_space<vmem_shared>>
        tpu.wait_indirect_dma semaphore(%arg14 : memref<!tpu.dma_semaphore, #tpu.memory_space<semaphore_mem>>) src(%arg9 : memref<80x128xf32, #tpu.memory_space<vmem>>) dst(%dma_wait3A_136 : memref<10000x128xf32, #tpu.memory_space<vmem_shared>>)
        %add3A_137 = arith.constant 3 : i32
        %add3A_138 = arith.addi %mul3A_95, %add3A_137 : i32
        %mul3A_139 = arith.constant 80 : i32
        %mul3A_140 = arith.muli %add3A_138, %mul3A_139 : i32
        %dma_start3A_141 = tpu.memref_slice %arg6[%mul3A_140] : memref<10000xi32, #tpu.memory_space<vmem>> -> memref<80xi32, #tpu.memory_space<vmem>>
        %dma_start3A_142 = arith.constant 0 : i32
        %dma_start3A_143 = arith.constant 0 : i32
        %dma_start3A_144 = tpu.memref_slice %arg2[%dma_start3A_142, %dma_start3A_143] : memref<10000x128xf32, #tpu.memory_space<hbm>> -> memref<10000x128xf32, #tpu.memory_space<hbm>>
        tpu.enqueue_indirect_dma source(%dma_start3A_144 : memref<10000x128xf32, #tpu.memory_space<hbm>>) target(%arg9 : memref<80x128xf32, #tpu.memory_space<vmem>>) offsets(%dma_start3A_141 : memref<80xi32, #tpu.memory_space<vmem>>) semaphore(%arg12 : memref<!tpu.dma_semaphore, #tpu.memory_space<semaphore_mem>>)
      } else {
      }
    }
    %scan3A_73 = arith.constant 63 : i32
    %dma_wait3A = arith.constant 124 : i32
    %dma_wait3A_74 = arith.constant 0 : i32
    %dma_wait3A_75 = tpu.memref_slice %arg7[%dma_wait3A, %dma_wait3A_74] : memref<125x80xi32, #tpu.memory_space<vmem>> -> memref<1x80xi32, #tpu.memory_space<vmem>>
    %dma_wait3A_76 = tpu.memref_squeeze %dma_wait3A_75 : memref<1x80xi32, #tpu.memory_space<vmem>> -> memref<80xi32, #tpu.memory_space<vmem>>
    %dma_wait3A_77 = arith.constant 0 : i32
    %dma_wait3A_78 = arith.constant 0 : i32
    %dma_wait3A_79 = tpu.memref_slice %arg10[%dma_wait3A_77, %dma_wait3A_78] : memref<10000x128xf32, #tpu.memory_space<vmem_shared>> -> memref<10000x128xf32, #tpu.memory_space<vmem_shared>>
    tpu.wait_indirect_dma semaphore(%arg13 : memref<!tpu.dma_semaphore, #tpu.memory_space<semaphore_mem>>) src(%arg8 : memref<80x128xf32, #tpu.memory_space<vmem>>) dst(%dma_wait3A_79 : memref<10000x128xf32, #tpu.memory_space<vmem_shared>>)
    %dma_wait3A_80 = arith.constant 123 : i32
    %dma_wait3A_81 = arith.constant 0 : i32
    %dma_wait3A_82 = tpu.memref_slice %arg7[%dma_wait3A_80, %dma_wait3A_81] : memref<125x80xi32, #tpu.memory_space<vmem>> -> memref<1x80xi32, #tpu.memory_space<vmem>>
    %dma_wait3A_83 = tpu.memref_squeeze %dma_wait3A_82 : memref<1x80xi32, #tpu.memory_space<vmem>> -> memref<80xi32, #tpu.memory_space<vmem>>
    %dma_wait3A_84 = arith.constant 0 : i32
    %dma_wait3A_85 = arith.constant 0 : i32
    %dma_wait3A_86 = tpu.memref_slice %arg10[%dma_wait3A_84, %dma_wait3A_85] : memref<10000x128xf32, #tpu.memory_space<vmem_shared>> -> memref<10000x128xf32, #tpu.memory_space<vmem_shared>>
    tpu.wait_indirect_dma semaphore(%arg14 : memref<!tpu.dma_semaphore, #tpu.memory_space<semaphore_mem>>) src(%arg9 : memref<80x128xf32, #tpu.memory_space<vmem>>) dst(%dma_wait3A_86 : memref<10000x128xf32, #tpu.memory_space<vmem_shared>>)
    %barrier3A_87 = arith.constant 0 : index
    tpu.barrier barrier_id(%barrier3A_87)
    %lt3A_88 = arith.constant 10 : i32
    %lt3A_89 = arith.cmpi slt, %arg1, %lt3A_88 : i32
    %convert_element_type3A_90 = arith.extui %lt3A_89 : i1 to i32
    %cond3A_91 = arith.constant 0 : i32
    %cond3A_92 = arith.cmpi ne, %convert_element_type3A_90, %cond3A_91 : i32
    scf.if %cond3A_92 {
      %mul3A_93 = arith.constant 1000 : i32
      %mul3A_94 = arith.muli %arg1, %mul3A_93 : i32
      %mul3A_95 = arith.constant 10000 : i32
      %mul3A_96 = arith.muli %arg0, %mul3A_95 : i32
      %mul3A_97 = arith.constant 1000 : i32
      %mul3A_98 = arith.muli %arg1, %mul3A_97 : i32
      %add3A_99 = arith.addi %mul3A_96, %mul3A_98 : i32
      "tpu.region"() ({
        %run_scoped3A = tpu.sem_alloc : memref<!tpu.dma_semaphore, #tpu.memory_space<semaphore_mem>>
        %dma_start3A_100 = arith.constant 0 : i32
        %dma_start3A_101 = tpu.memref_slice %arg5[%add3A_99, %dma_start3A_100] : memref<20000x128xf32, #tpu.memory_space<hbm>> -> memref<1000x128xf32, #tpu.memory_space<hbm>>
        %dma_start3A_102 = arith.constant 0 : i32
        %dma_start3A_103 = tpu.memref_slice %arg10[%mul3A_94, %dma_start3A_102] : memref<10000x128xf32, #tpu.memory_space<vmem_shared>> -> memref<1000x128xf32, #tpu.memory_space<vmem_shared>>
        tpu.enqueue_dma source(%dma_start3A_103 : memref<1000x128xf32, #tpu.memory_space<vmem_shared>>) target(%dma_start3A_101 : memref<1000x128xf32, #tpu.memory_space<hbm>>) target_semaphore(%run_scoped3A : memref<!tpu.dma_semaphore, #tpu.memory_space<semaphore_mem>>)
        %dma_wait3A_104 = arith.constant 0 : i32
        %dma_wait3A_105 = tpu.memref_slice %arg5[%add3A_99, %dma_wait3A_104] : memref<20000x128xf32, #tpu.memory_space<hbm>> -> memref<1000x128xf32, #tpu.memory_space<hbm>>
        %dma_wait3A_106 = arith.constant 0 : i32
        %dma_wait3A_107 = tpu.memref_slice %arg10[%mul3A_94, %dma_wait3A_106] : memref<10000x128xf32, #tpu.memory_space<vmem_shared>> -> memref<1000x128xf32, #tpu.memory_space<vmem_shared>>
        tpu.wait_dma2 semaphore(%run_scoped3A : memref<!tpu.dma_semaphore, #tpu.memory_space<semaphore_mem>>) src(%dma_wait3A_107 : memref<1000x128xf32, #tpu.memory_space<vmem_shared>>) dst(%dma_wait3A_105 : memref<1000x128xf32, #tpu.memory_space<hbm>>)
        tpu.yield
      }) : () -> ()
    } else {
    }
    return
  }
}

#map = affine_map<(d0, d1) -> (0, 0)>
#map1 = affine_map<(d0, d1) -> (0, 0, 0)>
module attributes {stable_mosaic.version = 14 : i64} {
  func.func @_agg_kernel(%arg0: i32, %arg1: i32, %arg2: memref<10000x128xf32, #tpu.memory_space<hbm>>, %arg3: memref<32x10000xi32, #tpu.memory_space<hbm>>, %arg4: memref<32x125x80xi32, #tpu.memory_space<hbm>>, %arg5: memref<20000x128xf32, #tpu.memory_space<hbm>>, %arg6: memref<10000xi32, #tpu.memory_space<vmem>>, %arg7: memref<125x80xi32, #tpu.memory_space<vmem>>, %arg8: memref<80x128xf32, #tpu.memory_space<vmem>>, %arg9: memref<80x128xf32, #tpu.memory_space<vmem>>, %arg10: memref<10000x128xf32, #tpu.memory_space<vmem_shared>>, %arg11: memref<!tpu.dma_semaphore, #tpu.memory_space<semaphore_mem>>, %arg12: memref<!tpu.dma_semaphore, #tpu.memory_space<semaphore_mem>>, %arg13: memref<!tpu.dma_semaphore, #tpu.memory_space<semaphore_mem>>, %arg14: memref<!tpu.dma_semaphore, #tpu.memory_space<semaphore_mem>>) attributes {dimension_semantics = [#tpu.dimension_semantics<core_parallel>, #tpu.dimension_semantics<subcore_parallel>], iteration_bounds = array<i64: 2, 16>, scalar_prefetch = 0 : i64, scratch_operands = 9 : i64, tpu.core_type = #tpu.core_type<sc_vector_subcore>, window_params = [{transform_indices = #map}, {transform_indices = #map}, {transform_indices = #map1}, {transform_indices = #map}]} {
    %mul3A = arith.constant 2 : i32
    %mul3A_0 = arith.muli %arg1, %mul3A : i32
    %add3A = arith.addi %mul3A_0, %arg0 : i32
    %scan3A = arith.constant 0 : i32
    %scan3A_1 = arith.constant 0 : i32
    %scan3A_2 = arith.constant 80 : i32
    %scan3A_3 = arith.addi %scan3A_1, %scan3A_2 : i32
    %scan3A_4 = arith.constant 1 : i32
    scf.for %scan3A_93 = %scan3A_1 to %scan3A_3 step %scan3A_4  : i32 {
      %broadcast_in_dim3A = arith.constant 0.000000e+00 : f32
      %broadcast_in_dim3A_94 = vector.broadcast %broadcast_in_dim3A : f32 to vector<16xf32>
      %swap3A = arith.index_cast %scan3A_93 : i32 to index
      %swap3A_95 = arith.constant 0 : index
      %swap3A_96 = tpu.vector_load %arg8[%swap3A, %swap3A_95] {strides = array<i32>} : memref<80x128xf32, #tpu.memory_space<vmem>>, vector<1x16xf32>,
      %swap3A_97 = vector.shape_cast %swap3A_96 : vector<1x16xf32> to vector<16xf32>
      %swap3A_98 = vector.shape_cast %broadcast_in_dim3A_94 : vector<16xf32> to vector<1x16xf32>
      tpu.vector_store %arg8[%swap3A, %swap3A_95], %swap3A_98 {strides = array<i32>} : memref<80x128xf32, #tpu.memory_space<vmem>>, vector<1x16xf32>,
      %broadcast_in_dim3A_99 = arith.constant 0.000000e+00 : f32
      %broadcast_in_dim3A_100 = vector.broadcast %broadcast_in_dim3A_99 : f32 to vector<16xf32>
      %swap3A_101 = arith.index_cast %scan3A_93 : i32 to index
      %swap3A_102 = arith.constant 16 : index
      %swap3A_103 = tpu.vector_load %arg8[%swap3A_101, %swap3A_102] {strides = array<i32>} : memref<80x128xf32, #tpu.memory_space<vmem>>, vector<1x16xf32>,
      %swap3A_104 = vector.shape_cast %swap3A_103 : vector<1x16xf32> to vector<16xf32>
      %swap3A_105 = vector.shape_cast %broadcast_in_dim3A_100 : vector<16xf32> to vector<1x16xf32>
      tpu.vector_store %arg8[%swap3A_101, %swap3A_102], %swap3A_105 {strides = array<i32>} : memref<80x128xf32, #tpu.memory_space<vmem>>, vector<1x16xf32>,
      %broadcast_in_dim3A_106 = arith.constant 0.000000e+00 : f32
      %broadcast_in_dim3A_107 = vector.broadcast %broadcast_in_dim3A_106 : f32 to vector<16xf32>
      %swap3A_108 = arith.index_cast %scan3A_93 : i32 to index
      %swap3A_109 = arith.constant 32 : index
      %swap3A_110 = tpu.vector_load %arg8[%swap3A_108, %swap3A_109] {strides = array<i32>} : memref<80x128xf32, #tpu.memory_space<vmem>>, vector<1x16xf32>,
      %swap3A_111 = vector.shape_cast %swap3A_110 : vector<1x16xf32> to vector<16xf32>
      %swap3A_112 = vector.shape_cast %broadcast_in_dim3A_107 : vector<16xf32> to vector<1x16xf32>
      tpu.vector_store %arg8[%swap3A_108, %swap3A_109], %swap3A_112 {strides = array<i32>} : memref<80x128xf32, #tpu.memory_space<vmem>>, vector<1x16xf32>,
      %broadcast_in_dim3A_113 = arith.constant 0.000000e+00 : f32
      %broadcast_in_dim3A_114 = vector.broadcast %broadcast_in_dim3A_113 : f32 to vector<16xf32>
      %swap3A_115 = arith.index_cast %scan3A_93 : i32 to index
      %swap3A_116 = arith.constant 48 : index
      %swap3A_117 = tpu.vector_load %arg8[%swap3A_115, %swap3A_116] {strides = array<i32>} : memref<80x128xf32, #tpu.memory_space<vmem>>, vector<1x16xf32>,
      %swap3A_118 = vector.shape_cast %swap3A_117 : vector<1x16xf32> to vector<16xf32>
      %swap3A_119 = vector.shape_cast %broadcast_in_dim3A_114 : vector<16xf32> to vector<1x16xf32>
      tpu.vector_store %arg8[%swap3A_115, %swap3A_116], %swap3A_119 {strides = array<i32>} : memref<80x128xf32, #tpu.memory_space<vmem>>, vector<1x16xf32>,
      %broadcast_in_dim3A_120 = arith.constant 0.000000e+00 : f32
      %broadcast_in_dim3A_121 = vector.broadcast %broadcast_in_dim3A_120 : f32 to vector<16xf32>
      %swap3A_122 = arith.index_cast %scan3A_93 : i32 to index
      %swap3A_123 = arith.constant 64 : index
      %swap3A_124 = tpu.vector_load %arg8[%swap3A_122, %swap3A_123] {strides = array<i32>} : memref<80x128xf32, #tpu.memory_space<vmem>>, vector<1x16xf32>,
      %swap3A_125 = vector.shape_cast %swap3A_124 : vector<1x16xf32> to vector<16xf32>
      %swap3A_126 = vector.shape_cast %broadcast_in_dim3A_121 : vector<16xf32> to vector<1x16xf32>
      tpu.vector_store %arg8[%swap3A_122, %swap3A_123], %swap3A_126 {strides = array<i32>} : memref<80x128xf32, #tpu.memory_space<vmem>>, vector<1x16xf32>,
      %broadcast_in_dim3A_127 = arith.constant 0.000000e+00 : f32
      %broadcast_in_dim3A_128 = vector.broadcast %broadcast_in_dim3A_127 : f32 to vector<16xf32>
      %swap3A_129 = arith.index_cast %scan3A_93 : i32 to index
      %swap3A_130 = arith.constant 80 : index
      %swap3A_131 = tpu.vector_load %arg8[%swap3A_129, %swap3A_130] {strides = array<i32>} : memref<80x128xf32, #tpu.memory_space<vmem>>, vector<1x16xf32>,
      %swap3A_132 = vector.shape_cast %swap3A_131 : vector<1x16xf32> to vector<16xf32>
      %swap3A_133 = vector.shape_cast %broadcast_in_dim3A_128 : vector<16xf32> to vector<1x16xf32>
      tpu.vector_store %arg8[%swap3A_129, %swap3A_130], %swap3A_133 {strides = array<i32>} : memref<80x128xf32, #tpu.memory_space<vmem>>, vector<1x16xf32>,
      %broadcast_in_dim3A_134 = arith.constant 0.000000e+00 : f32
      %broadcast_in_dim3A_135 = vector.broadcast %broadcast_in_dim3A_134 : f32 to vector<16xf32>
      %swap3A_136 = arith.index_cast %scan3A_93 : i32 to index
      %swap3A_137 = arith.constant 96 : index
      %swap3A_138 = tpu.vector_load %arg8[%swap3A_136, %swap3A_137] {strides = array<i32>} : memref<80x128xf32, #tpu.memory_space<vmem>>, vector<1x16xf32>,
      %swap3A_139 = vector.shape_cast %swap3A_138 : vector<1x16xf32> to vector<16xf32>
      %swap3A_140 = vector.shape_cast %broadcast_in_dim3A_135 : vector<16xf32> to vector<1x16xf32>
      tpu.vector_store %arg8[%swap3A_136, %swap3A_137], %swap3A_140 {strides = array<i32>} : memref<80x128xf32, #tpu.memory_space<vmem>>, vector<1x16xf32>,
      %broadcast_in_dim3A_141 = arith.constant 0.000000e+00 : f32
      %broadcast_in_dim3A_142 = vector.broadcast %broadcast_in_dim3A_141 : f32 to vector<16xf32>
      %swap3A_143 = arith.index_cast %scan3A_93 : i32 to index
      %swap3A_144 = arith.constant 112 : index
      %swap3A_145 = tpu.vector_load %arg8[%swap3A_143, %swap3A_144] {strides = array<i32>} : memref<80x128xf32, #tpu.memory_space<vmem>>, vector<1x16xf32>,
      %swap3A_146 = vector.shape_cast %swap3A_145 : vector<1x16xf32> to vector<16xf32>
      %swap3A_147 = vector.shape_cast %broadcast_in_dim3A_142 : vector<16xf32> to vector<1x16xf32>
      tpu.vector_store %arg8[%swap3A_143, %swap3A_144], %swap3A_147 {strides = array<i32>} : memref<80x128xf32, #tpu.memory_space<vmem>>, vector<1x16xf32>,
    }
    %scan3A_5 = arith.constant 80 : i32
    %add3A_6 = arith.constant 0 : i32
    %add3A_7 = arith.addi %arg1, %add3A_6 : i32
    %lt3A = arith.constant 125 : i32
    %lt3A_8 = arith.cmpi slt, %add3A_7, %lt3A : i32
    %convert_element_type3A = arith.extui %lt3A_8 : i1 to i32
    %cond3A = arith.constant 0 : i32
    %cond3A_9 = arith.cmpi ne, %convert_element_type3A, %cond3A : i32
    scf.if %cond3A_9 {
      %mul3A_93 = arith.constant 80 : i32
      %mul3A_94 = arith.muli %add3A_7, %mul3A_93 : i32
      "tpu.region"() ({
        %run_scoped3A = tpu.sem_alloc : memref<!tpu.dma_semaphore, #tpu.memory_space<semaphore_mem>>
        %dma_start3A_95 = arith.constant 0 : i32
        %dma_start3A_96 = tpu.memref_slice %arg10[%mul3A_94, %dma_start3A_95] : memref<10000x128xf32, #tpu.memory_space<vmem_shared>> -> memref<80x128xf32, #tpu.memory_space<vmem_shared>>
        %dma_start3A_97 = arith.constant 0 : i32
        %dma_start3A_98 = tpu.memref_slice %arg10[%mul3A_94, %dma_start3A_97] : memref<10000x128xf32, #tpu.memory_space<vmem_shared>> -> memref<80x128xf32, #tpu.memory_space<vmem_shared>>
        tpu.enqueue_dma source(%arg8 : memref<80x128xf32, #tpu.memory_space<vmem>>) target(%dma_start3A_98 : memref<80x128xf32, #tpu.memory_space<vmem_shared>>) target_semaphore(%run_scoped3A : memref<!tpu.dma_semaphore, #tpu.memory_space<semaphore_mem>>)
        %dma_wait3A_99 = arith.constant 0 : i32
        %dma_wait3A_100 = tpu.memref_slice %arg10[%mul3A_94, %dma_wait3A_99] : memref<10000x128xf32, #tpu.memory_space<vmem_shared>> -> memref<80x128xf32, #tpu.memory_space<vmem_shared>>
        %dma_wait3A_101 = arith.constant 0 : i32
        %dma_wait3A_102 = tpu.memref_slice %arg10[%mul3A_94, %dma_wait3A_101] : memref<10000x128xf32, #tpu.memory_space<vmem_shared>> -> memref<80x128xf32, #tpu.memory_space<vmem_shared>>
        tpu.wait_dma2 semaphore(%run_scoped3A : memref<!tpu.dma_semaphore, #tpu.memory_space<semaphore_mem>>) src(%arg8 : memref<80x128xf32, #tpu.memory_space<vmem>>) dst(%dma_wait3A_102 : memref<80x128xf32, #tpu.memory_space<vmem_shared>>)
        tpu.yield
      }) : () -> ()
    } else {
    }
    %add3A_10 = arith.constant 16 : i32
    %add3A_11 = arith.addi %arg1, %add3A_10 : i32
    %lt3A_12 = arith.constant 125 : i32
    %lt3A_13 = arith.cmpi slt, %add3A_11, %lt3A_12 : i32
    %convert_element_type3A_14 = arith.extui %lt3A_13 : i1 to i32
    %cond3A_15 = arith.constant 0 : i32
    %cond3A_16 = arith.cmpi ne, %convert_element_type3A_14, %cond3A_15 : i32
    scf.if %cond3A_16 {
      %mul3A_93 = arith.constant 80 : i32
      %mul3A_94 = arith.muli %add3A_11, %mul3A_93 : i32
      "tpu.region"() ({
        %run_scoped3A = tpu.sem_alloc : memref<!tpu.dma_semaphore, #tpu.memory_space<semaphore_mem>>
        %dma_start3A_95 = arith.constant 0 : i32
        %dma_start3A_96 = tpu.memref_slice %arg10[%mul3A_94, %dma_start3A_95] : memref<10000x128xf32, #tpu.memory_space<vmem_shared>> -> memref<80x128xf32, #tpu.memory_space<vmem_shared>>
        %dma_start3A_97 = arith.constant 0 : i32
        %dma_start3A_98 = tpu.memref_slice %arg10[%mul3A_94, %dma_start3A_97] : memref<10000x128xf32, #tpu.memory_space<vmem_shared>> -> memref<80x128xf32, #tpu.memory_space<vmem_shared>>
        tpu.enqueue_dma source(%arg8 : memref<80x128xf32, #tpu.memory_space<vmem>>) target(%dma_start3A_98 : memref<80x128xf32, #tpu.memory_space<vmem_shared>>) target_semaphore(%run_scoped3A : memref<!tpu.dma_semaphore, #tpu.memory_space<semaphore_mem>>)
        %dma_wait3A_99 = arith.constant 0 : i32
        %dma_wait3A_100 = tpu.memref_slice %arg10[%mul3A_94, %dma_wait3A_99] : memref<10000x128xf32, #tpu.memory_space<vmem_shared>> -> memref<80x128xf32, #tpu.memory_space<vmem_shared>>
        %dma_wait3A_101 = arith.constant 0 : i32
        %dma_wait3A_102 = tpu.memref_slice %arg10[%mul3A_94, %dma_wait3A_101] : memref<10000x128xf32, #tpu.memory_space<vmem_shared>> -> memref<80x128xf32, #tpu.memory_space<vmem_shared>>
        tpu.wait_dma2 semaphore(%run_scoped3A : memref<!tpu.dma_semaphore, #tpu.memory_space<semaphore_mem>>) src(%arg8 : memref<80x128xf32, #tpu.memory_space<vmem>>) dst(%dma_wait3A_102 : memref<80x128xf32, #tpu.memory_space<vmem_shared>>)
        tpu.yield
      }) : () -> ()
    } else {
    }
    %add3A_17 = arith.constant 32 : i32
    %add3A_18 = arith.addi %arg1, %add3A_17 : i32
    %lt3A_19 = arith.constant 125 : i32
    %lt3A_20 = arith.cmpi slt, %add3A_18, %lt3A_19 : i32
    %convert_element_type3A_21 = arith.extui %lt3A_20 : i1 to i32
    %cond3A_22 = arith.constant 0 : i32
    %cond3A_23 = arith.cmpi ne, %convert_element_type3A_21, %cond3A_22 : i32
    scf.if %cond3A_23 {
      %mul3A_93 = arith.constant 80 : i32
      %mul3A_94 = arith.muli %add3A_18, %mul3A_93 : i32
      "tpu.region"() ({
        %run_scoped3A = tpu.sem_alloc : memref<!tpu.dma_semaphore, #tpu.memory_space<semaphore_mem>>
        %dma_start3A_95 = arith.constant 0 : i32
        %dma_start3A_96 = tpu.memref_slice %arg10[%mul3A_94, %dma_start3A_95] : memref<10000x128xf32, #tpu.memory_space<vmem_shared>> -> memref<80x128xf32, #tpu.memory_space<vmem_shared>>
        %dma_start3A_97 = arith.constant 0 : i32
        %dma_start3A_98 = tpu.memref_slice %arg10[%mul3A_94, %dma_start3A_97] : memref<10000x128xf32, #tpu.memory_space<vmem_shared>> -> memref<80x128xf32, #tpu.memory_space<vmem_shared>>
        tpu.enqueue_dma source(%arg8 : memref<80x128xf32, #tpu.memory_space<vmem>>) target(%dma_start3A_98 : memref<80x128xf32, #tpu.memory_space<vmem_shared>>) target_semaphore(%run_scoped3A : memref<!tpu.dma_semaphore, #tpu.memory_space<semaphore_mem>>)
        %dma_wait3A_99 = arith.constant 0 : i32
        %dma_wait3A_100 = tpu.memref_slice %arg10[%mul3A_94, %dma_wait3A_99] : memref<10000x128xf32, #tpu.memory_space<vmem_shared>> -> memref<80x128xf32, #tpu.memory_space<vmem_shared>>
        %dma_wait3A_101 = arith.constant 0 : i32
        %dma_wait3A_102 = tpu.memref_slice %arg10[%mul3A_94, %dma_wait3A_101] : memref<10000x128xf32, #tpu.memory_space<vmem_shared>> -> memref<80x128xf32, #tpu.memory_space<vmem_shared>>
        tpu.wait_dma2 semaphore(%run_scoped3A : memref<!tpu.dma_semaphore, #tpu.memory_space<semaphore_mem>>) src(%arg8 : memref<80x128xf32, #tpu.memory_space<vmem>>) dst(%dma_wait3A_102 : memref<80x128xf32, #tpu.memory_space<vmem_shared>>)
        tpu.yield
      }) : () -> ()
    } else {
    }
    %add3A_24 = arith.constant 48 : i32
    %add3A_25 = arith.addi %arg1, %add3A_24 : i32
    %lt3A_26 = arith.constant 125 : i32
    %lt3A_27 = arith.cmpi slt, %add3A_25, %lt3A_26 : i32
    %convert_element_type3A_28 = arith.extui %lt3A_27 : i1 to i32
    %cond3A_29 = arith.constant 0 : i32
    %cond3A_30 = arith.cmpi ne, %convert_element_type3A_28, %cond3A_29 : i32
    scf.if %cond3A_30 {
      %mul3A_93 = arith.constant 80 : i32
      %mul3A_94 = arith.muli %add3A_25, %mul3A_93 : i32
      "tpu.region"() ({
        %run_scoped3A = tpu.sem_alloc : memref<!tpu.dma_semaphore, #tpu.memory_space<semaphore_mem>>
        %dma_start3A_95 = arith.constant 0 : i32
        %dma_start3A_96 = tpu.memref_slice %arg10[%mul3A_94, %dma_start3A_95] : memref<10000x128xf32, #tpu.memory_space<vmem_shared>> -> memref<80x128xf32, #tpu.memory_space<vmem_shared>>
        %dma_start3A_97 = arith.constant 0 : i32
        %dma_start3A_98 = tpu.memref_slice %arg10[%mul3A_94, %dma_start3A_97] : memref<10000x128xf32, #tpu.memory_space<vmem_shared>> -> memref<80x128xf32, #tpu.memory_space<vmem_shared>>
        tpu.enqueue_dma source(%arg8 : memref<80x128xf32, #tpu.memory_space<vmem>>) target(%dma_start3A_98 : memref<80x128xf32, #tpu.memory_space<vmem_shared>>) target_semaphore(%run_scoped3A : memref<!tpu.dma_semaphore, #tpu.memory_space<semaphore_mem>>)
        %dma_wait3A_99 = arith.constant 0 : i32
        %dma_wait3A_100 = tpu.memref_slice %arg10[%mul3A_94, %dma_wait3A_99] : memref<10000x128xf32, #tpu.memory_space<vmem_shared>> -> memref<80x128xf32, #tpu.memory_space<vmem_shared>>
        %dma_wait3A_101 = arith.constant 0 : i32
        %dma_wait3A_102 = tpu.memref_slice %arg10[%mul3A_94, %dma_wait3A_101] : memref<10000x128xf32, #tpu.memory_space<vmem_shared>> -> memref<80x128xf32, #tpu.memory_space<vmem_shared>>
        tpu.wait_dma2 semaphore(%run_scoped3A : memref<!tpu.dma_semaphore, #tpu.memory_space<semaphore_mem>>) src(%arg8 : memref<80x128xf32, #tpu.memory_space<vmem>>) dst(%dma_wait3A_102 : memref<80x128xf32, #tpu.memory_space<vmem_shared>>)
        tpu.yield
      }) : () -> ()
    } else {
    }
    %add3A_31 = arith.constant 64 : i32
    %add3A_32 = arith.addi %arg1, %add3A_31 : i32
    %lt3A_33 = arith.constant 125 : i32
    %lt3A_34 = arith.cmpi slt, %add3A_32, %lt3A_33 : i32
    %convert_element_type3A_35 = arith.extui %lt3A_34 : i1 to i32
    %cond3A_36 = arith.constant 0 : i32
    %cond3A_37 = arith.cmpi ne, %convert_element_type3A_35, %cond3A_36 : i32
    scf.if %cond3A_37 {
      %mul3A_93 = arith.constant 80 : i32
      %mul3A_94 = arith.muli %add3A_32, %mul3A_93 : i32
      "tpu.region"() ({
        %run_scoped3A = tpu.sem_alloc : memref<!tpu.dma_semaphore, #tpu.memory_space<semaphore_mem>>
        %dma_start3A_95 = arith.constant 0 : i32
        %dma_start3A_96 = tpu.memref_slice %arg10[%mul3A_94, %dma_start3A_95] : memref<10000x128xf32, #tpu.memory_space<vmem_shared>> -> memref<80x128xf32, #tpu.memory_space<vmem_shared>>
        %dma_start3A_97 = arith.constant 0 : i32
        %dma_start3A_98 = tpu.memref_slice %arg10[%mul3A_94, %dma_start3A_97] : memref<10000x128xf32, #tpu.memory_space<vmem_shared>> -> memref<80x128xf32, #tpu.memory_space<vmem_shared>>
        tpu.enqueue_dma source(%arg8 : memref<80x128xf32, #tpu.memory_space<vmem>>) target(%dma_start3A_98 : memref<80x128xf32, #tpu.memory_space<vmem_shared>>) target_semaphore(%run_scoped3A : memref<!tpu.dma_semaphore, #tpu.memory_space<semaphore_mem>>)
        %dma_wait3A_99 = arith.constant 0 : i32
        %dma_wait3A_100 = tpu.memref_slice %arg10[%mul3A_94, %dma_wait3A_99] : memref<10000x128xf32, #tpu.memory_space<vmem_shared>> -> memref<80x128xf32, #tpu.memory_space<vmem_shared>>
        %dma_wait3A_101 = arith.constant 0 : i32
        %dma_wait3A_102 = tpu.memref_slice %arg10[%mul3A_94, %dma_wait3A_101] : memref<10000x128xf32, #tpu.memory_space<vmem_shared>> -> memref<80x128xf32, #tpu.memory_space<vmem_shared>>
        tpu.wait_dma2 semaphore(%run_scoped3A : memref<!tpu.dma_semaphore, #tpu.memory_space<semaphore_mem>>) src(%arg8 : memref<80x128xf32, #tpu.memory_space<vmem>>) dst(%dma_wait3A_102 : memref<80x128xf32, #tpu.memory_space<vmem_shared>>)
        tpu.yield
      }) : () -> ()
    } else {
    }
    %add3A_38 = arith.constant 80 : i32
    %add3A_39 = arith.addi %arg1, %add3A_38 : i32
    %lt3A_40 = arith.constant 125 : i32
    %lt3A_41 = arith.cmpi slt, %add3A_39, %lt3A_40 : i32
    %convert_element_type3A_42 = arith.extui %lt3A_41 : i1 to i32
    %cond3A_43 = arith.constant 0 : i32
    %cond3A_44 = arith.cmpi ne, %convert_element_type3A_42, %cond3A_43 : i32
    scf.if %cond3A_44 {
      %mul3A_93 = arith.constant 80 : i32
      %mul3A_94 = arith.muli %add3A_39, %mul3A_93 : i32
      "tpu.region"() ({
        %run_scoped3A = tpu.sem_alloc : memref<!tpu.dma_semaphore, #tpu.memory_space<semaphore_mem>>
        %dma_start3A_95 = arith.constant 0 : i32
        %dma_start3A_96 = tpu.memref_slice %arg10[%mul3A_94, %dma_start3A_95] : memref<10000x128xf32, #tpu.memory_space<vmem_shared>> -> memref<80x128xf32, #tpu.memory_space<vmem_shared>>
        %dma_start3A_97 = arith.constant 0 : i32
        %dma_start3A_98 = tpu.memref_slice %arg10[%mul3A_94, %dma_start3A_97] : memref<10000x128xf32, #tpu.memory_space<vmem_shared>> -> memref<80x128xf32, #tpu.memory_space<vmem_shared>>
        tpu.enqueue_dma source(%arg8 : memref<80x128xf32, #tpu.memory_space<vmem>>) target(%dma_start3A_98 : memref<80x128xf32, #tpu.memory_space<vmem_shared>>) target_semaphore(%run_scoped3A : memref<!tpu.dma_semaphore, #tpu.memory_space<semaphore_mem>>)
        %dma_wait3A_99 = arith.constant 0 : i32
        %dma_wait3A_100 = tpu.memref_slice %arg10[%mul3A_94, %dma_wait3A_99] : memref<10000x128xf32, #tpu.memory_space<vmem_shared>> -> memref<80x128xf32, #tpu.memory_space<vmem_shared>>
        %dma_wait3A_101 = arith.constant 0 : i32
        %dma_wait3A_102 = tpu.memref_slice %arg10[%mul3A_94, %dma_wait3A_101] : memref<10000x128xf32, #tpu.memory_space<vmem_shared>> -> memref<80x128xf32, #tpu.memory_space<vmem_shared>>
        tpu.wait_dma2 semaphore(%run_scoped3A : memref<!tpu.dma_semaphore, #tpu.memory_space<semaphore_mem>>) src(%arg8 : memref<80x128xf32, #tpu.memory_space<vmem>>) dst(%dma_wait3A_102 : memref<80x128xf32, #tpu.memory_space<vmem_shared>>)
        tpu.yield
      }) : () -> ()
    } else {
    }
    %add3A_45 = arith.constant 96 : i32
    %add3A_46 = arith.addi %arg1, %add3A_45 : i32
    %lt3A_47 = arith.constant 125 : i32
    %lt3A_48 = arith.cmpi slt, %add3A_46, %lt3A_47 : i32
    %convert_element_type3A_49 = arith.extui %lt3A_48 : i1 to i32
    %cond3A_50 = arith.constant 0 : i32
    %cond3A_51 = arith.cmpi ne, %convert_element_type3A_49, %cond3A_50 : i32
    scf.if %cond3A_51 {
      %mul3A_93 = arith.constant 80 : i32
      %mul3A_94 = arith.muli %add3A_46, %mul3A_93 : i32
      "tpu.region"() ({
        %run_scoped3A = tpu.sem_alloc : memref<!tpu.dma_semaphore, #tpu.memory_space<semaphore_mem>>
        %dma_start3A_95 = arith.constant 0 : i32
        %dma_start3A_96 = tpu.memref_slice %arg10[%mul3A_94, %dma_start3A_95] : memref<10000x128xf32, #tpu.memory_space<vmem_shared>> -> memref<80x128xf32, #tpu.memory_space<vmem_shared>>
        %dma_start3A_97 = arith.constant 0 : i32
        %dma_start3A_98 = tpu.memref_slice %arg10[%mul3A_94, %dma_start3A_97] : memref<10000x128xf32, #tpu.memory_space<vmem_shared>> -> memref<80x128xf32, #tpu.memory_space<vmem_shared>>
        tpu.enqueue_dma source(%arg8 : memref<80x128xf32, #tpu.memory_space<vmem>>) target(%dma_start3A_98 : memref<80x128xf32, #tpu.memory_space<vmem_shared>>) target_semaphore(%run_scoped3A : memref<!tpu.dma_semaphore, #tpu.memory_space<semaphore_mem>>)
        %dma_wait3A_99 = arith.constant 0 : i32
        %dma_wait3A_100 = tpu.memref_slice %arg10[%mul3A_94, %dma_wait3A_99] : memref<10000x128xf32, #tpu.memory_space<vmem_shared>> -> memref<80x128xf32, #tpu.memory_space<vmem_shared>>
        %dma_wait3A_101 = arith.constant 0 : i32
        %dma_wait3A_102 = tpu.memref_slice %arg10[%mul3A_94, %dma_wait3A_101] : memref<10000x128xf32, #tpu.memory_space<vmem_shared>> -> memref<80x128xf32, #tpu.memory_space<vmem_shared>>
        tpu.wait_dma2 semaphore(%run_scoped3A : memref<!tpu.dma_semaphore, #tpu.memory_space<semaphore_mem>>) src(%arg8 : memref<80x128xf32, #tpu.memory_space<vmem>>) dst(%dma_wait3A_102 : memref<80x128xf32, #tpu.memory_space<vmem_shared>>)
        tpu.yield
      }) : () -> ()
    } else {
    }
    %add3A_52 = arith.constant 112 : i32
    %add3A_53 = arith.addi %arg1, %add3A_52 : i32
    %lt3A_54 = arith.constant 125 : i32
    %lt3A_55 = arith.cmpi slt, %add3A_53, %lt3A_54 : i32
    %convert_element_type3A_56 = arith.extui %lt3A_55 : i1 to i32
    %cond3A_57 = arith.constant 0 : i32
    %cond3A_58 = arith.cmpi ne, %convert_element_type3A_56, %cond3A_57 : i32
    scf.if %cond3A_58 {
      %mul3A_93 = arith.constant 80 : i32
      %mul3A_94 = arith.muli %add3A_53, %mul3A_93 : i32
      "tpu.region"() ({
        %run_scoped3A = tpu.sem_alloc : memref<!tpu.dma_semaphore, #tpu.memory_space<semaphore_mem>>
        %dma_start3A_95 = arith.constant 0 : i32
        %dma_start3A_96 = tpu.memref_slice %arg10[%mul3A_94, %dma_start3A_95] : memref<10000x128xf32, #tpu.memory_space<vmem_shared>> -> memref<80x128xf32, #tpu.memory_space<vmem_shared>>
        %dma_start3A_97 = arith.constant 0 : i32
        %dma_start3A_98 = tpu.memref_slice %arg10[%mul3A_94, %dma_start3A_97] : memref<10000x128xf32, #tpu.memory_space<vmem_shared>> -> memref<80x128xf32, #tpu.memory_space<vmem_shared>>
        tpu.enqueue_dma source(%arg8 : memref<80x128xf32, #tpu.memory_space<vmem>>) target(%dma_start3A_98 : memref<80x128xf32, #tpu.memory_space<vmem_shared>>) target_semaphore(%run_scoped3A : memref<!tpu.dma_semaphore, #tpu.memory_space<semaphore_mem>>)
        %dma_wait3A_99 = arith.constant 0 : i32
        %dma_wait3A_100 = tpu.memref_slice %arg10[%mul3A_94, %dma_wait3A_99] : memref<10000x128xf32, #tpu.memory_space<vmem_shared>> -> memref<80x128xf32, #tpu.memory_space<vmem_shared>>
        %dma_wait3A_101 = arith.constant 0 : i32
        %dma_wait3A_102 = tpu.memref_slice %arg10[%mul3A_94, %dma_wait3A_101] : memref<10000x128xf32, #tpu.memory_space<vmem_shared>> -> memref<80x128xf32, #tpu.memory_space<vmem_shared>>
        tpu.wait_dma2 semaphore(%run_scoped3A : memref<!tpu.dma_semaphore, #tpu.memory_space<semaphore_mem>>) src(%arg8 : memref<80x128xf32, #tpu.memory_space<vmem>>) dst(%dma_wait3A_102 : memref<80x128xf32, #tpu.memory_space<vmem_shared>>)
        tpu.yield
      }) : () -> ()
    } else {
    }
    "tpu.region"() ({
      %run_scoped3A = tpu.sem_alloc : memref<!tpu.dma_semaphore, #tpu.memory_space<semaphore_mem>>
      %dma_start3A_93 = arith.constant 0 : i32
      %dma_start3A_94 = tpu.memref_slice %arg3[%add3A, %dma_start3A_93] : memref<32x10000xi32, #tpu.memory_space<hbm>> -> memref<1x10000xi32, #tpu.memory_space<hbm>>
      %dma_start3A_95 = tpu.memref_squeeze %dma_start3A_94 : memref<1x10000xi32, #tpu.memory_space<hbm>> -> memref<10000xi32, #tpu.memory_space<hbm>>
      %dma_start3A_96 = arith.constant 0 : i32
      %dma_start3A_97 = tpu.memref_slice %arg3[%add3A, %dma_start3A_96] : memref<32x10000xi32, #tpu.memory_space<hbm>> -> memref<1x10000xi32, #tpu.memory_space<hbm>>
      %dma_start3A_98 = tpu.memref_squeeze %dma_start3A_97 : memref<1x10000xi32, #tpu.memory_space<hbm>> -> memref<10000xi32, #tpu.memory_space<hbm>>
      tpu.enqueue_dma source(%dma_start3A_98 : memref<10000xi32, #tpu.memory_space<hbm>>) target(%arg6 : memref<10000xi32, #tpu.memory_space<vmem>>) target_semaphore(%run_scoped3A : memref<!tpu.dma_semaphore, #tpu.memory_space<semaphore_mem>>)
      %dma_wait3A_99 = arith.constant 0 : i32
      %dma_wait3A_100 = tpu.memref_slice %arg3[%add3A, %dma_wait3A_99] : memref<32x10000xi32, #tpu.memory_space<hbm>> -> memref<1x10000xi32, #tpu.memory_space<hbm>>
      %dma_wait3A_101 = tpu.memref_squeeze %dma_wait3A_100 : memref<1x10000xi32, #tpu.memory_space<hbm>> -> memref<10000xi32, #tpu.memory_space<hbm>>
      %dma_wait3A_102 = arith.constant 0 : i32
      %dma_wait3A_103 = tpu.memref_slice %arg3[%add3A, %dma_wait3A_102] : memref<32x10000xi32, #tpu.memory_space<hbm>> -> memref<1x10000xi32, #tpu.memory_space<hbm>>
      %dma_wait3A_104 = tpu.memref_squeeze %dma_wait3A_103 : memref<1x10000xi32, #tpu.memory_space<hbm>> -> memref<10000xi32, #tpu.memory_space<hbm>>
      tpu.wait_dma2 semaphore(%run_scoped3A : memref<!tpu.dma_semaphore, #tpu.memory_space<semaphore_mem>>) src(%dma_wait3A_104 : memref<10000xi32, #tpu.memory_space<hbm>>) dst(%arg6 : memref<10000xi32, #tpu.memory_space<vmem>>)
      tpu.yield
    }) : () -> ()
    "tpu.region"() ({
      %run_scoped3A = tpu.sem_alloc : memref<!tpu.dma_semaphore, #tpu.memory_space<semaphore_mem>>
      %dma_start3A_93 = arith.constant 0 : i32
      %dma_start3A_94 = arith.constant 0 : i32
      %dma_start3A_95 = tpu.memref_slice %arg4[%add3A, %dma_start3A_93, %dma_start3A_94] : memref<32x125x80xi32, #tpu.memory_space<hbm>> -> memref<1x125x80xi32, #tpu.memory_space<hbm>>
      %dma_start3A_96 = tpu.memref_squeeze %dma_start3A_95 : memref<1x125x80xi32, #tpu.memory_space<hbm>> -> memref<125x80xi32, #tpu.memory_space<hbm>>
      %dma_start3A_97 = arith.constant 0 : i32
      %dma_start3A_98 = arith.constant 0 : i32
      %dma_start3A_99 = tpu.memref_slice %arg4[%add3A, %dma_start3A_97, %dma_start3A_98] : memref<32x125x80xi32, #tpu.memory_space<hbm>> -> memref<1x125x80xi32, #tpu.memory_space<hbm>>
      %dma_start3A_100 = tpu.memref_squeeze %dma_start3A_99 : memref<1x125x80xi32, #tpu.memory_space<hbm>> -> memref<125x80xi32, #tpu.memory_space<hbm>>
      tpu.enqueue_dma source(%dma_start3A_100 : memref<125x80xi32, #tpu.memory_space<hbm>>) target(%arg7 : memref<125x80xi32, #tpu.memory_space<vmem>>) target_semaphore(%run_scoped3A : memref<!tpu.dma_semaphore, #tpu.memory_space<semaphore_mem>>)
      %dma_wait3A_101 = arith.constant 0 : i32
      %dma_wait3A_102 = arith.constant 0 : i32
      %dma_wait3A_103 = tpu.memref_slice %arg4[%add3A, %dma_wait3A_101, %dma_wait3A_102] : memref<32x125x80xi32, #tpu.memory_space<hbm>> -> memref<1x125x80xi32, #tpu.memory_space<hbm>>
      %dma_wait3A_104 = tpu.memref_squeeze %dma_wait3A_103 : memref<1x125x80xi32, #tpu.memory_space<hbm>> -> memref<125x80xi32, #tpu.memory_space<hbm>>
      %dma_wait3A_105 = arith.constant 0 : i32
      %dma_wait3A_106 = arith.constant 0 : i32
      %dma_wait3A_107 = tpu.memref_slice %arg4[%add3A, %dma_wait3A_105, %dma_wait3A_106] : memref<32x125x80xi32, #tpu.memory_space<hbm>> -> memref<1x125x80xi32, #tpu.memory_space<hbm>>
      %dma_wait3A_108 = tpu.memref_squeeze %dma_wait3A_107 : memref<1x125x80xi32, #tpu.memory_space<hbm>> -> memref<125x80xi32, #tpu.memory_space<hbm>>
      tpu.wait_dma2 semaphore(%run_scoped3A : memref<!tpu.dma_semaphore, #tpu.memory_space<semaphore_mem>>) src(%dma_wait3A_108 : memref<125x80xi32, #tpu.memory_space<hbm>>) dst(%arg7 : memref<125x80xi32, #tpu.memory_space<vmem>>)
      tpu.yield
    }) : () -> ()
    %barrier3A = arith.constant 0 : index
    tpu.barrier barrier_id(%barrier3A)
    %dma_start3A = arith.constant 0 : i32
    %dma_start3A_59 = tpu.memref_slice %arg6[%dma_start3A] : memref<10000xi32, #tpu.memory_space<vmem>> -> memref<80xi32, #tpu.memory_space<vmem>>
    %dma_start3A_60 = arith.constant 0 : i32
    %dma_start3A_61 = arith.constant 0 : i32
    %dma_start3A_62 = tpu.memref_slice %arg2[%dma_start3A_60, %dma_start3A_61] : memref<10000x128xf32, #tpu.memory_space<hbm>> -> memref<10000x128xf32, #tpu.memory_space<hbm>>
    tpu.enqueue_indirect_dma source(%dma_start3A_62 : memref<10000x128xf32, #tpu.memory_space<hbm>>) target(%arg8 : memref<80x128xf32, #tpu.memory_space<vmem>>) offsets(%dma_start3A_59 : memref<80xi32, #tpu.memory_space<vmem>>) semaphore(%arg11 : memref<!tpu.dma_semaphore, #tpu.memory_space<semaphore_mem>>)
    %dma_start3A_63 = arith.constant 80 : i32
    %dma_start3A_64 = tpu.memref_slice %arg6[%dma_start3A_63] : memref<10000xi32, #tpu.memory_space<vmem>> -> memref<80xi32, #tpu.memory_space<vmem>>
    %dma_start3A_65 = arith.constant 0 : i32
    %dma_start3A_66 = arith.constant 0 : i32
    %dma_start3A_67 = tpu.memref_slice %arg2[%dma_start3A_65, %dma_start3A_66] : memref<10000x128xf32, #tpu.memory_space<hbm>> -> memref<10000x128xf32, #tpu.memory_space<hbm>>
    tpu.enqueue_indirect_dma source(%dma_start3A_67 : memref<10000x128xf32, #tpu.memory_space<hbm>>) target(%arg9 : memref<80x128xf32, #tpu.memory_space<vmem>>) offsets(%dma_start3A_64 : memref<80xi32, #tpu.memory_space<vmem>>) semaphore(%arg12 : memref<!tpu.dma_semaphore, #tpu.memory_space<semaphore_mem>>)
    %scan3A_68 = arith.constant 0 : i32
    %scan3A_69 = arith.constant 0 : i32
    %scan3A_70 = arith.constant 63 : i32
    %scan3A_71 = arith.addi %scan3A_69, %scan3A_70 : i32
    %scan3A_72 = arith.constant 1 : i32
    scf.for %scan3A_93 = %scan3A_69 to %scan3A_71 step %scan3A_72  : i32 {
      %mul3A_94 = arith.constant 2 : i32
      %mul3A_95 = arith.muli %mul3A_94, %scan3A_93 : i32
      %mul3A_96 = arith.constant 80 : i32
      %mul3A_97 = arith.muli %mul3A_95, %mul3A_96 : i32
      %dma_wait3A_98 = tpu.memref_slice %arg6[%mul3A_97] : memref<10000xi32, #tpu.memory_space<vmem>> -> memref<80xi32, #tpu.memory_space<vmem>>
      %dma_wait3A_99 = arith.constant 0 : i32
      %dma_wait3A_100 = arith.constant 0 : i32
      %dma_wait3A_101 = tpu.memref_slice %arg2[%dma_wait3A_99, %dma_wait3A_100] : memref<10000x128xf32, #tpu.memory_space<hbm>> -> memref<10000x128xf32, #tpu.memory_space<hbm>>
      tpu.wait_indirect_dma semaphore(%arg11 : memref<!tpu.dma_semaphore, #tpu.memory_space<semaphore_mem>>) src(%dma_wait3A_101 : memref<10000x128xf32, #tpu.memory_space<hbm>>) dst(%arg8 : memref<80x128xf32, #tpu.memory_space<vmem>>)
      %dma_start3A_102 = arith.constant 0 : i32
      %dma_start3A_103 = tpu.memref_slice %arg7[%mul3A_95, %dma_start3A_102] : memref<125x80xi32, #tpu.memory_space<vmem>> -> memref<1x80xi32, #tpu.memory_space<vmem>>
      %dma_start3A_104 = tpu.memref_squeeze %dma_start3A_103 : memref<1x80xi32, #tpu.memory_space<vmem>> -> memref<80xi32, #tpu.memory_space<vmem>>
      %dma_start3A_105 = arith.constant 0 : i32
      %dma_start3A_106 = arith.constant 0 : i32
      %dma_start3A_107 = tpu.memref_slice %arg10[%dma_start3A_105, %dma_start3A_106] : memref<10000x128xf32, #tpu.memory_space<vmem_shared>> -> memref<10000x128xf32, #tpu.memory_space<vmem_shared>>
      tpu.enqueue_indirect_dma source(%arg8 : memref<80x128xf32, #tpu.memory_space<vmem>>) target(%dma_start3A_107 : memref<10000x128xf32, #tpu.memory_space<vmem_shared>>) offsets(%dma_start3A_104 : memref<80xi32, #tpu.memory_space<vmem>>) semaphore(%arg13 : memref<!tpu.dma_semaphore, #tpu.memory_space<semaphore_mem>>) {add = true}
      %add3A_108 = arith.constant 1 : i32
      %add3A_109 = arith.addi %mul3A_95, %add3A_108 : i32
      %lt3A_110 = arith.constant 125 : i32
      %lt3A_111 = arith.cmpi slt, %add3A_109, %lt3A_110 : i32
      %convert_element_type3A_112 = arith.extui %lt3A_111 : i1 to i32
      %cond3A_113 = arith.constant 0 : i32
      %cond3A_114 = arith.cmpi ne, %convert_element_type3A_112, %cond3A_113 : i32
      scf.if %cond3A_114 {
        %add3A_129 = arith.constant 1 : i32
        %add3A_130 = arith.addi %mul3A_95, %add3A_129 : i32
        %mul3A_131 = arith.constant 80 : i32
        %mul3A_132 = arith.muli %add3A_130, %mul3A_131 : i32
        %dma_wait3A_133 = tpu.memref_slice %arg6[%mul3A_132] : memref<10000xi32, #tpu.memory_space<vmem>> -> memref<80xi32, #tpu.memory_space<vmem>>
        %dma_wait3A_134 = arith.constant 0 : i32
        %dma_wait3A_135 = arith.constant 0 : i32
        %dma_wait3A_136 = tpu.memref_slice %arg2[%dma_wait3A_134, %dma_wait3A_135] : memref<10000x128xf32, #tpu.memory_space<hbm>> -> memref<10000x128xf32, #tpu.memory_space<hbm>>
        tpu.wait_indirect_dma semaphore(%arg12 : memref<!tpu.dma_semaphore, #tpu.memory_space<semaphore_mem>>) src(%dma_wait3A_136 : memref<10000x128xf32, #tpu.memory_space<hbm>>) dst(%arg9 : memref<80x128xf32, #tpu.memory_space<vmem>>)
        %add3A_137 = arith.constant 1 : i32
        %add3A_138 = arith.addi %mul3A_95, %add3A_137 : i32
        %dma_start3A_139 = arith.constant 0 : i32
        %dma_start3A_140 = tpu.memref_slice %arg7[%add3A_138, %dma_start3A_139] : memref<125x80xi32, #tpu.memory_space<vmem>> -> memref<1x80xi32, #tpu.memory_space<vmem>>
        %dma_start3A_141 = tpu.memref_squeeze %dma_start3A_140 : memref<1x80xi32, #tpu.memory_space<vmem>> -> memref<80xi32, #tpu.memory_space<vmem>>
        %dma_start3A_142 = arith.constant 0 : i32
        %dma_start3A_143 = arith.constant 0 : i32
        %dma_start3A_144 = tpu.memref_slice %arg10[%dma_start3A_142, %dma_start3A_143] : memref<10000x128xf32, #tpu.memory_space<vmem_shared>> -> memref<10000x128xf32, #tpu.memory_space<vmem_shared>>
        tpu.enqueue_indirect_dma source(%arg9 : memref<80x128xf32, #tpu.memory_space<vmem>>) target(%dma_start3A_144 : memref<10000x128xf32, #tpu.memory_space<vmem_shared>>) offsets(%dma_start3A_141 : memref<80xi32, #tpu.memory_space<vmem>>) semaphore(%arg14 : memref<!tpu.dma_semaphore, #tpu.memory_space<semaphore_mem>>) {add = true}
      } else {
      }
      %add3A_115 = arith.constant 2 : i32
      %add3A_116 = arith.addi %mul3A_95, %add3A_115 : i32
      %lt3A_117 = arith.constant 125 : i32
      %lt3A_118 = arith.cmpi slt, %add3A_116, %lt3A_117 : i32
      %convert_element_type3A_119 = arith.extui %lt3A_118 : i1 to i32
      %cond3A_120 = arith.constant 0 : i32
      %cond3A_121 = arith.cmpi ne, %convert_element_type3A_119, %cond3A_120 : i32
      scf.if %cond3A_121 {
        %dma_wait3A_129 = arith.constant 0 : i32
        %dma_wait3A_130 = tpu.memref_slice %arg7[%mul3A_95, %dma_wait3A_129] : memref<125x80xi32, #tpu.memory_space<vmem>> -> memref<1x80xi32, #tpu.memory_space<vmem>>
        %dma_wait3A_131 = tpu.memref_squeeze %dma_wait3A_130 : memref<1x80xi32, #tpu.memory_space<vmem>> -> memref<80xi32, #tpu.memory_space<vmem>>
        %dma_wait3A_132 = arith.constant 0 : i32
        %dma_wait3A_133 = arith.constant 0 : i32
        %dma_wait3A_134 = tpu.memref_slice %arg10[%dma_wait3A_132, %dma_wait3A_133] : memref<10000x128xf32, #tpu.memory_space<vmem_shared>> -> memref<10000x128xf32, #tpu.memory_space<vmem_shared>>
        tpu.wait_indirect_dma semaphore(%arg13 : memref<!tpu.dma_semaphore, #tpu.memory_space<semaphore_mem>>) src(%arg8 : memref<80x128xf32, #tpu.memory_space<vmem>>) dst(%dma_wait3A_134 : memref<10000x128xf32, #tpu.memory_space<vmem_shared>>)
        %add3A_135 = arith.constant 2 : i32
        %add3A_136 = arith.addi %mul3A_95, %add3A_135 : i32
        %mul3A_137 = arith.constant 80 : i32
        %mul3A_138 = arith.muli %add3A_136, %mul3A_137 : i32
        %dma_start3A_139 = tpu.memref_slice %arg6[%mul3A_138] : memref<10000xi32, #tpu.memory_space<vmem>> -> memref<80xi32, #tpu.memory_space<vmem>>
        %dma_start3A_140 = arith.constant 0 : i32
        %dma_start3A_141 = arith.constant 0 : i32
        %dma_start3A_142 = tpu.memref_slice %arg2[%dma_start3A_140, %dma_start3A_141] : memref<10000x128xf32, #tpu.memory_space<hbm>> -> memref<10000x128xf32, #tpu.memory_space<hbm>>
        tpu.enqueue_indirect_dma source(%dma_start3A_142 : memref<10000x128xf32, #tpu.memory_space<hbm>>) target(%arg8 : memref<80x128xf32, #tpu.memory_space<vmem>>) offsets(%dma_start3A_139 : memref<80xi32, #tpu.memory_space<vmem>>) semaphore(%arg11 : memref<!tpu.dma_semaphore, #tpu.memory_space<semaphore_mem>>)
      } else {
      }
      %add3A_122 = arith.constant 3 : i32
      %add3A_123 = arith.addi %mul3A_95, %add3A_122 : i32
      %lt3A_124 = arith.constant 125 : i32
      %lt3A_125 = arith.cmpi slt, %add3A_123, %lt3A_124 : i32
      %convert_element_type3A_126 = arith.extui %lt3A_125 : i1 to i32
      %cond3A_127 = arith.constant 0 : i32
      %cond3A_128 = arith.cmpi ne, %convert_element_type3A_126, %cond3A_127 : i32
      scf.if %cond3A_128 {
        %add3A_129 = arith.constant 1 : i32
        %add3A_130 = arith.addi %mul3A_95, %add3A_129 : i32
        %dma_wait3A_131 = arith.constant 0 : i32
        %dma_wait3A_132 = tpu.memref_slice %arg7[%add3A_130, %dma_wait3A_131] : memref<125x80xi32, #tpu.memory_space<vmem>> -> memref<1x80xi32, #tpu.memory_space<vmem>>
        %dma_wait3A_133 = tpu.memref_squeeze %dma_wait3A_132 : memref<1x80xi32, #tpu.memory_space<vmem>> -> memref<80xi32, #tpu.memory_space<vmem>>
        %dma_wait3A_134 = arith.constant 0 : i32
        %dma_wait3A_135 = arith.constant 0 : i32
        %dma_wait3A_136 = tpu.memref_slice %arg10[%dma_wait3A_134, %dma_wait3A_135] : memref<10000x128xf32, #tpu.memory_space<vmem_shared>> -> memref<10000x128xf32, #tpu.memory_space<vmem_shared>>
        tpu.wait_indirect_dma semaphore(%arg14 : memref<!tpu.dma_semaphore, #tpu.memory_space<semaphore_mem>>) src(%arg9 : memref<80x128xf32, #tpu.memory_space<vmem>>) dst(%dma_wait3A_136 : memref<10000x128xf32, #tpu.memory_space<vmem_shared>>)
        %add3A_137 = arith.constant 3 : i32
        %add3A_138 = arith.addi %mul3A_95, %add3A_137 : i32
        %mul3A_139 = arith.constant 80 : i32
        %mul3A_140 = arith.muli %add3A_138, %mul3A_139 : i32
        %dma_start3A_141 = tpu.memref_slice %arg6[%mul3A_140] : memref<10000xi32, #tpu.memory_space<vmem>> -> memref<80xi32, #tpu.memory_space<vmem>>
        %dma_start3A_142 = arith.constant 0 : i32
        %dma_start3A_143 = arith.constant 0 : i32
        %dma_start3A_144 = tpu.memref_slice %arg2[%dma_start3A_142, %dma_start3A_143] : memref<10000x128xf32, #tpu.memory_space<hbm>> -> memref<10000x128xf32, #tpu.memory_space<hbm>>
        tpu.enqueue_indirect_dma source(%dma_start3A_144 : memref<10000x128xf32, #tpu.memory_space<hbm>>) target(%arg9 : memref<80x128xf32, #tpu.memory_space<vmem>>) offsets(%dma_start3A_141 : memref<80xi32, #tpu.memory_space<vmem>>) semaphore(%arg12 : memref<!tpu.dma_semaphore, #tpu.memory_space<semaphore_mem>>)
      } else {
      }
    }
    %scan3A_73 = arith.constant 63 : i32
    %dma_wait3A = arith.constant 124 : i32
    %dma_wait3A_74 = arith.constant 0 : i32
    %dma_wait3A_75 = tpu.memref_slice %arg7[%dma_wait3A, %dma_wait3A_74] : memref<125x80xi32, #tpu.memory_space<vmem>> -> memref<1x80xi32, #tpu.memory_space<vmem>>
    %dma_wait3A_76 = tpu.memref_squeeze %dma_wait3A_75 : memref<1x80xi32, #tpu.memory_space<vmem>> -> memref<80xi32, #tpu.memory_space<vmem>>
    %dma_wait3A_77 = arith.constant 0 : i32
    %dma_wait3A_78 = arith.constant 0 : i32
    %dma_wait3A_79 = tpu.memref_slice %arg10[%dma_wait3A_77, %dma_wait3A_78] : memref<10000x128xf32, #tpu.memory_space<vmem_shared>> -> memref<10000x128xf32, #tpu.memory_space<vmem_shared>>
    tpu.wait_indirect_dma semaphore(%arg13 : memref<!tpu.dma_semaphore, #tpu.memory_space<semaphore_mem>>) src(%arg8 : memref<80x128xf32, #tpu.memory_space<vmem>>) dst(%dma_wait3A_79 : memref<10000x128xf32, #tpu.memory_space<vmem_shared>>)
    %dma_wait3A_80 = arith.constant 123 : i32
    %dma_wait3A_81 = arith.constant 0 : i32
    %dma_wait3A_82 = tpu.memref_slice %arg7[%dma_wait3A_80, %dma_wait3A_81] : memref<125x80xi32, #tpu.memory_space<vmem>> -> memref<1x80xi32, #tpu.memory_space<vmem>>
    %dma_wait3A_83 = tpu.memref_squeeze %dma_wait3A_82 : memref<1x80xi32, #tpu.memory_space<vmem>> -> memref<80xi32, #tpu.memory_space<vmem>>
    %dma_wait3A_84 = arith.constant 0 : i32
    %dma_wait3A_85 = arith.constant 0 : i32
    %dma_wait3A_86 = tpu.memref_slice %arg10[%dma_wait3A_84, %dma_wait3A_85] : memref<10000x128xf32, #tpu.memory_space<vmem_shared>> -> memref<10000x128xf32, #tpu.memory_space<vmem_shared>>
    tpu.wait_indirect_dma semaphore(%arg14 : memref<!tpu.dma_semaphore, #tpu.memory_space<semaphore_mem>>) src(%arg9 : memref<80x128xf32, #tpu.memory_space<vmem>>) dst(%dma_wait3A_86 : memref<10000x128xf32, #tpu.memory_space<vmem_shared>>)
    %barrier3A_87 = arith.constant 0 : index
    tpu.barrier barrier_id(%barrier3A_87)
    %lt3A_88 = arith.constant 10 : i32
    %lt3A_89 = arith.cmpi slt, %arg1, %lt3A_88 : i32
    %convert_element_type3A_90 = arith.extui %lt3A_89 : i1 to i32
    %cond3A_91 = arith.constant 0 : i32
    %cond3A_92 = arith.cmpi ne, %convert_element_type3A_90, %cond3A_91 : i32
    scf.if %cond3A_92 {
      %mul3A_93 = arith.constant 1000 : i32
      %mul3A_94 = arith.muli %arg1, %mul3A_93 : i32
      %mul3A_95 = arith.constant 10000 : i32
      %mul3A_96 = arith.muli %arg0, %mul3A_95 : i32
      %mul3A_97 = arith.constant 1000 : i32
      %mul3A_98 = arith.muli %arg1, %mul3A_97 : i32
      %add3A_99 = arith.addi %mul3A_96, %mul3A_98 : i32
      "tpu.region"() ({
        %run_scoped3A = tpu.sem_alloc : memref<!tpu.dma_semaphore, #tpu.memory_space<semaphore_mem>>
        %dma_start3A_100 = arith.constant 0 : i32
        %dma_start3A_101 = tpu.memref_slice %arg5[%add3A_99, %dma_start3A_100] : memref<20000x128xf32, #tpu.memory_space<hbm>> -> memref<1000x128xf32, #tpu.memory_space<hbm>>
        %dma_start3A_102 = arith.constant 0 : i32
        %dma_start3A_103 = tpu.memref_slice %arg10[%mul3A_94, %dma_start3A_102] : memref<10000x128xf32, #tpu.memory_space<vmem_shared>> -> memref<1000x128xf32, #tpu.memory_space<vmem_shared>>
        tpu.enqueue_dma source(%dma_start3A_103 : memref<1000x128xf32, #tpu.memory_space<vmem_shared>>) target(%dma_start3A_101 : memref<1000x128xf32, #tpu.memory_space<hbm>>) target_semaphore(%run_scoped3A : memref<!tpu.dma_semaphore, #tpu.memory_space<semaphore_mem>>)
        %dma_wait3A_104 = arith.constant 0 : i32
        %dma_wait3A_105 = tpu.memref_slice %arg5[%add3A_99, %dma_wait3A_104] : memref<20000x128xf32, #tpu.memory_space<hbm>> -> memref<1000x128xf32, #tpu.memory_space<hbm>>
        %dma_wait3A_106 = arith.constant 0 : i32
        %dma_wait3A_107 = tpu.memref_slice %arg10[%mul3A_94, %dma_wait3A_106] : memref<10000x128xf32, #tpu.memory_space<vmem_shared>> -> memref<1000x128xf32, #tpu.memory_space<vmem_shared>>
        tpu.wait_dma2 semaphore(%run_scoped3A : memref<!tpu.dma_semaphore, #tpu.memory_space<semaphore_mem>>) src(%dma_wait3A_107 : memref<1000x128xf32, #tpu.memory_space<vmem_shared>>) dst(%dma_wait3A_105 : memref<1000x128xf32, #tpu.memory_space<hbm>>)
        tpu.yield
      }) : () -> ()
    } else {
    }
    return
  }
}

#map = affine_map<(d0, d1) -> (0, 0, 0)>
#map1 = affine_map<(d0, d1) -> (0, 0)>
module attributes {stable_mosaic.version = 14 : i64} {
  func.func @_deg_kernel(%arg0: i32, %arg1: i32, %arg2: memref<32x125x80xi32, #tpu.memory_space<hbm>>, %arg3: memref<20000x128xf32, #tpu.memory_space<hbm>>, %arg4: memref<125x80xi32, #tpu.memory_space<vmem>>, %arg5: memref<80x128xf32, #tpu.memory_space<vmem>>, %arg6: memref<80x128xf32, #tpu.memory_space<vmem>>, %arg7: memref<10000x128xf32, #tpu.memory_space<vmem_shared>>) attributes {dimension_semantics = [#tpu.dimension_semantics<core_parallel>, #tpu.dimension_semantics<subcore_parallel>], iteration_bounds = array<i64: 2, 16>, scalar_prefetch = 0 : i64, scratch_operands = 4 : i64, tpu.core_type = #tpu.core_type<sc_vector_subcore>, window_params = [{transform_indices = #map}, {transform_indices = #map1}]} {
    %mul3A = arith.constant 2 : i32
    %mul3A_0 = arith.muli %arg1, %mul3A : i32
    %add3A = arith.addi %mul3A_0, %arg0 : i32
    %scan3A = arith.constant 0 : i32
    %scan3A_1 = arith.constant 0 : i32
    %scan3A_2 = arith.constant 80 : i32
    %scan3A_3 = arith.addi %scan3A_1, %scan3A_2 : i32
    %scan3A_4 = arith.constant 1 : i32
    scf.for %scan3A_71 = %scan3A_1 to %scan3A_3 step %scan3A_4  : i32 {
      %broadcast_in_dim3A = arith.constant 1.000000e+00 : f32
      %broadcast_in_dim3A_72 = vector.broadcast %broadcast_in_dim3A : f32 to vector<16xf32>
      %swap3A = arith.index_cast %scan3A_71 : i32 to index
      %swap3A_73 = arith.constant 0 : index
      %swap3A_74 = tpu.vector_load %arg5[%swap3A, %swap3A_73] {strides = array<i32>} : memref<80x128xf32, #tpu.memory_space<vmem>>, vector<1x16xf32>,
      %swap3A_75 = vector.shape_cast %swap3A_74 : vector<1x16xf32> to vector<16xf32>
      %swap3A_76 = vector.shape_cast %broadcast_in_dim3A_72 : vector<16xf32> to vector<1x16xf32>
      tpu.vector_store %arg5[%swap3A, %swap3A_73], %swap3A_76 {strides = array<i32>} : memref<80x128xf32, #tpu.memory_space<vmem>>, vector<1x16xf32>,
      %broadcast_in_dim3A_77 = arith.constant 0.000000e+00 : f32
      %broadcast_in_dim3A_78 = vector.broadcast %broadcast_in_dim3A_77 : f32 to vector<16xf32>
      %swap3A_79 = arith.index_cast %scan3A_71 : i32 to index
      %swap3A_80 = arith.constant 0 : index
      %swap3A_81 = tpu.vector_load %arg6[%swap3A_79, %swap3A_80] {strides = array<i32>} : memref<80x128xf32, #tpu.memory_space<vmem>>, vector<1x16xf32>,
      %swap3A_82 = vector.shape_cast %swap3A_81 : vector<1x16xf32> to vector<16xf32>
      %swap3A_83 = vector.shape_cast %broadcast_in_dim3A_78 : vector<16xf32> to vector<1x16xf32>
      tpu.vector_store %arg6[%swap3A_79, %swap3A_80], %swap3A_83 {strides = array<i32>} : memref<80x128xf32, #tpu.memory_space<vmem>>, vector<1x16xf32>,
      %broadcast_in_dim3A_84 = arith.constant 1.000000e+00 : f32
      %broadcast_in_dim3A_85 = vector.broadcast %broadcast_in_dim3A_84 : f32 to vector<16xf32>
      %swap3A_86 = arith.index_cast %scan3A_71 : i32 to index
      %swap3A_87 = arith.constant 16 : index
      %swap3A_88 = tpu.vector_load %arg5[%swap3A_86, %swap3A_87] {strides = array<i32>} : memref<80x128xf32, #tpu.memory_space<vmem>>, vector<1x16xf32>,
      %swap3A_89 = vector.shape_cast %swap3A_88 : vector<1x16xf32> to vector<16xf32>
      %swap3A_90 = vector.shape_cast %broadcast_in_dim3A_85 : vector<16xf32> to vector<1x16xf32>
      tpu.vector_store %arg5[%swap3A_86, %swap3A_87], %swap3A_90 {strides = array<i32>} : memref<80x128xf32, #tpu.memory_space<vmem>>, vector<1x16xf32>,
      %broadcast_in_dim3A_91 = arith.constant 0.000000e+00 : f32
      %broadcast_in_dim3A_92 = vector.broadcast %broadcast_in_dim3A_91 : f32 to vector<16xf32>
      %swap3A_93 = arith.index_cast %scan3A_71 : i32 to index
      %swap3A_94 = arith.constant 16 : index
      %swap3A_95 = tpu.vector_load %arg6[%swap3A_93, %swap3A_94] {strides = array<i32>} : memref<80x128xf32, #tpu.memory_space<vmem>>, vector<1x16xf32>,
      %swap3A_96 = vector.shape_cast %swap3A_95 : vector<1x16xf32> to vector<16xf32>
      %swap3A_97 = vector.shape_cast %broadcast_in_dim3A_92 : vector<16xf32> to vector<1x16xf32>
      tpu.vector_store %arg6[%swap3A_93, %swap3A_94], %swap3A_97 {strides = array<i32>} : memref<80x128xf32, #tpu.memory_space<vmem>>, vector<1x16xf32>,
      %broadcast_in_dim3A_98 = arith.constant 1.000000e+00 : f32
      %broadcast_in_dim3A_99 = vector.broadcast %broadcast_in_dim3A_98 : f32 to vector<16xf32>
      %swap3A_100 = arith.index_cast %scan3A_71 : i32 to index
      %swap3A_101 = arith.constant 32 : index
      %swap3A_102 = tpu.vector_load %arg5[%swap3A_100, %swap3A_101] {strides = array<i32>} : memref<80x128xf32, #tpu.memory_space<vmem>>, vector<1x16xf32>,
      %swap3A_103 = vector.shape_cast %swap3A_102 : vector<1x16xf32> to vector<16xf32>
      %swap3A_104 = vector.shape_cast %broadcast_in_dim3A_99 : vector<16xf32> to vector<1x16xf32>
      tpu.vector_store %arg5[%swap3A_100, %swap3A_101], %swap3A_104 {strides = array<i32>} : memref<80x128xf32, #tpu.memory_space<vmem>>, vector<1x16xf32>,
      %broadcast_in_dim3A_105 = arith.constant 0.000000e+00 : f32
      %broadcast_in_dim3A_106 = vector.broadcast %broadcast_in_dim3A_105 : f32 to vector<16xf32>
      %swap3A_107 = arith.index_cast %scan3A_71 : i32 to index
      %swap3A_108 = arith.constant 32 : index
      %swap3A_109 = tpu.vector_load %arg6[%swap3A_107, %swap3A_108] {strides = array<i32>} : memref<80x128xf32, #tpu.memory_space<vmem>>, vector<1x16xf32>,
      %swap3A_110 = vector.shape_cast %swap3A_109 : vector<1x16xf32> to vector<16xf32>
      %swap3A_111 = vector.shape_cast %broadcast_in_dim3A_106 : vector<16xf32> to vector<1x16xf32>
      tpu.vector_store %arg6[%swap3A_107, %swap3A_108], %swap3A_111 {strides = array<i32>} : memref<80x128xf32, #tpu.memory_space<vmem>>, vector<1x16xf32>,
      %broadcast_in_dim3A_112 = arith.constant 1.000000e+00 : f32
      %broadcast_in_dim3A_113 = vector.broadcast %broadcast_in_dim3A_112 : f32 to vector<16xf32>
      %swap3A_114 = arith.index_cast %scan3A_71 : i32 to index
      %swap3A_115 = arith.constant 48 : index
      %swap3A_116 = tpu.vector_load %arg5[%swap3A_114, %swap3A_115] {strides = array<i32>} : memref<80x128xf32, #tpu.memory_space<vmem>>, vector<1x16xf32>,
      %swap3A_117 = vector.shape_cast %swap3A_116 : vector<1x16xf32> to vector<16xf32>
      %swap3A_118 = vector.shape_cast %broadcast_in_dim3A_113 : vector<16xf32> to vector<1x16xf32>
      tpu.vector_store %arg5[%swap3A_114, %swap3A_115], %swap3A_118 {strides = array<i32>} : memref<80x128xf32, #tpu.memory_space<vmem>>, vector<1x16xf32>,
      %broadcast_in_dim3A_119 = arith.constant 0.000000e+00 : f32
      %broadcast_in_dim3A_120 = vector.broadcast %broadcast_in_dim3A_119 : f32 to vector<16xf32>
      %swap3A_121 = arith.index_cast %scan3A_71 : i32 to index
      %swap3A_122 = arith.constant 48 : index
      %swap3A_123 = tpu.vector_load %arg6[%swap3A_121, %swap3A_122] {strides = array<i32>} : memref<80x128xf32, #tpu.memory_space<vmem>>, vector<1x16xf32>,
      %swap3A_124 = vector.shape_cast %swap3A_123 : vector<1x16xf32> to vector<16xf32>
      %swap3A_125 = vector.shape_cast %broadcast_in_dim3A_120 : vector<16xf32> to vector<1x16xf32>
      tpu.vector_store %arg6[%swap3A_121, %swap3A_122], %swap3A_125 {strides = array<i32>} : memref<80x128xf32, #tpu.memory_space<vmem>>, vector<1x16xf32>,
      %broadcast_in_dim3A_126 = arith.constant 1.000000e+00 : f32
      %broadcast_in_dim3A_127 = vector.broadcast %broadcast_in_dim3A_126 : f32 to vector<16xf32>
      %swap3A_128 = arith.index_cast %scan3A_71 : i32 to index
      %swap3A_129 = arith.constant 64 : index
      %swap3A_130 = tpu.vector_load %arg5[%swap3A_128, %swap3A_129] {strides = array<i32>} : memref<80x128xf32, #tpu.memory_space<vmem>>, vector<1x16xf32>,
      %swap3A_131 = vector.shape_cast %swap3A_130 : vector<1x16xf32> to vector<16xf32>
      %swap3A_132 = vector.shape_cast %broadcast_in_dim3A_127 : vector<16xf32> to vector<1x16xf32>
      tpu.vector_store %arg5[%swap3A_128, %swap3A_129], %swap3A_132 {strides = array<i32>} : memref<80x128xf32, #tpu.memory_space<vmem>>, vector<1x16xf32>,
      %broadcast_in_dim3A_133 = arith.constant 0.000000e+00 : f32
      %broadcast_in_dim3A_134 = vector.broadcast %broadcast_in_dim3A_133 : f32 to vector<16xf32>
      %swap3A_135 = arith.index_cast %scan3A_71 : i32 to index
      %swap3A_136 = arith.constant 64 : index
      %swap3A_137 = tpu.vector_load %arg6[%swap3A_135, %swap3A_136] {strides = array<i32>} : memref<80x128xf32, #tpu.memory_space<vmem>>, vector<1x16xf32>,
      %swap3A_138 = vector.shape_cast %swap3A_137 : vector<1x16xf32> to vector<16xf32>
      %swap3A_139 = vector.shape_cast %broadcast_in_dim3A_134 : vector<16xf32> to vector<1x16xf32>
      tpu.vector_store %arg6[%swap3A_135, %swap3A_136], %swap3A_139 {strides = array<i32>} : memref<80x128xf32, #tpu.memory_space<vmem>>, vector<1x16xf32>,
      %broadcast_in_dim3A_140 = arith.constant 1.000000e+00 : f32
      %broadcast_in_dim3A_141 = vector.broadcast %broadcast_in_dim3A_140 : f32 to vector<16xf32>
      %swap3A_142 = arith.index_cast %scan3A_71 : i32 to index
      %swap3A_143 = arith.constant 80 : index
      %swap3A_144 = tpu.vector_load %arg5[%swap3A_142, %swap3A_143] {strides = array<i32>} : memref<80x128xf32, #tpu.memory_space<vmem>>, vector<1x16xf32>,
      %swap3A_145 = vector.shape_cast %swap3A_144 : vector<1x16xf32> to vector<16xf32>
      %swap3A_146 = vector.shape_cast %broadcast_in_dim3A_141 : vector<16xf32> to vector<1x16xf32>
      tpu.vector_store %arg5[%swap3A_142, %swap3A_143], %swap3A_146 {strides = array<i32>} : memref<80x128xf32, #tpu.memory_space<vmem>>, vector<1x16xf32>,
      %broadcast_in_dim3A_147 = arith.constant 0.000000e+00 : f32
      %broadcast_in_dim3A_148 = vector.broadcast %broadcast_in_dim3A_147 : f32 to vector<16xf32>
      %swap3A_149 = arith.index_cast %scan3A_71 : i32 to index
      %swap3A_150 = arith.constant 80 : index
      %swap3A_151 = tpu.vector_load %arg6[%swap3A_149, %swap3A_150] {strides = array<i32>} : memref<80x128xf32, #tpu.memory_space<vmem>>, vector<1x16xf32>,
      %swap3A_152 = vector.shape_cast %swap3A_151 : vector<1x16xf32> to vector<16xf32>
      %swap3A_153 = vector.shape_cast %broadcast_in_dim3A_148 : vector<16xf32> to vector<1x16xf32>
      tpu.vector_store %arg6[%swap3A_149, %swap3A_150], %swap3A_153 {strides = array<i32>} : memref<80x128xf32, #tpu.memory_space<vmem>>, vector<1x16xf32>,
      %broadcast_in_dim3A_154 = arith.constant 1.000000e+00 : f32
      %broadcast_in_dim3A_155 = vector.broadcast %broadcast_in_dim3A_154 : f32 to vector<16xf32>
      %swap3A_156 = arith.index_cast %scan3A_71 : i32 to index
      %swap3A_157 = arith.constant 96 : index
      %swap3A_158 = tpu.vector_load %arg5[%swap3A_156, %swap3A_157] {strides = array<i32>} : memref<80x128xf32, #tpu.memory_space<vmem>>, vector<1x16xf32>,
      %swap3A_159 = vector.shape_cast %swap3A_158 : vector<1x16xf32> to vector<16xf32>
      %swap3A_160 = vector.shape_cast %broadcast_in_dim3A_155 : vector<16xf32> to vector<1x16xf32>
      tpu.vector_store %arg5[%swap3A_156, %swap3A_157], %swap3A_160 {strides = array<i32>} : memref<80x128xf32, #tpu.memory_space<vmem>>, vector<1x16xf32>,
      %broadcast_in_dim3A_161 = arith.constant 0.000000e+00 : f32
      %broadcast_in_dim3A_162 = vector.broadcast %broadcast_in_dim3A_161 : f32 to vector<16xf32>
      %swap3A_163 = arith.index_cast %scan3A_71 : i32 to index
      %swap3A_164 = arith.constant 96 : index
      %swap3A_165 = tpu.vector_load %arg6[%swap3A_163, %swap3A_164] {strides = array<i32>} : memref<80x128xf32, #tpu.memory_space<vmem>>, vector<1x16xf32>,
      %swap3A_166 = vector.shape_cast %swap3A_165 : vector<1x16xf32> to vector<16xf32>
      %swap3A_167 = vector.shape_cast %broadcast_in_dim3A_162 : vector<16xf32> to vector<1x16xf32>
      tpu.vector_store %arg6[%swap3A_163, %swap3A_164], %swap3A_167 {strides = array<i32>} : memref<80x128xf32, #tpu.memory_space<vmem>>, vector<1x16xf32>,
      %broadcast_in_dim3A_168 = arith.constant 1.000000e+00 : f32
      %broadcast_in_dim3A_169 = vector.broadcast %broadcast_in_dim3A_168 : f32 to vector<16xf32>
      %swap3A_170 = arith.index_cast %scan3A_71 : i32 to index
      %swap3A_171 = arith.constant 112 : index
      %swap3A_172 = tpu.vector_load %arg5[%swap3A_170, %swap3A_171] {strides = array<i32>} : memref<80x128xf32, #tpu.memory_space<vmem>>, vector<1x16xf32>,
      %swap3A_173 = vector.shape_cast %swap3A_172 : vector<1x16xf32> to vector<16xf32>
      %swap3A_174 = vector.shape_cast %broadcast_in_dim3A_169 : vector<16xf32> to vector<1x16xf32>
      tpu.vector_store %arg5[%swap3A_170, %swap3A_171], %swap3A_174 {strides = array<i32>} : memref<80x128xf32, #tpu.memory_space<vmem>>, vector<1x16xf32>,
      %broadcast_in_dim3A_175 = arith.constant 0.000000e+00 : f32
      %broadcast_in_dim3A_176 = vector.broadcast %broadcast_in_dim3A_175 : f32 to vector<16xf32>
      %swap3A_177 = arith.index_cast %scan3A_71 : i32 to index
      %swap3A_178 = arith.constant 112 : index
      %swap3A_179 = tpu.vector_load %arg6[%swap3A_177, %swap3A_178] {strides = array<i32>} : memref<80x128xf32, #tpu.memory_space<vmem>>, vector<1x16xf32>,
      %swap3A_180 = vector.shape_cast %swap3A_179 : vector<1x16xf32> to vector<16xf32>
      %swap3A_181 = vector.shape_cast %broadcast_in_dim3A_176 : vector<16xf32> to vector<1x16xf32>
      tpu.vector_store %arg6[%swap3A_177, %swap3A_178], %swap3A_181 {strides = array<i32>} : memref<80x128xf32, #tpu.memory_space<vmem>>, vector<1x16xf32>,
    }
    %scan3A_5 = arith.constant 80 : i32
    %add3A_6 = arith.constant 0 : i32
    %add3A_7 = arith.addi %arg1, %add3A_6 : i32
    %lt3A = arith.constant 125 : i32
    %lt3A_8 = arith.cmpi slt, %add3A_7, %lt3A : i32
    %convert_element_type3A = arith.extui %lt3A_8 : i1 to i32
    %cond3A = arith.constant 0 : i32
    %cond3A_9 = arith.cmpi ne, %convert_element_type3A, %cond3A : i32
    scf.if %cond3A_9 {
      %mul3A_71 = arith.constant 80 : i32
      %mul3A_72 = arith.muli %add3A_7, %mul3A_71 : i32
      "tpu.region"() ({
        %run_scoped3A = tpu.sem_alloc : memref<!tpu.dma_semaphore, #tpu.memory_space<semaphore_mem>>
        %dma_start3A = arith.constant 0 : i32
        %dma_start3A_73 = tpu.memref_slice %arg7[%mul3A_72, %dma_start3A] : memref<10000x128xf32, #tpu.memory_space<vmem_shared>> -> memref<80x128xf32, #tpu.memory_space<vmem_shared>>
        %dma_start3A_74 = arith.constant 0 : i32
        %dma_start3A_75 = tpu.memref_slice %arg7[%mul3A_72, %dma_start3A_74] : memref<10000x128xf32, #tpu.memory_space<vmem_shared>> -> memref<80x128xf32, #tpu.memory_space<vmem_shared>>
        tpu.enqueue_dma source(%arg6 : memref<80x128xf32, #tpu.memory_space<vmem>>) target(%dma_start3A_75 : memref<80x128xf32, #tpu.memory_space<vmem_shared>>) target_semaphore(%run_scoped3A : memref<!tpu.dma_semaphore, #tpu.memory_space<semaphore_mem>>)
        %dma_wait3A = arith.constant 0 : i32
        %dma_wait3A_76 = tpu.memref_slice %arg7[%mul3A_72, %dma_wait3A] : memref<10000x128xf32, #tpu.memory_space<vmem_shared>> -> memref<80x128xf32, #tpu.memory_space<vmem_shared>>
        %dma_wait3A_77 = arith.constant 0 : i32
        %dma_wait3A_78 = tpu.memref_slice %arg7[%mul3A_72, %dma_wait3A_77] : memref<10000x128xf32, #tpu.memory_space<vmem_shared>> -> memref<80x128xf32, #tpu.memory_space<vmem_shared>>
        tpu.wait_dma2 semaphore(%run_scoped3A : memref<!tpu.dma_semaphore, #tpu.memory_space<semaphore_mem>>) src(%arg6 : memref<80x128xf32, #tpu.memory_space<vmem>>) dst(%dma_wait3A_78 : memref<80x128xf32, #tpu.memory_space<vmem_shared>>)
        tpu.yield
      }) : () -> ()
    } else {
    }
    %add3A_10 = arith.constant 16 : i32
    %add3A_11 = arith.addi %arg1, %add3A_10 : i32
    %lt3A_12 = arith.constant 125 : i32
    %lt3A_13 = arith.cmpi slt, %add3A_11, %lt3A_12 : i32
    %convert_element_type3A_14 = arith.extui %lt3A_13 : i1 to i32
    %cond3A_15 = arith.constant 0 : i32
    %cond3A_16 = arith.cmpi ne, %convert_element_type3A_14, %cond3A_15 : i32
    scf.if %cond3A_16 {
      %mul3A_71 = arith.constant 80 : i32
      %mul3A_72 = arith.muli %add3A_11, %mul3A_71 : i32
      "tpu.region"() ({
        %run_scoped3A = tpu.sem_alloc : memref<!tpu.dma_semaphore, #tpu.memory_space<semaphore_mem>>
        %dma_start3A = arith.constant 0 : i32
        %dma_start3A_73 = tpu.memref_slice %arg7[%mul3A_72, %dma_start3A] : memref<10000x128xf32, #tpu.memory_space<vmem_shared>> -> memref<80x128xf32, #tpu.memory_space<vmem_shared>>
        %dma_start3A_74 = arith.constant 0 : i32
        %dma_start3A_75 = tpu.memref_slice %arg7[%mul3A_72, %dma_start3A_74] : memref<10000x128xf32, #tpu.memory_space<vmem_shared>> -> memref<80x128xf32, #tpu.memory_space<vmem_shared>>
        tpu.enqueue_dma source(%arg6 : memref<80x128xf32, #tpu.memory_space<vmem>>) target(%dma_start3A_75 : memref<80x128xf32, #tpu.memory_space<vmem_shared>>) target_semaphore(%run_scoped3A : memref<!tpu.dma_semaphore, #tpu.memory_space<semaphore_mem>>)
        %dma_wait3A = arith.constant 0 : i32
        %dma_wait3A_76 = tpu.memref_slice %arg7[%mul3A_72, %dma_wait3A] : memref<10000x128xf32, #tpu.memory_space<vmem_shared>> -> memref<80x128xf32, #tpu.memory_space<vmem_shared>>
        %dma_wait3A_77 = arith.constant 0 : i32
        %dma_wait3A_78 = tpu.memref_slice %arg7[%mul3A_72, %dma_wait3A_77] : memref<10000x128xf32, #tpu.memory_space<vmem_shared>> -> memref<80x128xf32, #tpu.memory_space<vmem_shared>>
        tpu.wait_dma2 semaphore(%run_scoped3A : memref<!tpu.dma_semaphore, #tpu.memory_space<semaphore_mem>>) src(%arg6 : memref<80x128xf32, #tpu.memory_space<vmem>>) dst(%dma_wait3A_78 : memref<80x128xf32, #tpu.memory_space<vmem_shared>>)
        tpu.yield
      }) : () -> ()
    } else {
    }
    %add3A_17 = arith.constant 32 : i32
    %add3A_18 = arith.addi %arg1, %add3A_17 : i32
    %lt3A_19 = arith.constant 125 : i32
    %lt3A_20 = arith.cmpi slt, %add3A_18, %lt3A_19 : i32
    %convert_element_type3A_21 = arith.extui %lt3A_20 : i1 to i32
    %cond3A_22 = arith.constant 0 : i32
    %cond3A_23 = arith.cmpi ne, %convert_element_type3A_21, %cond3A_22 : i32
    scf.if %cond3A_23 {
      %mul3A_71 = arith.constant 80 : i32
      %mul3A_72 = arith.muli %add3A_18, %mul3A_71 : i32
      "tpu.region"() ({
        %run_scoped3A = tpu.sem_alloc : memref<!tpu.dma_semaphore, #tpu.memory_space<semaphore_mem>>
        %dma_start3A = arith.constant 0 : i32
        %dma_start3A_73 = tpu.memref_slice %arg7[%mul3A_72, %dma_start3A] : memref<10000x128xf32, #tpu.memory_space<vmem_shared>> -> memref<80x128xf32, #tpu.memory_space<vmem_shared>>
        %dma_start3A_74 = arith.constant 0 : i32
        %dma_start3A_75 = tpu.memref_slice %arg7[%mul3A_72, %dma_start3A_74] : memref<10000x128xf32, #tpu.memory_space<vmem_shared>> -> memref<80x128xf32, #tpu.memory_space<vmem_shared>>
        tpu.enqueue_dma source(%arg6 : memref<80x128xf32, #tpu.memory_space<vmem>>) target(%dma_start3A_75 : memref<80x128xf32, #tpu.memory_space<vmem_shared>>) target_semaphore(%run_scoped3A : memref<!tpu.dma_semaphore, #tpu.memory_space<semaphore_mem>>)
        %dma_wait3A = arith.constant 0 : i32
        %dma_wait3A_76 = tpu.memref_slice %arg7[%mul3A_72, %dma_wait3A] : memref<10000x128xf32, #tpu.memory_space<vmem_shared>> -> memref<80x128xf32, #tpu.memory_space<vmem_shared>>
        %dma_wait3A_77 = arith.constant 0 : i32
        %dma_wait3A_78 = tpu.memref_slice %arg7[%mul3A_72, %dma_wait3A_77] : memref<10000x128xf32, #tpu.memory_space<vmem_shared>> -> memref<80x128xf32, #tpu.memory_space<vmem_shared>>
        tpu.wait_dma2 semaphore(%run_scoped3A : memref<!tpu.dma_semaphore, #tpu.memory_space<semaphore_mem>>) src(%arg6 : memref<80x128xf32, #tpu.memory_space<vmem>>) dst(%dma_wait3A_78 : memref<80x128xf32, #tpu.memory_space<vmem_shared>>)
        tpu.yield
      }) : () -> ()
    } else {
    }
    %add3A_24 = arith.constant 48 : i32
    %add3A_25 = arith.addi %arg1, %add3A_24 : i32
    %lt3A_26 = arith.constant 125 : i32
    %lt3A_27 = arith.cmpi slt, %add3A_25, %lt3A_26 : i32
    %convert_element_type3A_28 = arith.extui %lt3A_27 : i1 to i32
    %cond3A_29 = arith.constant 0 : i32
    %cond3A_30 = arith.cmpi ne, %convert_element_type3A_28, %cond3A_29 : i32
    scf.if %cond3A_30 {
      %mul3A_71 = arith.constant 80 : i32
      %mul3A_72 = arith.muli %add3A_25, %mul3A_71 : i32
      "tpu.region"() ({
        %run_scoped3A = tpu.sem_alloc : memref<!tpu.dma_semaphore, #tpu.memory_space<semaphore_mem>>
        %dma_start3A = arith.constant 0 : i32
        %dma_start3A_73 = tpu.memref_slice %arg7[%mul3A_72, %dma_start3A] : memref<10000x128xf32, #tpu.memory_space<vmem_shared>> -> memref<80x128xf32, #tpu.memory_space<vmem_shared>>
        %dma_start3A_74 = arith.constant 0 : i32
        %dma_start3A_75 = tpu.memref_slice %arg7[%mul3A_72, %dma_start3A_74] : memref<10000x128xf32, #tpu.memory_space<vmem_shared>> -> memref<80x128xf32, #tpu.memory_space<vmem_shared>>
        tpu.enqueue_dma source(%arg6 : memref<80x128xf32, #tpu.memory_space<vmem>>) target(%dma_start3A_75 : memref<80x128xf32, #tpu.memory_space<vmem_shared>>) target_semaphore(%run_scoped3A : memref<!tpu.dma_semaphore, #tpu.memory_space<semaphore_mem>>)
        %dma_wait3A = arith.constant 0 : i32
        %dma_wait3A_76 = tpu.memref_slice %arg7[%mul3A_72, %dma_wait3A] : memref<10000x128xf32, #tpu.memory_space<vmem_shared>> -> memref<80x128xf32, #tpu.memory_space<vmem_shared>>
        %dma_wait3A_77 = arith.constant 0 : i32
        %dma_wait3A_78 = tpu.memref_slice %arg7[%mul3A_72, %dma_wait3A_77] : memref<10000x128xf32, #tpu.memory_space<vmem_shared>> -> memref<80x128xf32, #tpu.memory_space<vmem_shared>>
        tpu.wait_dma2 semaphore(%run_scoped3A : memref<!tpu.dma_semaphore, #tpu.memory_space<semaphore_mem>>) src(%arg6 : memref<80x128xf32, #tpu.memory_space<vmem>>) dst(%dma_wait3A_78 : memref<80x128xf32, #tpu.memory_space<vmem_shared>>)
        tpu.yield
      }) : () -> ()
    } else {
    }
    %add3A_31 = arith.constant 64 : i32
    %add3A_32 = arith.addi %arg1, %add3A_31 : i32
    %lt3A_33 = arith.constant 125 : i32
    %lt3A_34 = arith.cmpi slt, %add3A_32, %lt3A_33 : i32
    %convert_element_type3A_35 = arith.extui %lt3A_34 : i1 to i32
    %cond3A_36 = arith.constant 0 : i32
    %cond3A_37 = arith.cmpi ne, %convert_element_type3A_35, %cond3A_36 : i32
    scf.if %cond3A_37 {
      %mul3A_71 = arith.constant 80 : i32
      %mul3A_72 = arith.muli %add3A_32, %mul3A_71 : i32
      "tpu.region"() ({
        %run_scoped3A = tpu.sem_alloc : memref<!tpu.dma_semaphore, #tpu.memory_space<semaphore_mem>>
        %dma_start3A = arith.constant 0 : i32
        %dma_start3A_73 = tpu.memref_slice %arg7[%mul3A_72, %dma_start3A] : memref<10000x128xf32, #tpu.memory_space<vmem_shared>> -> memref<80x128xf32, #tpu.memory_space<vmem_shared>>
        %dma_start3A_74 = arith.constant 0 : i32
        %dma_start3A_75 = tpu.memref_slice %arg7[%mul3A_72, %dma_start3A_74] : memref<10000x128xf32, #tpu.memory_space<vmem_shared>> -> memref<80x128xf32, #tpu.memory_space<vmem_shared>>
        tpu.enqueue_dma source(%arg6 : memref<80x128xf32, #tpu.memory_space<vmem>>) target(%dma_start3A_75 : memref<80x128xf32, #tpu.memory_space<vmem_shared>>) target_semaphore(%run_scoped3A : memref<!tpu.dma_semaphore, #tpu.memory_space<semaphore_mem>>)
        %dma_wait3A = arith.constant 0 : i32
        %dma_wait3A_76 = tpu.memref_slice %arg7[%mul3A_72, %dma_wait3A] : memref<10000x128xf32, #tpu.memory_space<vmem_shared>> -> memref<80x128xf32, #tpu.memory_space<vmem_shared>>
        %dma_wait3A_77 = arith.constant 0 : i32
        %dma_wait3A_78 = tpu.memref_slice %arg7[%mul3A_72, %dma_wait3A_77] : memref<10000x128xf32, #tpu.memory_space<vmem_shared>> -> memref<80x128xf32, #tpu.memory_space<vmem_shared>>
        tpu.wait_dma2 semaphore(%run_scoped3A : memref<!tpu.dma_semaphore, #tpu.memory_space<semaphore_mem>>) src(%arg6 : memref<80x128xf32, #tpu.memory_space<vmem>>) dst(%dma_wait3A_78 : memref<80x128xf32, #tpu.memory_space<vmem_shared>>)
        tpu.yield
      }) : () -> ()
    } else {
    }
    %add3A_38 = arith.constant 80 : i32
    %add3A_39 = arith.addi %arg1, %add3A_38 : i32
    %lt3A_40 = arith.constant 125 : i32
    %lt3A_41 = arith.cmpi slt, %add3A_39, %lt3A_40 : i32
    %convert_element_type3A_42 = arith.extui %lt3A_41 : i1 to i32
    %cond3A_43 = arith.constant 0 : i32
    %cond3A_44 = arith.cmpi ne, %convert_element_type3A_42, %cond3A_43 : i32
    scf.if %cond3A_44 {
      %mul3A_71 = arith.constant 80 : i32
      %mul3A_72 = arith.muli %add3A_39, %mul3A_71 : i32
      "tpu.region"() ({
        %run_scoped3A = tpu.sem_alloc : memref<!tpu.dma_semaphore, #tpu.memory_space<semaphore_mem>>
        %dma_start3A = arith.constant 0 : i32
        %dma_start3A_73 = tpu.memref_slice %arg7[%mul3A_72, %dma_start3A] : memref<10000x128xf32, #tpu.memory_space<vmem_shared>> -> memref<80x128xf32, #tpu.memory_space<vmem_shared>>
        %dma_start3A_74 = arith.constant 0 : i32
        %dma_start3A_75 = tpu.memref_slice %arg7[%mul3A_72, %dma_start3A_74] : memref<10000x128xf32, #tpu.memory_space<vmem_shared>> -> memref<80x128xf32, #tpu.memory_space<vmem_shared>>
        tpu.enqueue_dma source(%arg6 : memref<80x128xf32, #tpu.memory_space<vmem>>) target(%dma_start3A_75 : memref<80x128xf32, #tpu.memory_space<vmem_shared>>) target_semaphore(%run_scoped3A : memref<!tpu.dma_semaphore, #tpu.memory_space<semaphore_mem>>)
        %dma_wait3A = arith.constant 0 : i32
        %dma_wait3A_76 = tpu.memref_slice %arg7[%mul3A_72, %dma_wait3A] : memref<10000x128xf32, #tpu.memory_space<vmem_shared>> -> memref<80x128xf32, #tpu.memory_space<vmem_shared>>
        %dma_wait3A_77 = arith.constant 0 : i32
        %dma_wait3A_78 = tpu.memref_slice %arg7[%mul3A_72, %dma_wait3A_77] : memref<10000x128xf32, #tpu.memory_space<vmem_shared>> -> memref<80x128xf32, #tpu.memory_space<vmem_shared>>
        tpu.wait_dma2 semaphore(%run_scoped3A : memref<!tpu.dma_semaphore, #tpu.memory_space<semaphore_mem>>) src(%arg6 : memref<80x128xf32, #tpu.memory_space<vmem>>) dst(%dma_wait3A_78 : memref<80x128xf32, #tpu.memory_space<vmem_shared>>)
        tpu.yield
      }) : () -> ()
    } else {
    }
    %add3A_45 = arith.constant 96 : i32
    %add3A_46 = arith.addi %arg1, %add3A_45 : i32
    %lt3A_47 = arith.constant 125 : i32
    %lt3A_48 = arith.cmpi slt, %add3A_46, %lt3A_47 : i32
    %convert_element_type3A_49 = arith.extui %lt3A_48 : i1 to i32
    %cond3A_50 = arith.constant 0 : i32
    %cond3A_51 = arith.cmpi ne, %convert_element_type3A_49, %cond3A_50 : i32
    scf.if %cond3A_51 {
      %mul3A_71 = arith.constant 80 : i32
      %mul3A_72 = arith.muli %add3A_46, %mul3A_71 : i32
      "tpu.region"() ({
        %run_scoped3A = tpu.sem_alloc : memref<!tpu.dma_semaphore, #tpu.memory_space<semaphore_mem>>
        %dma_start3A = arith.constant 0 : i32
        %dma_start3A_73 = tpu.memref_slice %arg7[%mul3A_72, %dma_start3A] : memref<10000x128xf32, #tpu.memory_space<vmem_shared>> -> memref<80x128xf32, #tpu.memory_space<vmem_shared>>
        %dma_start3A_74 = arith.constant 0 : i32
        %dma_start3A_75 = tpu.memref_slice %arg7[%mul3A_72, %dma_start3A_74] : memref<10000x128xf32, #tpu.memory_space<vmem_shared>> -> memref<80x128xf32, #tpu.memory_space<vmem_shared>>
        tpu.enqueue_dma source(%arg6 : memref<80x128xf32, #tpu.memory_space<vmem>>) target(%dma_start3A_75 : memref<80x128xf32, #tpu.memory_space<vmem_shared>>) target_semaphore(%run_scoped3A : memref<!tpu.dma_semaphore, #tpu.memory_space<semaphore_mem>>)
        %dma_wait3A = arith.constant 0 : i32
        %dma_wait3A_76 = tpu.memref_slice %arg7[%mul3A_72, %dma_wait3A] : memref<10000x128xf32, #tpu.memory_space<vmem_shared>> -> memref<80x128xf32, #tpu.memory_space<vmem_shared>>
        %dma_wait3A_77 = arith.constant 0 : i32
        %dma_wait3A_78 = tpu.memref_slice %arg7[%mul3A_72, %dma_wait3A_77] : memref<10000x128xf32, #tpu.memory_space<vmem_shared>> -> memref<80x128xf32, #tpu.memory_space<vmem_shared>>
        tpu.wait_dma2 semaphore(%run_scoped3A : memref<!tpu.dma_semaphore, #tpu.memory_space<semaphore_mem>>) src(%arg6 : memref<80x128xf32, #tpu.memory_space<vmem>>) dst(%dma_wait3A_78 : memref<80x128xf32, #tpu.memory_space<vmem_shared>>)
        tpu.yield
      }) : () -> ()
    } else {
    }
    %add3A_52 = arith.constant 112 : i32
    %add3A_53 = arith.addi %arg1, %add3A_52 : i32
    %lt3A_54 = arith.constant 125 : i32
    %lt3A_55 = arith.cmpi slt, %add3A_53, %lt3A_54 : i32
    %convert_element_type3A_56 = arith.extui %lt3A_55 : i1 to i32
    %cond3A_57 = arith.constant 0 : i32
    %cond3A_58 = arith.cmpi ne, %convert_element_type3A_56, %cond3A_57 : i32
    scf.if %cond3A_58 {
      %mul3A_71 = arith.constant 80 : i32
      %mul3A_72 = arith.muli %add3A_53, %mul3A_71 : i32
      "tpu.region"() ({
        %run_scoped3A = tpu.sem_alloc : memref<!tpu.dma_semaphore, #tpu.memory_space<semaphore_mem>>
        %dma_start3A = arith.constant 0 : i32
        %dma_start3A_73 = tpu.memref_slice %arg7[%mul3A_72, %dma_start3A] : memref<10000x128xf32, #tpu.memory_space<vmem_shared>> -> memref<80x128xf32, #tpu.memory_space<vmem_shared>>
        %dma_start3A_74 = arith.constant 0 : i32
        %dma_start3A_75 = tpu.memref_slice %arg7[%mul3A_72, %dma_start3A_74] : memref<10000x128xf32, #tpu.memory_space<vmem_shared>> -> memref<80x128xf32, #tpu.memory_space<vmem_shared>>
        tpu.enqueue_dma source(%arg6 : memref<80x128xf32, #tpu.memory_space<vmem>>) target(%dma_start3A_75 : memref<80x128xf32, #tpu.memory_space<vmem_shared>>) target_semaphore(%run_scoped3A : memref<!tpu.dma_semaphore, #tpu.memory_space<semaphore_mem>>)
        %dma_wait3A = arith.constant 0 : i32
        %dma_wait3A_76 = tpu.memref_slice %arg7[%mul3A_72, %dma_wait3A] : memref<10000x128xf32, #tpu.memory_space<vmem_shared>> -> memref<80x128xf32, #tpu.memory_space<vmem_shared>>
        %dma_wait3A_77 = arith.constant 0 : i32
        %dma_wait3A_78 = tpu.memref_slice %arg7[%mul3A_72, %dma_wait3A_77] : memref<10000x128xf32, #tpu.memory_space<vmem_shared>> -> memref<80x128xf32, #tpu.memory_space<vmem_shared>>
        tpu.wait_dma2 semaphore(%run_scoped3A : memref<!tpu.dma_semaphore, #tpu.memory_space<semaphore_mem>>) src(%arg6 : memref<80x128xf32, #tpu.memory_space<vmem>>) dst(%dma_wait3A_78 : memref<80x128xf32, #tpu.memory_space<vmem_shared>>)
        tpu.yield
      }) : () -> ()
    } else {
    }
    "tpu.region"() ({
      %run_scoped3A = tpu.sem_alloc : memref<!tpu.dma_semaphore, #tpu.memory_space<semaphore_mem>>
      %dma_start3A = arith.constant 0 : i32
      %dma_start3A_71 = arith.constant 0 : i32
      %dma_start3A_72 = tpu.memref_slice %arg2[%add3A, %dma_start3A, %dma_start3A_71] : memref<32x125x80xi32, #tpu.memory_space<hbm>> -> memref<1x125x80xi32, #tpu.memory_space<hbm>>
      %dma_start3A_73 = tpu.memref_squeeze %dma_start3A_72 : memref<1x125x80xi32, #tpu.memory_space<hbm>> -> memref<125x80xi32, #tpu.memory_space<hbm>>
      %dma_start3A_74 = arith.constant 0 : i32
      %dma_start3A_75 = arith.constant 0 : i32
      %dma_start3A_76 = tpu.memref_slice %arg2[%add3A, %dma_start3A_74, %dma_start3A_75] : memref<32x125x80xi32, #tpu.memory_space<hbm>> -> memref<1x125x80xi32, #tpu.memory_space<hbm>>
      %dma_start3A_77 = tpu.memref_squeeze %dma_start3A_76 : memref<1x125x80xi32, #tpu.memory_space<hbm>> -> memref<125x80xi32, #tpu.memory_space<hbm>>
      tpu.enqueue_dma source(%dma_start3A_77 : memref<125x80xi32, #tpu.memory_space<hbm>>) target(%arg4 : memref<125x80xi32, #tpu.memory_space<vmem>>) target_semaphore(%run_scoped3A : memref<!tpu.dma_semaphore, #tpu.memory_space<semaphore_mem>>)
      %dma_wait3A = arith.constant 0 : i32
      %dma_wait3A_78 = arith.constant 0 : i32
      %dma_wait3A_79 = tpu.memref_slice %arg2[%add3A, %dma_wait3A, %dma_wait3A_78] : memref<32x125x80xi32, #tpu.memory_space<hbm>> -> memref<1x125x80xi32, #tpu.memory_space<hbm>>
      %dma_wait3A_80 = tpu.memref_squeeze %dma_wait3A_79 : memref<1x125x80xi32, #tpu.memory_space<hbm>> -> memref<125x80xi32, #tpu.memory_space<hbm>>
      %dma_wait3A_81 = arith.constant 0 : i32
      %dma_wait3A_82 = arith.constant 0 : i32
      %dma_wait3A_83 = tpu.memref_slice %arg2[%add3A, %dma_wait3A_81, %dma_wait3A_82] : memref<32x125x80xi32, #tpu.memory_space<hbm>> -> memref<1x125x80xi32, #tpu.memory_space<hbm>>
      %dma_wait3A_84 = tpu.memref_squeeze %dma_wait3A_83 : memref<1x125x80xi32, #tpu.memory_space<hbm>> -> memref<125x80xi32, #tpu.memory_space<hbm>>
      tpu.wait_dma2 semaphore(%run_scoped3A : memref<!tpu.dma_semaphore, #tpu.memory_space<semaphore_mem>>) src(%dma_wait3A_84 : memref<125x80xi32, #tpu.memory_space<hbm>>) dst(%arg4 : memref<125x80xi32, #tpu.memory_space<vmem>>)
      tpu.yield
    }) : () -> ()
    %barrier3A = arith.constant 0 : index
    tpu.barrier barrier_id(%barrier3A)
    %scan3A_59 = arith.constant 0 : i32
    %scan3A_60 = arith.constant 0 : i32
    %scan3A_61 = arith.constant 125 : i32
    %scan3A_62 = arith.addi %scan3A_60, %scan3A_61 : i32
    %scan3A_63 = arith.constant 1 : i32
    scf.for %scan3A_71 = %scan3A_60 to %scan3A_62 step %scan3A_63  : i32 {
      "tpu.region"() ({
        %run_scoped3A = tpu.sem_alloc : memref<!tpu.dma_semaphore, #tpu.memory_space<semaphore_mem>>
        %dma_start3A = arith.constant 0 : i32
        %dma_start3A_72 = tpu.memref_slice %arg4[%scan3A_71, %dma_start3A] : memref<125x80xi32, #tpu.memory_space<vmem>> -> memref<1x80xi32, #tpu.memory_space<vmem>>
        %dma_start3A_73 = tpu.memref_squeeze %dma_start3A_72 : memref<1x80xi32, #tpu.memory_space<vmem>> -> memref<80xi32, #tpu.memory_space<vmem>>
        %dma_start3A_74 = arith.constant 0 : i32
        %dma_start3A_75 = arith.constant 0 : i32
        %dma_start3A_76 = tpu.memref_slice %arg7[%dma_start3A_74, %dma_start3A_75] : memref<10000x128xf32, #tpu.memory_space<vmem_shared>> -> memref<10000x128xf32, #tpu.memory_space<vmem_shared>>
        tpu.enqueue_indirect_dma source(%arg5 : memref<80x128xf32, #tpu.memory_space<vmem>>) target(%dma_start3A_76 : memref<10000x128xf32, #tpu.memory_space<vmem_shared>>) offsets(%dma_start3A_73 : memref<80xi32, #tpu.memory_space<vmem>>) semaphore(%run_scoped3A : memref<!tpu.dma_semaphore, #tpu.memory_space<semaphore_mem>>) {add = true}
        %dma_wait3A = arith.constant 0 : i32
        %dma_wait3A_77 = tpu.memref_slice %arg4[%scan3A_71, %dma_wait3A] : memref<125x80xi32, #tpu.memory_space<vmem>> -> memref<1x80xi32, #tpu.memory_space<vmem>>
        %dma_wait3A_78 = tpu.memref_squeeze %dma_wait3A_77 : memref<1x80xi32, #tpu.memory_space<vmem>> -> memref<80xi32, #tpu.memory_space<vmem>>
        %dma_wait3A_79 = arith.constant 0 : i32
        %dma_wait3A_80 = arith.constant 0 : i32
        %dma_wait3A_81 = tpu.memref_slice %arg7[%dma_wait3A_79, %dma_wait3A_80] : memref<10000x128xf32, #tpu.memory_space<vmem_shared>> -> memref<10000x128xf32, #tpu.memory_space<vmem_shared>>
        tpu.wait_indirect_dma semaphore(%run_scoped3A : memref<!tpu.dma_semaphore, #tpu.memory_space<semaphore_mem>>) src(%arg5 : memref<80x128xf32, #tpu.memory_space<vmem>>) dst(%dma_wait3A_81 : memref<10000x128xf32, #tpu.memory_space<vmem_shared>>)
        tpu.yield
      }) : () -> ()
    }
    %scan3A_64 = arith.constant 125 : i32
    %barrier3A_65 = arith.constant 0 : index
    tpu.barrier barrier_id(%barrier3A_65)
    %lt3A_66 = arith.constant 10 : i32
    %lt3A_67 = arith.cmpi slt, %arg1, %lt3A_66 : i32
    %convert_element_type3A_68 = arith.extui %lt3A_67 : i1 to i32
    %cond3A_69 = arith.constant 0 : i32
    %cond3A_70 = arith.cmpi ne, %convert_element_type3A_68, %cond3A_69 : i32
    scf.if %cond3A_70 {
      %mul3A_71 = arith.constant 1000 : i32
      %mul3A_72 = arith.muli %arg1, %mul3A_71 : i32
      %mul3A_73 = arith.constant 10000 : i32
      %mul3A_74 = arith.muli %arg0, %mul3A_73 : i32
      %mul3A_75 = arith.constant 1000 : i32
      %mul3A_76 = arith.muli %arg1, %mul3A_75 : i32
      %add3A_77 = arith.addi %mul3A_74, %mul3A_76 : i32
      "tpu.region"() ({
        %run_scoped3A = tpu.sem_alloc : memref<!tpu.dma_semaphore, #tpu.memory_space<semaphore_mem>>
        %dma_start3A = arith.constant 0 : i32
        %dma_start3A_78 = tpu.memref_slice %arg3[%add3A_77, %dma_start3A] : memref<20000x128xf32, #tpu.memory_space<hbm>> -> memref<1000x128xf32, #tpu.memory_space<hbm>>
        %dma_start3A_79 = arith.constant 0 : i32
        %dma_start3A_80 = tpu.memref_slice %arg7[%mul3A_72, %dma_start3A_79] : memref<10000x128xf32, #tpu.memory_space<vmem_shared>> -> memref<1000x128xf32, #tpu.memory_space<vmem_shared>>
        tpu.enqueue_dma source(%dma_start3A_80 : memref<1000x128xf32, #tpu.memory_space<vmem_shared>>) target(%dma_start3A_78 : memref<1000x128xf32, #tpu.memory_space<hbm>>) target_semaphore(%run_scoped3A : memref<!tpu.dma_semaphore, #tpu.memory_space<semaphore_mem>>)
        %dma_wait3A = arith.constant 0 : i32
        %dma_wait3A_81 = tpu.memref_slice %arg3[%add3A_77, %dma_wait3A] : memref<20000x128xf32, #tpu.memory_space<hbm>> -> memref<1000x128xf32, #tpu.memory_space<hbm>>
        %dma_wait3A_82 = arith.constant 0 : i32
        %dma_wait3A_83 = tpu.memref_slice %arg7[%mul3A_72, %dma_wait3A_82] : memref<10000x128xf32, #tpu.memory_space<vmem_shared>> -> memref<1000x128xf32, #tpu.memory_space<vmem_shared>>
        tpu.wait_dma2 semaphore(%run_scoped3A : memref<!tpu.dma_semaphore, #tpu.memory_space<semaphore_mem>>) src(%dma_wait3A_83 : memref<1000x128xf32, #tpu.memory_space<vmem_shared>>) dst(%dma_wait3A_81 : memref<1000x128xf32, #tpu.memory_space<hbm>>)
        tpu.yield
      }) : () -> ()
    } else {
    }
    return
  }
}

#map = affine_map<(d0, d1) -> (0, 0)>
#map1 = affine_map<(d0, d1) -> (0, 0, 0)>
module attributes {stable_mosaic.version = 14 : i64} {
  func.func @_agg_kernel(%arg0: i32, %arg1: i32, %arg2: memref<10000x128xf32, #tpu.memory_space<hbm>>, %arg3: memref<32x10000xi32, #tpu.memory_space<hbm>>, %arg4: memref<32x125x80xi32, #tpu.memory_space<hbm>>, %arg5: memref<20000x128xf32, #tpu.memory_space<hbm>>, %arg6: memref<10000xi32, #tpu.memory_space<vmem>>, %arg7: memref<125x80xi32, #tpu.memory_space<vmem>>, %arg8: memref<80x128xf32, #tpu.memory_space<vmem>>, %arg9: memref<80x128xf32, #tpu.memory_space<vmem>>, %arg10: memref<10000x128xf32, #tpu.memory_space<vmem_shared>>, %arg11: memref<!tpu.dma_semaphore, #tpu.memory_space<semaphore_mem>>, %arg12: memref<!tpu.dma_semaphore, #tpu.memory_space<semaphore_mem>>, %arg13: memref<!tpu.dma_semaphore, #tpu.memory_space<semaphore_mem>>, %arg14: memref<!tpu.dma_semaphore, #tpu.memory_space<semaphore_mem>>) attributes {dimension_semantics = [#tpu.dimension_semantics<core_parallel>, #tpu.dimension_semantics<subcore_parallel>], iteration_bounds = array<i64: 2, 16>, scalar_prefetch = 0 : i64, scratch_operands = 9 : i64, tpu.core_type = #tpu.core_type<sc_vector_subcore>, window_params = [{transform_indices = #map}, {transform_indices = #map}, {transform_indices = #map1}, {transform_indices = #map}]} {
    %mul3A = arith.constant 2 : i32
    %mul3A_0 = arith.muli %arg1, %mul3A : i32
    %add3A = arith.addi %mul3A_0, %arg0 : i32
    %scan3A = arith.constant 0 : i32
    %scan3A_1 = arith.constant 0 : i32
    %scan3A_2 = arith.constant 80 : i32
    %scan3A_3 = arith.addi %scan3A_1, %scan3A_2 : i32
    %scan3A_4 = arith.constant 1 : i32
    scf.for %scan3A_93 = %scan3A_1 to %scan3A_3 step %scan3A_4  : i32 {
      %broadcast_in_dim3A = arith.constant 0.000000e+00 : f32
      %broadcast_in_dim3A_94 = vector.broadcast %broadcast_in_dim3A : f32 to vector<16xf32>
      %swap3A = arith.index_cast %scan3A_93 : i32 to index
      %swap3A_95 = arith.constant 0 : index
      %swap3A_96 = tpu.vector_load %arg8[%swap3A, %swap3A_95] {strides = array<i32>} : memref<80x128xf32, #tpu.memory_space<vmem>>, vector<1x16xf32>,
      %swap3A_97 = vector.shape_cast %swap3A_96 : vector<1x16xf32> to vector<16xf32>
      %swap3A_98 = vector.shape_cast %broadcast_in_dim3A_94 : vector<16xf32> to vector<1x16xf32>
      tpu.vector_store %arg8[%swap3A, %swap3A_95], %swap3A_98 {strides = array<i32>} : memref<80x128xf32, #tpu.memory_space<vmem>>, vector<1x16xf32>,
      %broadcast_in_dim3A_99 = arith.constant 0.000000e+00 : f32
      %broadcast_in_dim3A_100 = vector.broadcast %broadcast_in_dim3A_99 : f32 to vector<16xf32>
      %swap3A_101 = arith.index_cast %scan3A_93 : i32 to index
      %swap3A_102 = arith.constant 16 : index
      %swap3A_103 = tpu.vector_load %arg8[%swap3A_101, %swap3A_102] {strides = array<i32>} : memref<80x128xf32, #tpu.memory_space<vmem>>, vector<1x16xf32>,
      %swap3A_104 = vector.shape_cast %swap3A_103 : vector<1x16xf32> to vector<16xf32>
      %swap3A_105 = vector.shape_cast %broadcast_in_dim3A_100 : vector<16xf32> to vector<1x16xf32>
      tpu.vector_store %arg8[%swap3A_101, %swap3A_102], %swap3A_105 {strides = array<i32>} : memref<80x128xf32, #tpu.memory_space<vmem>>, vector<1x16xf32>,
      %broadcast_in_dim3A_106 = arith.constant 0.000000e+00 : f32
      %broadcast_in_dim3A_107 = vector.broadcast %broadcast_in_dim3A_106 : f32 to vector<16xf32>
      %swap3A_108 = arith.index_cast %scan3A_93 : i32 to index
      %swap3A_109 = arith.constant 32 : index
      %swap3A_110 = tpu.vector_load %arg8[%swap3A_108, %swap3A_109] {strides = array<i32>} : memref<80x128xf32, #tpu.memory_space<vmem>>, vector<1x16xf32>,
      %swap3A_111 = vector.shape_cast %swap3A_110 : vector<1x16xf32> to vector<16xf32>
      %swap3A_112 = vector.shape_cast %broadcast_in_dim3A_107 : vector<16xf32> to vector<1x16xf32>
      tpu.vector_store %arg8[%swap3A_108, %swap3A_109], %swap3A_112 {strides = array<i32>} : memref<80x128xf32, #tpu.memory_space<vmem>>, vector<1x16xf32>,
      %broadcast_in_dim3A_113 = arith.constant 0.000000e+00 : f32
      %broadcast_in_dim3A_114 = vector.broadcast %broadcast_in_dim3A_113 : f32 to vector<16xf32>
      %swap3A_115 = arith.index_cast %scan3A_93 : i32 to index
      %swap3A_116 = arith.constant 48 : index
      %swap3A_117 = tpu.vector_load %arg8[%swap3A_115, %swap3A_116] {strides = array<i32>} : memref<80x128xf32, #tpu.memory_space<vmem>>, vector<1x16xf32>,
      %swap3A_118 = vector.shape_cast %swap3A_117 : vector<1x16xf32> to vector<16xf32>
      %swap3A_119 = vector.shape_cast %broadcast_in_dim3A_114 : vector<16xf32> to vector<1x16xf32>
      tpu.vector_store %arg8[%swap3A_115, %swap3A_116], %swap3A_119 {strides = array<i32>} : memref<80x128xf32, #tpu.memory_space<vmem>>, vector<1x16xf32>,
      %broadcast_in_dim3A_120 = arith.constant 0.000000e+00 : f32
      %broadcast_in_dim3A_121 = vector.broadcast %broadcast_in_dim3A_120 : f32 to vector<16xf32>
      %swap3A_122 = arith.index_cast %scan3A_93 : i32 to index
      %swap3A_123 = arith.constant 64 : index
      %swap3A_124 = tpu.vector_load %arg8[%swap3A_122, %swap3A_123] {strides = array<i32>} : memref<80x128xf32, #tpu.memory_space<vmem>>, vector<1x16xf32>,
      %swap3A_125 = vector.shape_cast %swap3A_124 : vector<1x16xf32> to vector<16xf32>
      %swap3A_126 = vector.shape_cast %broadcast_in_dim3A_121 : vector<16xf32> to vector<1x16xf32>
      tpu.vector_store %arg8[%swap3A_122, %swap3A_123], %swap3A_126 {strides = array<i32>} : memref<80x128xf32, #tpu.memory_space<vmem>>, vector<1x16xf32>,
      %broadcast_in_dim3A_127 = arith.constant 0.000000e+00 : f32
      %broadcast_in_dim3A_128 = vector.broadcast %broadcast_in_dim3A_127 : f32 to vector<16xf32>
      %swap3A_129 = arith.index_cast %scan3A_93 : i32 to index
      %swap3A_130 = arith.constant 80 : index
      %swap3A_131 = tpu.vector_load %arg8[%swap3A_129, %swap3A_130] {strides = array<i32>} : memref<80x128xf32, #tpu.memory_space<vmem>>, vector<1x16xf32>,
      %swap3A_132 = vector.shape_cast %swap3A_131 : vector<1x16xf32> to vector<16xf32>
      %swap3A_133 = vector.shape_cast %broadcast_in_dim3A_128 : vector<16xf32> to vector<1x16xf32>
      tpu.vector_store %arg8[%swap3A_129, %swap3A_130], %swap3A_133 {strides = array<i32>} : memref<80x128xf32, #tpu.memory_space<vmem>>, vector<1x16xf32>,
      %broadcast_in_dim3A_134 = arith.constant 0.000000e+00 : f32
      %broadcast_in_dim3A_135 = vector.broadcast %broadcast_in_dim3A_134 : f32 to vector<16xf32>
      %swap3A_136 = arith.index_cast %scan3A_93 : i32 to index
      %swap3A_137 = arith.constant 96 : index
      %swap3A_138 = tpu.vector_load %arg8[%swap3A_136, %swap3A_137] {strides = array<i32>} : memref<80x128xf32, #tpu.memory_space<vmem>>, vector<1x16xf32>,
      %swap3A_139 = vector.shape_cast %swap3A_138 : vector<1x16xf32> to vector<16xf32>
      %swap3A_140 = vector.shape_cast %broadcast_in_dim3A_135 : vector<16xf32> to vector<1x16xf32>
      tpu.vector_store %arg8[%swap3A_136, %swap3A_137], %swap3A_140 {strides = array<i32>} : memref<80x128xf32, #tpu.memory_space<vmem>>, vector<1x16xf32>,
      %broadcast_in_dim3A_141 = arith.constant 0.000000e+00 : f32
      %broadcast_in_dim3A_142 = vector.broadcast %broadcast_in_dim3A_141 : f32 to vector<16xf32>
      %swap3A_143 = arith.index_cast %scan3A_93 : i32 to index
      %swap3A_144 = arith.constant 112 : index
      %swap3A_145 = tpu.vector_load %arg8[%swap3A_143, %swap3A_144] {strides = array<i32>} : memref<80x128xf32, #tpu.memory_space<vmem>>, vector<1x16xf32>,
      %swap3A_146 = vector.shape_cast %swap3A_145 : vector<1x16xf32> to vector<16xf32>
      %swap3A_147 = vector.shape_cast %broadcast_in_dim3A_142 : vector<16xf32> to vector<1x16xf32>
      tpu.vector_store %arg8[%swap3A_143, %swap3A_144], %swap3A_147 {strides = array<i32>} : memref<80x128xf32, #tpu.memory_space<vmem>>, vector<1x16xf32>,
    }
    %scan3A_5 = arith.constant 80 : i32
    %add3A_6 = arith.constant 0 : i32
    %add3A_7 = arith.addi %arg1, %add3A_6 : i32
    %lt3A = arith.constant 125 : i32
    %lt3A_8 = arith.cmpi slt, %add3A_7, %lt3A : i32
    %convert_element_type3A = arith.extui %lt3A_8 : i1 to i32
    %cond3A = arith.constant 0 : i32
    %cond3A_9 = arith.cmpi ne, %convert_element_type3A, %cond3A : i32
    scf.if %cond3A_9 {
      %mul3A_93 = arith.constant 80 : i32
      %mul3A_94 = arith.muli %add3A_7, %mul3A_93 : i32
      "tpu.region"() ({
        %run_scoped3A = tpu.sem_alloc : memref<!tpu.dma_semaphore, #tpu.memory_space<semaphore_mem>>
        %dma_start3A_95 = arith.constant 0 : i32
        %dma_start3A_96 = tpu.memref_slice %arg10[%mul3A_94, %dma_start3A_95] : memref<10000x128xf32, #tpu.memory_space<vmem_shared>> -> memref<80x128xf32, #tpu.memory_space<vmem_shared>>
        %dma_start3A_97 = arith.constant 0 : i32
        %dma_start3A_98 = tpu.memref_slice %arg10[%mul3A_94, %dma_start3A_97] : memref<10000x128xf32, #tpu.memory_space<vmem_shared>> -> memref<80x128xf32, #tpu.memory_space<vmem_shared>>
        tpu.enqueue_dma source(%arg8 : memref<80x128xf32, #tpu.memory_space<vmem>>) target(%dma_start3A_98 : memref<80x128xf32, #tpu.memory_space<vmem_shared>>) target_semaphore(%run_scoped3A : memref<!tpu.dma_semaphore, #tpu.memory_space<semaphore_mem>>)
        %dma_wait3A_99 = arith.constant 0 : i32
        %dma_wait3A_100 = tpu.memref_slice %arg10[%mul3A_94, %dma_wait3A_99] : memref<10000x128xf32, #tpu.memory_space<vmem_shared>> -> memref<80x128xf32, #tpu.memory_space<vmem_shared>>
        %dma_wait3A_101 = arith.constant 0 : i32
        %dma_wait3A_102 = tpu.memref_slice %arg10[%mul3A_94, %dma_wait3A_101] : memref<10000x128xf32, #tpu.memory_space<vmem_shared>> -> memref<80x128xf32, #tpu.memory_space<vmem_shared>>
        tpu.wait_dma2 semaphore(%run_scoped3A : memref<!tpu.dma_semaphore, #tpu.memory_space<semaphore_mem>>) src(%arg8 : memref<80x128xf32, #tpu.memory_space<vmem>>) dst(%dma_wait3A_102 : memref<80x128xf32, #tpu.memory_space<vmem_shared>>)
        tpu.yield
      }) : () -> ()
    } else {
    }
    %add3A_10 = arith.constant 16 : i32
    %add3A_11 = arith.addi %arg1, %add3A_10 : i32
    %lt3A_12 = arith.constant 125 : i32
    %lt3A_13 = arith.cmpi slt, %add3A_11, %lt3A_12 : i32
    %convert_element_type3A_14 = arith.extui %lt3A_13 : i1 to i32
    %cond3A_15 = arith.constant 0 : i32
    %cond3A_16 = arith.cmpi ne, %convert_element_type3A_14, %cond3A_15 : i32
    scf.if %cond3A_16 {
      %mul3A_93 = arith.constant 80 : i32
      %mul3A_94 = arith.muli %add3A_11, %mul3A_93 : i32
      "tpu.region"() ({
        %run_scoped3A = tpu.sem_alloc : memref<!tpu.dma_semaphore, #tpu.memory_space<semaphore_mem>>
        %dma_start3A_95 = arith.constant 0 : i32
        %dma_start3A_96 = tpu.memref_slice %arg10[%mul3A_94, %dma_start3A_95] : memref<10000x128xf32, #tpu.memory_space<vmem_shared>> -> memref<80x128xf32, #tpu.memory_space<vmem_shared>>
        %dma_start3A_97 = arith.constant 0 : i32
        %dma_start3A_98 = tpu.memref_slice %arg10[%mul3A_94, %dma_start3A_97] : memref<10000x128xf32, #tpu.memory_space<vmem_shared>> -> memref<80x128xf32, #tpu.memory_space<vmem_shared>>
        tpu.enqueue_dma source(%arg8 : memref<80x128xf32, #tpu.memory_space<vmem>>) target(%dma_start3A_98 : memref<80x128xf32, #tpu.memory_space<vmem_shared>>) target_semaphore(%run_scoped3A : memref<!tpu.dma_semaphore, #tpu.memory_space<semaphore_mem>>)
        %dma_wait3A_99 = arith.constant 0 : i32
        %dma_wait3A_100 = tpu.memref_slice %arg10[%mul3A_94, %dma_wait3A_99] : memref<10000x128xf32, #tpu.memory_space<vmem_shared>> -> memref<80x128xf32, #tpu.memory_space<vmem_shared>>
        %dma_wait3A_101 = arith.constant 0 : i32
        %dma_wait3A_102 = tpu.memref_slice %arg10[%mul3A_94, %dma_wait3A_101] : memref<10000x128xf32, #tpu.memory_space<vmem_shared>> -> memref<80x128xf32, #tpu.memory_space<vmem_shared>>
        tpu.wait_dma2 semaphore(%run_scoped3A : memref<!tpu.dma_semaphore, #tpu.memory_space<semaphore_mem>>) src(%arg8 : memref<80x128xf32, #tpu.memory_space<vmem>>) dst(%dma_wait3A_102 : memref<80x128xf32, #tpu.memory_space<vmem_shared>>)
        tpu.yield
      }) : () -> ()
    } else {
    }
    %add3A_17 = arith.constant 32 : i32
    %add3A_18 = arith.addi %arg1, %add3A_17 : i32
    %lt3A_19 = arith.constant 125 : i32
    %lt3A_20 = arith.cmpi slt, %add3A_18, %lt3A_19 : i32
    %convert_element_type3A_21 = arith.extui %lt3A_20 : i1 to i32
    %cond3A_22 = arith.constant 0 : i32
    %cond3A_23 = arith.cmpi ne, %convert_element_type3A_21, %cond3A_22 : i32
    scf.if %cond3A_23 {
      %mul3A_93 = arith.constant 80 : i32
      %mul3A_94 = arith.muli %add3A_18, %mul3A_93 : i32
      "tpu.region"() ({
        %run_scoped3A = tpu.sem_alloc : memref<!tpu.dma_semaphore, #tpu.memory_space<semaphore_mem>>
        %dma_start3A_95 = arith.constant 0 : i32
        %dma_start3A_96 = tpu.memref_slice %arg10[%mul3A_94, %dma_start3A_95] : memref<10000x128xf32, #tpu.memory_space<vmem_shared>> -> memref<80x128xf32, #tpu.memory_space<vmem_shared>>
        %dma_start3A_97 = arith.constant 0 : i32
        %dma_start3A_98 = tpu.memref_slice %arg10[%mul3A_94, %dma_start3A_97] : memref<10000x128xf32, #tpu.memory_space<vmem_shared>> -> memref<80x128xf32, #tpu.memory_space<vmem_shared>>
        tpu.enqueue_dma source(%arg8 : memref<80x128xf32, #tpu.memory_space<vmem>>) target(%dma_start3A_98 : memref<80x128xf32, #tpu.memory_space<vmem_shared>>) target_semaphore(%run_scoped3A : memref<!tpu.dma_semaphore, #tpu.memory_space<semaphore_mem>>)
        %dma_wait3A_99 = arith.constant 0 : i32
        %dma_wait3A_100 = tpu.memref_slice %arg10[%mul3A_94, %dma_wait3A_99] : memref<10000x128xf32, #tpu.memory_space<vmem_shared>> -> memref<80x128xf32, #tpu.memory_space<vmem_shared>>
        %dma_wait3A_101 = arith.constant 0 : i32
        %dma_wait3A_102 = tpu.memref_slice %arg10[%mul3A_94, %dma_wait3A_101] : memref<10000x128xf32, #tpu.memory_space<vmem_shared>> -> memref<80x128xf32, #tpu.memory_space<vmem_shared>>
        tpu.wait_dma2 semaphore(%run_scoped3A : memref<!tpu.dma_semaphore, #tpu.memory_space<semaphore_mem>>) src(%arg8 : memref<80x128xf32, #tpu.memory_space<vmem>>) dst(%dma_wait3A_102 : memref<80x128xf32, #tpu.memory_space<vmem_shared>>)
        tpu.yield
      }) : () -> ()
    } else {
    }
    %add3A_24 = arith.constant 48 : i32
    %add3A_25 = arith.addi %arg1, %add3A_24 : i32
    %lt3A_26 = arith.constant 125 : i32
    %lt3A_27 = arith.cmpi slt, %add3A_25, %lt3A_26 : i32
    %convert_element_type3A_28 = arith.extui %lt3A_27 : i1 to i32
    %cond3A_29 = arith.constant 0 : i32
    %cond3A_30 = arith.cmpi ne, %convert_element_type3A_28, %cond3A_29 : i32
    scf.if %cond3A_30 {
      %mul3A_93 = arith.constant 80 : i32
      %mul3A_94 = arith.muli %add3A_25, %mul3A_93 : i32
      "tpu.region"() ({
        %run_scoped3A = tpu.sem_alloc : memref<!tpu.dma_semaphore, #tpu.memory_space<semaphore_mem>>
        %dma_start3A_95 = arith.constant 0 : i32
        %dma_start3A_96 = tpu.memref_slice %arg10[%mul3A_94, %dma_start3A_95] : memref<10000x128xf32, #tpu.memory_space<vmem_shared>> -> memref<80x128xf32, #tpu.memory_space<vmem_shared>>
        %dma_start3A_97 = arith.constant 0 : i32
        %dma_start3A_98 = tpu.memref_slice %arg10[%mul3A_94, %dma_start3A_97] : memref<10000x128xf32, #tpu.memory_space<vmem_shared>> -> memref<80x128xf32, #tpu.memory_space<vmem_shared>>
        tpu.enqueue_dma source(%arg8 : memref<80x128xf32, #tpu.memory_space<vmem>>) target(%dma_start3A_98 : memref<80x128xf32, #tpu.memory_space<vmem_shared>>) target_semaphore(%run_scoped3A : memref<!tpu.dma_semaphore, #tpu.memory_space<semaphore_mem>>)
        %dma_wait3A_99 = arith.constant 0 : i32
        %dma_wait3A_100 = tpu.memref_slice %arg10[%mul3A_94, %dma_wait3A_99] : memref<10000x128xf32, #tpu.memory_space<vmem_shared>> -> memref<80x128xf32, #tpu.memory_space<vmem_shared>>
        %dma_wait3A_101 = arith.constant 0 : i32
        %dma_wait3A_102 = tpu.memref_slice %arg10[%mul3A_94, %dma_wait3A_101] : memref<10000x128xf32, #tpu.memory_space<vmem_shared>> -> memref<80x128xf32, #tpu.memory_space<vmem_shared>>
        tpu.wait_dma2 semaphore(%run_scoped3A : memref<!tpu.dma_semaphore, #tpu.memory_space<semaphore_mem>>) src(%arg8 : memref<80x128xf32, #tpu.memory_space<vmem>>) dst(%dma_wait3A_102 : memref<80x128xf32, #tpu.memory_space<vmem_shared>>)
        tpu.yield
      }) : () -> ()
    } else {
    }
    %add3A_31 = arith.constant 64 : i32
    %add3A_32 = arith.addi %arg1, %add3A_31 : i32
    %lt3A_33 = arith.constant 125 : i32
    %lt3A_34 = arith.cmpi slt, %add3A_32, %lt3A_33 : i32
    %convert_element_type3A_35 = arith.extui %lt3A_34 : i1 to i32
    %cond3A_36 = arith.constant 0 : i32
    %cond3A_37 = arith.cmpi ne, %convert_element_type3A_35, %cond3A_36 : i32
    scf.if %cond3A_37 {
      %mul3A_93 = arith.constant 80 : i32
      %mul3A_94 = arith.muli %add3A_32, %mul3A_93 : i32
      "tpu.region"() ({
        %run_scoped3A = tpu.sem_alloc : memref<!tpu.dma_semaphore, #tpu.memory_space<semaphore_mem>>
        %dma_start3A_95 = arith.constant 0 : i32
        %dma_start3A_96 = tpu.memref_slice %arg10[%mul3A_94, %dma_start3A_95] : memref<10000x128xf32, #tpu.memory_space<vmem_shared>> -> memref<80x128xf32, #tpu.memory_space<vmem_shared>>
        %dma_start3A_97 = arith.constant 0 : i32
        %dma_start3A_98 = tpu.memref_slice %arg10[%mul3A_94, %dma_start3A_97] : memref<10000x128xf32, #tpu.memory_space<vmem_shared>> -> memref<80x128xf32, #tpu.memory_space<vmem_shared>>
        tpu.enqueue_dma source(%arg8 : memref<80x128xf32, #tpu.memory_space<vmem>>) target(%dma_start3A_98 : memref<80x128xf32, #tpu.memory_space<vmem_shared>>) target_semaphore(%run_scoped3A : memref<!tpu.dma_semaphore, #tpu.memory_space<semaphore_mem>>)
        %dma_wait3A_99 = arith.constant 0 : i32
        %dma_wait3A_100 = tpu.memref_slice %arg10[%mul3A_94, %dma_wait3A_99] : memref<10000x128xf32, #tpu.memory_space<vmem_shared>> -> memref<80x128xf32, #tpu.memory_space<vmem_shared>>
        %dma_wait3A_101 = arith.constant 0 : i32
        %dma_wait3A_102 = tpu.memref_slice %arg10[%mul3A_94, %dma_wait3A_101] : memref<10000x128xf32, #tpu.memory_space<vmem_shared>> -> memref<80x128xf32, #tpu.memory_space<vmem_shared>>
        tpu.wait_dma2 semaphore(%run_scoped3A : memref<!tpu.dma_semaphore, #tpu.memory_space<semaphore_mem>>) src(%arg8 : memref<80x128xf32, #tpu.memory_space<vmem>>) dst(%dma_wait3A_102 : memref<80x128xf32, #tpu.memory_space<vmem_shared>>)
        tpu.yield
      }) : () -> ()
    } else {
    }
    %add3A_38 = arith.constant 80 : i32
    %add3A_39 = arith.addi %arg1, %add3A_38 : i32
    %lt3A_40 = arith.constant 125 : i32
    %lt3A_41 = arith.cmpi slt, %add3A_39, %lt3A_40 : i32
    %convert_element_type3A_42 = arith.extui %lt3A_41 : i1 to i32
    %cond3A_43 = arith.constant 0 : i32
    %cond3A_44 = arith.cmpi ne, %convert_element_type3A_42, %cond3A_43 : i32
    scf.if %cond3A_44 {
      %mul3A_93 = arith.constant 80 : i32
      %mul3A_94 = arith.muli %add3A_39, %mul3A_93 : i32
      "tpu.region"() ({
        %run_scoped3A = tpu.sem_alloc : memref<!tpu.dma_semaphore, #tpu.memory_space<semaphore_mem>>
        %dma_start3A_95 = arith.constant 0 : i32
        %dma_start3A_96 = tpu.memref_slice %arg10[%mul3A_94, %dma_start3A_95] : memref<10000x128xf32, #tpu.memory_space<vmem_shared>> -> memref<80x128xf32, #tpu.memory_space<vmem_shared>>
        %dma_start3A_97 = arith.constant 0 : i32
        %dma_start3A_98 = tpu.memref_slice %arg10[%mul3A_94, %dma_start3A_97] : memref<10000x128xf32, #tpu.memory_space<vmem_shared>> -> memref<80x128xf32, #tpu.memory_space<vmem_shared>>
        tpu.enqueue_dma source(%arg8 : memref<80x128xf32, #tpu.memory_space<vmem>>) target(%dma_start3A_98 : memref<80x128xf32, #tpu.memory_space<vmem_shared>>) target_semaphore(%run_scoped3A : memref<!tpu.dma_semaphore, #tpu.memory_space<semaphore_mem>>)
        %dma_wait3A_99 = arith.constant 0 : i32
        %dma_wait3A_100 = tpu.memref_slice %arg10[%mul3A_94, %dma_wait3A_99] : memref<10000x128xf32, #tpu.memory_space<vmem_shared>> -> memref<80x128xf32, #tpu.memory_space<vmem_shared>>
        %dma_wait3A_101 = arith.constant 0 : i32
        %dma_wait3A_102 = tpu.memref_slice %arg10[%mul3A_94, %dma_wait3A_101] : memref<10000x128xf32, #tpu.memory_space<vmem_shared>> -> memref<80x128xf32, #tpu.memory_space<vmem_shared>>
        tpu.wait_dma2 semaphore(%run_scoped3A : memref<!tpu.dma_semaphore, #tpu.memory_space<semaphore_mem>>) src(%arg8 : memref<80x128xf32, #tpu.memory_space<vmem>>) dst(%dma_wait3A_102 : memref<80x128xf32, #tpu.memory_space<vmem_shared>>)
        tpu.yield
      }) : () -> ()
    } else {
    }
    %add3A_45 = arith.constant 96 : i32
    %add3A_46 = arith.addi %arg1, %add3A_45 : i32
    %lt3A_47 = arith.constant 125 : i32
    %lt3A_48 = arith.cmpi slt, %add3A_46, %lt3A_47 : i32
    %convert_element_type3A_49 = arith.extui %lt3A_48 : i1 to i32
    %cond3A_50 = arith.constant 0 : i32
    %cond3A_51 = arith.cmpi ne, %convert_element_type3A_49, %cond3A_50 : i32
    scf.if %cond3A_51 {
      %mul3A_93 = arith.constant 80 : i32
      %mul3A_94 = arith.muli %add3A_46, %mul3A_93 : i32
      "tpu.region"() ({
        %run_scoped3A = tpu.sem_alloc : memref<!tpu.dma_semaphore, #tpu.memory_space<semaphore_mem>>
        %dma_start3A_95 = arith.constant 0 : i32
        %dma_start3A_96 = tpu.memref_slice %arg10[%mul3A_94, %dma_start3A_95] : memref<10000x128xf32, #tpu.memory_space<vmem_shared>> -> memref<80x128xf32, #tpu.memory_space<vmem_shared>>
        %dma_start3A_97 = arith.constant 0 : i32
        %dma_start3A_98 = tpu.memref_slice %arg10[%mul3A_94, %dma_start3A_97] : memref<10000x128xf32, #tpu.memory_space<vmem_shared>> -> memref<80x128xf32, #tpu.memory_space<vmem_shared>>
        tpu.enqueue_dma source(%arg8 : memref<80x128xf32, #tpu.memory_space<vmem>>) target(%dma_start3A_98 : memref<80x128xf32, #tpu.memory_space<vmem_shared>>) target_semaphore(%run_scoped3A : memref<!tpu.dma_semaphore, #tpu.memory_space<semaphore_mem>>)
        %dma_wait3A_99 = arith.constant 0 : i32
        %dma_wait3A_100 = tpu.memref_slice %arg10[%mul3A_94, %dma_wait3A_99] : memref<10000x128xf32, #tpu.memory_space<vmem_shared>> -> memref<80x128xf32, #tpu.memory_space<vmem_shared>>
        %dma_wait3A_101 = arith.constant 0 : i32
        %dma_wait3A_102 = tpu.memref_slice %arg10[%mul3A_94, %dma_wait3A_101] : memref<10000x128xf32, #tpu.memory_space<vmem_shared>> -> memref<80x128xf32, #tpu.memory_space<vmem_shared>>
        tpu.wait_dma2 semaphore(%run_scoped3A : memref<!tpu.dma_semaphore, #tpu.memory_space<semaphore_mem>>) src(%arg8 : memref<80x128xf32, #tpu.memory_space<vmem>>) dst(%dma_wait3A_102 : memref<80x128xf32, #tpu.memory_space<vmem_shared>>)
        tpu.yield
      }) : () -> ()
    } else {
    }
    %add3A_52 = arith.constant 112 : i32
    %add3A_53 = arith.addi %arg1, %add3A_52 : i32
    %lt3A_54 = arith.constant 125 : i32
    %lt3A_55 = arith.cmpi slt, %add3A_53, %lt3A_54 : i32
    %convert_element_type3A_56 = arith.extui %lt3A_55 : i1 to i32
    %cond3A_57 = arith.constant 0 : i32
    %cond3A_58 = arith.cmpi ne, %convert_element_type3A_56, %cond3A_57 : i32
    scf.if %cond3A_58 {
      %mul3A_93 = arith.constant 80 : i32
      %mul3A_94 = arith.muli %add3A_53, %mul3A_93 : i32
      "tpu.region"() ({
        %run_scoped3A = tpu.sem_alloc : memref<!tpu.dma_semaphore, #tpu.memory_space<semaphore_mem>>
        %dma_start3A_95 = arith.constant 0 : i32
        %dma_start3A_96 = tpu.memref_slice %arg10[%mul3A_94, %dma_start3A_95] : memref<10000x128xf32, #tpu.memory_space<vmem_shared>> -> memref<80x128xf32, #tpu.memory_space<vmem_shared>>
        %dma_start3A_97 = arith.constant 0 : i32
        %dma_start3A_98 = tpu.memref_slice %arg10[%mul3A_94, %dma_start3A_97] : memref<10000x128xf32, #tpu.memory_space<vmem_shared>> -> memref<80x128xf32, #tpu.memory_space<vmem_shared>>
        tpu.enqueue_dma source(%arg8 : memref<80x128xf32, #tpu.memory_space<vmem>>) target(%dma_start3A_98 : memref<80x128xf32, #tpu.memory_space<vmem_shared>>) target_semaphore(%run_scoped3A : memref<!tpu.dma_semaphore, #tpu.memory_space<semaphore_mem>>)
        %dma_wait3A_99 = arith.constant 0 : i32
        %dma_wait3A_100 = tpu.memref_slice %arg10[%mul3A_94, %dma_wait3A_99] : memref<10000x128xf32, #tpu.memory_space<vmem_shared>> -> memref<80x128xf32, #tpu.memory_space<vmem_shared>>
        %dma_wait3A_101 = arith.constant 0 : i32
        %dma_wait3A_102 = tpu.memref_slice %arg10[%mul3A_94, %dma_wait3A_101] : memref<10000x128xf32, #tpu.memory_space<vmem_shared>> -> memref<80x128xf32, #tpu.memory_space<vmem_shared>>
        tpu.wait_dma2 semaphore(%run_scoped3A : memref<!tpu.dma_semaphore, #tpu.memory_space<semaphore_mem>>) src(%arg8 : memref<80x128xf32, #tpu.memory_space<vmem>>) dst(%dma_wait3A_102 : memref<80x128xf32, #tpu.memory_space<vmem_shared>>)
        tpu.yield
      }) : () -> ()
    } else {
    }
    "tpu.region"() ({
      %run_scoped3A = tpu.sem_alloc : memref<!tpu.dma_semaphore, #tpu.memory_space<semaphore_mem>>
      %dma_start3A_93 = arith.constant 0 : i32
      %dma_start3A_94 = tpu.memref_slice %arg3[%add3A, %dma_start3A_93] : memref<32x10000xi32, #tpu.memory_space<hbm>> -> memref<1x10000xi32, #tpu.memory_space<hbm>>
      %dma_start3A_95 = tpu.memref_squeeze %dma_start3A_94 : memref<1x10000xi32, #tpu.memory_space<hbm>> -> memref<10000xi32, #tpu.memory_space<hbm>>
      %dma_start3A_96 = arith.constant 0 : i32
      %dma_start3A_97 = tpu.memref_slice %arg3[%add3A, %dma_start3A_96] : memref<32x10000xi32, #tpu.memory_space<hbm>> -> memref<1x10000xi32, #tpu.memory_space<hbm>>
      %dma_start3A_98 = tpu.memref_squeeze %dma_start3A_97 : memref<1x10000xi32, #tpu.memory_space<hbm>> -> memref<10000xi32, #tpu.memory_space<hbm>>
      tpu.enqueue_dma source(%dma_start3A_98 : memref<10000xi32, #tpu.memory_space<hbm>>) target(%arg6 : memref<10000xi32, #tpu.memory_space<vmem>>) target_semaphore(%run_scoped3A : memref<!tpu.dma_semaphore, #tpu.memory_space<semaphore_mem>>)
      %dma_wait3A_99 = arith.constant 0 : i32
      %dma_wait3A_100 = tpu.memref_slice %arg3[%add3A, %dma_wait3A_99] : memref<32x10000xi32, #tpu.memory_space<hbm>> -> memref<1x10000xi32, #tpu.memory_space<hbm>>
      %dma_wait3A_101 = tpu.memref_squeeze %dma_wait3A_100 : memref<1x10000xi32, #tpu.memory_space<hbm>> -> memref<10000xi32, #tpu.memory_space<hbm>>
      %dma_wait3A_102 = arith.constant 0 : i32
      %dma_wait3A_103 = tpu.memref_slice %arg3[%add3A, %dma_wait3A_102] : memref<32x10000xi32, #tpu.memory_space<hbm>> -> memref<1x10000xi32, #tpu.memory_space<hbm>>
      %dma_wait3A_104 = tpu.memref_squeeze %dma_wait3A_103 : memref<1x10000xi32, #tpu.memory_space<hbm>> -> memref<10000xi32, #tpu.memory_space<hbm>>
      tpu.wait_dma2 semaphore(%run_scoped3A : memref<!tpu.dma_semaphore, #tpu.memory_space<semaphore_mem>>) src(%dma_wait3A_104 : memref<10000xi32, #tpu.memory_space<hbm>>) dst(%arg6 : memref<10000xi32, #tpu.memory_space<vmem>>)
      tpu.yield
    }) : () -> ()
    "tpu.region"() ({
      %run_scoped3A = tpu.sem_alloc : memref<!tpu.dma_semaphore, #tpu.memory_space<semaphore_mem>>
      %dma_start3A_93 = arith.constant 0 : i32
      %dma_start3A_94 = arith.constant 0 : i32
      %dma_start3A_95 = tpu.memref_slice %arg4[%add3A, %dma_start3A_93, %dma_start3A_94] : memref<32x125x80xi32, #tpu.memory_space<hbm>> -> memref<1x125x80xi32, #tpu.memory_space<hbm>>
      %dma_start3A_96 = tpu.memref_squeeze %dma_start3A_95 : memref<1x125x80xi32, #tpu.memory_space<hbm>> -> memref<125x80xi32, #tpu.memory_space<hbm>>
      %dma_start3A_97 = arith.constant 0 : i32
      %dma_start3A_98 = arith.constant 0 : i32
      %dma_start3A_99 = tpu.memref_slice %arg4[%add3A, %dma_start3A_97, %dma_start3A_98] : memref<32x125x80xi32, #tpu.memory_space<hbm>> -> memref<1x125x80xi32, #tpu.memory_space<hbm>>
      %dma_start3A_100 = tpu.memref_squeeze %dma_start3A_99 : memref<1x125x80xi32, #tpu.memory_space<hbm>> -> memref<125x80xi32, #tpu.memory_space<hbm>>
      tpu.enqueue_dma source(%dma_start3A_100 : memref<125x80xi32, #tpu.memory_space<hbm>>) target(%arg7 : memref<125x80xi32, #tpu.memory_space<vmem>>) target_semaphore(%run_scoped3A : memref<!tpu.dma_semaphore, #tpu.memory_space<semaphore_mem>>)
      %dma_wait3A_101 = arith.constant 0 : i32
      %dma_wait3A_102 = arith.constant 0 : i32
      %dma_wait3A_103 = tpu.memref_slice %arg4[%add3A, %dma_wait3A_101, %dma_wait3A_102] : memref<32x125x80xi32, #tpu.memory_space<hbm>> -> memref<1x125x80xi32, #tpu.memory_space<hbm>>
      %dma_wait3A_104 = tpu.memref_squeeze %dma_wait3A_103 : memref<1x125x80xi32, #tpu.memory_space<hbm>> -> memref<125x80xi32, #tpu.memory_space<hbm>>
      %dma_wait3A_105 = arith.constant 0 : i32
      %dma_wait3A_106 = arith.constant 0 : i32
      %dma_wait3A_107 = tpu.memref_slice %arg4[%add3A, %dma_wait3A_105, %dma_wait3A_106] : memref<32x125x80xi32, #tpu.memory_space<hbm>> -> memref<1x125x80xi32, #tpu.memory_space<hbm>>
      %dma_wait3A_108 = tpu.memref_squeeze %dma_wait3A_107 : memref<1x125x80xi32, #tpu.memory_space<hbm>> -> memref<125x80xi32, #tpu.memory_space<hbm>>
      tpu.wait_dma2 semaphore(%run_scoped3A : memref<!tpu.dma_semaphore, #tpu.memory_space<semaphore_mem>>) src(%dma_wait3A_108 : memref<125x80xi32, #tpu.memory_space<hbm>>) dst(%arg7 : memref<125x80xi32, #tpu.memory_space<vmem>>)
      tpu.yield
    }) : () -> ()
    %barrier3A = arith.constant 0 : index
    tpu.barrier barrier_id(%barrier3A)
    %dma_start3A = arith.constant 0 : i32
    %dma_start3A_59 = tpu.memref_slice %arg6[%dma_start3A] : memref<10000xi32, #tpu.memory_space<vmem>> -> memref<80xi32, #tpu.memory_space<vmem>>
    %dma_start3A_60 = arith.constant 0 : i32
    %dma_start3A_61 = arith.constant 0 : i32
    %dma_start3A_62 = tpu.memref_slice %arg2[%dma_start3A_60, %dma_start3A_61] : memref<10000x128xf32, #tpu.memory_space<hbm>> -> memref<10000x128xf32, #tpu.memory_space<hbm>>
    tpu.enqueue_indirect_dma source(%dma_start3A_62 : memref<10000x128xf32, #tpu.memory_space<hbm>>) target(%arg8 : memref<80x128xf32, #tpu.memory_space<vmem>>) offsets(%dma_start3A_59 : memref<80xi32, #tpu.memory_space<vmem>>) semaphore(%arg11 : memref<!tpu.dma_semaphore, #tpu.memory_space<semaphore_mem>>)
    %dma_start3A_63 = arith.constant 80 : i32
    %dma_start3A_64 = tpu.memref_slice %arg6[%dma_start3A_63] : memref<10000xi32, #tpu.memory_space<vmem>> -> memref<80xi32, #tpu.memory_space<vmem>>
    %dma_start3A_65 = arith.constant 0 : i32
    %dma_start3A_66 = arith.constant 0 : i32
    %dma_start3A_67 = tpu.memref_slice %arg2[%dma_start3A_65, %dma_start3A_66] : memref<10000x128xf32, #tpu.memory_space<hbm>> -> memref<10000x128xf32, #tpu.memory_space<hbm>>
    tpu.enqueue_indirect_dma source(%dma_start3A_67 : memref<10000x128xf32, #tpu.memory_space<hbm>>) target(%arg9 : memref<80x128xf32, #tpu.memory_space<vmem>>) offsets(%dma_start3A_64 : memref<80xi32, #tpu.memory_space<vmem>>) semaphore(%arg12 : memref<!tpu.dma_semaphore, #tpu.memory_space<semaphore_mem>>)
    %scan3A_68 = arith.constant 0 : i32
    %scan3A_69 = arith.constant 0 : i32
    %scan3A_70 = arith.constant 63 : i32
    %scan3A_71 = arith.addi %scan3A_69, %scan3A_70 : i32
    %scan3A_72 = arith.constant 1 : i32
    scf.for %scan3A_93 = %scan3A_69 to %scan3A_71 step %scan3A_72  : i32 {
      %mul3A_94 = arith.constant 2 : i32
      %mul3A_95 = arith.muli %mul3A_94, %scan3A_93 : i32
      %mul3A_96 = arith.constant 80 : i32
      %mul3A_97 = arith.muli %mul3A_95, %mul3A_96 : i32
      %dma_wait3A_98 = tpu.memref_slice %arg6[%mul3A_97] : memref<10000xi32, #tpu.memory_space<vmem>> -> memref<80xi32, #tpu.memory_space<vmem>>
      %dma_wait3A_99 = arith.constant 0 : i32
      %dma_wait3A_100 = arith.constant 0 : i32
      %dma_wait3A_101 = tpu.memref_slice %arg2[%dma_wait3A_99, %dma_wait3A_100] : memref<10000x128xf32, #tpu.memory_space<hbm>> -> memref<10000x128xf32, #tpu.memory_space<hbm>>
      tpu.wait_indirect_dma semaphore(%arg11 : memref<!tpu.dma_semaphore, #tpu.memory_space<semaphore_mem>>) src(%dma_wait3A_101 : memref<10000x128xf32, #tpu.memory_space<hbm>>) dst(%arg8 : memref<80x128xf32, #tpu.memory_space<vmem>>)
      %dma_start3A_102 = arith.constant 0 : i32
      %dma_start3A_103 = tpu.memref_slice %arg7[%mul3A_95, %dma_start3A_102] : memref<125x80xi32, #tpu.memory_space<vmem>> -> memref<1x80xi32, #tpu.memory_space<vmem>>
      %dma_start3A_104 = tpu.memref_squeeze %dma_start3A_103 : memref<1x80xi32, #tpu.memory_space<vmem>> -> memref<80xi32, #tpu.memory_space<vmem>>
      %dma_start3A_105 = arith.constant 0 : i32
      %dma_start3A_106 = arith.constant 0 : i32
      %dma_start3A_107 = tpu.memref_slice %arg10[%dma_start3A_105, %dma_start3A_106] : memref<10000x128xf32, #tpu.memory_space<vmem_shared>> -> memref<10000x128xf32, #tpu.memory_space<vmem_shared>>
      tpu.enqueue_indirect_dma source(%arg8 : memref<80x128xf32, #tpu.memory_space<vmem>>) target(%dma_start3A_107 : memref<10000x128xf32, #tpu.memory_space<vmem_shared>>) offsets(%dma_start3A_104 : memref<80xi32, #tpu.memory_space<vmem>>) semaphore(%arg13 : memref<!tpu.dma_semaphore, #tpu.memory_space<semaphore_mem>>) {add = true}
      %add3A_108 = arith.constant 1 : i32
      %add3A_109 = arith.addi %mul3A_95, %add3A_108 : i32
      %lt3A_110 = arith.constant 125 : i32
      %lt3A_111 = arith.cmpi slt, %add3A_109, %lt3A_110 : i32
      %convert_element_type3A_112 = arith.extui %lt3A_111 : i1 to i32
      %cond3A_113 = arith.constant 0 : i32
      %cond3A_114 = arith.cmpi ne, %convert_element_type3A_112, %cond3A_113 : i32
      scf.if %cond3A_114 {
        %add3A_129 = arith.constant 1 : i32
        %add3A_130 = arith.addi %mul3A_95, %add3A_129 : i32
        %mul3A_131 = arith.constant 80 : i32
        %mul3A_132 = arith.muli %add3A_130, %mul3A_131 : i32
        %dma_wait3A_133 = tpu.memref_slice %arg6[%mul3A_132] : memref<10000xi32, #tpu.memory_space<vmem>> -> memref<80xi32, #tpu.memory_space<vmem>>
        %dma_wait3A_134 = arith.constant 0 : i32
        %dma_wait3A_135 = arith.constant 0 : i32
        %dma_wait3A_136 = tpu.memref_slice %arg2[%dma_wait3A_134, %dma_wait3A_135] : memref<10000x128xf32, #tpu.memory_space<hbm>> -> memref<10000x128xf32, #tpu.memory_space<hbm>>
        tpu.wait_indirect_dma semaphore(%arg12 : memref<!tpu.dma_semaphore, #tpu.memory_space<semaphore_mem>>) src(%dma_wait3A_136 : memref<10000x128xf32, #tpu.memory_space<hbm>>) dst(%arg9 : memref<80x128xf32, #tpu.memory_space<vmem>>)
        %add3A_137 = arith.constant 1 : i32
        %add3A_138 = arith.addi %mul3A_95, %add3A_137 : i32
        %dma_start3A_139 = arith.constant 0 : i32
        %dma_start3A_140 = tpu.memref_slice %arg7[%add3A_138, %dma_start3A_139] : memref<125x80xi32, #tpu.memory_space<vmem>> -> memref<1x80xi32, #tpu.memory_space<vmem>>
        %dma_start3A_141 = tpu.memref_squeeze %dma_start3A_140 : memref<1x80xi32, #tpu.memory_space<vmem>> -> memref<80xi32, #tpu.memory_space<vmem>>
        %dma_start3A_142 = arith.constant 0 : i32
        %dma_start3A_143 = arith.constant 0 : i32
        %dma_start3A_144 = tpu.memref_slice %arg10[%dma_start3A_142, %dma_start3A_143] : memref<10000x128xf32, #tpu.memory_space<vmem_shared>> -> memref<10000x128xf32, #tpu.memory_space<vmem_shared>>
        tpu.enqueue_indirect_dma source(%arg9 : memref<80x128xf32, #tpu.memory_space<vmem>>) target(%dma_start3A_144 : memref<10000x128xf32, #tpu.memory_space<vmem_shared>>) offsets(%dma_start3A_141 : memref<80xi32, #tpu.memory_space<vmem>>) semaphore(%arg14 : memref<!tpu.dma_semaphore, #tpu.memory_space<semaphore_mem>>) {add = true}
      } else {
      }
      %add3A_115 = arith.constant 2 : i32
      %add3A_116 = arith.addi %mul3A_95, %add3A_115 : i32
      %lt3A_117 = arith.constant 125 : i32
      %lt3A_118 = arith.cmpi slt, %add3A_116, %lt3A_117 : i32
      %convert_element_type3A_119 = arith.extui %lt3A_118 : i1 to i32
      %cond3A_120 = arith.constant 0 : i32
      %cond3A_121 = arith.cmpi ne, %convert_element_type3A_119, %cond3A_120 : i32
      scf.if %cond3A_121 {
        %dma_wait3A_129 = arith.constant 0 : i32
        %dma_wait3A_130 = tpu.memref_slice %arg7[%mul3A_95, %dma_wait3A_129] : memref<125x80xi32, #tpu.memory_space<vmem>> -> memref<1x80xi32, #tpu.memory_space<vmem>>
        %dma_wait3A_131 = tpu.memref_squeeze %dma_wait3A_130 : memref<1x80xi32, #tpu.memory_space<vmem>> -> memref<80xi32, #tpu.memory_space<vmem>>
        %dma_wait3A_132 = arith.constant 0 : i32
        %dma_wait3A_133 = arith.constant 0 : i32
        %dma_wait3A_134 = tpu.memref_slice %arg10[%dma_wait3A_132, %dma_wait3A_133] : memref<10000x128xf32, #tpu.memory_space<vmem_shared>> -> memref<10000x128xf32, #tpu.memory_space<vmem_shared>>
        tpu.wait_indirect_dma semaphore(%arg13 : memref<!tpu.dma_semaphore, #tpu.memory_space<semaphore_mem>>) src(%arg8 : memref<80x128xf32, #tpu.memory_space<vmem>>) dst(%dma_wait3A_134 : memref<10000x128xf32, #tpu.memory_space<vmem_shared>>)
        %add3A_135 = arith.constant 2 : i32
        %add3A_136 = arith.addi %mul3A_95, %add3A_135 : i32
        %mul3A_137 = arith.constant 80 : i32
        %mul3A_138 = arith.muli %add3A_136, %mul3A_137 : i32
        %dma_start3A_139 = tpu.memref_slice %arg6[%mul3A_138] : memref<10000xi32, #tpu.memory_space<vmem>> -> memref<80xi32, #tpu.memory_space<vmem>>
        %dma_start3A_140 = arith.constant 0 : i32
        %dma_start3A_141 = arith.constant 0 : i32
        %dma_start3A_142 = tpu.memref_slice %arg2[%dma_start3A_140, %dma_start3A_141] : memref<10000x128xf32, #tpu.memory_space<hbm>> -> memref<10000x128xf32, #tpu.memory_space<hbm>>
        tpu.enqueue_indirect_dma source(%dma_start3A_142 : memref<10000x128xf32, #tpu.memory_space<hbm>>) target(%arg8 : memref<80x128xf32, #tpu.memory_space<vmem>>) offsets(%dma_start3A_139 : memref<80xi32, #tpu.memory_space<vmem>>) semaphore(%arg11 : memref<!tpu.dma_semaphore, #tpu.memory_space<semaphore_mem>>)
      } else {
      }
      %add3A_122 = arith.constant 3 : i32
      %add3A_123 = arith.addi %mul3A_95, %add3A_122 : i32
      %lt3A_124 = arith.constant 125 : i32
      %lt3A_125 = arith.cmpi slt, %add3A_123, %lt3A_124 : i32
      %convert_element_type3A_126 = arith.extui %lt3A_125 : i1 to i32
      %cond3A_127 = arith.constant 0 : i32
      %cond3A_128 = arith.cmpi ne, %convert_element_type3A_126, %cond3A_127 : i32
      scf.if %cond3A_128 {
        %add3A_129 = arith.constant 1 : i32
        %add3A_130 = arith.addi %mul3A_95, %add3A_129 : i32
        %dma_wait3A_131 = arith.constant 0 : i32
        %dma_wait3A_132 = tpu.memref_slice %arg7[%add3A_130, %dma_wait3A_131] : memref<125x80xi32, #tpu.memory_space<vmem>> -> memref<1x80xi32, #tpu.memory_space<vmem>>
        %dma_wait3A_133 = tpu.memref_squeeze %dma_wait3A_132 : memref<1x80xi32, #tpu.memory_space<vmem>> -> memref<80xi32, #tpu.memory_space<vmem>>
        %dma_wait3A_134 = arith.constant 0 : i32
        %dma_wait3A_135 = arith.constant 0 : i32
        %dma_wait3A_136 = tpu.memref_slice %arg10[%dma_wait3A_134, %dma_wait3A_135] : memref<10000x128xf32, #tpu.memory_space<vmem_shared>> -> memref<10000x128xf32, #tpu.memory_space<vmem_shared>>
        tpu.wait_indirect_dma semaphore(%arg14 : memref<!tpu.dma_semaphore, #tpu.memory_space<semaphore_mem>>) src(%arg9 : memref<80x128xf32, #tpu.memory_space<vmem>>) dst(%dma_wait3A_136 : memref<10000x128xf32, #tpu.memory_space<vmem_shared>>)
        %add3A_137 = arith.constant 3 : i32
        %add3A_138 = arith.addi %mul3A_95, %add3A_137 : i32
        %mul3A_139 = arith.constant 80 : i32
        %mul3A_140 = arith.muli %add3A_138, %mul3A_139 : i32
        %dma_start3A_141 = tpu.memref_slice %arg6[%mul3A_140] : memref<10000xi32, #tpu.memory_space<vmem>> -> memref<80xi32, #tpu.memory_space<vmem>>
        %dma_start3A_142 = arith.constant 0 : i32
        %dma_start3A_143 = arith.constant 0 : i32
        %dma_start3A_144 = tpu.memref_slice %arg2[%dma_start3A_142, %dma_start3A_143] : memref<10000x128xf32, #tpu.memory_space<hbm>> -> memref<10000x128xf32, #tpu.memory_space<hbm>>
        tpu.enqueue_indirect_dma source(%dma_start3A_144 : memref<10000x128xf32, #tpu.memory_space<hbm>>) target(%arg9 : memref<80x128xf32, #tpu.memory_space<vmem>>) offsets(%dma_start3A_141 : memref<80xi32, #tpu.memory_space<vmem>>) semaphore(%arg12 : memref<!tpu.dma_semaphore, #tpu.memory_space<semaphore_mem>>)
      } else {
      }
    }
    %scan3A_73 = arith.constant 63 : i32
    %dma_wait3A = arith.constant 124 : i32
    %dma_wait3A_74 = arith.constant 0 : i32
    %dma_wait3A_75 = tpu.memref_slice %arg7[%dma_wait3A, %dma_wait3A_74] : memref<125x80xi32, #tpu.memory_space<vmem>> -> memref<1x80xi32, #tpu.memory_space<vmem>>
    %dma_wait3A_76 = tpu.memref_squeeze %dma_wait3A_75 : memref<1x80xi32, #tpu.memory_space<vmem>> -> memref<80xi32, #tpu.memory_space<vmem>>
    %dma_wait3A_77 = arith.constant 0 : i32
    %dma_wait3A_78 = arith.constant 0 : i32
    %dma_wait3A_79 = tpu.memref_slice %arg10[%dma_wait3A_77, %dma_wait3A_78] : memref<10000x128xf32, #tpu.memory_space<vmem_shared>> -> memref<10000x128xf32, #tpu.memory_space<vmem_shared>>
    tpu.wait_indirect_dma semaphore(%arg13 : memref<!tpu.dma_semaphore, #tpu.memory_space<semaphore_mem>>) src(%arg8 : memref<80x128xf32, #tpu.memory_space<vmem>>) dst(%dma_wait3A_79 : memref<10000x128xf32, #tpu.memory_space<vmem_shared>>)
    %dma_wait3A_80 = arith.constant 123 : i32
    %dma_wait3A_81 = arith.constant 0 : i32
    %dma_wait3A_82 = tpu.memref_slice %arg7[%dma_wait3A_80, %dma_wait3A_81] : memref<125x80xi32, #tpu.memory_space<vmem>> -> memref<1x80xi32, #tpu.memory_space<vmem>>
    %dma_wait3A_83 = tpu.memref_squeeze %dma_wait3A_82 : memref<1x80xi32, #tpu.memory_space<vmem>> -> memref<80xi32, #tpu.memory_space<vmem>>
    %dma_wait3A_84 = arith.constant 0 : i32
    %dma_wait3A_85 = arith.constant 0 : i32
    %dma_wait3A_86 = tpu.memref_slice %arg10[%dma_wait3A_84, %dma_wait3A_85] : memref<10000x128xf32, #tpu.memory_space<vmem_shared>> -> memref<10000x128xf32, #tpu.memory_space<vmem_shared>>
    tpu.wait_indirect_dma semaphore(%arg14 : memref<!tpu.dma_semaphore, #tpu.memory_space<semaphore_mem>>) src(%arg9 : memref<80x128xf32, #tpu.memory_space<vmem>>) dst(%dma_wait3A_86 : memref<10000x128xf32, #tpu.memory_space<vmem_shared>>)
    %barrier3A_87 = arith.constant 0 : index
    tpu.barrier barrier_id(%barrier3A_87)
    %lt3A_88 = arith.constant 10 : i32
    %lt3A_89 = arith.cmpi slt, %arg1, %lt3A_88 : i32
    %convert_element_type3A_90 = arith.extui %lt3A_89 : i1 to i32
    %cond3A_91 = arith.constant 0 : i32
    %cond3A_92 = arith.cmpi ne, %convert_element_type3A_90, %cond3A_91 : i32
    scf.if %cond3A_92 {
      %mul3A_93 = arith.constant 1000 : i32
      %mul3A_94 = arith.muli %arg1, %mul3A_93 : i32
      %mul3A_95 = arith.constant 10000 : i32
      %mul3A_96 = arith.muli %arg0, %mul3A_95 : i32
      %mul3A_97 = arith.constant 1000 : i32
      %mul3A_98 = arith.muli %arg1, %mul3A_97 : i32
      %add3A_99 = arith.addi %mul3A_96, %mul3A_98 : i32
      "tpu.region"() ({
        %run_scoped3A = tpu.sem_alloc : memref<!tpu.dma_semaphore, #tpu.memory_space<semaphore_mem>>
        %dma_start3A_100 = arith.constant 0 : i32
        %dma_start3A_101 = tpu.memref_slice %arg5[%add3A_99, %dma_start3A_100] : memref<20000x128xf32, #tpu.memory_space<hbm>> -> memref<1000x128xf32, #tpu.memory_space<hbm>>
        %dma_start3A_102 = arith.constant 0 : i32
        %dma_start3A_103 = tpu.memref_slice %arg10[%mul3A_94, %dma_start3A_102] : memref<10000x128xf32, #tpu.memory_space<vmem_shared>> -> memref<1000x128xf32, #tpu.memory_space<vmem_shared>>
        tpu.enqueue_dma source(%dma_start3A_103 : memref<1000x128xf32, #tpu.memory_space<vmem_shared>>) target(%dma_start3A_101 : memref<1000x128xf32, #tpu.memory_space<hbm>>) target_semaphore(%run_scoped3A : memref<!tpu.dma_semaphore, #tpu.memory_space<semaphore_mem>>)
        %dma_wait3A_104 = arith.constant 0 : i32
        %dma_wait3A_105 = tpu.memref_slice %arg5[%add3A_99, %dma_wait3A_104] : memref<20000x128xf32, #tpu.memory_space<hbm>> -> memref<1000x128xf32, #tpu.memory_space<hbm>>
        %dma_wait3A_106 = arith.constant 0 : i32
        %dma_wait3A_107 = tpu.memref_slice %arg10[%mul3A_94, %dma_wait3A_106] : memref<10000x128xf32, #tpu.memory_space<vmem_shared>> -> memref<1000x128xf32, #tpu.memory_space<vmem_shared>>
        tpu.wait_dma2 semaphore(%run_scoped3A : memref<!tpu.dma_semaphore, #tpu.memory_space<semaphore_mem>>) src(%dma_wait3A_107 : memref<1000x128xf32, #tpu.memory_space<vmem_shared>>) dst(%dma_wait3A_105 : memref<1000x128xf32, #tpu.memory_space<hbm>>)
        tpu.yield
      }) : () -> ()
    } else {
    }
    return
  }
}

#map = affine_map<(d0, d1) -> (0, 0)>
#map1 = affine_map<(d0, d1) -> (0, 0, 0)>
module attributes {stable_mosaic.version = 14 : i64} {
  func.func @_agg_kernel(%arg0: i32, %arg1: i32, %arg2: memref<10000x128xf32, #tpu.memory_space<hbm>>, %arg3: memref<32x10000xi32, #tpu.memory_space<hbm>>, %arg4: memref<32x125x80xi32, #tpu.memory_space<hbm>>, %arg5: memref<20000x128xf32, #tpu.memory_space<hbm>>, %arg6: memref<10000xi32, #tpu.memory_space<vmem>>, %arg7: memref<125x80xi32, #tpu.memory_space<vmem>>, %arg8: memref<80x128xf32, #tpu.memory_space<vmem>>, %arg9: memref<80x128xf32, #tpu.memory_space<vmem>>, %arg10: memref<10000x128xf32, #tpu.memory_space<vmem_shared>>, %arg11: memref<!tpu.dma_semaphore, #tpu.memory_space<semaphore_mem>>, %arg12: memref<!tpu.dma_semaphore, #tpu.memory_space<semaphore_mem>>, %arg13: memref<!tpu.dma_semaphore, #tpu.memory_space<semaphore_mem>>, %arg14: memref<!tpu.dma_semaphore, #tpu.memory_space<semaphore_mem>>) attributes {dimension_semantics = [#tpu.dimension_semantics<core_parallel>, #tpu.dimension_semantics<subcore_parallel>], iteration_bounds = array<i64: 2, 16>, scalar_prefetch = 0 : i64, scratch_operands = 9 : i64, tpu.core_type = #tpu.core_type<sc_vector_subcore>, window_params = [{transform_indices = #map}, {transform_indices = #map}, {transform_indices = #map1}, {transform_indices = #map}]} {
    %mul3A = arith.constant 2 : i32
    %mul3A_0 = arith.muli %arg1, %mul3A : i32
    %add3A = arith.addi %mul3A_0, %arg0 : i32
    %scan3A = arith.constant 0 : i32
    %scan3A_1 = arith.constant 0 : i32
    %scan3A_2 = arith.constant 80 : i32
    %scan3A_3 = arith.addi %scan3A_1, %scan3A_2 : i32
    %scan3A_4 = arith.constant 1 : i32
    scf.for %scan3A_93 = %scan3A_1 to %scan3A_3 step %scan3A_4  : i32 {
      %broadcast_in_dim3A = arith.constant 0.000000e+00 : f32
      %broadcast_in_dim3A_94 = vector.broadcast %broadcast_in_dim3A : f32 to vector<16xf32>
      %swap3A = arith.index_cast %scan3A_93 : i32 to index
      %swap3A_95 = arith.constant 0 : index
      %swap3A_96 = tpu.vector_load %arg8[%swap3A, %swap3A_95] {strides = array<i32>} : memref<80x128xf32, #tpu.memory_space<vmem>>, vector<1x16xf32>,
      %swap3A_97 = vector.shape_cast %swap3A_96 : vector<1x16xf32> to vector<16xf32>
      %swap3A_98 = vector.shape_cast %broadcast_in_dim3A_94 : vector<16xf32> to vector<1x16xf32>
      tpu.vector_store %arg8[%swap3A, %swap3A_95], %swap3A_98 {strides = array<i32>} : memref<80x128xf32, #tpu.memory_space<vmem>>, vector<1x16xf32>,
      %broadcast_in_dim3A_99 = arith.constant 0.000000e+00 : f32
      %broadcast_in_dim3A_100 = vector.broadcast %broadcast_in_dim3A_99 : f32 to vector<16xf32>
      %swap3A_101 = arith.index_cast %scan3A_93 : i32 to index
      %swap3A_102 = arith.constant 16 : index
      %swap3A_103 = tpu.vector_load %arg8[%swap3A_101, %swap3A_102] {strides = array<i32>} : memref<80x128xf32, #tpu.memory_space<vmem>>, vector<1x16xf32>,
      %swap3A_104 = vector.shape_cast %swap3A_103 : vector<1x16xf32> to vector<16xf32>
      %swap3A_105 = vector.shape_cast %broadcast_in_dim3A_100 : vector<16xf32> to vector<1x16xf32>
      tpu.vector_store %arg8[%swap3A_101, %swap3A_102], %swap3A_105 {strides = array<i32>} : memref<80x128xf32, #tpu.memory_space<vmem>>, vector<1x16xf32>,
      %broadcast_in_dim3A_106 = arith.constant 0.000000e+00 : f32
      %broadcast_in_dim3A_107 = vector.broadcast %broadcast_in_dim3A_106 : f32 to vector<16xf32>
      %swap3A_108 = arith.index_cast %scan3A_93 : i32 to index
      %swap3A_109 = arith.constant 32 : index
      %swap3A_110 = tpu.vector_load %arg8[%swap3A_108, %swap3A_109] {strides = array<i32>} : memref<80x128xf32, #tpu.memory_space<vmem>>, vector<1x16xf32>,
      %swap3A_111 = vector.shape_cast %swap3A_110 : vector<1x16xf32> to vector<16xf32>
      %swap3A_112 = vector.shape_cast %broadcast_in_dim3A_107 : vector<16xf32> to vector<1x16xf32>
      tpu.vector_store %arg8[%swap3A_108, %swap3A_109], %swap3A_112 {strides = array<i32>} : memref<80x128xf32, #tpu.memory_space<vmem>>, vector<1x16xf32>,
      %broadcast_in_dim3A_113 = arith.constant 0.000000e+00 : f32
      %broadcast_in_dim3A_114 = vector.broadcast %broadcast_in_dim3A_113 : f32 to vector<16xf32>
      %swap3A_115 = arith.index_cast %scan3A_93 : i32 to index
      %swap3A_116 = arith.constant 48 : index
      %swap3A_117 = tpu.vector_load %arg8[%swap3A_115, %swap3A_116] {strides = array<i32>} : memref<80x128xf32, #tpu.memory_space<vmem>>, vector<1x16xf32>,
      %swap3A_118 = vector.shape_cast %swap3A_117 : vector<1x16xf32> to vector<16xf32>
      %swap3A_119 = vector.shape_cast %broadcast_in_dim3A_114 : vector<16xf32> to vector<1x16xf32>
      tpu.vector_store %arg8[%swap3A_115, %swap3A_116], %swap3A_119 {strides = array<i32>} : memref<80x128xf32, #tpu.memory_space<vmem>>, vector<1x16xf32>,
      %broadcast_in_dim3A_120 = arith.constant 0.000000e+00 : f32
      %broadcast_in_dim3A_121 = vector.broadcast %broadcast_in_dim3A_120 : f32 to vector<16xf32>
      %swap3A_122 = arith.index_cast %scan3A_93 : i32 to index
      %swap3A_123 = arith.constant 64 : index
      %swap3A_124 = tpu.vector_load %arg8[%swap3A_122, %swap3A_123] {strides = array<i32>} : memref<80x128xf32, #tpu.memory_space<vmem>>, vector<1x16xf32>,
      %swap3A_125 = vector.shape_cast %swap3A_124 : vector<1x16xf32> to vector<16xf32>
      %swap3A_126 = vector.shape_cast %broadcast_in_dim3A_121 : vector<16xf32> to vector<1x16xf32>
      tpu.vector_store %arg8[%swap3A_122, %swap3A_123], %swap3A_126 {strides = array<i32>} : memref<80x128xf32, #tpu.memory_space<vmem>>, vector<1x16xf32>,
      %broadcast_in_dim3A_127 = arith.constant 0.000000e+00 : f32
      %broadcast_in_dim3A_128 = vector.broadcast %broadcast_in_dim3A_127 : f32 to vector<16xf32>
      %swap3A_129 = arith.index_cast %scan3A_93 : i32 to index
      %swap3A_130 = arith.constant 80 : index
      %swap3A_131 = tpu.vector_load %arg8[%swap3A_129, %swap3A_130] {strides = array<i32>} : memref<80x128xf32, #tpu.memory_space<vmem>>, vector<1x16xf32>,
      %swap3A_132 = vector.shape_cast %swap3A_131 : vector<1x16xf32> to vector<16xf32>
      %swap3A_133 = vector.shape_cast %broadcast_in_dim3A_128 : vector<16xf32> to vector<1x16xf32>
      tpu.vector_store %arg8[%swap3A_129, %swap3A_130], %swap3A_133 {strides = array<i32>} : memref<80x128xf32, #tpu.memory_space<vmem>>, vector<1x16xf32>,
      %broadcast_in_dim3A_134 = arith.constant 0.000000e+00 : f32
      %broadcast_in_dim3A_135 = vector.broadcast %broadcast_in_dim3A_134 : f32 to vector<16xf32>
      %swap3A_136 = arith.index_cast %scan3A_93 : i32 to index
      %swap3A_137 = arith.constant 96 : index
      %swap3A_138 = tpu.vector_load %arg8[%swap3A_136, %swap3A_137] {strides = array<i32>} : memref<80x128xf32, #tpu.memory_space<vmem>>, vector<1x16xf32>,
      %swap3A_139 = vector.shape_cast %swap3A_138 : vector<1x16xf32> to vector<16xf32>
      %swap3A_140 = vector.shape_cast %broadcast_in_dim3A_135 : vector<16xf32> to vector<1x16xf32>
      tpu.vector_store %arg8[%swap3A_136, %swap3A_137], %swap3A_140 {strides = array<i32>} : memref<80x128xf32, #tpu.memory_space<vmem>>, vector<1x16xf32>,
      %broadcast_in_dim3A_141 = arith.constant 0.000000e+00 : f32
      %broadcast_in_dim3A_142 = vector.broadcast %broadcast_in_dim3A_141 : f32 to vector<16xf32>
      %swap3A_143 = arith.index_cast %scan3A_93 : i32 to index
      %swap3A_144 = arith.constant 112 : index
      %swap3A_145 = tpu.vector_load %arg8[%swap3A_143, %swap3A_144] {strides = array<i32>} : memref<80x128xf32, #tpu.memory_space<vmem>>, vector<1x16xf32>,
      %swap3A_146 = vector.shape_cast %swap3A_145 : vector<1x16xf32> to vector<16xf32>
      %swap3A_147 = vector.shape_cast %broadcast_in_dim3A_142 : vector<16xf32> to vector<1x16xf32>
      tpu.vector_store %arg8[%swap3A_143, %swap3A_144], %swap3A_147 {strides = array<i32>} : memref<80x128xf32, #tpu.memory_space<vmem>>, vector<1x16xf32>,
    }
    %scan3A_5 = arith.constant 80 : i32
    %add3A_6 = arith.constant 0 : i32
    %add3A_7 = arith.addi %arg1, %add3A_6 : i32
    %lt3A = arith.constant 125 : i32
    %lt3A_8 = arith.cmpi slt, %add3A_7, %lt3A : i32
    %convert_element_type3A = arith.extui %lt3A_8 : i1 to i32
    %cond3A = arith.constant 0 : i32
    %cond3A_9 = arith.cmpi ne, %convert_element_type3A, %cond3A : i32
    scf.if %cond3A_9 {
      %mul3A_93 = arith.constant 80 : i32
      %mul3A_94 = arith.muli %add3A_7, %mul3A_93 : i32
      "tpu.region"() ({
        %run_scoped3A = tpu.sem_alloc : memref<!tpu.dma_semaphore, #tpu.memory_space<semaphore_mem>>
        %dma_start3A_95 = arith.constant 0 : i32
        %dma_start3A_96 = tpu.memref_slice %arg10[%mul3A_94, %dma_start3A_95] : memref<10000x128xf32, #tpu.memory_space<vmem_shared>> -> memref<80x128xf32, #tpu.memory_space<vmem_shared>>
        %dma_start3A_97 = arith.constant 0 : i32
        %dma_start3A_98 = tpu.memref_slice %arg10[%mul3A_94, %dma_start3A_97] : memref<10000x128xf32, #tpu.memory_space<vmem_shared>> -> memref<80x128xf32, #tpu.memory_space<vmem_shared>>
        tpu.enqueue_dma source(%arg8 : memref<80x128xf32, #tpu.memory_space<vmem>>) target(%dma_start3A_98 : memref<80x128xf32, #tpu.memory_space<vmem_shared>>) target_semaphore(%run_scoped3A : memref<!tpu.dma_semaphore, #tpu.memory_space<semaphore_mem>>)
        %dma_wait3A_99 = arith.constant 0 : i32
        %dma_wait3A_100 = tpu.memref_slice %arg10[%mul3A_94, %dma_wait3A_99] : memref<10000x128xf32, #tpu.memory_space<vmem_shared>> -> memref<80x128xf32, #tpu.memory_space<vmem_shared>>
        %dma_wait3A_101 = arith.constant 0 : i32
        %dma_wait3A_102 = tpu.memref_slice %arg10[%mul3A_94, %dma_wait3A_101] : memref<10000x128xf32, #tpu.memory_space<vmem_shared>> -> memref<80x128xf32, #tpu.memory_space<vmem_shared>>
        tpu.wait_dma2 semaphore(%run_scoped3A : memref<!tpu.dma_semaphore, #tpu.memory_space<semaphore_mem>>) src(%arg8 : memref<80x128xf32, #tpu.memory_space<vmem>>) dst(%dma_wait3A_102 : memref<80x128xf32, #tpu.memory_space<vmem_shared>>)
        tpu.yield
      }) : () -> ()
    } else {
    }
    %add3A_10 = arith.constant 16 : i32
    %add3A_11 = arith.addi %arg1, %add3A_10 : i32
    %lt3A_12 = arith.constant 125 : i32
    %lt3A_13 = arith.cmpi slt, %add3A_11, %lt3A_12 : i32
    %convert_element_type3A_14 = arith.extui %lt3A_13 : i1 to i32
    %cond3A_15 = arith.constant 0 : i32
    %cond3A_16 = arith.cmpi ne, %convert_element_type3A_14, %cond3A_15 : i32
    scf.if %cond3A_16 {
      %mul3A_93 = arith.constant 80 : i32
      %mul3A_94 = arith.muli %add3A_11, %mul3A_93 : i32
      "tpu.region"() ({
        %run_scoped3A = tpu.sem_alloc : memref<!tpu.dma_semaphore, #tpu.memory_space<semaphore_mem>>
        %dma_start3A_95 = arith.constant 0 : i32
        %dma_start3A_96 = tpu.memref_slice %arg10[%mul3A_94, %dma_start3A_95] : memref<10000x128xf32, #tpu.memory_space<vmem_shared>> -> memref<80x128xf32, #tpu.memory_space<vmem_shared>>
        %dma_start3A_97 = arith.constant 0 : i32
        %dma_start3A_98 = tpu.memref_slice %arg10[%mul3A_94, %dma_start3A_97] : memref<10000x128xf32, #tpu.memory_space<vmem_shared>> -> memref<80x128xf32, #tpu.memory_space<vmem_shared>>
        tpu.enqueue_dma source(%arg8 : memref<80x128xf32, #tpu.memory_space<vmem>>) target(%dma_start3A_98 : memref<80x128xf32, #tpu.memory_space<vmem_shared>>) target_semaphore(%run_scoped3A : memref<!tpu.dma_semaphore, #tpu.memory_space<semaphore_mem>>)
        %dma_wait3A_99 = arith.constant 0 : i32
        %dma_wait3A_100 = tpu.memref_slice %arg10[%mul3A_94, %dma_wait3A_99] : memref<10000x128xf32, #tpu.memory_space<vmem_shared>> -> memref<80x128xf32, #tpu.memory_space<vmem_shared>>
        %dma_wait3A_101 = arith.constant 0 : i32
        %dma_wait3A_102 = tpu.memref_slice %arg10[%mul3A_94, %dma_wait3A_101] : memref<10000x128xf32, #tpu.memory_space<vmem_shared>> -> memref<80x128xf32, #tpu.memory_space<vmem_shared>>
        tpu.wait_dma2 semaphore(%run_scoped3A : memref<!tpu.dma_semaphore, #tpu.memory_space<semaphore_mem>>) src(%arg8 : memref<80x128xf32, #tpu.memory_space<vmem>>) dst(%dma_wait3A_102 : memref<80x128xf32, #tpu.memory_space<vmem_shared>>)
        tpu.yield
      }) : () -> ()
    } else {
    }
    %add3A_17 = arith.constant 32 : i32
    %add3A_18 = arith.addi %arg1, %add3A_17 : i32
    %lt3A_19 = arith.constant 125 : i32
    %lt3A_20 = arith.cmpi slt, %add3A_18, %lt3A_19 : i32
    %convert_element_type3A_21 = arith.extui %lt3A_20 : i1 to i32
    %cond3A_22 = arith.constant 0 : i32
    %cond3A_23 = arith.cmpi ne, %convert_element_type3A_21, %cond3A_22 : i32
    scf.if %cond3A_23 {
      %mul3A_93 = arith.constant 80 : i32
      %mul3A_94 = arith.muli %add3A_18, %mul3A_93 : i32
      "tpu.region"() ({
        %run_scoped3A = tpu.sem_alloc : memref<!tpu.dma_semaphore, #tpu.memory_space<semaphore_mem>>
        %dma_start3A_95 = arith.constant 0 : i32
        %dma_start3A_96 = tpu.memref_slice %arg10[%mul3A_94, %dma_start3A_95] : memref<10000x128xf32, #tpu.memory_space<vmem_shared>> -> memref<80x128xf32, #tpu.memory_space<vmem_shared>>
        %dma_start3A_97 = arith.constant 0 : i32
        %dma_start3A_98 = tpu.memref_slice %arg10[%mul3A_94, %dma_start3A_97] : memref<10000x128xf32, #tpu.memory_space<vmem_shared>> -> memref<80x128xf32, #tpu.memory_space<vmem_shared>>
        tpu.enqueue_dma source(%arg8 : memref<80x128xf32, #tpu.memory_space<vmem>>) target(%dma_start3A_98 : memref<80x128xf32, #tpu.memory_space<vmem_shared>>) target_semaphore(%run_scoped3A : memref<!tpu.dma_semaphore, #tpu.memory_space<semaphore_mem>>)
        %dma_wait3A_99 = arith.constant 0 : i32
        %dma_wait3A_100 = tpu.memref_slice %arg10[%mul3A_94, %dma_wait3A_99] : memref<10000x128xf32, #tpu.memory_space<vmem_shared>> -> memref<80x128xf32, #tpu.memory_space<vmem_shared>>
        %dma_wait3A_101 = arith.constant 0 : i32
        %dma_wait3A_102 = tpu.memref_slice %arg10[%mul3A_94, %dma_wait3A_101] : memref<10000x128xf32, #tpu.memory_space<vmem_shared>> -> memref<80x128xf32, #tpu.memory_space<vmem_shared>>
        tpu.wait_dma2 semaphore(%run_scoped3A : memref<!tpu.dma_semaphore, #tpu.memory_space<semaphore_mem>>) src(%arg8 : memref<80x128xf32, #tpu.memory_space<vmem>>) dst(%dma_wait3A_102 : memref<80x128xf32, #tpu.memory_space<vmem_shared>>)
        tpu.yield
      }) : () -> ()
    } else {
    }
    %add3A_24 = arith.constant 48 : i32
    %add3A_25 = arith.addi %arg1, %add3A_24 : i32
    %lt3A_26 = arith.constant 125 : i32
    %lt3A_27 = arith.cmpi slt, %add3A_25, %lt3A_26 : i32
    %convert_element_type3A_28 = arith.extui %lt3A_27 : i1 to i32
    %cond3A_29 = arith.constant 0 : i32
    %cond3A_30 = arith.cmpi ne, %convert_element_type3A_28, %cond3A_29 : i32
    scf.if %cond3A_30 {
      %mul3A_93 = arith.constant 80 : i32
      %mul3A_94 = arith.muli %add3A_25, %mul3A_93 : i32
      "tpu.region"() ({
        %run_scoped3A = tpu.sem_alloc : memref<!tpu.dma_semaphore, #tpu.memory_space<semaphore_mem>>
        %dma_start3A_95 = arith.constant 0 : i32
        %dma_start3A_96 = tpu.memref_slice %arg10[%mul3A_94, %dma_start3A_95] : memref<10000x128xf32, #tpu.memory_space<vmem_shared>> -> memref<80x128xf32, #tpu.memory_space<vmem_shared>>
        %dma_start3A_97 = arith.constant 0 : i32
        %dma_start3A_98 = tpu.memref_slice %arg10[%mul3A_94, %dma_start3A_97] : memref<10000x128xf32, #tpu.memory_space<vmem_shared>> -> memref<80x128xf32, #tpu.memory_space<vmem_shared>>
        tpu.enqueue_dma source(%arg8 : memref<80x128xf32, #tpu.memory_space<vmem>>) target(%dma_start3A_98 : memref<80x128xf32, #tpu.memory_space<vmem_shared>>) target_semaphore(%run_scoped3A : memref<!tpu.dma_semaphore, #tpu.memory_space<semaphore_mem>>)
        %dma_wait3A_99 = arith.constant 0 : i32
        %dma_wait3A_100 = tpu.memref_slice %arg10[%mul3A_94, %dma_wait3A_99] : memref<10000x128xf32, #tpu.memory_space<vmem_shared>> -> memref<80x128xf32, #tpu.memory_space<vmem_shared>>
        %dma_wait3A_101 = arith.constant 0 : i32
        %dma_wait3A_102 = tpu.memref_slice %arg10[%mul3A_94, %dma_wait3A_101] : memref<10000x128xf32, #tpu.memory_space<vmem_shared>> -> memref<80x128xf32, #tpu.memory_space<vmem_shared>>
        tpu.wait_dma2 semaphore(%run_scoped3A : memref<!tpu.dma_semaphore, #tpu.memory_space<semaphore_mem>>) src(%arg8 : memref<80x128xf32, #tpu.memory_space<vmem>>) dst(%dma_wait3A_102 : memref<80x128xf32, #tpu.memory_space<vmem_shared>>)
        tpu.yield
      }) : () -> ()
    } else {
    }
    %add3A_31 = arith.constant 64 : i32
    %add3A_32 = arith.addi %arg1, %add3A_31 : i32
    %lt3A_33 = arith.constant 125 : i32
    %lt3A_34 = arith.cmpi slt, %add3A_32, %lt3A_33 : i32
    %convert_element_type3A_35 = arith.extui %lt3A_34 : i1 to i32
    %cond3A_36 = arith.constant 0 : i32
    %cond3A_37 = arith.cmpi ne, %convert_element_type3A_35, %cond3A_36 : i32
    scf.if %cond3A_37 {
      %mul3A_93 = arith.constant 80 : i32
      %mul3A_94 = arith.muli %add3A_32, %mul3A_93 : i32
      "tpu.region"() ({
        %run_scoped3A = tpu.sem_alloc : memref<!tpu.dma_semaphore, #tpu.memory_space<semaphore_mem>>
        %dma_start3A_95 = arith.constant 0 : i32
        %dma_start3A_96 = tpu.memref_slice %arg10[%mul3A_94, %dma_start3A_95] : memref<10000x128xf32, #tpu.memory_space<vmem_shared>> -> memref<80x128xf32, #tpu.memory_space<vmem_shared>>
        %dma_start3A_97 = arith.constant 0 : i32
        %dma_start3A_98 = tpu.memref_slice %arg10[%mul3A_94, %dma_start3A_97] : memref<10000x128xf32, #tpu.memory_space<vmem_shared>> -> memref<80x128xf32, #tpu.memory_space<vmem_shared>>
        tpu.enqueue_dma source(%arg8 : memref<80x128xf32, #tpu.memory_space<vmem>>) target(%dma_start3A_98 : memref<80x128xf32, #tpu.memory_space<vmem_shared>>) target_semaphore(%run_scoped3A : memref<!tpu.dma_semaphore, #tpu.memory_space<semaphore_mem>>)
        %dma_wait3A_99 = arith.constant 0 : i32
        %dma_wait3A_100 = tpu.memref_slice %arg10[%mul3A_94, %dma_wait3A_99] : memref<10000x128xf32, #tpu.memory_space<vmem_shared>> -> memref<80x128xf32, #tpu.memory_space<vmem_shared>>
        %dma_wait3A_101 = arith.constant 0 : i32
        %dma_wait3A_102 = tpu.memref_slice %arg10[%mul3A_94, %dma_wait3A_101] : memref<10000x128xf32, #tpu.memory_space<vmem_shared>> -> memref<80x128xf32, #tpu.memory_space<vmem_shared>>
        tpu.wait_dma2 semaphore(%run_scoped3A : memref<!tpu.dma_semaphore, #tpu.memory_space<semaphore_mem>>) src(%arg8 : memref<80x128xf32, #tpu.memory_space<vmem>>) dst(%dma_wait3A_102 : memref<80x128xf32, #tpu.memory_space<vmem_shared>>)
        tpu.yield
      }) : () -> ()
    } else {
    }
    %add3A_38 = arith.constant 80 : i32
    %add3A_39 = arith.addi %arg1, %add3A_38 : i32
    %lt3A_40 = arith.constant 125 : i32
    %lt3A_41 = arith.cmpi slt, %add3A_39, %lt3A_40 : i32
    %convert_element_type3A_42 = arith.extui %lt3A_41 : i1 to i32
    %cond3A_43 = arith.constant 0 : i32
    %cond3A_44 = arith.cmpi ne, %convert_element_type3A_42, %cond3A_43 : i32
    scf.if %cond3A_44 {
      %mul3A_93 = arith.constant 80 : i32
      %mul3A_94 = arith.muli %add3A_39, %mul3A_93 : i32
      "tpu.region"() ({
        %run_scoped3A = tpu.sem_alloc : memref<!tpu.dma_semaphore, #tpu.memory_space<semaphore_mem>>
        %dma_start3A_95 = arith.constant 0 : i32
        %dma_start3A_96 = tpu.memref_slice %arg10[%mul3A_94, %dma_start3A_95] : memref<10000x128xf32, #tpu.memory_space<vmem_shared>> -> memref<80x128xf32, #tpu.memory_space<vmem_shared>>
        %dma_start3A_97 = arith.constant 0 : i32
        %dma_start3A_98 = tpu.memref_slice %arg10[%mul3A_94, %dma_start3A_97] : memref<10000x128xf32, #tpu.memory_space<vmem_shared>> -> memref<80x128xf32, #tpu.memory_space<vmem_shared>>
        tpu.enqueue_dma source(%arg8 : memref<80x128xf32, #tpu.memory_space<vmem>>) target(%dma_start3A_98 : memref<80x128xf32, #tpu.memory_space<vmem_shared>>) target_semaphore(%run_scoped3A : memref<!tpu.dma_semaphore, #tpu.memory_space<semaphore_mem>>)
        %dma_wait3A_99 = arith.constant 0 : i32
        %dma_wait3A_100 = tpu.memref_slice %arg10[%mul3A_94, %dma_wait3A_99] : memref<10000x128xf32, #tpu.memory_space<vmem_shared>> -> memref<80x128xf32, #tpu.memory_space<vmem_shared>>
        %dma_wait3A_101 = arith.constant 0 : i32
        %dma_wait3A_102 = tpu.memref_slice %arg10[%mul3A_94, %dma_wait3A_101] : memref<10000x128xf32, #tpu.memory_space<vmem_shared>> -> memref<80x128xf32, #tpu.memory_space<vmem_shared>>
        tpu.wait_dma2 semaphore(%run_scoped3A : memref<!tpu.dma_semaphore, #tpu.memory_space<semaphore_mem>>) src(%arg8 : memref<80x128xf32, #tpu.memory_space<vmem>>) dst(%dma_wait3A_102 : memref<80x128xf32, #tpu.memory_space<vmem_shared>>)
        tpu.yield
      }) : () -> ()
    } else {
    }
    %add3A_45 = arith.constant 96 : i32
    %add3A_46 = arith.addi %arg1, %add3A_45 : i32
    %lt3A_47 = arith.constant 125 : i32
    %lt3A_48 = arith.cmpi slt, %add3A_46, %lt3A_47 : i32
    %convert_element_type3A_49 = arith.extui %lt3A_48 : i1 to i32
    %cond3A_50 = arith.constant 0 : i32
    %cond3A_51 = arith.cmpi ne, %convert_element_type3A_49, %cond3A_50 : i32
    scf.if %cond3A_51 {
      %mul3A_93 = arith.constant 80 : i32
      %mul3A_94 = arith.muli %add3A_46, %mul3A_93 : i32
      "tpu.region"() ({
        %run_scoped3A = tpu.sem_alloc : memref<!tpu.dma_semaphore, #tpu.memory_space<semaphore_mem>>
        %dma_start3A_95 = arith.constant 0 : i32
        %dma_start3A_96 = tpu.memref_slice %arg10[%mul3A_94, %dma_start3A_95] : memref<10000x128xf32, #tpu.memory_space<vmem_shared>> -> memref<80x128xf32, #tpu.memory_space<vmem_shared>>
        %dma_start3A_97 = arith.constant 0 : i32
        %dma_start3A_98 = tpu.memref_slice %arg10[%mul3A_94, %dma_start3A_97] : memref<10000x128xf32, #tpu.memory_space<vmem_shared>> -> memref<80x128xf32, #tpu.memory_space<vmem_shared>>
        tpu.enqueue_dma source(%arg8 : memref<80x128xf32, #tpu.memory_space<vmem>>) target(%dma_start3A_98 : memref<80x128xf32, #tpu.memory_space<vmem_shared>>) target_semaphore(%run_scoped3A : memref<!tpu.dma_semaphore, #tpu.memory_space<semaphore_mem>>)
        %dma_wait3A_99 = arith.constant 0 : i32
        %dma_wait3A_100 = tpu.memref_slice %arg10[%mul3A_94, %dma_wait3A_99] : memref<10000x128xf32, #tpu.memory_space<vmem_shared>> -> memref<80x128xf32, #tpu.memory_space<vmem_shared>>
        %dma_wait3A_101 = arith.constant 0 : i32
        %dma_wait3A_102 = tpu.memref_slice %arg10[%mul3A_94, %dma_wait3A_101] : memref<10000x128xf32, #tpu.memory_space<vmem_shared>> -> memref<80x128xf32, #tpu.memory_space<vmem_shared>>
        tpu.wait_dma2 semaphore(%run_scoped3A : memref<!tpu.dma_semaphore, #tpu.memory_space<semaphore_mem>>) src(%arg8 : memref<80x128xf32, #tpu.memory_space<vmem>>) dst(%dma_wait3A_102 : memref<80x128xf32, #tpu.memory_space<vmem_shared>>)
        tpu.yield
      }) : () -> ()
    } else {
    }
    %add3A_52 = arith.constant 112 : i32
    %add3A_53 = arith.addi %arg1, %add3A_52 : i32
    %lt3A_54 = arith.constant 125 : i32
    %lt3A_55 = arith.cmpi slt, %add3A_53, %lt3A_54 : i32
    %convert_element_type3A_56 = arith.extui %lt3A_55 : i1 to i32
    %cond3A_57 = arith.constant 0 : i32
    %cond3A_58 = arith.cmpi ne, %convert_element_type3A_56, %cond3A_57 : i32
    scf.if %cond3A_58 {
      %mul3A_93 = arith.constant 80 : i32
      %mul3A_94 = arith.muli %add3A_53, %mul3A_93 : i32
      "tpu.region"() ({
        %run_scoped3A = tpu.sem_alloc : memref<!tpu.dma_semaphore, #tpu.memory_space<semaphore_mem>>
        %dma_start3A_95 = arith.constant 0 : i32
        %dma_start3A_96 = tpu.memref_slice %arg10[%mul3A_94, %dma_start3A_95] : memref<10000x128xf32, #tpu.memory_space<vmem_shared>> -> memref<80x128xf32, #tpu.memory_space<vmem_shared>>
        %dma_start3A_97 = arith.constant 0 : i32
        %dma_start3A_98 = tpu.memref_slice %arg10[%mul3A_94, %dma_start3A_97] : memref<10000x128xf32, #tpu.memory_space<vmem_shared>> -> memref<80x128xf32, #tpu.memory_space<vmem_shared>>
        tpu.enqueue_dma source(%arg8 : memref<80x128xf32, #tpu.memory_space<vmem>>) target(%dma_start3A_98 : memref<80x128xf32, #tpu.memory_space<vmem_shared>>) target_semaphore(%run_scoped3A : memref<!tpu.dma_semaphore, #tpu.memory_space<semaphore_mem>>)
        %dma_wait3A_99 = arith.constant 0 : i32
        %dma_wait3A_100 = tpu.memref_slice %arg10[%mul3A_94, %dma_wait3A_99] : memref<10000x128xf32, #tpu.memory_space<vmem_shared>> -> memref<80x128xf32, #tpu.memory_space<vmem_shared>>
        %dma_wait3A_101 = arith.constant 0 : i32
        %dma_wait3A_102 = tpu.memref_slice %arg10[%mul3A_94, %dma_wait3A_101] : memref<10000x128xf32, #tpu.memory_space<vmem_shared>> -> memref<80x128xf32, #tpu.memory_space<vmem_shared>>
        tpu.wait_dma2 semaphore(%run_scoped3A : memref<!tpu.dma_semaphore, #tpu.memory_space<semaphore_mem>>) src(%arg8 : memref<80x128xf32, #tpu.memory_space<vmem>>) dst(%dma_wait3A_102 : memref<80x128xf32, #tpu.memory_space<vmem_shared>>)
        tpu.yield
      }) : () -> ()
    } else {
    }
    "tpu.region"() ({
      %run_scoped3A = tpu.sem_alloc : memref<!tpu.dma_semaphore, #tpu.memory_space<semaphore_mem>>
      %dma_start3A_93 = arith.constant 0 : i32
      %dma_start3A_94 = tpu.memref_slice %arg3[%add3A, %dma_start3A_93] : memref<32x10000xi32, #tpu.memory_space<hbm>> -> memref<1x10000xi32, #tpu.memory_space<hbm>>
      %dma_start3A_95 = tpu.memref_squeeze %dma_start3A_94 : memref<1x10000xi32, #tpu.memory_space<hbm>> -> memref<10000xi32, #tpu.memory_space<hbm>>
      %dma_start3A_96 = arith.constant 0 : i32
      %dma_start3A_97 = tpu.memref_slice %arg3[%add3A, %dma_start3A_96] : memref<32x10000xi32, #tpu.memory_space<hbm>> -> memref<1x10000xi32, #tpu.memory_space<hbm>>
      %dma_start3A_98 = tpu.memref_squeeze %dma_start3A_97 : memref<1x10000xi32, #tpu.memory_space<hbm>> -> memref<10000xi32, #tpu.memory_space<hbm>>
      tpu.enqueue_dma source(%dma_start3A_98 : memref<10000xi32, #tpu.memory_space<hbm>>) target(%arg6 : memref<10000xi32, #tpu.memory_space<vmem>>) target_semaphore(%run_scoped3A : memref<!tpu.dma_semaphore, #tpu.memory_space<semaphore_mem>>)
      %dma_wait3A_99 = arith.constant 0 : i32
      %dma_wait3A_100 = tpu.memref_slice %arg3[%add3A, %dma_wait3A_99] : memref<32x10000xi32, #tpu.memory_space<hbm>> -> memref<1x10000xi32, #tpu.memory_space<hbm>>
      %dma_wait3A_101 = tpu.memref_squeeze %dma_wait3A_100 : memref<1x10000xi32, #tpu.memory_space<hbm>> -> memref<10000xi32, #tpu.memory_space<hbm>>
      %dma_wait3A_102 = arith.constant 0 : i32
      %dma_wait3A_103 = tpu.memref_slice %arg3[%add3A, %dma_wait3A_102] : memref<32x10000xi32, #tpu.memory_space<hbm>> -> memref<1x10000xi32, #tpu.memory_space<hbm>>
      %dma_wait3A_104 = tpu.memref_squeeze %dma_wait3A_103 : memref<1x10000xi32, #tpu.memory_space<hbm>> -> memref<10000xi32, #tpu.memory_space<hbm>>
      tpu.wait_dma2 semaphore(%run_scoped3A : memref<!tpu.dma_semaphore, #tpu.memory_space<semaphore_mem>>) src(%dma_wait3A_104 : memref<10000xi32, #tpu.memory_space<hbm>>) dst(%arg6 : memref<10000xi32, #tpu.memory_space<vmem>>)
      tpu.yield
    }) : () -> ()
    "tpu.region"() ({
      %run_scoped3A = tpu.sem_alloc : memref<!tpu.dma_semaphore, #tpu.memory_space<semaphore_mem>>
      %dma_start3A_93 = arith.constant 0 : i32
      %dma_start3A_94 = arith.constant 0 : i32
      %dma_start3A_95 = tpu.memref_slice %arg4[%add3A, %dma_start3A_93, %dma_start3A_94] : memref<32x125x80xi32, #tpu.memory_space<hbm>> -> memref<1x125x80xi32, #tpu.memory_space<hbm>>
      %dma_start3A_96 = tpu.memref_squeeze %dma_start3A_95 : memref<1x125x80xi32, #tpu.memory_space<hbm>> -> memref<125x80xi32, #tpu.memory_space<hbm>>
      %dma_start3A_97 = arith.constant 0 : i32
      %dma_start3A_98 = arith.constant 0 : i32
      %dma_start3A_99 = tpu.memref_slice %arg4[%add3A, %dma_start3A_97, %dma_start3A_98] : memref<32x125x80xi32, #tpu.memory_space<hbm>> -> memref<1x125x80xi32, #tpu.memory_space<hbm>>
      %dma_start3A_100 = tpu.memref_squeeze %dma_start3A_99 : memref<1x125x80xi32, #tpu.memory_space<hbm>> -> memref<125x80xi32, #tpu.memory_space<hbm>>
      tpu.enqueue_dma source(%dma_start3A_100 : memref<125x80xi32, #tpu.memory_space<hbm>>) target(%arg7 : memref<125x80xi32, #tpu.memory_space<vmem>>) target_semaphore(%run_scoped3A : memref<!tpu.dma_semaphore, #tpu.memory_space<semaphore_mem>>)
      %dma_wait3A_101 = arith.constant 0 : i32
      %dma_wait3A_102 = arith.constant 0 : i32
      %dma_wait3A_103 = tpu.memref_slice %arg4[%add3A, %dma_wait3A_101, %dma_wait3A_102] : memref<32x125x80xi32, #tpu.memory_space<hbm>> -> memref<1x125x80xi32, #tpu.memory_space<hbm>>
      %dma_wait3A_104 = tpu.memref_squeeze %dma_wait3A_103 : memref<1x125x80xi32, #tpu.memory_space<hbm>> -> memref<125x80xi32, #tpu.memory_space<hbm>>
      %dma_wait3A_105 = arith.constant 0 : i32
      %dma_wait3A_106 = arith.constant 0 : i32
      %dma_wait3A_107 = tpu.memref_slice %arg4[%add3A, %dma_wait3A_105, %dma_wait3A_106] : memref<32x125x80xi32, #tpu.memory_space<hbm>> -> memref<1x125x80xi32, #tpu.memory_space<hbm>>
      %dma_wait3A_108 = tpu.memref_squeeze %dma_wait3A_107 : memref<1x125x80xi32, #tpu.memory_space<hbm>> -> memref<125x80xi32, #tpu.memory_space<hbm>>
      tpu.wait_dma2 semaphore(%run_scoped3A : memref<!tpu.dma_semaphore, #tpu.memory_space<semaphore_mem>>) src(%dma_wait3A_108 : memref<125x80xi32, #tpu.memory_space<hbm>>) dst(%arg7 : memref<125x80xi32, #tpu.memory_space<vmem>>)
      tpu.yield
    }) : () -> ()
    %barrier3A = arith.constant 0 : index
    tpu.barrier barrier_id(%barrier3A)
    %dma_start3A = arith.constant 0 : i32
    %dma_start3A_59 = tpu.memref_slice %arg6[%dma_start3A] : memref<10000xi32, #tpu.memory_space<vmem>> -> memref<80xi32, #tpu.memory_space<vmem>>
    %dma_start3A_60 = arith.constant 0 : i32
    %dma_start3A_61 = arith.constant 0 : i32
    %dma_start3A_62 = tpu.memref_slice %arg2[%dma_start3A_60, %dma_start3A_61] : memref<10000x128xf32, #tpu.memory_space<hbm>> -> memref<10000x128xf32, #tpu.memory_space<hbm>>
    tpu.enqueue_indirect_dma source(%dma_start3A_62 : memref<10000x128xf32, #tpu.memory_space<hbm>>) target(%arg8 : memref<80x128xf32, #tpu.memory_space<vmem>>) offsets(%dma_start3A_59 : memref<80xi32, #tpu.memory_space<vmem>>) semaphore(%arg11 : memref<!tpu.dma_semaphore, #tpu.memory_space<semaphore_mem>>)
    %dma_start3A_63 = arith.constant 80 : i32
    %dma_start3A_64 = tpu.memref_slice %arg6[%dma_start3A_63] : memref<10000xi32, #tpu.memory_space<vmem>> -> memref<80xi32, #tpu.memory_space<vmem>>
    %dma_start3A_65 = arith.constant 0 : i32
    %dma_start3A_66 = arith.constant 0 : i32
    %dma_start3A_67 = tpu.memref_slice %arg2[%dma_start3A_65, %dma_start3A_66] : memref<10000x128xf32, #tpu.memory_space<hbm>> -> memref<10000x128xf32, #tpu.memory_space<hbm>>
    tpu.enqueue_indirect_dma source(%dma_start3A_67 : memref<10000x128xf32, #tpu.memory_space<hbm>>) target(%arg9 : memref<80x128xf32, #tpu.memory_space<vmem>>) offsets(%dma_start3A_64 : memref<80xi32, #tpu.memory_space<vmem>>) semaphore(%arg12 : memref<!tpu.dma_semaphore, #tpu.memory_space<semaphore_mem>>)
    %scan3A_68 = arith.constant 0 : i32
    %scan3A_69 = arith.constant 0 : i32
    %scan3A_70 = arith.constant 63 : i32
    %scan3A_71 = arith.addi %scan3A_69, %scan3A_70 : i32
    %scan3A_72 = arith.constant 1 : i32
    scf.for %scan3A_93 = %scan3A_69 to %scan3A_71 step %scan3A_72  : i32 {
      %mul3A_94 = arith.constant 2 : i32
      %mul3A_95 = arith.muli %mul3A_94, %scan3A_93 : i32
      %mul3A_96 = arith.constant 80 : i32
      %mul3A_97 = arith.muli %mul3A_95, %mul3A_96 : i32
      %dma_wait3A_98 = tpu.memref_slice %arg6[%mul3A_97] : memref<10000xi32, #tpu.memory_space<vmem>> -> memref<80xi32, #tpu.memory_space<vmem>>
      %dma_wait3A_99 = arith.constant 0 : i32
      %dma_wait3A_100 = arith.constant 0 : i32
      %dma_wait3A_101 = tpu.memref_slice %arg2[%dma_wait3A_99, %dma_wait3A_100] : memref<10000x128xf32, #tpu.memory_space<hbm>> -> memref<10000x128xf32, #tpu.memory_space<hbm>>
      tpu.wait_indirect_dma semaphore(%arg11 : memref<!tpu.dma_semaphore, #tpu.memory_space<semaphore_mem>>) src(%dma_wait3A_101 : memref<10000x128xf32, #tpu.memory_space<hbm>>) dst(%arg8 : memref<80x128xf32, #tpu.memory_space<vmem>>)
      %dma_start3A_102 = arith.constant 0 : i32
      %dma_start3A_103 = tpu.memref_slice %arg7[%mul3A_95, %dma_start3A_102] : memref<125x80xi32, #tpu.memory_space<vmem>> -> memref<1x80xi32, #tpu.memory_space<vmem>>
      %dma_start3A_104 = tpu.memref_squeeze %dma_start3A_103 : memref<1x80xi32, #tpu.memory_space<vmem>> -> memref<80xi32, #tpu.memory_space<vmem>>
      %dma_start3A_105 = arith.constant 0 : i32
      %dma_start3A_106 = arith.constant 0 : i32
      %dma_start3A_107 = tpu.memref_slice %arg10[%dma_start3A_105, %dma_start3A_106] : memref<10000x128xf32, #tpu.memory_space<vmem_shared>> -> memref<10000x128xf32, #tpu.memory_space<vmem_shared>>
      tpu.enqueue_indirect_dma source(%arg8 : memref<80x128xf32, #tpu.memory_space<vmem>>) target(%dma_start3A_107 : memref<10000x128xf32, #tpu.memory_space<vmem_shared>>) offsets(%dma_start3A_104 : memref<80xi32, #tpu.memory_space<vmem>>) semaphore(%arg13 : memref<!tpu.dma_semaphore, #tpu.memory_space<semaphore_mem>>) {add = true}
      %add3A_108 = arith.constant 1 : i32
      %add3A_109 = arith.addi %mul3A_95, %add3A_108 : i32
      %lt3A_110 = arith.constant 125 : i32
      %lt3A_111 = arith.cmpi slt, %add3A_109, %lt3A_110 : i32
      %convert_element_type3A_112 = arith.extui %lt3A_111 : i1 to i32
      %cond3A_113 = arith.constant 0 : i32
      %cond3A_114 = arith.cmpi ne, %convert_element_type3A_112, %cond3A_113 : i32
      scf.if %cond3A_114 {
        %add3A_129 = arith.constant 1 : i32
        %add3A_130 = arith.addi %mul3A_95, %add3A_129 : i32
        %mul3A_131 = arith.constant 80 : i32
        %mul3A_132 = arith.muli %add3A_130, %mul3A_131 : i32
        %dma_wait3A_133 = tpu.memref_slice %arg6[%mul3A_132] : memref<10000xi32, #tpu.memory_space<vmem>> -> memref<80xi32, #tpu.memory_space<vmem>>
        %dma_wait3A_134 = arith.constant 0 : i32
        %dma_wait3A_135 = arith.constant 0 : i32
        %dma_wait3A_136 = tpu.memref_slice %arg2[%dma_wait3A_134, %dma_wait3A_135] : memref<10000x128xf32, #tpu.memory_space<hbm>> -> memref<10000x128xf32, #tpu.memory_space<hbm>>
        tpu.wait_indirect_dma semaphore(%arg12 : memref<!tpu.dma_semaphore, #tpu.memory_space<semaphore_mem>>) src(%dma_wait3A_136 : memref<10000x128xf32, #tpu.memory_space<hbm>>) dst(%arg9 : memref<80x128xf32, #tpu.memory_space<vmem>>)
        %add3A_137 = arith.constant 1 : i32
        %add3A_138 = arith.addi %mul3A_95, %add3A_137 : i32
        %dma_start3A_139 = arith.constant 0 : i32
        %dma_start3A_140 = tpu.memref_slice %arg7[%add3A_138, %dma_start3A_139] : memref<125x80xi32, #tpu.memory_space<vmem>> -> memref<1x80xi32, #tpu.memory_space<vmem>>
        %dma_start3A_141 = tpu.memref_squeeze %dma_start3A_140 : memref<1x80xi32, #tpu.memory_space<vmem>> -> memref<80xi32, #tpu.memory_space<vmem>>
        %dma_start3A_142 = arith.constant 0 : i32
        %dma_start3A_143 = arith.constant 0 : i32
        %dma_start3A_144 = tpu.memref_slice %arg10[%dma_start3A_142, %dma_start3A_143] : memref<10000x128xf32, #tpu.memory_space<vmem_shared>> -> memref<10000x128xf32, #tpu.memory_space<vmem_shared>>
        tpu.enqueue_indirect_dma source(%arg9 : memref<80x128xf32, #tpu.memory_space<vmem>>) target(%dma_start3A_144 : memref<10000x128xf32, #tpu.memory_space<vmem_shared>>) offsets(%dma_start3A_141 : memref<80xi32, #tpu.memory_space<vmem>>) semaphore(%arg14 : memref<!tpu.dma_semaphore, #tpu.memory_space<semaphore_mem>>) {add = true}
      } else {
      }
      %add3A_115 = arith.constant 2 : i32
      %add3A_116 = arith.addi %mul3A_95, %add3A_115 : i32
      %lt3A_117 = arith.constant 125 : i32
      %lt3A_118 = arith.cmpi slt, %add3A_116, %lt3A_117 : i32
      %convert_element_type3A_119 = arith.extui %lt3A_118 : i1 to i32
      %cond3A_120 = arith.constant 0 : i32
      %cond3A_121 = arith.cmpi ne, %convert_element_type3A_119, %cond3A_120 : i32
      scf.if %cond3A_121 {
        %dma_wait3A_129 = arith.constant 0 : i32
        %dma_wait3A_130 = tpu.memref_slice %arg7[%mul3A_95, %dma_wait3A_129] : memref<125x80xi32, #tpu.memory_space<vmem>> -> memref<1x80xi32, #tpu.memory_space<vmem>>
        %dma_wait3A_131 = tpu.memref_squeeze %dma_wait3A_130 : memref<1x80xi32, #tpu.memory_space<vmem>> -> memref<80xi32, #tpu.memory_space<vmem>>
        %dma_wait3A_132 = arith.constant 0 : i32
        %dma_wait3A_133 = arith.constant 0 : i32
        %dma_wait3A_134 = tpu.memref_slice %arg10[%dma_wait3A_132, %dma_wait3A_133] : memref<10000x128xf32, #tpu.memory_space<vmem_shared>> -> memref<10000x128xf32, #tpu.memory_space<vmem_shared>>
        tpu.wait_indirect_dma semaphore(%arg13 : memref<!tpu.dma_semaphore, #tpu.memory_space<semaphore_mem>>) src(%arg8 : memref<80x128xf32, #tpu.memory_space<vmem>>) dst(%dma_wait3A_134 : memref<10000x128xf32, #tpu.memory_space<vmem_shared>>)
        %add3A_135 = arith.constant 2 : i32
        %add3A_136 = arith.addi %mul3A_95, %add3A_135 : i32
        %mul3A_137 = arith.constant 80 : i32
        %mul3A_138 = arith.muli %add3A_136, %mul3A_137 : i32
        %dma_start3A_139 = tpu.memref_slice %arg6[%mul3A_138] : memref<10000xi32, #tpu.memory_space<vmem>> -> memref<80xi32, #tpu.memory_space<vmem>>
        %dma_start3A_140 = arith.constant 0 : i32
        %dma_start3A_141 = arith.constant 0 : i32
        %dma_start3A_142 = tpu.memref_slice %arg2[%dma_start3A_140, %dma_start3A_141] : memref<10000x128xf32, #tpu.memory_space<hbm>> -> memref<10000x128xf32, #tpu.memory_space<hbm>>
        tpu.enqueue_indirect_dma source(%dma_start3A_142 : memref<10000x128xf32, #tpu.memory_space<hbm>>) target(%arg8 : memref<80x128xf32, #tpu.memory_space<vmem>>) offsets(%dma_start3A_139 : memref<80xi32, #tpu.memory_space<vmem>>) semaphore(%arg11 : memref<!tpu.dma_semaphore, #tpu.memory_space<semaphore_mem>>)
      } else {
      }
      %add3A_122 = arith.constant 3 : i32
      %add3A_123 = arith.addi %mul3A_95, %add3A_122 : i32
      %lt3A_124 = arith.constant 125 : i32
      %lt3A_125 = arith.cmpi slt, %add3A_123, %lt3A_124 : i32
      %convert_element_type3A_126 = arith.extui %lt3A_125 : i1 to i32
      %cond3A_127 = arith.constant 0 : i32
      %cond3A_128 = arith.cmpi ne, %convert_element_type3A_126, %cond3A_127 : i32
      scf.if %cond3A_128 {
        %add3A_129 = arith.constant 1 : i32
        %add3A_130 = arith.addi %mul3A_95, %add3A_129 : i32
        %dma_wait3A_131 = arith.constant 0 : i32
        %dma_wait3A_132 = tpu.memref_slice %arg7[%add3A_130, %dma_wait3A_131] : memref<125x80xi32, #tpu.memory_space<vmem>> -> memref<1x80xi32, #tpu.memory_space<vmem>>
        %dma_wait3A_133 = tpu.memref_squeeze %dma_wait3A_132 : memref<1x80xi32, #tpu.memory_space<vmem>> -> memref<80xi32, #tpu.memory_space<vmem>>
        %dma_wait3A_134 = arith.constant 0 : i32
        %dma_wait3A_135 = arith.constant 0 : i32
        %dma_wait3A_136 = tpu.memref_slice %arg10[%dma_wait3A_134, %dma_wait3A_135] : memref<10000x128xf32, #tpu.memory_space<vmem_shared>> -> memref<10000x128xf32, #tpu.memory_space<vmem_shared>>
        tpu.wait_indirect_dma semaphore(%arg14 : memref<!tpu.dma_semaphore, #tpu.memory_space<semaphore_mem>>) src(%arg9 : memref<80x128xf32, #tpu.memory_space<vmem>>) dst(%dma_wait3A_136 : memref<10000x128xf32, #tpu.memory_space<vmem_shared>>)
        %add3A_137 = arith.constant 3 : i32
        %add3A_138 = arith.addi %mul3A_95, %add3A_137 : i32
        %mul3A_139 = arith.constant 80 : i32
        %mul3A_140 = arith.muli %add3A_138, %mul3A_139 : i32
        %dma_start3A_141 = tpu.memref_slice %arg6[%mul3A_140] : memref<10000xi32, #tpu.memory_space<vmem>> -> memref<80xi32, #tpu.memory_space<vmem>>
        %dma_start3A_142 = arith.constant 0 : i32
        %dma_start3A_143 = arith.constant 0 : i32
        %dma_start3A_144 = tpu.memref_slice %arg2[%dma_start3A_142, %dma_start3A_143] : memref<10000x128xf32, #tpu.memory_space<hbm>> -> memref<10000x128xf32, #tpu.memory_space<hbm>>
        tpu.enqueue_indirect_dma source(%dma_start3A_144 : memref<10000x128xf32, #tpu.memory_space<hbm>>) target(%arg9 : memref<80x128xf32, #tpu.memory_space<vmem>>) offsets(%dma_start3A_141 : memref<80xi32, #tpu.memory_space<vmem>>) semaphore(%arg12 : memref<!tpu.dma_semaphore, #tpu.memory_space<semaphore_mem>>)
      } else {
      }
    }
    %scan3A_73 = arith.constant 63 : i32
    %dma_wait3A = arith.constant 124 : i32
    %dma_wait3A_74 = arith.constant 0 : i32
    %dma_wait3A_75 = tpu.memref_slice %arg7[%dma_wait3A, %dma_wait3A_74] : memref<125x80xi32, #tpu.memory_space<vmem>> -> memref<1x80xi32, #tpu.memory_space<vmem>>
    %dma_wait3A_76 = tpu.memref_squeeze %dma_wait3A_75 : memref<1x80xi32, #tpu.memory_space<vmem>> -> memref<80xi32, #tpu.memory_space<vmem>>
    %dma_wait3A_77 = arith.constant 0 : i32
    %dma_wait3A_78 = arith.constant 0 : i32
    %dma_wait3A_79 = tpu.memref_slice %arg10[%dma_wait3A_77, %dma_wait3A_78] : memref<10000x128xf32, #tpu.memory_space<vmem_shared>> -> memref<10000x128xf32, #tpu.memory_space<vmem_shared>>
    tpu.wait_indirect_dma semaphore(%arg13 : memref<!tpu.dma_semaphore, #tpu.memory_space<semaphore_mem>>) src(%arg8 : memref<80x128xf32, #tpu.memory_space<vmem>>) dst(%dma_wait3A_79 : memref<10000x128xf32, #tpu.memory_space<vmem_shared>>)
    %dma_wait3A_80 = arith.constant 123 : i32
    %dma_wait3A_81 = arith.constant 0 : i32
    %dma_wait3A_82 = tpu.memref_slice %arg7[%dma_wait3A_80, %dma_wait3A_81] : memref<125x80xi32, #tpu.memory_space<vmem>> -> memref<1x80xi32, #tpu.memory_space<vmem>>
    %dma_wait3A_83 = tpu.memref_squeeze %dma_wait3A_82 : memref<1x80xi32, #tpu.memory_space<vmem>> -> memref<80xi32, #tpu.memory_space<vmem>>
    %dma_wait3A_84 = arith.constant 0 : i32
    %dma_wait3A_85 = arith.constant 0 : i32
    %dma_wait3A_86 = tpu.memref_slice %arg10[%dma_wait3A_84, %dma_wait3A_85] : memref<10000x128xf32, #tpu.memory_space<vmem_shared>> -> memref<10000x128xf32, #tpu.memory_space<vmem_shared>>
    tpu.wait_indirect_dma semaphore(%arg14 : memref<!tpu.dma_semaphore, #tpu.memory_space<semaphore_mem>>) src(%arg9 : memref<80x128xf32, #tpu.memory_space<vmem>>) dst(%dma_wait3A_86 : memref<10000x128xf32, #tpu.memory_space<vmem_shared>>)
    %barrier3A_87 = arith.constant 0 : index
    tpu.barrier barrier_id(%barrier3A_87)
    %lt3A_88 = arith.constant 10 : i32
    %lt3A_89 = arith.cmpi slt, %arg1, %lt3A_88 : i32
    %convert_element_type3A_90 = arith.extui %lt3A_89 : i1 to i32
    %cond3A_91 = arith.constant 0 : i32
    %cond3A_92 = arith.cmpi ne, %convert_element_type3A_90, %cond3A_91 : i32
    scf.if %cond3A_92 {
      %mul3A_93 = arith.constant 1000 : i32
      %mul3A_94 = arith.muli %arg1, %mul3A_93 : i32
      %mul3A_95 = arith.constant 10000 : i32
      %mul3A_96 = arith.muli %arg0, %mul3A_95 : i32
      %mul3A_97 = arith.constant 1000 : i32
      %mul3A_98 = arith.muli %arg1, %mul3A_97 : i32
      %add3A_99 = arith.addi %mul3A_96, %mul3A_98 : i32
      "tpu.region"() ({
        %run_scoped3A = tpu.sem_alloc : memref<!tpu.dma_semaphore, #tpu.memory_space<semaphore_mem>>
        %dma_start3A_100 = arith.constant 0 : i32
        %dma_start3A_101 = tpu.memref_slice %arg5[%add3A_99, %dma_start3A_100] : memref<20000x128xf32, #tpu.memory_space<hbm>> -> memref<1000x128xf32, #tpu.memory_space<hbm>>
        %dma_start3A_102 = arith.constant 0 : i32
        %dma_start3A_103 = tpu.memref_slice %arg10[%mul3A_94, %dma_start3A_102] : memref<10000x128xf32, #tpu.memory_space<vmem_shared>> -> memref<1000x128xf32, #tpu.memory_space<vmem_shared>>
        tpu.enqueue_dma source(%dma_start3A_103 : memref<1000x128xf32, #tpu.memory_space<vmem_shared>>) target(%dma_start3A_101 : memref<1000x128xf32, #tpu.memory_space<hbm>>) target_semaphore(%run_scoped3A : memref<!tpu.dma_semaphore, #tpu.memory_space<semaphore_mem>>)
        %dma_wait3A_104 = arith.constant 0 : i32
        %dma_wait3A_105 = tpu.memref_slice %arg5[%add3A_99, %dma_wait3A_104] : memref<20000x128xf32, #tpu.memory_space<hbm>> -> memref<1000x128xf32, #tpu.memory_space<hbm>>
        %dma_wait3A_106 = arith.constant 0 : i32
        %dma_wait3A_107 = tpu.memref_slice %arg10[%mul3A_94, %dma_wait3A_106] : memref<10000x128xf32, #tpu.memory_space<vmem_shared>> -> memref<1000x128xf32, #tpu.memory_space<vmem_shared>>
        tpu.wait_dma2 semaphore(%run_scoped3A : memref<!tpu.dma_semaphore, #tpu.memory_space<semaphore_mem>>) src(%dma_wait3A_107 : memref<1000x128xf32, #tpu.memory_space<vmem_shared>>) dst(%dma_wait3A_105 : memref<1000x128xf32, #tpu.memory_space<hbm>>)
        tpu.yield
      }) : () -> ()
    } else {
    }
    return
  }
}

module attributes {stable_mosaic.version = 14 : i64} {
  func.func @_tc_first(%arg0: memref<10000x128xf32, #tpu.memory_space<vmem>>, %arg1: memref<128x128xf32, #tpu.memory_space<vmem>>, %arg2: memref<2x10000x128xf32, #tpu.memory_space<vmem>>, %arg3: memref<10000x128xf32, #tpu.memory_space<vmem>>, %arg4: memref<10000x1xf32, #tpu.memory_space<vmem>>) attributes {dimension_semantics = [], scalar_prefetch = 0 : i64, scratch_operands = 0 : i64, tpu.core_type = #tpu.core_type<tc>} {
    %get3A = arith.constant 0 : index
    %get3A_0 = arith.constant 0 : index
    %get3A_1 = arith.constant 0 : index
    %get3A_2 = vector.load %arg2[%get3A, %get3A_0, %get3A_1] : memref<2x10000x128xf32, #tpu.memory_space<vmem>>, vector<1x10000x1xf32>
    %get3A_3 = vector.shape_cast %get3A_2 : vector<1x10000x1xf32> to vector<10000x1xf32>
    %get3A_4 = arith.constant 1 : index
    %get3A_5 = arith.constant 0 : index
    %get3A_6 = arith.constant 0 : index
    %get3A_7 = vector.load %arg2[%get3A_4, %get3A_5, %get3A_6] : memref<2x10000x128xf32, #tpu.memory_space<vmem>>, vector<1x10000x1xf32>
    %get3A_8 = vector.shape_cast %get3A_7 : vector<1x10000x1xf32> to vector<10000x1xf32>
    %add3A = arith.addf %get3A_3, %get3A_8 : vector<10000x1xf32>
    %gt3A = arith.constant 0.000000e+00 : f32
    %gt3A_9 = vector.broadcast %gt3A : f32 to vector<10000x1xf32>
    %gt3A_10 = arith.cmpf ogt, %add3A, %gt3A_9 : vector<10000x1xf32>
    %rsqrt3A = math.rsqrt %add3A : vector<10000x1xf32>
    %jit3A = arith.constant 0.000000e+00 : f32
    %broadcast_in_dim3A = vector.broadcast %jit3A : f32 to vector<10000x1xf32>
    %select_n3A = arith.select %gt3A_10, %rsqrt3A, %broadcast_in_dim3A : vector<10000x1xi1>, vector<10000x1xf32>
    %swap3A = arith.constant 0 : index
    %swap3A_11 = arith.constant 0 : index
    %swap3A_12 = vector.load %arg4[%swap3A, %swap3A_11] : memref<10000x1xf32, #tpu.memory_space<vmem>>, vector<10000x1xf32>
    tpu.vector_store %arg4[%swap3A, %swap3A_11], %select_n3A {strides = array<i32>} : memref<10000x1xf32, #tpu.memory_space<vmem>>, vector<10000x1xf32>,
    %get3A_13 = arith.constant 0 : index
    %get3A_14 = arith.constant 0 : index
    %get3A_15 = vector.load %arg0[%get3A_13, %get3A_14] : memref<10000x128xf32, #tpu.memory_space<vmem>>, vector<10000x128xf32>
    %get3A_16 = arith.constant 0 : index
    %get3A_17 = arith.constant 0 : index
    %get3A_18 = vector.load %arg1[%get3A_16, %get3A_17] : memref<128x128xf32, #tpu.memory_space<vmem>>, vector<128x128xf32>
    %dot_general3A = arith.constant dense<0.000000e+00> : vector<10000x128xf32>
    %dot_general3A_19 = tpu.matmul %get3A_15, %get3A_18, %dot_general3A {dimension_numbers = #tpu.dot_dimension_numbers<[1], [0], [0], [1], [0, 0, 1, 1], [], []>, transpose_lhs_hint = false} : vector<10000x128xf32>, vector<128x128xf32>, vector<10000x128xf32> -> vector<10000x128xf32>
    %mul3A = vector.broadcast %select_n3A : vector<10000x1xf32> to vector<10000x128xf32>
    %mul3A_20 = arith.mulf %mul3A, %dot_general3A_19 : vector<10000x128xf32>
    %swap3A_21 = arith.constant 0 : index
    %swap3A_22 = arith.constant 0 : index
    %swap3A_23 = vector.load %arg3[%swap3A_21, %swap3A_22] : memref<10000x128xf32, #tpu.memory_space<vmem>>, vector<10000x128xf32>
    tpu.vector_store %arg3[%swap3A_21, %swap3A_22], %mul3A_20 {strides = array<i32>} : memref<10000x128xf32, #tpu.memory_space<vmem>>, vector<10000x128xf32>,
    return
  }
}

module attributes {stable_mosaic.version = 14 : i64} {
  func.func @_tc_mid(%arg0: memref<2x10000x128xf32, #tpu.memory_space<vmem>>, %arg1: memref<10000x1xf32, #tpu.memory_space<vmem>>, %arg2: memref<128xf32, #tpu.memory_space<vmem>>, %arg3: memref<128xf32, #tpu.memory_space<vmem>>, %arg4: memref<128xf32, #tpu.memory_space<vmem>>, %arg5: memref<10000x128xf32, #tpu.memory_space<vmem>>, %arg6: memref<128x128xf32, #tpu.memory_space<vmem>>, %arg7: memref<10000x128xf32, #tpu.memory_space<vmem>>, %arg8: memref<10000x128xf32, #tpu.memory_space<vmem>>) attributes {dimension_semantics = [], scalar_prefetch = 0 : i64, scratch_operands = 0 : i64, tpu.core_type = #tpu.core_type<tc>} {
    %get3A = arith.constant 0 : index
    %get3A_0 = arith.constant 0 : index
    %get3A_1 = vector.load %arg1[%get3A, %get3A_0] : memref<10000x1xf32, #tpu.memory_space<vmem>>, vector<10000x1xf32>
    %get3A_2 = arith.constant 0 : index
    %get3A_3 = vector.load %arg2[%get3A_2] : memref<128xf32, #tpu.memory_space<vmem>>, vector<128xf32>
    %get3A_4 = arith.constant 0 : index
    %get3A_5 = vector.load %arg3[%get3A_4] : memref<128xf32, #tpu.memory_space<vmem>>, vector<128xf32>
    %get3A_6 = arith.constant 0 : index
    %get3A_7 = vector.load %arg4[%get3A_6] : memref<128xf32, #tpu.memory_space<vmem>>, vector<128xf32>
    %get3A_8 = arith.constant 0 : index
    %get3A_9 = arith.constant 0 : index
    %get3A_10 = vector.load %arg5[%get3A_8, %get3A_9] : memref<10000x128xf32, #tpu.memory_space<vmem>>, vector<10000x128xf32>
    %get3A_11 = arith.constant 0 : index
    %get3A_12 = arith.constant 0 : index
    %get3A_13 = arith.constant 0 : index
    %get3A_14 = vector.load %arg0[%get3A_11, %get3A_12, %get3A_13] : memref<2x10000x128xf32, #tpu.memory_space<vmem>>, vector<1x10000x128xf32>
    %get3A_15 = vector.shape_cast %get3A_14 : vector<1x10000x128xf32> to vector<10000x128xf32>
    %get3A_16 = arith.constant 1 : index
    %get3A_17 = arith.constant 0 : index
    %get3A_18 = arith.constant 0 : index
    %get3A_19 = vector.load %arg0[%get3A_16, %get3A_17, %get3A_18] : memref<2x10000x128xf32, #tpu.memory_space<vmem>>, vector<1x10000x128xf32>
    %get3A_20 = vector.shape_cast %get3A_19 : vector<1x10000x128xf32> to vector<10000x128xf32>
    %add3A = arith.addf %get3A_15, %get3A_20 : vector<10000x128xf32>
    %mul3A = vector.broadcast %get3A_1 : vector<10000x1xf32> to vector<10000x128xf32>
    %mul3A_21 = arith.mulf %mul3A, %add3A : vector<10000x128xf32>
    %broadcast_in_dim3A = vector.shape_cast %get3A_3 : vector<128xf32> to vector<1x128xf32>
    %add3A_22 = vector.broadcast %broadcast_in_dim3A : vector<1x128xf32> to vector<10000x128xf32>
    %add3A_23 = arith.addf %mul3A_21, %add3A_22 : vector<10000x128xf32>
    %reduce_sum3A = arith.constant dense<0.000000e+00> : vector<128xf32>
    %reduce_sum3A_24 = vector.multi_reduction <add>, %add3A_23, %reduce_sum3A [0] : vector<10000x128xf32> to vector<128xf32>
    %broadcast_in_dim3A_25 = vector.shape_cast %reduce_sum3A_24 : vector<128xf32> to vector<1x128xf32>
    %div3A = arith.constant 1.000000e+04 : f32
    %div3A_26 = vector.broadcast %div3A : f32 to vector<1x128xf32>
    %div3A_27 = arith.divf %broadcast_in_dim3A_25, %div3A_26 : vector<1x128xf32>
    %sub3A = vector.broadcast %div3A_27 : vector<1x128xf32> to vector<10000x128xf32>
    %sub3A_28 = arith.subf %add3A_23, %sub3A : vector<10000x128xf32>
    %integer_pow3A = arith.mulf %sub3A_28, %sub3A_28 : vector<10000x128xf32>
    %reduce_sum3A_29 = arith.constant dense<0.000000e+00> : vector<128xf32>
    %reduce_sum3A_30 = vector.multi_reduction <add>, %integer_pow3A, %reduce_sum3A_29 [0] : vector<10000x128xf32> to vector<128xf32>
    %broadcast_in_dim3A_31 = vector.shape_cast %reduce_sum3A_30 : vector<128xf32> to vector<1x128xf32>
    %div3A_32 = arith.constant 1.000000e+04 : f32
    %div3A_33 = vector.broadcast %div3A_32 : f32 to vector<1x128xf32>
    %div3A_34 = arith.divf %broadcast_in_dim3A_31, %div3A_33 : vector<1x128xf32>
    %broadcast_in_dim3A_35 = vector.shape_cast %get3A_5 : vector<128xf32> to vector<1x128xf32>
    %sub3A_36 = vector.broadcast %div3A_27 : vector<1x128xf32> to vector<10000x128xf32>
    %sub3A_37 = arith.subf %add3A_23, %sub3A_36 : vector<10000x128xf32>
    %mul3A_38 = vector.broadcast %broadcast_in_dim3A_35 : vector<1x128xf32> to vector<10000x128xf32>
    %mul3A_39 = arith.mulf %mul3A_38, %sub3A_37 : vector<10000x128xf32>
    %add3A_40 = arith.constant 9.99999974E-6 : f32
    %add3A_41 = vector.broadcast %add3A_40 : f32 to vector<1x128xf32>
    %add3A_42 = arith.addf %div3A_34, %add3A_41 : vector<1x128xf32>
    %sqrt3A = math.sqrt %add3A_42 : vector<1x128xf32>
    %div3A_43 = vector.broadcast %sqrt3A : vector<1x128xf32> to vector<10000x128xf32>
    %div3A_44 = arith.divf %mul3A_39, %div3A_43 : vector<10000x128xf32>
    %broadcast_in_dim3A_45 = vector.shape_cast %get3A_7 : vector<128xf32> to vector<1x128xf32>
    %add3A_46 = vector.broadcast %broadcast_in_dim3A_45 : vector<1x128xf32> to vector<10000x128xf32>
    %add3A_47 = arith.addf %div3A_44, %add3A_46 : vector<10000x128xf32>
    %max3A = arith.constant 0.000000e+00 : f32
    %max3A_48 = vector.broadcast %max3A : f32 to vector<10000x128xf32>
    %max3A_49 = arith.maximumf %add3A_47, %max3A_48 : vector<10000x128xf32>
    %add3A_50 = arith.addf %max3A_49, %get3A_10 : vector<10000x128xf32>
    %swap3A = arith.constant 0 : index
    %swap3A_51 = arith.constant 0 : index
    %swap3A_52 = vector.load %arg7[%swap3A, %swap3A_51] : memref<10000x128xf32, #tpu.memory_space<vmem>>, vector<10000x128xf32>
    tpu.vector_store %arg7[%swap3A, %swap3A_51], %add3A_50 {strides = array<i32>} : memref<10000x128xf32, #tpu.memory_space<vmem>>, vector<10000x128xf32>,
    %get3A_53 = arith.constant 0 : index
    %get3A_54 = arith.constant 0 : index
    %get3A_55 = vector.load %arg6[%get3A_53, %get3A_54] : memref<128x128xf32, #tpu.memory_space<vmem>>, vector<128x128xf32>
    %dot_general3A = arith.constant dense<0.000000e+00> : vector<10000x128xf32>
    %dot_general3A_56 = tpu.matmul %add3A_50, %get3A_55, %dot_general3A {dimension_numbers = #tpu.dot_dimension_numbers<[1], [0], [0], [1], [0, 0, 1, 1], [], []>, transpose_lhs_hint = false} : vector<10000x128xf32>, vector<128x128xf32>, vector<10000x128xf32> -> vector<10000x128xf32>
    %mul3A_57 = vector.broadcast %get3A_1 : vector<10000x1xf32> to vector<10000x128xf32>
    %mul3A_58 = arith.mulf %mul3A_57, %dot_general3A_56 : vector<10000x128xf32>
    %swap3A_59 = arith.constant 0 : index
    %swap3A_60 = arith.constant 0 : index
    %swap3A_61 = vector.load %arg8[%swap3A_59, %swap3A_60] : memref<10000x128xf32, #tpu.memory_space<vmem>>, vector<10000x128xf32>
    tpu.vector_store %arg8[%swap3A_59, %swap3A_60], %mul3A_58 {strides = array<i32>} : memref<10000x128xf32, #tpu.memory_space<vmem>>, vector<10000x128xf32>,
    return
  }
}

module attributes {stable_mosaic.version = 14 : i64} {
  func.func @_tc_last(%arg0: memref<2x10000x128xf32, #tpu.memory_space<vmem>>, %arg1: memref<10000x1xf32, #tpu.memory_space<vmem>>, %arg2: memref<128xf32, #tpu.memory_space<vmem>>, %arg3: memref<128xf32, #tpu.memory_space<vmem>>, %arg4: memref<128xf32, #tpu.memory_space<vmem>>, %arg5: memref<10000x128xf32, #tpu.memory_space<vmem>>, %arg6: memref<128x64xf32, #tpu.memory_space<vmem>>, %arg7: memref<64xf32, #tpu.memory_space<vmem>>, %arg8: memref<64x32xf32, #tpu.memory_space<vmem>>, %arg9: memref<32xf32, #tpu.memory_space<vmem>>, %arg10: memref<32x10xf32, #tpu.memory_space<vmem>>, %arg11: memref<10xf32, #tpu.memory_space<vmem>>, %arg12: memref<1x10xf32, #tpu.memory_space<vmem>>) attributes {dimension_semantics = [], scalar_prefetch = 0 : i64, scratch_operands = 0 : i64, tpu.core_type = #tpu.core_type<tc>} {
    %get3A = arith.constant 0 : index
    %get3A_0 = arith.constant 0 : index
    %get3A_1 = vector.load %arg1[%get3A, %get3A_0] : memref<10000x1xf32, #tpu.memory_space<vmem>>, vector<10000x1xf32>
    %get3A_2 = arith.constant 0 : index
    %get3A_3 = vector.load %arg2[%get3A_2] : memref<128xf32, #tpu.memory_space<vmem>>, vector<128xf32>
    %get3A_4 = arith.constant 0 : index
    %get3A_5 = vector.load %arg3[%get3A_4] : memref<128xf32, #tpu.memory_space<vmem>>, vector<128xf32>
    %get3A_6 = arith.constant 0 : index
    %get3A_7 = vector.load %arg4[%get3A_6] : memref<128xf32, #tpu.memory_space<vmem>>, vector<128xf32>
    %get3A_8 = arith.constant 0 : index
    %get3A_9 = arith.constant 0 : index
    %get3A_10 = vector.load %arg5[%get3A_8, %get3A_9] : memref<10000x128xf32, #tpu.memory_space<vmem>>, vector<10000x128xf32>
    %get3A_11 = arith.constant 0 : index
    %get3A_12 = arith.constant 0 : index
    %get3A_13 = arith.constant 0 : index
    %get3A_14 = vector.load %arg0[%get3A_11, %get3A_12, %get3A_13] : memref<2x10000x128xf32, #tpu.memory_space<vmem>>, vector<1x10000x128xf32>
    %get3A_15 = vector.shape_cast %get3A_14 : vector<1x10000x128xf32> to vector<10000x128xf32>
    %get3A_16 = arith.constant 1 : index
    %get3A_17 = arith.constant 0 : index
    %get3A_18 = arith.constant 0 : index
    %get3A_19 = vector.load %arg0[%get3A_16, %get3A_17, %get3A_18] : memref<2x10000x128xf32, #tpu.memory_space<vmem>>, vector<1x10000x128xf32>
    %get3A_20 = vector.shape_cast %get3A_19 : vector<1x10000x128xf32> to vector<10000x128xf32>
    %add3A = arith.addf %get3A_15, %get3A_20 : vector<10000x128xf32>
    %mul3A = vector.broadcast %get3A_1 : vector<10000x1xf32> to vector<10000x128xf32>
    %mul3A_21 = arith.mulf %mul3A, %add3A : vector<10000x128xf32>
    %broadcast_in_dim3A = vector.shape_cast %get3A_3 : vector<128xf32> to vector<1x128xf32>
    %add3A_22 = vector.broadcast %broadcast_in_dim3A : vector<1x128xf32> to vector<10000x128xf32>
    %add3A_23 = arith.addf %mul3A_21, %add3A_22 : vector<10000x128xf32>
    %reduce_sum3A = arith.constant dense<0.000000e+00> : vector<128xf32>
    %reduce_sum3A_24 = vector.multi_reduction <add>, %add3A_23, %reduce_sum3A [0] : vector<10000x128xf32> to vector<128xf32>
    %broadcast_in_dim3A_25 = vector.shape_cast %reduce_sum3A_24 : vector<128xf32> to vector<1x128xf32>
    %div3A = arith.constant 1.000000e+04 : f32
    %div3A_26 = vector.broadcast %div3A : f32 to vector<1x128xf32>
    %div3A_27 = arith.divf %broadcast_in_dim3A_25, %div3A_26 : vector<1x128xf32>
    %sub3A = vector.broadcast %div3A_27 : vector<1x128xf32> to vector<10000x128xf32>
    %sub3A_28 = arith.subf %add3A_23, %sub3A : vector<10000x128xf32>
    %integer_pow3A = arith.mulf %sub3A_28, %sub3A_28 : vector<10000x128xf32>
    %reduce_sum3A_29 = arith.constant dense<0.000000e+00> : vector<128xf32>
    %reduce_sum3A_30 = vector.multi_reduction <add>, %integer_pow3A, %reduce_sum3A_29 [0] : vector<10000x128xf32> to vector<128xf32>
    %broadcast_in_dim3A_31 = vector.shape_cast %reduce_sum3A_30 : vector<128xf32> to vector<1x128xf32>
    %div3A_32 = arith.constant 1.000000e+04 : f32
    %div3A_33 = vector.broadcast %div3A_32 : f32 to vector<1x128xf32>
    %div3A_34 = arith.divf %broadcast_in_dim3A_31, %div3A_33 : vector<1x128xf32>
    %broadcast_in_dim3A_35 = vector.shape_cast %get3A_5 : vector<128xf32> to vector<1x128xf32>
    %sub3A_36 = vector.broadcast %div3A_27 : vector<1x128xf32> to vector<10000x128xf32>
    %sub3A_37 = arith.subf %add3A_23, %sub3A_36 : vector<10000x128xf32>
    %mul3A_38 = vector.broadcast %broadcast_in_dim3A_35 : vector<1x128xf32> to vector<10000x128xf32>
    %mul3A_39 = arith.mulf %mul3A_38, %sub3A_37 : vector<10000x128xf32>
    %add3A_40 = arith.constant 9.99999974E-6 : f32
    %add3A_41 = vector.broadcast %add3A_40 : f32 to vector<1x128xf32>
    %add3A_42 = arith.addf %div3A_34, %add3A_41 : vector<1x128xf32>
    %sqrt3A = math.sqrt %add3A_42 : vector<1x128xf32>
    %div3A_43 = vector.broadcast %sqrt3A : vector<1x128xf32> to vector<10000x128xf32>
    %div3A_44 = arith.divf %mul3A_39, %div3A_43 : vector<10000x128xf32>
    %broadcast_in_dim3A_45 = vector.shape_cast %get3A_7 : vector<128xf32> to vector<1x128xf32>
    %add3A_46 = vector.broadcast %broadcast_in_dim3A_45 : vector<1x128xf32> to vector<10000x128xf32>
    %add3A_47 = arith.addf %div3A_44, %add3A_46 : vector<10000x128xf32>
    %max3A = arith.constant 0.000000e+00 : f32
    %max3A_48 = vector.broadcast %max3A : f32 to vector<10000x128xf32>
    %max3A_49 = arith.maximumf %add3A_47, %max3A_48 : vector<10000x128xf32>
    %add3A_50 = arith.addf %max3A_49, %get3A_10 : vector<10000x128xf32>
    %reduce_sum3A_51 = arith.constant dense<0.000000e+00> : vector<128xf32>
    %reduce_sum3A_52 = vector.multi_reduction <add>, %add3A_50, %reduce_sum3A_51 [0] : vector<10000x128xf32> to vector<128xf32>
    %broadcast_in_dim3A_53 = vector.shape_cast %reduce_sum3A_52 : vector<128xf32> to vector<1x128xf32>
    %div3A_54 = arith.constant 1.000000e+04 : f32
    %div3A_55 = vector.broadcast %div3A_54 : f32 to vector<1x128xf32>
    %div3A_56 = arith.divf %broadcast_in_dim3A_53, %div3A_55 : vector<1x128xf32>
    %get3A_57 = arith.constant 0 : index
    %get3A_58 = arith.constant 0 : index
    %get3A_59 = vector.load %arg6[%get3A_57, %get3A_58] : memref<128x64xf32, #tpu.memory_space<vmem>>, vector<128x64xf32>
    %dot_general3A = arith.constant dense<0.000000e+00> : vector<1x64xf32>
    %dot_general3A_60 = tpu.matmul %div3A_56, %get3A_59, %dot_general3A {dimension_numbers = #tpu.dot_dimension_numbers<[1], [0], [0], [1], [0, 0, 1, 1], [], []>, transpose_lhs_hint = false} : vector<1x128xf32>, vector<128x64xf32>, vector<1x64xf32> -> vector<1x64xf32>
    %get3A_61 = arith.constant 0 : index
    %get3A_62 = vector.load %arg7[%get3A_61] : memref<64xf32, #tpu.memory_space<vmem>>, vector<64xf32>
    %broadcast_in_dim3A_63 = vector.shape_cast %get3A_62 : vector<64xf32> to vector<1x64xf32>
    %add3A_64 = arith.addf %dot_general3A_60, %broadcast_in_dim3A_63 : vector<1x64xf32>
    %max3A_65 = arith.constant 0.000000e+00 : f32
    %max3A_66 = vector.broadcast %max3A_65 : f32 to vector<1x64xf32>
    %max3A_67 = arith.maximumf %add3A_64, %max3A_66 : vector<1x64xf32>
    %get3A_68 = arith.constant 0 : index
    %get3A_69 = arith.constant 0 : index
    %get3A_70 = vector.load %arg8[%get3A_68, %get3A_69] : memref<64x32xf32, #tpu.memory_space<vmem>>, vector<64x32xf32>
    %dot_general3A_71 = arith.constant dense<0.000000e+00> : vector<1x32xf32>
    %dot_general3A_72 = tpu.matmul %max3A_67, %get3A_70, %dot_general3A_71 {dimension_numbers = #tpu.dot_dimension_numbers<[1], [0], [0], [1], [0, 0, 1, 1], [], []>, transpose_lhs_hint = false} : vector<1x64xf32>, vector<64x32xf32>, vector<1x32xf32> -> vector<1x32xf32>
    %get3A_73 = arith.constant 0 : index
    %get3A_74 = vector.load %arg9[%get3A_73] : memref<32xf32, #tpu.memory_space<vmem>>, vector<32xf32>
    %broadcast_in_dim3A_75 = vector.shape_cast %get3A_74 : vector<32xf32> to vector<1x32xf32>
    %add3A_76 = arith.addf %dot_general3A_72, %broadcast_in_dim3A_75 : vector<1x32xf32>
    %max3A_77 = arith.constant 0.000000e+00 : f32
    %max3A_78 = vector.broadcast %max3A_77 : f32 to vector<1x32xf32>
    %max3A_79 = arith.maximumf %add3A_76, %max3A_78 : vector<1x32xf32>
    %get3A_80 = arith.constant 0 : index
    %get3A_81 = arith.constant 0 : index
    %get3A_82 = vector.load %arg10[%get3A_80, %get3A_81] : memref<32x10xf32, #tpu.memory_space<vmem>>, vector<32x10xf32>
    %dot_general3A_83 = arith.constant dense<0.000000e+00> : vector<1x10xf32>
    %dot_general3A_84 = tpu.matmul %max3A_79, %get3A_82, %dot_general3A_83 {dimension_numbers = #tpu.dot_dimension_numbers<[1], [0], [0], [1], [0, 0, 1, 1], [], []>, transpose_lhs_hint = false} : vector<1x32xf32>, vector<32x10xf32>, vector<1x10xf32> -> vector<1x10xf32>
    %get3A_85 = arith.constant 0 : index
    %get3A_86 = vector.load %arg11[%get3A_85] : memref<10xf32, #tpu.memory_space<vmem>>, vector<10xf32>
    %broadcast_in_dim3A_87 = vector.shape_cast %get3A_86 : vector<10xf32> to vector<1x10xf32>
    %add3A_88 = arith.addf %dot_general3A_84, %broadcast_in_dim3A_87 : vector<1x10xf32>
    %swap3A = arith.constant 0 : index
    %swap3A_89 = arith.constant 0 : index
    %swap3A_90 = vector.load %arg12[%swap3A, %swap3A_89] : memref<1x10xf32, #tpu.memory_space<vmem>>, vector<1x10xf32>
    tpu.vector_store %arg12[%swap3A, %swap3A_89], %add3A_88 {strides = array<i32>} : memref<1x10xf32, #tpu.memory_space<vmem>>, vector<1x10xf32>,
    return
  }
}

</mosaic_0001>

<sc_bundles>
// kernel: kernel.12.cloned.1.call-start
scs
__scs_entry_jumppad:
0x0: {  	(pc) =	sbr.rel $0x88, $3  }
0x1: {  	(tag) =	ssettag $0x0;
	lr =	simm.s32 $0x1  }
0x2: {  	[smem:$0x3F95] =	sst lr;
	_ =	strace $0xD0000000  }
0x3: {  	_ = 	snop  }
0x4: {  	_ = 	snop  }
0x5: {  	_ = 	snop  }
0x6: {  	_ = 	snop  }
0x7: {  	_ = 	snop  }
__scs_overlays_trampoline_lowered:
0x8: {  	[smem:$0x3FA4] =	sst s0  }
0x9: {  	[smem:$0x3FA5] =	sst s1  }
0xa: {  	[smem:$0x3FA6] =	sst s2  }
0xb: {  	[smem:$0x3FA7] =	sst s3  }
0xc: {  	[smem:$0x3FA8] =	sst s4  }
0xd: {  	[smem:$0x3FA9] =	sst s5  }
0xe: {  	[smem:$0x3FAA] =	sst s6  }
0xf: {  	[smem:$0x3FAB] =	sst s7  }
0x10: {  	[smem:$0x3FAC] =	sst s8  }
0x11: {  	[smem:$0x3FAD] =	sst s9;
	s0 =	simm.s32 @!p0 $0x0  }
0x12: {  	s1 =	sld [smem:$0x3F93];
	s0 =	simm.s32 @p0 $0x1  }
0x13: {  	[smem:$0x3FAE] =	sst s0;
	s0 =	simm.s32 @!p1 $0x0  }
0x14: {  	s2 =	sld [smem:$0x3F92];
	s0 =	simm.s32 @p1 $0x1  }
0x15: {  	[smem:$0x3FAF] =	sst s0;
	s0 =	simm.s32 @!p2 $0x0  }
0x16: {  	s3 =	sld [smem:$0x3FDB];
	s0 =	simm.s32 @p2 $0x1  }
0x17: {  	s4 =	simm.s32 $0x1BF5;
	[smem:$0x3FB1] =	sst s0  }
0x18: {  	s0 =	sld [smem:$0x3F94];
	_ =	swait.ge [sflag:s4], $0x0  }
0x19: {  	s7 =	sld [smem:$0x3F95]  }
0x1a: {  	s8 =	sadd.s32 $0xFFFFE003, lr  }
0x1b: {  	s9 =	sadd.s32 $0xFFFFFEF7, lr;
	s5 =	simm.s32 $0xFFFFFFFF;
	p2 =	slt.u32 s8, $0xFFFFF086  }
0x1c: {  	p1 =	slt.u32 s9, $0xF7A;
	s5 =	simm.s32 @!p2 $0x0  }
0x1d: {  	s5 =	simm.s32 @p1 $0x1;
	p0 =	seq.s32 s7, s2  }
0x1e: {  	s7 =	smul.u32 @!p0 $0xF7A, s2;
	p2 =	seq.s32 @!p0 s5, $0x0  }
0x1f: {  	s9 =	smul.u32 $0xF7A, s1;
	s8 =	simm.s32 @!p0 $0x1BF5;
	p2 =	por !p2, p0  }
0x20: {  	[sflag:s8] =	ssyncset.s32 @!p0 $0xFFFFF086;
	s6 =	sadd.s32 @!p0 s3, s7;
	s7 =	simm.s32 @!p0 $0x108  }
0x21: {  	s3 =	sadd.s32 s3, s9;
	s6 =	sadd.s32 @!p0 $0x88, s6;
	s7 =	simm.s32 @p2 $0x1082  }
0x22: {  	[simem:s7], [sflag:s8] =	dma.local @!p0 [hbm:s6], $0xF7A  }
0x23: {  	s9 =	sor.u32 $0xD0000000, s2;
	s6 =	simm.s32 $0x108;
	_ =	swait.ge @!p0 [sflag:s8], $0x0  }
0x24: {  	s3 =	sadd.s32 $0x88, s3;
	s6 =	simm.s32 @!p1 $0x1082;
	[sflag:s4] =	ssyncset.s32 $0xFFFFF086  }
0x25: {  	[simem:s6], [sflag:s4] =	dma.local [hbm:s3], $0xF7A  }
0x26: {  	[smem:$0x3F95] =	sst s1;
	(tag) =	ssettag s2;
	_ =	strace s9  }
0x27: {  	s1 =	sld [smem:$0x3FA5]  }
0x28: {  	s2 =	sld [smem:$0x3FA6]  }
0x29: {  	s4 =	sld [smem:$0x3FA8]  }
0x2a: {  	p0 =	seq.s32 s5, $0x0;
	s5 =	sld [smem:$0x3FA9]  }
0x2b: {  	s6 =	sld [smem:$0x3FAA]  }
0x2c: {  	s7 =	sld [smem:$0x3FAB]  }
0x2d: {  	s3 =	simm.s32 $0x108;
	s8 =	sld [smem:$0x3FAC]  }
0x2e: {  	s3 =	simm.s32 @!p0 $0x1082;
	s9 =	sld [smem:$0x3FAD]  }
0x2f: {  	lr =	sadd.s32 s0, s3;
	s0 =	sld [smem:$0x3FA4]  }
0x30: {  	s3 =	sld [smem:$0x3FA7]  }
0x31: {  	[smem:$0x3FB0] =	sst s10  }
0x32: {  	s10 =	sld [smem:$0x3FAE];
	_ =	sdelay $0x3  }
0x33: {  	p0 =	seq.s32 s10, $0x1;
	s10 =	sld [smem:$0x3FB0];
	_ =	sdelay $0x3  }
0x34: {  	[smem:$0x3FB0] =	sst s10  }
0x35: {  	s10 =	sld [smem:$0x3FAF];
	_ =	sdelay $0x3  }
0x36: {  	p1 =	seq.s32 s10, $0x1;
	s10 =	sld [smem:$0x3FB0];
	_ =	sdelay $0x3  }
0x37: {  	[smem:$0x3FB0] =	sst s10  }
0x38: {  	s10 =	sld [smem:$0x3FB1]  }
0x39: {  	_ = 	snop;
	(pc) =	sbr.ind lr, $3  }
0x3a: {  	_ = 	snop  }
0x3b: {  	_ = 	snop  }
0x3c: {  	p2 =	seq.s32 s10, $0x1;
	s10 =	sld [smem:$0x3FB0]  }
0x3d: {  	_ =	shalt  }
0x3e: {  	_ =	shalt  }
0x3f: {  	_ =	shalt  }
0x40: {  	_ =	shalt  }
0x41: {  	_ =	shalt  }
0x42: {  	_ =	shalt  }
0x43: {  	_ =	shalt  }
0x44: {  	_ =	shalt  }
0x45: {  	_ =	shalt  }
0x46: {  	_ =	shalt  }
0x47: {  	_ =	shalt  }
0x48: {  	_ =	shalt  }
0x49: {  	_ =	shalt  }
0x4a: {  	_ =	shalt  }
0x4b: {  	_ =	shalt  }
0x4c: {  	_ =	shalt  }
0x4d: {  	_ =	shalt  }
0x4e: {  	_ =	shalt  }
0x4f: {  	_ =	shalt  }
0x50: {  	_ =	shalt  }
0x51: {  	_ =	shalt  }
0x52: {  	_ =	shalt  }
0x53: {  	_ =	shalt  }
0x54: {  	_ =	shalt  }
0x55: {  	_ =	shalt  }
0x56: {  	_ =	shalt  }
0x57: {  	_ =	shalt  }
0x58: {  	_ =	shalt  }
0x59: {  	_ =	shalt  }
0x5a: {  	_ =	shalt  }
0x5b: {  	_ =	shalt  }
0x5c: {  	_ =	shalt  }
0x5d: {  	_ =	shalt  }
0x5e: {  	_ =	shalt  }
0x5f: {  	_ =	shalt  }
0x60: {  	_ =	shalt  }
0x61: {  	_ =	shalt  }
0x62: {  	_ =	shalt  }
0x63: {  	_ =	shalt  }
0x64: {  	_ =	shalt  }
0x65: {  	_ =	shalt  }
0x66: {  	_ =	shalt  }
0x67: {  	_ =	shalt  }
0x68: {  	_ =	shalt  }
0x69: {  	_ =	shalt  }
0x6a: {  	_ =	shalt  }
0x6b: {  	_ =	shalt  }
0x6c: {  	_ =	shalt  }
0x6d: {  	_ =	shalt  }
0x6e: {  	_ =	shalt  }
0x6f: {  	_ =	shalt  }
0x70: {  	_ =	shalt  }
0x71: {  	_ =	shalt  }
0x72: {  	_ =	shalt  }
0x73: {  	_ =	shalt  }
0x74: {  	_ =	shalt  }
0x75: {  	_ =	shalt  }
0x76: {  	_ =	shalt  }
0x77: {  	_ =	shalt  }
0x78: {  	_ =	shalt  }
0x79: {  	_ =	shalt  }
0x7a: {  	_ =	shalt  }
0x7b: {  	_ =	shalt  }
0x7c: {  	_ =	shalt  }
0x7d: {  	_ =	shalt  }
0x7e: {  	_ =	shalt  }
0x7f: {  	_ =	shalt  }
0x80: {  	_ =	shalt  }
0x81: {  	_ =	shalt  }
0x82: {  	_ =	shalt  }
0x83: {  	_ =	shalt  }
0x84: {  	_ =	shalt  }
0x85: {  	_ =	shalt  }
0x86: {  	_ =	shalt  }
0x87: {  	_ =	shalt  }
.Lfunc_end0:
.L_simem_size_0:
called_computation_lowered:
.L_overlay_start_0:
0x88: {  	s2 =	sld [smem:$0x3FD9]  }
0x89: {  	s3 =	sld [smem:$0x3FFE];
	_ =	sdelay $0x1  }
0x8a: {  	s1 =	srdreg.scid  }
0x8b: {  	s0 =	sand.u32 $0x1, s1  }
0x8c: {  	s16 =	sshll.u32 s0, $0xA;
	s2 =	sadd.s32 s3, s2  }
0x8d: {  	s2 =	sadd.s32 s2, s16  }
0x8e: {  	[smem:$0x3FBC] =	sst s2  }
0x8f: {  	_ = 	snop  }
0x90: {  	(tm) =	ssettm $0x1  }
0x91: {  	s17 =	sld [smem:$0x3FFB];
	_ =	sdelay $0x3  }
0x92: {  	_ =	strace s17  }
0x93: {  	s2 =	sld [smem:$0x3FFC];
	_ =	sdelay $0x3  }
0x94: {  	_ =	strace s2  }
0x95: {  	s2 =	sld [smem:$0x3FFD];
	_ =	sdelay $0x3  }
0x96: {  	_ =	strace s2  }
0x97: {  	_ =	strace $0x8FFFFFFF  }
0x98: {  	s18 =	sld [smem:$0x3FDB];
	_ =	sdelay $0x1  }
0x99: {  	s19 =	simm.s32 $_scs_section_size  }
0x9a: {  	s4 =	simm.s32 $_size__tile_overlayer_lowered;
	s5 =	simm.s32 $_tile_overlayer_lowered  }
0x9b: {  	s22 =	simm.s32 $0x1BFF;
	s21 =	sshll.u32 s5, $0x1;
	s2 =	sadd.s32 s19, s18  }
0x9c: {  	s6 =	simm.s32 $0x0;
	s20 =	sshll.u32 s4, $0x1;
	s4 =	sadd.s32 s21, s2  }
0x9d: {  	[timem:s6], [sflag:s22] =	dma.local [hbm:s4], s20  }
0x9e: {  	_ =	swait.ge [sflag:s22], s20  }
0x9f: {  	s3 =	ssub.s32 $0x0, s20;
	[sflag:s22] =	ssyncset.done $0x0  }
0xa0: {  	[sflag:s22] =	ssyncadd.s32 s3;
	_ =	sdelay $0x1  }
0xa1: {  	s23 =	simm.s32 $0x1B8B  }
0xa2: {  	_ =	swait.ge [sflag:s23], $0x1  }
0xa3: {  	[sflag:s23] =	ssyncset.done $0x0  }
0xa4: {  	s25 =	simm.s32 $0x1B8E;
	s24 =	sld [smem:$0x3FFE];
	[sflag:s23] =	ssyncadd.s32 $0xFFFFFFFF  }
0xa5: {  	s26 =	simm.s32 $execute0_lowered;
	[smem:$0x3FD2] =	sst s25  }
0xa6: {  	s4 =	sshll.u32 s26, $0x1;
	_ =	strace $0x80000046;
	[dreg:$0x1] =	wrdreg $0xFFFFFFFF  }
0xa7: {  	s28 =	simm.s32 $_size_execute0_lowered;
	s2 =	sadd.s32 s2, s4;
	[dreg:$0x0] =	wrdreg $0x0  }
0xa8: {  	s4 =	sshll.u32 s28, $0x1;
	[dreg:$0x2] =	wrdreg s2  }
0xa9: {  	[dreg:$0x3] =	wrdreg s4  }
0xaa: {  	[dreg:$0x4] =	wrdreg $0xC0  }
0xab: {  	_ =	task [dreg:s6], $0x5FFFF  }
0xac: {  	[dreg:$0x1] =	wrdreg $0xFFFFFFFF  }
0xad: {  	[dreg:$0x0] =	wrdreg $0x60  }
0xae: {  	[dreg:$0x2] =	wrdreg s24  }
0xaf: {  	[dreg:$0x3] =	wrdreg $0x90000  }
0xb0: {  	[dreg:$0x4] =	wrdreg $0x9  }
0xb1: {  	_ =	task.clear_ibuf [dreg:s6], $0x5FFFF;
	_ =	strace $0x90000046  }
0xb2: {  	s29 =	simm.s32 $0x9;
	_ =	strace $0x80000048  }
0xb3: {  	_ =	swait.ge [sflag:s29], $0x1  }
0xb4: {  	[sflag:s29] =	ssyncadd.s32 $0xFFFFFFFF  }
0xb5: {  	_ =	strace $0x90000048  }
0xb6: {  	_ =	sfence  }
0xb7: {  	s30 =	sld [smem:$0x0];
	_ =	sdelay $0x2  }
0xb8: {  	s31 =	sshll.u32 s1, $0xD;
	s1 =	sshrl.u32 s1, $0x2  }
0xb9: {  	s3 =	sand.u32 $0x4000, s31;
	s1 =	sadd.s32 s1, s30  }
0xba: {  	s0 =	sor.u32 s3, s0;
	s1 =	sshll.u32 s1, $0x11  }
0xbb: {  	s0 =	sor.u32 s1, s0  }
0xbc: {  	s0 =	sadd.s32 $0x8F2B, s0  }
0xbd: {  	[sflag:s0] =	ssyncadd.remote.s32 $0x1  }
0xbe: {  	_ =	sfence.sel $0xFFFF  }
0xbf: {  	[dreg:$0x0] =	wrdreg $0xFFFFFFFF;
	(pc) =	sbr.abs _section_cstart, $3  }
0xc0: {  	[dreg:$0x1] =	wrdreg $0xFFFFFFFF  }
0xc1: {  	_ =	task.clear_ibuf [dreg:s6], $0x2FFFF;
	_ =	strace $0x9FFFFFFF  }
0xc2: {  	(tm) =	ssettm $0x7FFFFFFF  }
0xc3: {  	_ =	shalt  }
tec
execute0_lowered:
.L_overlay_start_1:
0x0: {  	(tag) =	ssettag $0x1  }
0x1: {  	s4 =	rddreg [dreg:$0x0]  }
0x2: {  	s0 =	srdreg.scid;
	s2 =	rddreg [dreg:$0x1]  }
0x3: {  	s1 =	stileid.u32;
	s3 =	simm.s32 $0x0;
	s16 =	simm.s32 $0x1  }
0x4: {  	s17 =	simm.s32 $0x50;
	s18 =	simm.s32 $0x4000;
	s7 =	smul.u32 $0x3E80, s1  }
0x5: {  	s5 =	sand.u32 $0x1, s0;
	s0 =	rddreg [dreg:$0x2];
	s9 =	smul.u32 $0xA000, s1  }
0x6: {  	[smem:$0x7FF] =	sst s3;
	s12 =	sshll.u32 s1, $0xC;
	s15 =	smul.u32 $0x7D000, s1  }
0x7: {  	p0 =	sgt.u32 s1, $0xC;
	p1 =	sgt.u32 s1, $0x9;
	s6 =	smul.u32 $0x27100, s5  }
0x8: {  	s8 =	sshll.u32 s5, $0xB;
	_ =	strace $0x80000047;
	s5 =	ssub.s32 $0x2, s5  }
0x9: {  	s19 =	sshll.u32 @!p1 s1, $0x6;
	s11 =	sadd.s32 s8, s4;
	s30 =	sshrl.u32 s5, $0x1  }
0xa: {  	s31 =	sshrl.u32 s9, $0x2;
	s15 =	sshrl.u32 s15, $0x2;
	s19 =	sor.u32 @!p1 $0x1C01, s19  }
0xb: {  	s6 =	sadd.s32 s7, s6;
	s14 =	ssub.s32 s5, s30;
	s12 =	sadd.s32 s12, s11  }
0xc: {  	s20 =	sadd.s32 s15, s2;
	s15 =	simm.s32 $0x6800;
	s13 =	sadd.s32 s6, s4  }
0xd: {  	s4 =	sadd.s32 s31, s2;
	s12 =	sadd.s32 $0x4000, s12;
	s14 =	smax.u32 s14, $0x1  }
0xe: {  	s20 =	sshrl.u32 @!p1 s20, $0x3;
	s5 =	sadd.s32 $0x28000, s4;
	s6 =	sadd.s32 $0x50000, s4  }
0xf: {  	s7 =	sadd.s32 $0x78000, s4;
	s8 =	sadd.s32 $0xA0000, s4;
	s9 =	sadd.s32 $0xC8000, s4  }
0x10: {  	v0 =	vimm.f32 $1.000000000e+00;
	v1 =	vimm.f32 $0.0e+00;
	s10 =	sadd.s32 $0xF0000, s4;
	s11 =	sadd.s32 $0x118000, s4;
	s13 =	sadd.s32 $0x14000, s13  }
.LBB2_1:
0x11: {  	s21 =	simm.s32 $0x0;
	s22 =	simm.s32 $0x200  }
.LBB2_2:
0x12: {  	p2 =	sne.s32 s22, $0x9E00;
	[tilespmem:s21+$0x6870] =	vst v1  }
0x13: {  	[tilespmem:s21+$0x4000] =	vst v0  }
0x14: {  	[tilespmem:s21+$0x6800] =	vst v1  }
0x15: {  	[tilespmem:s21+$0x4010] =	vst v0  }
0x16: {  	[tilespmem:s21+$0x6810] =	vst v1  }
0x17: {  	[tilespmem:s21+$0x4020] =	vst v0  }
0x18: {  	[tilespmem:s21+$0x6820] =	vst v1  }
0x19: {  	[tilespmem:s21+$0x4030] =	vst v0  }
0x1a: {  	[tilespmem:s21+$0x6830] =	vst v1  }
0x1b: {  	[tilespmem:s21+$0x4040] =	vst v0  }
0x1c: {  	[tilespmem:s21+$0x6840] =	vst v1  }
.Ltmp0:
0x1d: {  	[tilespmem:s21+$0x4050] =	vst v0;
	(pc) =	sbr.rel @p2 .LBB2_2-.Ltmp0, $4  }
0x1e: {  	[tilespmem:s21+$0x6850] =	vst v1  }
0x1f: {  	[tilespmem:s21+$0x4060] =	vst v0  }
0x20: {  	[tilespmem:s21+$0x6860] =	vst v1  }
0x21: {  	[tilespmem:s21+$0x4070] =	vst v0;
	s21 =	sshra.s32 s22, $0x2;
	s22 =	sadd.s32 $0x200, s22  }
0x22: {  	[tilespmem:s21+$0x6870] =	vst v1  }
0x23: {  	[tilespmem:s21+$0x4000] =	vst v0  }
0x24: {  	[tilespmem:s21+$0x6800] =	vst v1  }
0x25: {  	[tilespmem:s21+$0x4010] =	vst v0  }
0x26: {  	[tilespmem:s21+$0x6810] =	vst v1  }
0x27: {  	[tilespmem:s21+$0x4020] =	vst v0  }
0x28: {  	[tilespmem:s21+$0x6820] =	vst v1  }
0x29: {  	[tilespmem:s21+$0x4030] =	vst v0  }
0x2a: {  	[tilespmem:s21+$0x6830] =	vst v1  }
0x2b: {  	[tilespmem:s21+$0x4040] =	vst v0  }
0x2c: {  	[tilespmem:s21+$0x6840] =	vst v1  }
0x2d: {  	[tilespmem:s21+$0x4050] =	vst v0  }
0x2e: {  	[tilespmem:s21+$0x6850] =	vst v1  }
0x2f: {  	[tilespmem:s21+$0x4060] =	vst v0  }
0x30: {  	[tilespmem:s21+$0x6860] =	vst v1  }
0x31: {  	[tilespmem:s21+$0x4070] =	vst v0  }
0x32: {  	[spmem:s4] =	stream.linear.scatter [tilespmem:s15], [sflag:$0x1], $0x2800, $0x38;
	[tilespmem:$0x1C880] =	vst v63  }
0x33: {  	_ =	swait.ge [sflag:s16], $0x2800  }
0x34: {  	[sflag:s16] =	ssyncset.done $0x0  }
0x35: {  	[sflag:s16] =	ssyncadd.s32 $0xFFFFD800  }
0x36: {  	[spmem:s5] =	stream.linear.scatter [tilespmem:s15], [sflag:$0x1], $0x2800, $0x38;
	[tilespmem:$0x1C880] =	vst v63  }
0x37: {  	_ =	swait.ge [sflag:s16], $0x2800  }
0x38: {  	[sflag:s16] =	ssyncset.done $0x0  }
0x39: {  	[sflag:s16] =	ssyncadd.s32 $0xFFFFD800  }
0x3a: {  	[spmem:s6] =	stream.linear.scatter [tilespmem:s15], [sflag:$0x1], $0x2800, $0x38;
	[tilespmem:$0x1C880] =	vst v63  }
0x3b: {  	_ =	swait.ge [sflag:s16], $0x2800  }
0x3c: {  	[sflag:s16] =	ssyncset.done $0x0  }
0x3d: {  	[sflag:s16] =	ssyncadd.s32 $0xFFFFD800  }
0x3e: {  	[spmem:s7] =	stream.linear.scatter [tilespmem:s15], [sflag:$0x1], $0x2800, $0x38;
	[tilespmem:$0x1C880] =	vst v63  }
0x3f: {  	_ =	swait.ge [sflag:s16], $0x2800  }
0x40: {  	[sflag:s16] =	ssyncset.done $0x0  }
0x41: {  	[sflag:s16] =	ssyncadd.s32 $0xFFFFD800  }
0x42: {  	[spmem:s8] =	stream.linear.scatter [tilespmem:s15], [sflag:$0x1], $0x2800, $0x38;
	[tilespmem:$0x1C880] =	vst v63  }
0x43: {  	_ =	swait.ge [sflag:s16], $0x2800  }
0x44: {  	[sflag:s16] =	ssyncset.done $0x0  }
0x45: {  	[sflag:s16] =	ssyncadd.s32 $0xFFFFD800  }
0x46: {  	[spmem:s9] =	stream.linear.scatter [tilespmem:s15], [sflag:$0x1], $0x2800, $0x38;
	[tilespmem:$0x1C880] =	vst v63  }
0x47: {  	_ =	swait.ge [sflag:s16], $0x2800  }
0x48: {  	[sflag:s16] =	ssyncset.done $0x0  }
0x49: {  	[sflag:s16] =	ssyncadd.s32 $0xFFFFD800  }
0x4a: {  	[spmem:s10] =	stream.linear.scatter [tilespmem:s15], [sflag:$0x1], $0x2800, $0x38;
	[tilespmem:$0x1C880] =	vst v63  }
0x4b: {  	_ =	swait.ge [sflag:s16], $0x2800  }
0x4c: {  	[sflag:s16] =	ssyncset.done $0x0  }
0x4d: {  	s21 =	simm.s32 @!p0 $0x6800;
	[sflag:s16] =	ssyncadd.s32 $0xFFFFD800  }
0x4e: {  	[spmem:s11] =	stream.linear.scatter @!p0 [tilespmem:s21], [sflag:$0x1], $0x2800, $0x38;
	[tilespmem:$0x1C880] =	vst v63  }
0x4f: {  	s21 =	simm.s32 @!p0 $0x1  }
0x50: {  	_ =	swait.ge @!p0 [sflag:s21], $0x2800  }
0x51: {  	[sflag:s21] =	ssyncset.done @!p0 $0x0  }
0x52: {  	s30 =	simm.s32 $0x0;
	[sflag:s21] =	ssyncadd.s32 @!p0 $0xFFFFD800  }
0x53: {  	[tilespmem:s30], [sflag:$0x1] =	stream.linear.gather [hbm4b:s12+s30], $0x3E80, $0x38;
	[tilespmem:$0x1C880] =	vst v63  }
0x54: {  	_ =	swait.ge [sflag:s16], $0x3E80  }
0x55: {  	[sflag:s16] =	ssyncset.done $0x0  }
0x56: {  	[sflag:s16] =	ssyncadd.s32 $0xFFFFC180  }
0x57: {  	s31 =	simm.s32 $0x0;
	[bflag:$0x0] =	sbarrier.arrive $0xFFFF  }
0x58: {  	[spmem:s2] =	stream.indirect.scatter.add.f32 [tilespmem:s18], [sflag:$0x1], $0x80, s31, s17, $0xb8;
	[tilespmem:$0x1C880] =	vst v63  }
0x59: {  	_ =	swait.ge [sflag:s16], $0x2800  }
0x5a: {  	s21 =	simm.s32 $0x200;
	[sflag:s16] =	ssyncset.done $0x0  }
.LBB2_4:
0x5b: {  	s22 =	sshra.s32 s21, $0x2;
	[sflag:s16] =	ssyncadd.s32 $0xFFFFD800;
	p2 =	sne.s32 s21, $0xF800  }
0x5c: {  	[spmem:s2] =	stream.indirect.scatter.add.f32 [tilespmem:s18], [sflag:$0x1], $0x80, s22, s17, $0xb8;
	[tilespmem:$0x1C880] =	vst v63  }
.Ltmp1:
0x5d: {  	_ = 	snop;
	(pc) =	sbr.rel @p2 .LBB2_4-.Ltmp1, $4  }
0x5e: {  	_ = 	snop  }
0x5f: {  	s21 =	sadd.s32 $0x200, s21  }
0x60: {  	_ =	swait.ge [sflag:s16], $0x2800  }
0x61: {  	[sflag:s16] =	ssyncset.done $0x0  }
0x62: {  	s3 =	sadd.s32 $0x1, s3  }
0x63: {  	[sflag:s16] =	ssyncadd.s32 $0xFFFFD800;
	p2 =	sne.s32 s3, s14  }
.Ltmp2:
0x64: {  	s21 =	simm.s32 @!p1 $0x1;
	[bflag:$0x0] =	sbarrier.arrive $0xFFFF;
	(pc) =	sbr.rel @p2 .LBB2_1-.Ltmp2, $4  }
0x65: {  	[hbm:s13], [sflag:s19] =	dma.local @!p1 [spmem:s20], $0x3E80  }
0x66: {  	_ =	swait.ge @!p1 [sflag:s21], $0x3E80  }
0x67: {  	[sflag:s21] =	ssyncset.done @!p1 $0x0  }
0x68: {  	[sflag:s21] =	ssyncadd.s32 @!p1 $0xFFFFC180  }
0x69: {  	_ =	sfence.sel $0x180000  }
0x6a: {  	[bflag:$0x0] =	sbarrier.arrive $0xFFFF  }
0x6b: {  	p0 =	sne.s32 s1, $0x0;
	_ =	strace $0x90000047  }
0x6c: {  	s0 =	sadd.s32 @!p0 $0x100000, s0;
	[bflag:$0x2] =	sbarrier.arrive $0xFFFF  }
0x6d: {  	[sflag:s0] =	ssyncadd.tile.s32 @!p0 $0x1;
	_ =	shalt  }
.Lfunc_end2:
_tile_overlayer_lowered:
.L_overlay_start_2:
0x6e: {  	(tag) =	ssettag $0x2  }
0x6f: {  	s0 =	rddreg [dreg:$0x0];
	s2 =	stileid.u32  }
0x70: {  	s1 =	rddreg [dreg:$0x1];
	p0 =	sne.s32 s2, $0x0  }
0x71: {  	s3 =	rddreg [dreg:$0x2];
	[bflag:$0x3] =	sbarrier.arrive $0xFFFF;
	s2 =	simm.s32 @!p0 $0x1C01  }
0x72: {  	[timem:s3], [sflag:s2] =	dma.local @!p0 [hbm:s0], s1  }
0x73: {  	s0 =	simm.s32 @!p0 $0x1  }
0x74: {  	_ =	swait.ge @!p0 [sflag:s0], s1  }
0x75: {  	s1 =	ssub.s32 @!p0 $0x0, s1;
	[sflag:s0] =	ssyncset.done @!p0 $0x0  }
0x76: {  	[sflag:s0] =	ssyncadd.s32 @!p0 s1  }
0x77: {  	[bflag:$0x3] =	sbarrier.arrive $0xFFFF  }
0x78: {  	_ =	shalt  }

// kernel: kernel.15.cloned.1.call-start
scs
__scs_entry_jumppad:
0x0: {  	(pc) =	sbr.rel $0x88, $3  }
0x1: {  	(tag) =	ssettag $0x0;
	lr =	simm.s32 $0x1  }
0x2: {  	[smem:$0x3F95] =	sst lr;
	_ =	strace $0xD0000000  }
0x3: {  	_ = 	snop  }
0x4: {  	_ = 	snop  }
0x5: {  	_ = 	snop  }
0x6: {  	_ = 	snop  }
0x7: {  	_ = 	snop  }
__scs_overlays_trampoline_lowered:
0x8: {  	[smem:$0x3FA4] =	sst s0  }
0x9: {  	[smem:$0x3FA5] =	sst s1  }
0xa: {  	[smem:$0x3FA6] =	sst s2  }
0xb: {  	[smem:$0x3FA7] =	sst s3  }
0xc: {  	[smem:$0x3FA8] =	sst s4  }
0xd: {  	[smem:$0x3FA9] =	sst s5  }
0xe: {  	[smem:$0x3FAA] =	sst s6  }
0xf: {  	[smem:$0x3FAB] =	sst s7  }
0x10: {  	[smem:$0x3FAC] =	sst s8  }
0x11: {  	[smem:$0x3FAD] =	sst s9;
	s0 =	simm.s32 @!p0 $0x0  }
0x12: {  	s1 =	sld [smem:$0x3F93];
	s0 =	simm.s32 @p0 $0x1  }
0x13: {  	[smem:$0x3FAE] =	sst s0;
	s0 =	simm.s32 @!p1 $0x0  }
0x14: {  	s2 =	sld [smem:$0x3F92];
	s0 =	simm.s32 @p1 $0x1  }
0x15: {  	[smem:$0x3FAF] =	sst s0;
	s0 =	simm.s32 @!p2 $0x0  }
0x16: {  	s3 =	sld [smem:$0x3FDB];
	s0 =	simm.s32 @p2 $0x1  }
0x17: {  	s4 =	simm.s32 $0x1BF5;
	[smem:$0x3FB1] =	sst s0  }
0x18: {  	s0 =	sld [smem:$0x3F94];
	_ =	swait.ge [sflag:s4], $0x0  }
0x19: {  	s7 =	sld [smem:$0x3F95]  }
0x1a: {  	s8 =	sadd.s32 $0xFFFFE003, lr  }
0x1b: {  	s9 =	sadd.s32 $0xFFFFFEF7, lr;
	s5 =	simm.s32 $0xFFFFFFFF;
	p2 =	slt.u32 s8, $0xFFFFF086  }
0x1c: {  	p1 =	slt.u32 s9, $0xF7A;
	s5 =	simm.s32 @!p2 $0x0  }
0x1d: {  	s5 =	simm.s32 @p1 $0x1;
	p0 =	seq.s32 s7, s2  }
0x1e: {  	s7 =	smul.u32 @!p0 $0xF7A, s2;
	p2 =	seq.s32 @!p0 s5, $0x0  }
0x1f: {  	s9 =	smul.u32 $0xF7A, s1;
	s8 =	simm.s32 @!p0 $0x1BF5;
	p2 =	por !p2, p0  }
0x20: {  	[sflag:s8] =	ssyncset.s32 @!p0 $0xFFFFF086;
	s6 =	sadd.s32 @!p0 s3, s7;
	s7 =	simm.s32 @!p0 $0x108  }
0x21: {  	s3 =	sadd.s32 s3, s9;
	s6 =	sadd.s32 @!p0 $0x88, s6;
	s7 =	simm.s32 @p2 $0x1082  }
0x22: {  	[simem:s7], [sflag:s8] =	dma.local @!p0 [hbm:s6], $0xF7A  }
0x23: {  	s9 =	sor.u32 $0xD0000000, s2;
	s6 =	simm.s32 $0x108;
	_ =	swait.ge @!p0 [sflag:s8], $0x0  }
0x24: {  	s3 =	sadd.s32 $0x88, s3;
	s6 =	simm.s32 @!p1 $0x1082;
	[sflag:s4] =	ssyncset.s32 $0xFFFFF086  }
0x25: {  	[simem:s6], [sflag:s4] =	dma.local [hbm:s3], $0xF7A  }
0x26: {  	[smem:$0x3F95] =	sst s1;
	(tag) =	ssettag s2;
	_ =	strace s9  }
0x27: {  	s1 =	sld [smem:$0x3FA5]  }
0x28: {  	s2 =	sld [smem:$0x3FA6]  }
0x29: {  	s4 =	sld [smem:$0x3FA8]  }
0x2a: {  	p0 =	seq.s32 s5, $0x0;
	s5 =	sld [smem:$0x3FA9]  }
0x2b: {  	s6 =	sld [smem:$0x3FAA]  }
0x2c: {  	s7 =	sld [smem:$0x3FAB]  }
0x2d: {  	s3 =	simm.s32 $0x108;
	s8 =	sld [smem:$0x3FAC]  }
0x2e: {  	s3 =	simm.s32 @!p0 $0x1082;
	s9 =	sld [smem:$0x3FAD]  }
0x2f: {  	lr =	sadd.s32 s0, s3;
	s0 =	sld [smem:$0x3FA4]  }
0x30: {  	s3 =	sld [smem:$0x3FA7]  }
0x31: {  	[smem:$0x3FB0] =	sst s10  }
0x32: {  	s10 =	sld [smem:$0x3FAE];
	_ =	sdelay $0x3  }
0x33: {  	p0 =	seq.s32 s10, $0x1;
	s10 =	sld [smem:$0x3FB0];
	_ =	sdelay $0x3  }
0x34: {  	[smem:$0x3FB0] =	sst s10  }
0x35: {  	s10 =	sld [smem:$0x3FAF];
	_ =	sdelay $0x3  }
0x36: {  	p1 =	seq.s32 s10, $0x1;
	s10 =	sld [smem:$0x3FB0];
	_ =	sdelay $0x3  }
0x37: {  	[smem:$0x3FB0] =	sst s10  }
0x38: {  	s10 =	sld [smem:$0x3FB1]  }
0x39: {  	_ = 	snop;
	(pc) =	sbr.ind lr, $3  }
0x3a: {  	_ = 	snop  }
0x3b: {  	_ = 	snop  }
0x3c: {  	p2 =	seq.s32 s10, $0x1;
	s10 =	sld [smem:$0x3FB0]  }
0x3d: {  	_ =	shalt  }
0x3e: {  	_ =	shalt  }
0x3f: {  	_ =	shalt  }
0x40: {  	_ =	shalt  }
0x41: {  	_ =	shalt  }
0x42: {  	_ =	shalt  }
0x43: {  	_ =	shalt  }
0x44: {  	_ =	shalt  }
0x45: {  	_ =	shalt  }
0x46: {  	_ =	shalt  }
0x47: {  	_ =	shalt  }
0x48: {  	_ =	shalt  }
0x49: {  	_ =	shalt  }
0x4a: {  	_ =	shalt  }
0x4b: {  	_ =	shalt  }
0x4c: {  	_ =	shalt  }
0x4d: {  	_ =	shalt  }
0x4e: {  	_ =	shalt  }
0x4f: {  	_ =	shalt  }
0x50: {  	_ =	shalt  }
0x51: {  	_ =	shalt  }
0x52: {  	_ =	shalt  }
0x53: {  	_ =	shalt  }
0x54: {  	_ =	shalt  }
0x55: {  	_ =	shalt  }
0x56: {  	_ =	shalt  }
0x57: {  	_ =	shalt  }
0x58: {  	_ =	shalt  }
0x59: {  	_ =	shalt  }
0x5a: {  	_ =	shalt  }
0x5b: {  	_ =	shalt  }
0x5c: {  	_ =	shalt  }
0x5d: {  	_ =	shalt  }
0x5e: {  	_ =	shalt  }
0x5f: {  	_ =	shalt  }
0x60: {  	_ =	shalt  }
0x61: {  	_ =	shalt  }
0x62: {  	_ =	shalt  }
0x63: {  	_ =	shalt  }
0x64: {  	_ =	shalt  }
0x65: {  	_ =	shalt  }
0x66: {  	_ =	shalt  }
0x67: {  	_ =	shalt  }
0x68: {  	_ =	shalt  }
0x69: {  	_ =	shalt  }
0x6a: {  	_ =	shalt  }
0x6b: {  	_ =	shalt  }
0x6c: {  	_ =	shalt  }
0x6d: {  	_ =	shalt  }
0x6e: {  	_ =	shalt  }
0x6f: {  	_ =	shalt  }
0x70: {  	_ =	shalt  }
0x71: {  	_ =	shalt  }
0x72: {  	_ =	shalt  }
0x73: {  	_ =	shalt  }
0x74: {  	_ =	shalt  }
0x75: {  	_ =	shalt  }
0x76: {  	_ =	shalt  }
0x77: {  	_ =	shalt  }
0x78: {  	_ =	shalt  }
0x79: {  	_ =	shalt  }
0x7a: {  	_ =	shalt  }
0x7b: {  	_ =	shalt  }
0x7c: {  	_ =	shalt  }
0x7d: {  	_ =	shalt  }
0x7e: {  	_ =	shalt  }
0x7f: {  	_ =	shalt  }
0x80: {  	_ =	shalt  }
0x81: {  	_ =	shalt  }
0x82: {  	_ =	shalt  }
0x83: {  	_ =	shalt  }
0x84: {  	_ =	shalt  }
0x85: {  	_ =	shalt  }
0x86: {  	_ =	shalt  }
0x87: {  	_ =	shalt  }
.Lfunc_end0:
.L_simem_size_0:
called_computation.1_lowered:
.L_overlay_start_0:
0x88: {  	s2 =	sld [smem:$0x3FD9]  }
0x89: {  	s3 =	sld [smem:$0x3FFE];
	_ =	sdelay $0x1  }
0x8a: {  	s1 =	srdreg.scid  }
0x8b: {  	s0 =	sand.u32 $0x1, s1  }
0x8c: {  	s16 =	sshll.u32 s0, $0xA;
	s2 =	sadd.s32 s3, s2  }
0x8d: {  	s2 =	sadd.s32 s2, s16  }
0x8e: {  	[smem:$0x3FBC] =	sst s2  }
0x8f: {  	_ = 	snop  }
0x90: {  	(tm) =	ssettm $0x1  }
0x91: {  	s17 =	sld [smem:$0x3FFB];
	_ =	sdelay $0x3  }
0x92: {  	_ =	strace s17  }
0x93: {  	s2 =	sld [smem:$0x3FFC];
	_ =	sdelay $0x3  }
0x94: {  	_ =	strace s2  }
0x95: {  	s2 =	sld [smem:$0x3FFD];
	_ =	sdelay $0x3  }
0x96: {  	_ =	strace s2  }
0x97: {  	_ =	strace $0x8FFFFFFF  }
0x98: {  	s18 =	sld [smem:$0x3FDB];
	_ =	sdelay $0x1  }
0x99: {  	s19 =	simm.s32 $_scs_section_size  }
0x9a: {  	s4 =	simm.s32 $_size__tile_overlayer_lowered;
	s5 =	simm.s32 $_tile_overlayer_lowered  }
0x9b: {  	s22 =	simm.s32 $0x1BFF;
	s21 =	sshll.u32 s5, $0x1;
	s2 =	sadd.s32 s19, s18  }
0x9c: {  	s6 =	simm.s32 $0x0;
	s20 =	sshll.u32 s4, $0x1;
	s4 =	sadd.s32 s21, s2  }
0x9d: {  	[timem:s6], [sflag:s22] =	dma.local [hbm:s4], s20  }
0x9e: {  	_ =	swait.ge [sflag:s22], s20  }
0x9f: {  	s3 =	ssub.s32 $0x0, s20;
	[sflag:s22] =	ssyncset.done $0x0  }
0xa0: {  	[sflag:s22] =	ssyncadd.s32 s3;
	_ =	sdelay $0x1  }
0xa1: {  	s23 =	simm.s32 $0x1B8B  }
0xa2: {  	_ =	swait.ge [sflag:s23], $0x1  }
0xa3: {  	[sflag:s23] =	ssyncset.done $0x0  }
0xa4: {  	s25 =	simm.s32 $0x1B8E;
	s24 =	sld [smem:$0x3FFE];
	[sflag:s23] =	ssyncadd.s32 $0xFFFFFFFF  }
0xa5: {  	s26 =	simm.s32 $execute0_lowered;
	[smem:$0x3FD2] =	sst s25  }
0xa6: {  	s4 =	sshll.u32 s26, $0x1;
	_ =	strace $0x80000049;
	[dreg:$0x1] =	wrdreg $0xFFFFFFFF  }
0xa7: {  	s28 =	simm.s32 $_size_execute0_lowered;
	s2 =	sadd.s32 s2, s4;
	[dreg:$0x0] =	wrdreg $0x0  }
0xa8: {  	s4 =	sshll.u32 s28, $0x1;
	[dreg:$0x2] =	wrdreg s2  }
0xa9: {  	[dreg:$0x3] =	wrdreg s4  }
0xaa: {  	[dreg:$0x4] =	wrdreg $0xC0  }
0xab: {  	_ =	task [dreg:s6], $0x5FFFF  }
0xac: {  	[dreg:$0x1] =	wrdreg $0xFFFFFFFF  }
0xad: {  	[dreg:$0x0] =	wrdreg $0x60  }
0xae: {  	[dreg:$0x2] =	wrdreg s24  }
0xaf: {  	[dreg:$0x3] =	wrdreg $0xB7800  }
0xb0: {  	[dreg:$0x4] =	wrdreg $0x9  }
0xb1: {  	_ =	task.clear_ibuf [dreg:s6], $0x5FFFF;
	_ =	strace $0x90000049  }
0xb2: {  	s29 =	simm.s32 $0x9;
	_ =	strace $0x8000004B  }
0xb3: {  	_ =	swait.ge [sflag:s29], $0x1  }
0xb4: {  	[sflag:s29] =	ssyncadd.s32 $0xFFFFFFFF  }
0xb5: {  	_ =	strace $0x9000004B  }
0xb6: {  	_ =	sfence  }
0xb7: {  	s30 =	sld [smem:$0x0];
	_ =	sdelay $0x2  }
0xb8: {  	s31 =	sshll.u32 s1, $0xD;
	s1 =	sshrl.u32 s1, $0x2  }
0xb9: {  	s3 =	sand.u32 $0x4000, s31;
	s1 =	sadd.s32 s1, s30  }
0xba: {  	s0 =	sor.u32 s3, s0;
	s1 =	sshll.u32 s1, $0x11  }
0xbb: {  	s0 =	sor.u32 s1, s0  }
0xbc: {  	s0 =	sadd.s32 $0x8F2B, s0  }
0xbd: {  	[sflag:s0] =	ssyncadd.remote.s32 $0x1  }
0xbe: {  	_ =	sfence.sel $0xFFFF  }
0xbf: {  	[dreg:$0x0] =	wrdreg $0xFFFFFFFF;
	(pc) =	sbr.abs _section_cstart, $3  }
0xc0: {  	[dreg:$0x1] =	wrdreg $0xFFFFFFFF  }
0xc1: {  	_ =	task.clear_ibuf [dreg:s6], $0x2FFFF;
	_ =	strace $0x9FFFFFFF  }
0xc2: {  	(tm) =	ssettm $0x7FFFFFFF  }
0xc3: {  	_ =	shalt  }
tec
execute0_lowered:
.L_overlay_start_1:
0x0: {  	(tag) =	ssettag $0x1  }
0x1: {  	s1 =	rddreg [dreg:$0x0];
	s3 =	srdreg.scid  }
0x2: {  	s0 =	stileid.u32;
	s2 =	rddreg [dreg:$0x1]  }
0x3: {  	s17 =	simm.s32 $0x6780;
	s18 =	simm.s32 $0x5;
	s28 =	simm.s32 $0x3  }
0x4: {  	s29 =	simm.s32 $0x4;
	s30 =	simm.s32 $0x6480;
	s31 =	simm.s32 $0x6500  }
0x5: {  	s5 =	sand.u32 $0x1, s3;
	s22 =	sshll.u32 s0, $0x1;
	s9 =	smul.u32 $0xA000, s0  }
0x6: {  	s4 =	sshrl.u32 s0, $0x2;
	s3 =	simm.s32 $0x0;
	s23 =	smul.u32 $0x3E80, s0  }
0x7: {  	s15 =	smul.u32 $0x7D000, s0;
	p0 =	sgt.u32 s0, $0xC;
	p1 =	sgt.u32 s0, $0x9  }
0x8: {  	s6 =	sor.u32 s5, s22;
	s4 =	smul.u32 $0x13C00, s4;
	[smem:$0x7FF] =	sst s3  }
0x9: {  	s8 =	smul.u32 $0x27100, s5;
	s24 =	ssub.s32 $0x2, s5;
	s22 =	simm.s32 $0x50  }
0xa: {  	s7 =	sshll.u32 s6, $0x7;
	_ =	strace $0x8000004A;
	s6 =	sshll.u32 s6, $0xB  }
0xb: {  	s25 =	sshrl.u32 s9, $0x2;
	s26 =	sshrl.u32 s24, $0x1;
	s15 =	sshrl.u32 s15, $0x2  }
0xc: {  	s7 =	sand.u32 $0x380, s7;
	s14 =	sadd.s32 s6, s1;
	s5 =	sadd.s32 s25, s2  }
0xd: {  	s16 =	ssub.s32 s24, s26;
	s19 =	sadd.s32 s15, s2;
	s24 =	simm.s32 $0x1  }
0xe: {  	s26 =	simm.s32 $0x2;
	s7 =	sor.u32 s4, s7;
	s4 =	sadd.s32 $0x14000, s1  }
0xf: {  	s6 =	sadd.s32 $0x28000, s5;
	s9 =	sadd.s32 $0xA0000, s5;
	s10 =	sadd.s32 $0xC8000, s5  }
0x10: {  	s11 =	sadd.s32 $0xF0000, s5;
	s12 =	sadd.s32 $0x118000, s5;
	s14 =	sadd.s32 $0x4000, s14  }
0x11: {  	s16 =	smax.u32 s16, $0x1;
	s25 =	sshrl.u32 @!p1 s19, $0x3;
	s7 =	sshrl.u32 s7, $0x3  }
0x12: {  	s13 =	sadd.s32 s7, s1;
	s7 =	sadd.s32 s23, s8;
	s8 =	sadd.s32 $0x78000, s5  }
0x13: {  	s23 =	simm.s32 $0x8F80;
	s1 =	sadd.s32 s7, s1;
	s7 =	sadd.s32 $0x50000, s5  }
0x14: {  	v0 =	vimm.f32 $0.0e+00;
	s13 =	sadd.s32 $0x62200, s13;
	s15 =	sadd.s32 $0x6C000, s1;
	s1 =	simm.s32 $0x6580  }
.LBB2_1:
0x15: {  	s19 =	simm.s32 $0x0;
	s20 =	simm.s32 $0x200  }
.LBB2_2:
0x16: {  	p2 =	sne.s32 s20, $0x9E00;
	[tilespmem:s19+$0x67F0] =	vst v0  }
0x17: {  	[tilespmem:s19+$0x6780] =	vst v0  }
0x18: {  	[tilespmem:s19+$0x6790] =	vst v0  }
.Ltmp0:
0x19: {  	[tilespmem:s19+$0x67A0] =	vst v0;
	(pc) =	sbr.rel @p2 .LBB2_2-.Ltmp0, $4  }
0x1a: {  	[tilespmem:s19+$0x67B0] =	vst v0  }
0x1b: {  	[tilespmem:s19+$0x67C0] =	vst v0  }
0x1c: {  	[tilespmem:s19+$0x67D0] =	vst v0  }
0x1d: {  	[tilespmem:s19+$0x67E0] =	vst v0;
	s19 =	sshra.s32 s20, $0x2;
	s20 =	sadd.s32 $0x200, s20  }
0x1e: {  	[tilespmem:s19+$0x67F0] =	vst v0  }
0x1f: {  	[tilespmem:s19+$0x6780] =	vst v0  }
0x20: {  	[tilespmem:s19+$0x6790] =	vst v0  }
0x21: {  	[tilespmem:s19+$0x67A0] =	vst v0  }
0x22: {  	[tilespmem:s19+$0x67B0] =	vst v0  }
0x23: {  	[tilespmem:s19+$0x67C0] =	vst v0  }
0x24: {  	[tilespmem:s19+$0x67D0] =	vst v0  }
0x25: {  	[tilespmem:s19+$0x67E0] =	vst v0  }
0x26: {  	[spmem:s5] =	stream.linear.scatter [tilespmem:s17], [sflag:$0x5], $0x2800, $0x38;
	[tilespmem:$0x1F000] =	vst v63  }
0x27: {  	_ =	swait.ge [sflag:s18], $0x2800  }
0x28: {  	[sflag:s18] =	ssyncset.done $0x0  }
0x29: {  	[sflag:s18] =	ssyncadd.s32 $0xFFFFD800  }
0x2a: {  	[spmem:s6] =	stream.linear.scatter [tilespmem:s17], [sflag:$0x5], $0x2800, $0x38;
	[tilespmem:$0x1F000] =	vst v63  }
0x2b: {  	_ =	swait.ge [sflag:s18], $0x2800  }
0x2c: {  	[sflag:s18] =	ssyncset.done $0x0  }
0x2d: {  	[sflag:s18] =	ssyncadd.s32 $0xFFFFD800  }
0x2e: {  	[spmem:s7] =	stream.linear.scatter [tilespmem:s17], [sflag:$0x5], $0x2800, $0x38;
	[tilespmem:$0x1F000] =	vst v63  }
0x2f: {  	_ =	swait.ge [sflag:s18], $0x2800  }
0x30: {  	[sflag:s18] =	ssyncset.done $0x0  }
0x31: {  	[sflag:s18] =	ssyncadd.s32 $0xFFFFD800  }
0x32: {  	[spmem:s8] =	stream.linear.scatter [tilespmem:s17], [sflag:$0x5], $0x2800, $0x38;
	[tilespmem:$0x1F000] =	vst v63  }
0x33: {  	_ =	swait.ge [sflag:s18], $0x2800  }
0x34: {  	[sflag:s18] =	ssyncset.done $0x0  }
0x35: {  	[sflag:s18] =	ssyncadd.s32 $0xFFFFD800  }
0x36: {  	[spmem:s9] =	stream.linear.scatter [tilespmem:s17], [sflag:$0x5], $0x2800, $0x38;
	[tilespmem:$0x1F000] =	vst v63  }
0x37: {  	_ =	swait.ge [sflag:s18], $0x2800  }
0x38: {  	[sflag:s18] =	ssyncset.done $0x0  }
0x39: {  	[sflag:s18] =	ssyncadd.s32 $0xFFFFD800  }
0x3a: {  	[spmem:s10] =	stream.linear.scatter [tilespmem:s17], [sflag:$0x5], $0x2800, $0x38;
	[tilespmem:$0x1F000] =	vst v63  }
0x3b: {  	_ =	swait.ge [sflag:s18], $0x2800  }
0x3c: {  	[sflag:s18] =	ssyncset.done $0x0  }
0x3d: {  	[sflag:s18] =	ssyncadd.s32 $0xFFFFD800  }
0x3e: {  	[spmem:s11] =	stream.linear.scatter [tilespmem:s17], [sflag:$0x5], $0x2800, $0x38;
	[tilespmem:$0x1F000] =	vst v63  }
0x3f: {  	_ =	swait.ge [sflag:s18], $0x2800  }
0x40: {  	[sflag:s18] =	ssyncset.done $0x0  }
0x41: {  	s19 =	simm.s32 @!p0 $0x6780;
	[sflag:s18] =	ssyncadd.s32 $0xFFFFD800  }
0x42: {  	[spmem:s12] =	stream.linear.scatter @!p0 [tilespmem:s19], [sflag:$0x5], $0x2800, $0x38;
	[tilespmem:$0x1F000] =	vst v63  }
0x43: {  	s19 =	simm.s32 @!p0 $0x5  }
0x44: {  	_ =	swait.ge @!p0 [sflag:s19], $0x2800  }
0x45: {  	s0 =	simm.s32 $0x80;
	[sflag:s19] =	ssyncset.done @!p0 $0x0  }
0x46: {  	s20 =	simm.s32 $0x400;
	[sflag:s19] =	ssyncadd.s32 @!p0 $0xFFFFD800;
	s19 =	simm.s32 $0x0  }
0x47: {  	[tilespmem:s19], [sflag:$0x5] =	stream.strided.gather [hbm4b:s13+s0], $0x2780, s20, s0, $0x38;
	[tilespmem:$0x1F000] =	vst v63  }
0x48: {  	_ =	swait.ge [sflag:s18], $0x2780  }
0x49: {  	[sflag:s18] =	ssyncset.done $0x0  }
0x4a: {  	s21 =	simm.s32 $0x2780;
	[sflag:s18] =	ssyncadd.s32 $0xFFFFD880  }
0x4b: {  	[tilespmem:s21], [sflag:$0x5] =	stream.linear.gather [hbm4b:s14+s19], $0x3E80, $0x38;
	[tilespmem:$0x1F000] =	vst v63  }
0x4c: {  	_ =	swait.ge [sflag:s18], $0x3E80  }
0x4d: {  	[sflag:s18] =	ssyncset.done $0x0  }
0x4e: {  	[sflag:s18] =	ssyncadd.s32 $0xFFFFC180  }
0x4f: {  	[bflag:$0x0] =	sbarrier.arrive $0xFFFF  }
0x50: {  	[tilespmem:s17], [sflag:$0x1] =	stream.indirect.gather [hbm4b:s4+s22], $0x80, s19, s22, $0xb8;
	[tilespmem:$0x1F000] =	vst v63  }
0x51: {  	_ = 	snop  }
0x52: {  	[tilespmem:s23], [sflag:$0x2] =	stream.indirect.gather [hbm4b:s4+s22], $0x80, s22, s22, $0xb8;
	[tilespmem:$0x1F000] =	vst v63  }
0x53: {  	_ =	swait.ge [sflag:s24], $0x2800  }
0x54: {  	[sflag:s24] =	ssyncset.done $0x0  }
0x55: {  	s0 =	simm.s32 $0x2780;
	[sflag:s24] =	ssyncadd.s32 $0xFFFFD800  }
0x56: {  	[spmem:s2] =	stream.indirect.scatter.add.f32 [tilespmem:s17], [sflag:$0x3], $0x80, s0, s22, $0xb8;
	[tilespmem:$0x1F000] =	vst v63  }
0x57: {  	_ =	swait.ge [sflag:s26], $0x2800  }
0x58: {  	[sflag:s26] =	ssyncset.done $0x0  }
0x59: {  	s20 =	simm.s32 $0x2800;
	[sflag:s26] =	ssyncadd.s32 $0xFFFFD800  }
0x5a: {  	[spmem:s2] =	stream.indirect.scatter.add.f32 [tilespmem:s23], [sflag:$0x4], $0x80, s20, s22, $0xb8;
	[tilespmem:$0x1F000] =	vst v63  }
0x5b: {  	_ =	swait.ge [sflag:s28], $0x2800  }
0x5c: {  	[sflag:s28] =	ssyncset.done $0x0  }
0x5d: {  	s21 =	simm.s32 $0xA0;
	[sflag:s28] =	ssyncadd.s32 $0xFFFFD800  }
0x5e: {  	[tilespmem:s17], [sflag:$0x1] =	stream.indirect.gather [hbm4b:s4+s22], $0x80, s21, s22, $0xb8;
	[tilespmem:$0x1F000] =	vst v63  }
0x5f: {  	_ =	swait.ge [sflag:s29], $0x2800  }
0x60: {  	s19 =	simm.s32 $0x140;
	[sflag:s29] =	ssyncset.done $0x0  }
0x61: {  	s20 =	simm.s32 $0x400;
	s21 =	simm.s32 $0xF0;
	[sflag:s29] =	ssyncadd.s32 $0xFFFFD800  }
.LBB2_4:
0x62: {  	[tilespmem:s23], [sflag:$0x2] =	stream.indirect.gather [hbm4b:s4+s22], $0x80, s21, s22, $0xb8;
	[tilespmem:$0x1F000] =	vst v63  }
0x63: {  	s21 =	smov.u32 s20  }
0x64: {  	p2 =	sne.s32 s20, $0xF000;
	s20 =	sadd.s32 $0x400, s20;
	_ =	swait.ge [sflag:s24], $0x2800  }
0x65: {  	s21 =	sshra.s32 s21, $0x2;
	[sflag:s24] =	ssyncset.done $0x0  }
0x66: {  	s0 =	sadd.s32 $0x2780, s21;
	[sflag:s24] =	ssyncadd.s32 $0xFFFFD800  }
0x67: {  	[spmem:s2] =	stream.indirect.scatter.add.f32 [tilespmem:s17], [sflag:$0x3], $0x80, s0, s22, $0xb8;
	[tilespmem:$0x1F000] =	vst v63  }
0x68: {  	_ =	swait.ge [sflag:s26], $0x2800  }
0x69: {  	[sflag:s26] =	ssyncset.done $0x0  }
0x6a: {  	s0 =	sadd.s32 $0x2800, s21;
	[sflag:s26] =	ssyncadd.s32 $0xFFFFD800  }
0x6b: {  	[spmem:s2] =	stream.indirect.scatter.add.f32 [tilespmem:s23], [sflag:$0x4], $0x80, s0, s22, $0xb8;
	[tilespmem:$0x1F000] =	vst v63  }
0x6c: {  	_ =	swait.ge [sflag:s28], $0x2800  }
0x6d: {  	[sflag:s28] =	ssyncset.done $0x0  }
.Ltmp1:
0x6e: {  	[sflag:s28] =	ssyncadd.s32 $0xFFFFD800;
	(pc) =	sbr.rel @p2 .LBB2_4-.Ltmp1, $4  }
0x6f: {  	[tilespmem:s17], [sflag:$0x1] =	stream.indirect.gather [hbm4b:s4+s22], $0x80, s19, s22, $0xb8;
	[tilespmem:$0x1F000] =	vst v63  }
0x70: {  	_ =	swait.ge [sflag:s29], $0x2800  }
0x71: {  	[sflag:s29] =	ssyncset.done $0x0  }
0x72: {  	s21 =	sadd.s32 $0x50, s19;
	s19 =	sadd.s32 $0xA0, s19;
	[sflag:s29] =	ssyncadd.s32 $0xFFFFD800  }
0x73: {  	[tilespmem:s23], [sflag:$0x2] =	stream.indirect.gather [hbm4b:s4+s22], $0x80, s21, s22, $0xb8;
	[tilespmem:$0x1F000] =	vst v63  }
0x74: {  	_ =	swait.ge [sflag:s24], $0x2800  }
0x75: {  	[sflag:s24] =	ssyncset.done $0x0  }
0x76: {  	[sflag:s24] =	ssyncadd.s32 $0xFFFFD800  }
0x77: {  	[spmem:s2] =	stream.indirect.scatter.add.f32 [tilespmem:s17], [sflag:$0x3], $0x80, s30, s22, $0xb8;
	[tilespmem:$0x1F000] =	vst v63  }
0x78: {  	_ =	swait.ge [sflag:s26], $0x2800  }
0x79: {  	[sflag:s26] =	ssyncset.done $0x0  }
0x7a: {  	[sflag:s26] =	ssyncadd.s32 $0xFFFFD800  }
0x7b: {  	[spmem:s2] =	stream.indirect.scatter.add.f32 [tilespmem:s23], [sflag:$0x4], $0x80, s31, s22, $0xb8;
	[tilespmem:$0x1F000] =	vst v63  }
0x7c: {  	_ =	swait.ge [sflag:s28], $0x2800  }
0x7d: {  	[sflag:s28] =	ssyncset.done $0x0  }
0x7e: {  	[sflag:s28] =	ssyncadd.s32 $0xFFFFD800  }
0x7f: {  	[tilespmem:s17], [sflag:$0x1] =	stream.indirect.gather [hbm4b:s4+s22], $0x80, s19, s22, $0xb8;
	[tilespmem:$0x1F000] =	vst v63  }
0x80: {  	_ =	swait.ge [sflag:s24], $0x2800  }
0x81: {  	[sflag:s24] =	ssyncset.done $0x0  }
0x82: {  	[sflag:s24] =	ssyncadd.s32 $0xFFFFD800  }
0x83: {  	[spmem:s2] =	stream.indirect.scatter.add.f32 [tilespmem:s17], [sflag:$0x3], $0x80, s1, s22, $0xb8;
	[tilespmem:$0x1F000] =	vst v63  }
0x84: {  	_ =	swait.ge [sflag:s28], $0x2800  }
0x85: {  	[sflag:s28] =	ssyncset.done $0x0  }
0x86: {  	[sflag:s28] =	ssyncadd.s32 $0xFFFFD800  }
0x87: {  	_ =	swait.ge [sflag:s29], $0x2800  }
0x88: {  	s0 =	stileid.u32;
	[sflag:s29] =	ssyncset.done $0x0  }
0x89: {  	s3 =	sadd.s32 $0x1, s3;
	s0 =	sshll.u32 @!p1 s0, $0x6;
	[sflag:s29] =	ssyncadd.s32 $0xFFFFD800  }
0x8a: {  	p2 =	sne.s32 s3, s16;
	s0 =	sor.u32 @!p1 $0x1C05, s0;
	[bflag:$0x0] =	sbarrier.arrive $0xFFFF  }
0x8b: {  	[hbm:s15], [sflag:s0] =	dma.local @!p1 [spmem:s25], $0x3E80  }
.Ltmp2:
0x8c: {  	_ = 	snop;
	(pc) =	sbr.rel @p2 .LBB2_1-.Ltmp2, $4  }
0x8d: {  	s0 =	simm.s32 @!p1 $0x5  }
0x8e: {  	_ =	swait.ge @!p1 [sflag:s0], $0x3E80  }
0x8f: {  	[sflag:s0] =	ssyncset.done @!p1 $0x0  }
0x90: {  	[sflag:s0] =	ssyncadd.s32 @!p1 $0xFFFFC180  }
0x91: {  	_ =	sfence.sel $0x180000  }
0x92: {  	[bflag:$0x0] =	sbarrier.arrive $0xFFFF  }
0x93: {  	_ =	strace $0x9000004A  }
0x94: {  	s0 =	stileid.u32;
	[bflag:$0x2] =	sbarrier.arrive $0xFFFF  }
0x95: {  	p0 =	sne.s32 s0, $0x0;
	s0 =	rddreg [dreg:$0x2]  }
0x96: {  	s0 =	sadd.s32 @!p0 $0x100000, s0  }
0x97: {  	[sflag:s0] =	ssyncadd.tile.s32 @!p0 $0x1;
	_ =	shalt  }
.Lfunc_end2:
_tile_overlayer_lowered:
.L_overlay_start_2:
0x98: {  	(tag) =	ssettag $0x2  }
0x99: {  	s0 =	rddreg [dreg:$0x0];
	s2 =	stileid.u32  }
0x9a: {  	s1 =	rddreg [dreg:$0x1];
	p0 =	sne.s32 s2, $0x0  }
0x9b: {  	s3 =	rddreg [dreg:$0x2];
	[bflag:$0x3] =	sbarrier.arrive $0xFFFF;
	s2 =	simm.s32 @!p0 $0x1C05  }
0x9c: {  	[timem:s3], [sflag:s2] =	dma.local @!p0 [hbm:s0], s1  }
0x9d: {  	s0 =	simm.s32 @!p0 $0x5  }
0x9e: {  	_ =	swait.ge @!p0 [sflag:s0], s1  }
0x9f: {  	s1 =	ssub.s32 @!p0 $0x0, s1;
	[sflag:s0] =	ssyncset.done @!p0 $0x0  }
0xa0: {  	[sflag:s0] =	ssyncadd.s32 @!p0 s1  }
0xa1: {  	[bflag:$0x3] =	sbarrier.arrive $0xFFFF  }
0xa2: {  	_ =	shalt  }

// kernel: kernel.18.cloned.1.call-start
scs
__scs_entry_jumppad:
0x0: {  	(pc) =	sbr.rel $0x88, $3  }
0x1: {  	(tag) =	ssettag $0x0;
	lr =	simm.s32 $0x1  }
0x2: {  	[smem:$0x3F95] =	sst lr;
	_ =	strace $0xD0000000  }
0x3: {  	_ = 	snop  }
0x4: {  	_ = 	snop  }
0x5: {  	_ = 	snop  }
0x6: {  	_ = 	snop  }
0x7: {  	_ = 	snop  }
__scs_overlays_trampoline_lowered:
0x8: {  	[smem:$0x3FA4] =	sst s0  }
0x9: {  	[smem:$0x3FA5] =	sst s1  }
0xa: {  	[smem:$0x3FA6] =	sst s2  }
0xb: {  	[smem:$0x3FA7] =	sst s3  }
0xc: {  	[smem:$0x3FA8] =	sst s4  }
0xd: {  	[smem:$0x3FA9] =	sst s5  }
0xe: {  	[smem:$0x3FAA] =	sst s6  }
0xf: {  	[smem:$0x3FAB] =	sst s7  }
0x10: {  	[smem:$0x3FAC] =	sst s8  }
0x11: {  	[smem:$0x3FAD] =	sst s9;
	s0 =	simm.s32 @!p0 $0x0  }
0x12: {  	s1 =	sld [smem:$0x3F93];
	s0 =	simm.s32 @p0 $0x1  }
0x13: {  	[smem:$0x3FAE] =	sst s0;
	s0 =	simm.s32 @!p1 $0x0  }
0x14: {  	s2 =	sld [smem:$0x3F92];
	s0 =	simm.s32 @p1 $0x1  }
0x15: {  	[smem:$0x3FAF] =	sst s0;
	s0 =	simm.s32 @!p2 $0x0  }
0x16: {  	s3 =	sld [smem:$0x3FDB];
	s0 =	simm.s32 @p2 $0x1  }
0x17: {  	s4 =	simm.s32 $0x1BF5;
	[smem:$0x3FB1] =	sst s0  }
0x18: {  	s0 =	sld [smem:$0x3F94];
	_ =	swait.ge [sflag:s4], $0x0  }
0x19: {  	s7 =	sld [smem:$0x3F95]  }
0x1a: {  	s8 =	sadd.s32 $0xFFFFE003, lr  }
0x1b: {  	s9 =	sadd.s32 $0xFFFFFEF7, lr;
	s5 =	simm.s32 $0xFFFFFFFF;
	p2 =	slt.u32 s8, $0xFFFFF086  }
0x1c: {  	p1 =	slt.u32 s9, $0xF7A;
	s5 =	simm.s32 @!p2 $0x0  }
0x1d: {  	s5 =	simm.s32 @p1 $0x1;
	p0 =	seq.s32 s7, s2  }
0x1e: {  	s7 =	smul.u32 @!p0 $0xF7A, s2;
	p2 =	seq.s32 @!p0 s5, $0x0  }
0x1f: {  	s9 =	smul.u32 $0xF7A, s1;
	s8 =	simm.s32 @!p0 $0x1BF5;
	p2 =	por !p2, p0  }
0x20: {  	[sflag:s8] =	ssyncset.s32 @!p0 $0xFFFFF086;
	s6 =	sadd.s32 @!p0 s3, s7;
	s7 =	simm.s32 @!p0 $0x108  }
0x21: {  	s3 =	sadd.s32 s3, s9;
	s6 =	sadd.s32 @!p0 $0x88, s6;
	s7 =	simm.s32 @p2 $0x1082  }
0x22: {  	[simem:s7], [sflag:s8] =	dma.local @!p0 [hbm:s6], $0xF7A  }
0x23: {  	s9 =	sor.u32 $0xD0000000, s2;
	s6 =	simm.s32 $0x108;
	_ =	swait.ge @!p0 [sflag:s8], $0x0  }
0x24: {  	s3 =	sadd.s32 $0x88, s3;
	s6 =	simm.s32 @!p1 $0x1082;
	[sflag:s4] =	ssyncset.s32 $0xFFFFF086  }
0x25: {  	[simem:s6], [sflag:s4] =	dma.local [hbm:s3], $0xF7A  }
0x26: {  	[smem:$0x3F95] =	sst s1;
	(tag) =	ssettag s2;
	_ =	strace s9  }
0x27: {  	s1 =	sld [smem:$0x3FA5]  }
0x28: {  	s2 =	sld [smem:$0x3FA6]  }
0x29: {  	s4 =	sld [smem:$0x3FA8]  }
0x2a: {  	p0 =	seq.s32 s5, $0x0;
	s5 =	sld [smem:$0x3FA9]  }
0x2b: {  	s6 =	sld [smem:$0x3FAA]  }
0x2c: {  	s7 =	sld [smem:$0x3FAB]  }
0x2d: {  	s3 =	simm.s32 $0x108;
	s8 =	sld [smem:$0x3FAC]  }
0x2e: {  	s3 =	simm.s32 @!p0 $0x1082;
	s9 =	sld [smem:$0x3FAD]  }
0x2f: {  	lr =	sadd.s32 s0, s3;
	s0 =	sld [smem:$0x3FA4]  }
0x30: {  	s3 =	sld [smem:$0x3FA7]  }
0x31: {  	[smem:$0x3FB0] =	sst s10  }
0x32: {  	s10 =	sld [smem:$0x3FAE];
	_ =	sdelay $0x3  }
0x33: {  	p0 =	seq.s32 s10, $0x1;
	s10 =	sld [smem:$0x3FB0];
	_ =	sdelay $0x3  }
0x34: {  	[smem:$0x3FB0] =	sst s10  }
0x35: {  	s10 =	sld [smem:$0x3FAF];
	_ =	sdelay $0x3  }
0x36: {  	p1 =	seq.s32 s10, $0x1;
	s10 =	sld [smem:$0x3FB0];
	_ =	sdelay $0x3  }
0x37: {  	[smem:$0x3FB0] =	sst s10  }
0x38: {  	s10 =	sld [smem:$0x3FB1]  }
0x39: {  	_ = 	snop;
	(pc) =	sbr.ind lr, $3  }
0x3a: {  	_ = 	snop  }
0x3b: {  	_ = 	snop  }
0x3c: {  	p2 =	seq.s32 s10, $0x1;
	s10 =	sld [smem:$0x3FB0]  }
0x3d: {  	_ =	shalt  }
0x3e: {  	_ =	shalt  }
0x3f: {  	_ =	shalt  }
0x40: {  	_ =	shalt  }
0x41: {  	_ =	shalt  }
0x42: {  	_ =	shalt  }
0x43: {  	_ =	shalt  }
0x44: {  	_ =	shalt  }
0x45: {  	_ =	shalt  }
0x46: {  	_ =	shalt  }
0x47: {  	_ =	shalt  }
0x48: {  	_ =	shalt  }
0x49: {  	_ =	shalt  }
0x4a: {  	_ =	shalt  }
0x4b: {  	_ =	shalt  }
0x4c: {  	_ =	shalt  }
0x4d: {  	_ =	shalt  }
0x4e: {  	_ =	shalt  }
0x4f: {  	_ =	shalt  }
0x50: {  	_ =	shalt  }
0x51: {  	_ =	shalt  }
0x52: {  	_ =	shalt  }
0x53: {  	_ =	shalt  }
0x54: {  	_ =	shalt  }
0x55: {  	_ =	shalt  }
0x56: {  	_ =	shalt  }
0x57: {  	_ =	shalt  }
0x58: {  	_ =	shalt  }
0x59: {  	_ =	shalt  }
0x5a: {  	_ =	shalt  }
0x5b: {  	_ =	shalt  }
0x5c: {  	_ =	shalt  }
0x5d: {  	_ =	shalt  }
0x5e: {  	_ =	shalt  }
0x5f: {  	_ =	shalt  }
0x60: {  	_ =	shalt  }
0x61: {  	_ =	shalt  }
0x62: {  	_ =	shalt  }
0x63: {  	_ =	shalt  }
0x64: {  	_ =	shalt  }
0x65: {  	_ =	shalt  }
0x66: {  	_ =	shalt  }
0x67: {  	_ =	shalt  }
0x68: {  	_ =	shalt  }
0x69: {  	_ =	shalt  }
0x6a: {  	_ =	shalt  }
0x6b: {  	_ =	shalt  }
0x6c: {  	_ =	shalt  }
0x6d: {  	_ =	shalt  }
0x6e: {  	_ =	shalt  }
0x6f: {  	_ =	shalt  }
0x70: {  	_ =	shalt  }
0x71: {  	_ =	shalt  }
0x72: {  	_ =	shalt  }
0x73: {  	_ =	shalt  }
0x74: {  	_ =	shalt  }
0x75: {  	_ =	shalt  }
0x76: {  	_ =	shalt  }
0x77: {  	_ =	shalt  }
0x78: {  	_ =	shalt  }
0x79: {  	_ =	shalt  }
0x7a: {  	_ =	shalt  }
0x7b: {  	_ =	shalt  }
0x7c: {  	_ =	shalt  }
0x7d: {  	_ =	shalt  }
0x7e: {  	_ =	shalt  }
0x7f: {  	_ =	shalt  }
0x80: {  	_ =	shalt  }
0x81: {  	_ =	shalt  }
0x82: {  	_ =	shalt  }
0x83: {  	_ =	shalt  }
0x84: {  	_ =	shalt  }
0x85: {  	_ =	shalt  }
0x86: {  	_ =	shalt  }
0x87: {  	_ =	shalt  }
.Lfunc_end0:
.L_simem_size_0:
called_computation.2_lowered:
.L_overlay_start_0:
0x88: {  	s2 =	sld [smem:$0x3FD9]  }
0x89: {  	s3 =	sld [smem:$0x3FFE];
	_ =	sdelay $0x1  }
0x8a: {  	s1 =	srdreg.scid  }
0x8b: {  	s0 =	sand.u32 $0x1, s1  }
0x8c: {  	s16 =	sshll.u32 s0, $0xA;
	s2 =	sadd.s32 s3, s2  }
0x8d: {  	s2 =	sadd.s32 s2, s16  }
0x8e: {  	[smem:$0x3FBC] =	sst s2  }
0x8f: {  	_ = 	snop  }
0x90: {  	(tm) =	ssettm $0x1  }
0x91: {  	s17 =	sld [smem:$0x3FFB];
	_ =	sdelay $0x3  }
0x92: {  	_ =	strace s17  }
0x93: {  	s2 =	sld [smem:$0x3FFC];
	_ =	sdelay $0x3  }
0x94: {  	_ =	strace s2  }
0x95: {  	s2 =	sld [smem:$0x3FFD];
	_ =	sdelay $0x3  }
0x96: {  	_ =	strace s2  }
0x97: {  	_ =	strace $0x8FFFFFFF  }
0x98: {  	s18 =	sld [smem:$0x3FDB];
	_ =	sdelay $0x1  }
0x99: {  	s19 =	simm.s32 $_scs_section_size  }
0x9a: {  	s4 =	simm.s32 $_size__tile_overlayer_lowered;
	s5 =	simm.s32 $_tile_overlayer_lowered  }
0x9b: {  	s22 =	simm.s32 $0x1BFF;
	s21 =	sshll.u32 s5, $0x1;
	s2 =	sadd.s32 s19, s18  }
0x9c: {  	s6 =	simm.s32 $0x0;
	s20 =	sshll.u32 s4, $0x1;
	s4 =	sadd.s32 s21, s2  }
0x9d: {  	[timem:s6], [sflag:s22] =	dma.local [hbm:s4], s20  }
0x9e: {  	_ =	swait.ge [sflag:s22], s20  }
0x9f: {  	s3 =	ssub.s32 $0x0, s20;
	[sflag:s22] =	ssyncset.done $0x0  }
0xa0: {  	[sflag:s22] =	ssyncadd.s32 s3;
	_ =	sdelay $0x1  }
0xa1: {  	s23 =	simm.s32 $0x1B8B  }
0xa2: {  	_ =	swait.ge [sflag:s23], $0x1  }
0xa3: {  	[sflag:s23] =	ssyncset.done $0x0  }
0xa4: {  	s25 =	simm.s32 $0x1B8E;
	s24 =	sld [smem:$0x3FFE];
	[sflag:s23] =	ssyncadd.s32 $0xFFFFFFFF  }
0xa5: {  	s26 =	simm.s32 $execute0_lowered;
	[smem:$0x3FD2] =	sst s25  }
0xa6: {  	s4 =	sshll.u32 s26, $0x1;
	_ =	strace $0x8000004C;
	[dreg:$0x1] =	wrdreg $0xFFFFFFFF  }
0xa7: {  	s28 =	simm.s32 $_size_execute0_lowered;
	s2 =	sadd.s32 s2, s4;
	[dreg:$0x0] =	wrdreg $0x0  }
0xa8: {  	s4 =	sshll.u32 s28, $0x1;
	[dreg:$0x2] =	wrdreg s2  }
0xa9: {  	[dreg:$0x3] =	wrdreg s4  }
0xaa: {  	[dreg:$0x4] =	wrdreg $0xC0  }
0xab: {  	_ =	task [dreg:s6], $0x5FFFF  }
0xac: {  	[dreg:$0x1] =	wrdreg $0xFFFFFFFF  }
0xad: {  	[dreg:$0x0] =	wrdreg $0x60  }
0xae: {  	[dreg:$0x2] =	wrdreg s24  }
0xaf: {  	[dreg:$0x3] =	wrdreg $0xB7800  }
0xb0: {  	[dreg:$0x4] =	wrdreg $0x9  }
0xb1: {  	_ =	task.clear_ibuf [dreg:s6], $0x5FFFF;
	_ =	strace $0x9000004C  }
0xb2: {  	s29 =	simm.s32 $0x9;
	_ =	strace $0x8000004E  }
0xb3: {  	_ =	swait.ge [sflag:s29], $0x1  }
0xb4: {  	[sflag:s29] =	ssyncadd.s32 $0xFFFFFFFF  }
0xb5: {  	_ =	strace $0x9000004E  }
0xb6: {  	_ =	sfence  }
0xb7: {  	s30 =	sld [smem:$0x0];
	_ =	sdelay $0x2  }
0xb8: {  	s31 =	sshll.u32 s1, $0xD;
	s1 =	sshrl.u32 s1, $0x2  }
0xb9: {  	s3 =	sand.u32 $0x4000, s31;
	s1 =	sadd.s32 s1, s30  }
0xba: {  	s0 =	sor.u32 s3, s0;
	s1 =	sshll.u32 s1, $0x11  }
0xbb: {  	s0 =	sor.u32 s1, s0  }
0xbc: {  	s0 =	sadd.s32 $0x8F2B, s0  }
0xbd: {  	[sflag:s0] =	ssyncadd.remote.s32 $0x1  }
0xbe: {  	_ =	sfence.sel $0xFFFF  }
0xbf: {  	[dreg:$0x0] =	wrdreg $0xFFFFFFFF;
	(pc) =	sbr.abs _section_cstart, $3  }
0xc0: {  	[dreg:$0x1] =	wrdreg $0xFFFFFFFF  }
0xc1: {  	_ =	task.clear_ibuf [dreg:s6], $0x2FFFF;
	_ =	strace $0x9FFFFFFF  }
0xc2: {  	(tm) =	ssettm $0x7FFFFFFF  }
0xc3: {  	_ =	shalt  }
tec
execute0_lowered:
.L_overlay_start_1:
0x0: {  	(tag) =	ssettag $0x1  }
0x1: {  	s1 =	rddreg [dreg:$0x0];
	s3 =	srdreg.scid  }
0x2: {  	s0 =	stileid.u32;
	s2 =	rddreg [dreg:$0x1]  }
0x3: {  	s17 =	simm.s32 $0x6780;
	s18 =	simm.s32 $0x5;
	s28 =	simm.s32 $0x3  }
0x4: {  	s29 =	simm.s32 $0x4;
	s30 =	simm.s32 $0x6480;
	s31 =	simm.s32 $0x6500  }
0x5: {  	s5 =	sand.u32 $0x1, s3;
	s22 =	sshll.u32 s0, $0x1;
	s9 =	smul.u32 $0xA000, s0  }
0x6: {  	s4 =	sshrl.u32 s0, $0x2;
	s3 =	simm.s32 $0x0;
	s23 =	smul.u32 $0x3E80, s0  }
0x7: {  	s15 =	smul.u32 $0x7D000, s0;
	p0 =	sgt.u32 s0, $0xC;
	p1 =	sgt.u32 s0, $0x9  }
0x8: {  	s6 =	sor.u32 s5, s22;
	s4 =	smul.u32 $0x13C00, s4;
	[smem:$0x7FF] =	sst s3  }
0x9: {  	s8 =	smul.u32 $0x27100, s5;
	s24 =	ssub.s32 $0x2, s5;
	s22 =	simm.s32 $0x50  }
0xa: {  	s7 =	sshll.u32 s6, $0x7;
	_ =	strace $0x8000004D;
	s6 =	sshll.u32 s6, $0xB  }
0xb: {  	s25 =	sshrl.u32 s9, $0x2;
	s26 =	sshrl.u32 s24, $0x1;
	s15 =	sshrl.u32 s15, $0x2  }
0xc: {  	s7 =	sand.u32 $0x380, s7;
	s14 =	sadd.s32 s6, s1;
	s5 =	sadd.s32 s25, s2  }
0xd: {  	s16 =	ssub.s32 s24, s26;
	s19 =	sadd.s32 s15, s2;
	s24 =	simm.s32 $0x1  }
0xe: {  	s26 =	simm.s32 $0x2;
	s7 =	sor.u32 s4, s7;
	s4 =	sadd.s32 $0x14000, s1  }
0xf: {  	s6 =	sadd.s32 $0x28000, s5;
	s9 =	sadd.s32 $0xA0000, s5;
	s10 =	sadd.s32 $0xC8000, s5  }
0x10: {  	s11 =	sadd.s32 $0xF0000, s5;
	s12 =	sadd.s32 $0x118000, s5;
	s14 =	sadd.s32 $0x4000, s14  }
0x11: {  	s16 =	smax.u32 s16, $0x1;
	s25 =	sshrl.u32 @!p1 s19, $0x3;
	s7 =	sshrl.u32 s7, $0x3  }
0x12: {  	s13 =	sadd.s32 s7, s1;
	s7 =	sadd.s32 s23, s8;
	s8 =	sadd.s32 $0x78000, s5  }
0x13: {  	s23 =	simm.s32 $0x8F80;
	s1 =	sadd.s32 s7, s1;
	s7 =	sadd.s32 $0x50000, s5  }
0x14: {  	v0 =	vimm.f32 $0.0e+00;
	s13 =	sadd.s32 $0x62200, s13;
	s15 =	sadd.s32 $0x6C000, s1;
	s1 =	simm.s32 $0x6580  }
.LBB2_1:
0x15: {  	s19 =	simm.s32 $0x0;
	s20 =	simm.s32 $0x200  }
.LBB2_2:
0x16: {  	p2 =	sne.s32 s20, $0x9E00;
	[tilespmem:s19+$0x67F0] =	vst v0  }
0x17: {  	[tilespmem:s19+$0x6780] =	vst v0  }
0x18: {  	[tilespmem:s19+$0x6790] =	vst v0  }
.Ltmp0:
0x19: {  	[tilespmem:s19+$0x67A0] =	vst v0;
	(pc) =	sbr.rel @p2 .LBB2_2-.Ltmp0, $4  }
0x1a: {  	[tilespmem:s19+$0x67B0] =	vst v0  }
0x1b: {  	[tilespmem:s19+$0x67C0] =	vst v0  }
0x1c: {  	[tilespmem:s19+$0x67D0] =	vst v0  }
0x1d: {  	[tilespmem:s19+$0x67E0] =	vst v0;
	s19 =	sshra.s32 s20, $0x2;
	s20 =	sadd.s32 $0x200, s20  }
0x1e: {  	[tilespmem:s19+$0x67F0] =	vst v0  }
0x1f: {  	[tilespmem:s19+$0x6780] =	vst v0  }
0x20: {  	[tilespmem:s19+$0x6790] =	vst v0  }
0x21: {  	[tilespmem:s19+$0x67A0] =	vst v0  }
0x22: {  	[tilespmem:s19+$0x67B0] =	vst v0  }
0x23: {  	[tilespmem:s19+$0x67C0] =	vst v0  }
0x24: {  	[tilespmem:s19+$0x67D0] =	vst v0  }
0x25: {  	[tilespmem:s19+$0x67E0] =	vst v0  }
0x26: {  	[spmem:s5] =	stream.linear.scatter [tilespmem:s17], [sflag:$0x5], $0x2800, $0x38;
	[tilespmem:$0x1F000] =	vst v63  }
0x27: {  	_ =	swait.ge [sflag:s18], $0x2800  }
0x28: {  	[sflag:s18] =	ssyncset.done $0x0  }
0x29: {  	[sflag:s18] =	ssyncadd.s32 $0xFFFFD800  }
0x2a: {  	[spmem:s6] =	stream.linear.scatter [tilespmem:s17], [sflag:$0x5], $0x2800, $0x38;
	[tilespmem:$0x1F000] =	vst v63  }
0x2b: {  	_ =	swait.ge [sflag:s18], $0x2800  }
0x2c: {  	[sflag:s18] =	ssyncset.done $0x0  }
0x2d: {  	[sflag:s18] =	ssyncadd.s32 $0xFFFFD800  }
0x2e: {  	[spmem:s7] =	stream.linear.scatter [tilespmem:s17], [sflag:$0x5], $0x2800, $0x38;
	[tilespmem:$0x1F000] =	vst v63  }
0x2f: {  	_ =	swait.ge [sflag:s18], $0x2800  }
0x30: {  	[sflag:s18] =	ssyncset.done $0x0  }
0x31: {  	[sflag:s18] =	ssyncadd.s32 $0xFFFFD800  }
0x32: {  	[spmem:s8] =	stream.linear.scatter [tilespmem:s17], [sflag:$0x5], $0x2800, $0x38;
	[tilespmem:$0x1F000] =	vst v63  }
0x33: {  	_ =	swait.ge [sflag:s18], $0x2800  }
0x34: {  	[sflag:s18] =	ssyncset.done $0x0  }
0x35: {  	[sflag:s18] =	ssyncadd.s32 $0xFFFFD800  }
0x36: {  	[spmem:s9] =	stream.linear.scatter [tilespmem:s17], [sflag:$0x5], $0x2800, $0x38;
	[tilespmem:$0x1F000] =	vst v63  }
0x37: {  	_ =	swait.ge [sflag:s18], $0x2800  }
0x38: {  	[sflag:s18] =	ssyncset.done $0x0  }
0x39: {  	[sflag:s18] =	ssyncadd.s32 $0xFFFFD800  }
0x3a: {  	[spmem:s10] =	stream.linear.scatter [tilespmem:s17], [sflag:$0x5], $0x2800, $0x38;
	[tilespmem:$0x1F000] =	vst v63  }
0x3b: {  	_ =	swait.ge [sflag:s18], $0x2800  }
0x3c: {  	[sflag:s18] =	ssyncset.done $0x0  }
0x3d: {  	[sflag:s18] =	ssyncadd.s32 $0xFFFFD800  }
0x3e: {  	[spmem:s11] =	stream.linear.scatter [tilespmem:s17], [sflag:$0x5], $0x2800, $0x38;
	[tilespmem:$0x1F000] =	vst v63  }
0x3f: {  	_ =	swait.ge [sflag:s18], $0x2800  }
0x40: {  	[sflag:s18] =	ssyncset.done $0x0  }
0x41: {  	s19 =	simm.s32 @!p0 $0x6780;
	[sflag:s18] =	ssyncadd.s32 $0xFFFFD800  }
0x42: {  	[spmem:s12] =	stream.linear.scatter @!p0 [tilespmem:s19], [sflag:$0x5], $0x2800, $0x38;
	[tilespmem:$0x1F000] =	vst v63  }
0x43: {  	s19 =	simm.s32 @!p0 $0x5  }
0x44: {  	_ =	swait.ge @!p0 [sflag:s19], $0x2800  }
0x45: {  	s0 =	simm.s32 $0x80;
	[sflag:s19] =	ssyncset.done @!p0 $0x0  }
0x46: {  	s20 =	simm.s32 $0x400;
	[sflag:s19] =	ssyncadd.s32 @!p0 $0xFFFFD800;
	s19 =	simm.s32 $0x0  }
0x47: {  	[tilespmem:s19], [sflag:$0x5] =	stream.strided.gather [hbm4b:s13+s0], $0x2780, s20, s0, $0x38;
	[tilespmem:$0x1F000] =	vst v63  }
0x48: {  	_ =	swait.ge [sflag:s18], $0x2780  }
0x49: {  	[sflag:s18] =	ssyncset.done $0x0  }
0x4a: {  	s21 =	simm.s32 $0x2780;
	[sflag:s18] =	ssyncadd.s32 $0xFFFFD880  }
0x4b: {  	[tilespmem:s21], [sflag:$0x5] =	stream.linear.gather [hbm4b:s14+s19], $0x3E80, $0x38;
	[tilespmem:$0x1F000] =	vst v63  }
0x4c: {  	_ =	swait.ge [sflag:s18], $0x3E80  }
0x4d: {  	[sflag:s18] =	ssyncset.done $0x0  }
0x4e: {  	[sflag:s18] =	ssyncadd.s32 $0xFFFFC180  }
0x4f: {  	[bflag:$0x0] =	sbarrier.arrive $0xFFFF  }
0x50: {  	[tilespmem:s17], [sflag:$0x1] =	stream.indirect.gather [hbm4b:s4+s22], $0x80, s19, s22, $0xb8;
	[tilespmem:$0x1F000] =	vst v63  }
0x51: {  	_ = 	snop  }
0x52: {  	[tilespmem:s23], [sflag:$0x2] =	stream.indirect.gather [hbm4b:s4+s22], $0x80, s22, s22, $0xb8;
	[tilespmem:$0x1F000] =	vst v63  }
0x53: {  	_ =	swait.ge [sflag:s24], $0x2800  }
0x54: {  	[sflag:s24] =	ssyncset.done $0x0  }
0x55: {  	s0 =	simm.s32 $0x2780;
	[sflag:s24] =	ssyncadd.s32 $0xFFFFD800  }
0x56: {  	[spmem:s2] =	stream.indirect.scatter.add.f32 [tilespmem:s17], [sflag:$0x3], $0x80, s0, s22, $0xb8;
	[tilespmem:$0x1F000] =	vst v63  }
0x57: {  	_ =	swait.ge [sflag:s26], $0x2800  }
0x58: {  	[sflag:s26] =	ssyncset.done $0x0  }
0x59: {  	s20 =	simm.s32 $0x2800;
	[sflag:s26] =	ssyncadd.s32 $0xFFFFD800  }
0x5a: {  	[spmem:s2] =	stream.indirect.scatter.add.f32 [tilespmem:s23], [sflag:$0x4], $0x80, s20, s22, $0xb8;
	[tilespmem:$0x1F000] =	vst v63  }
0x5b: {  	_ =	swait.ge [sflag:s28], $0x2800  }
0x5c: {  	[sflag:s28] =	ssyncset.done $0x0  }
0x5d: {  	s21 =	simm.s32 $0xA0;
	[sflag:s28] =	ssyncadd.s32 $0xFFFFD800  }
0x5e: {  	[tilespmem:s17], [sflag:$0x1] =	stream.indirect.gather [hbm4b:s4+s22], $0x80, s21, s22, $0xb8;
	[tilespmem:$0x1F000] =	vst v63  }
0x5f: {  	_ =	swait.ge [sflag:s29], $0x2800  }
0x60: {  	s19 =	simm.s32 $0x140;
	[sflag:s29] =	ssyncset.done $0x0  }
0x61: {  	s20 =	simm.s32 $0x400;
	s21 =	simm.s32 $0xF0;
	[sflag:s29] =	ssyncadd.s32 $0xFFFFD800  }
.LBB2_4:
0x62: {  	[tilespmem:s23], [sflag:$0x2] =	stream.indirect.gather [hbm4b:s4+s22], $0x80, s21, s22, $0xb8;
	[tilespmem:$0x1F000] =	vst v63  }
0x63: {  	s21 =	smov.u32 s20  }
0x64: {  	p2 =	sne.s32 s20, $0xF000;
	s20 =	sadd.s32 $0x400, s20;
	_ =	swait.ge [sflag:s24], $0x2800  }
0x65: {  	s21 =	sshra.s32 s21, $0x2;
	[sflag:s24] =	ssyncset.done $0x0  }
0x66: {  	s0 =	sadd.s32 $0x2780, s21;
	[sflag:s24] =	ssyncadd.s32 $0xFFFFD800  }
0x67: {  	[spmem:s2] =	stream.indirect.scatter.add.f32 [tilespmem:s17], [sflag:$0x3], $0x80, s0, s22, $0xb8;
	[tilespmem:$0x1F000] =	vst v63  }
0x68: {  	_ =	swait.ge [sflag:s26], $0x2800  }
0x69: {  	[sflag:s26] =	ssyncset.done $0x0  }
0x6a: {  	s0 =	sadd.s32 $0x2800, s21;
	[sflag:s26] =	ssyncadd.s32 $0xFFFFD800  }
0x6b: {  	[spmem:s2] =	stream.indirect.scatter.add.f32 [tilespmem:s23], [sflag:$0x4], $0x80, s0, s22, $0xb8;
	[tilespmem:$0x1F000] =	vst v63  }
0x6c: {  	_ =	swait.ge [sflag:s28], $0x2800  }
0x6d: {  	[sflag:s28] =	ssyncset.done $0x0  }
.Ltmp1:
0x6e: {  	[sflag:s28] =	ssyncadd.s32 $0xFFFFD800;
	(pc) =	sbr.rel @p2 .LBB2_4-.Ltmp1, $4  }
0x6f: {  	[tilespmem:s17], [sflag:$0x1] =	stream.indirect.gather [hbm4b:s4+s22], $0x80, s19, s22, $0xb8;
	[tilespmem:$0x1F000] =	vst v63  }
0x70: {  	_ =	swait.ge [sflag:s29], $0x2800  }
0x71: {  	[sflag:s29] =	ssyncset.done $0x0  }
0x72: {  	s21 =	sadd.s32 $0x50, s19;
	s19 =	sadd.s32 $0xA0, s19;
	[sflag:s29] =	ssyncadd.s32 $0xFFFFD800  }
0x73: {  	[tilespmem:s23], [sflag:$0x2] =	stream.indirect.gather [hbm4b:s4+s22], $0x80, s21, s22, $0xb8;
	[tilespmem:$0x1F000] =	vst v63  }
0x74: {  	_ =	swait.ge [sflag:s24], $0x2800  }
0x75: {  	[sflag:s24] =	ssyncset.done $0x0  }
0x76: {  	[sflag:s24] =	ssyncadd.s32 $0xFFFFD800  }
0x77: {  	[spmem:s2] =	stream.indirect.scatter.add.f32 [tilespmem:s17], [sflag:$0x3], $0x80, s30, s22, $0xb8;
	[tilespmem:$0x1F000] =	vst v63  }
0x78: {  	_ =	swait.ge [sflag:s26], $0x2800  }
0x79: {  	[sflag:s26] =	ssyncset.done $0x0  }
0x7a: {  	[sflag:s26] =	ssyncadd.s32 $0xFFFFD800  }
0x7b: {  	[spmem:s2] =	stream.indirect.scatter.add.f32 [tilespmem:s23], [sflag:$0x4], $0x80, s31, s22, $0xb8;
	[tilespmem:$0x1F000] =	vst v63  }
0x7c: {  	_ =	swait.ge [sflag:s28], $0x2800  }
0x7d: {  	[sflag:s28] =	ssyncset.done $0x0  }
0x7e: {  	[sflag:s28] =	ssyncadd.s32 $0xFFFFD800  }
0x7f: {  	[tilespmem:s17], [sflag:$0x1] =	stream.indirect.gather [hbm4b:s4+s22], $0x80, s19, s22, $0xb8;
	[tilespmem:$0x1F000] =	vst v63  }
0x80: {  	_ =	swait.ge [sflag:s24], $0x2800  }
0x81: {  	[sflag:s24] =	ssyncset.done $0x0  }
0x82: {  	[sflag:s24] =	ssyncadd.s32 $0xFFFFD800  }
0x83: {  	[spmem:s2] =	stream.indirect.scatter.add.f32 [tilespmem:s17], [sflag:$0x3], $0x80, s1, s22, $0xb8;
	[tilespmem:$0x1F000] =	vst v63  }
0x84: {  	_ =	swait.ge [sflag:s28], $0x2800  }
0x85: {  	[sflag:s28] =	ssyncset.done $0x0  }
0x86: {  	[sflag:s28] =	ssyncadd.s32 $0xFFFFD800  }
0x87: {  	_ =	swait.ge [sflag:s29], $0x2800  }
0x88: {  	s0 =	stileid.u32;
	[sflag:s29] =	ssyncset.done $0x0  }
0x89: {  	s3 =	sadd.s32 $0x1, s3;
	s0 =	sshll.u32 @!p1 s0, $0x6;
	[sflag:s29] =	ssyncadd.s32 $0xFFFFD800  }
0x8a: {  	p2 =	sne.s32 s3, s16;
	s0 =	sor.u32 @!p1 $0x1C05, s0;
	[bflag:$0x0] =	sbarrier.arrive $0xFFFF  }
0x8b: {  	[hbm:s15], [sflag:s0] =	dma.local @!p1 [spmem:s25], $0x3E80  }
.Ltmp2:
0x8c: {  	_ = 	snop;
	(pc) =	sbr.rel @p2 .LBB2_1-.Ltmp2, $4  }
0x8d: {  	s0 =	simm.s32 @!p1 $0x5  }
0x8e: {  	_ =	swait.ge @!p1 [sflag:s0], $0x3E80  }
0x8f: {  	[sflag:s0] =	ssyncset.done @!p1 $0x0  }
0x90: {  	[sflag:s0] =	ssyncadd.s32 @!p1 $0xFFFFC180  }
0x91: {  	_ =	sfence.sel $0x180000  }
0x92: {  	[bflag:$0x0] =	sbarrier.arrive $0xFFFF  }
0x93: {  	_ =	strace $0x9000004D  }
0x94: {  	s0 =	stileid.u32;
	[bflag:$0x2] =	sbarrier.arrive $0xFFFF  }
0x95: {  	p0 =	sne.s32 s0, $0x0;
	s0 =	rddreg [dreg:$0x2]  }
0x96: {  	s0 =	sadd.s32 @!p0 $0x100000, s0  }
0x97: {  	[sflag:s0] =	ssyncadd.tile.s32 @!p0 $0x1;
	_ =	shalt  }
.Lfunc_end2:
_tile_overlayer_lowered:
.L_overlay_start_2:
0x98: {  	(tag) =	ssettag $0x2  }
0x99: {  	s0 =	rddreg [dreg:$0x0];
	s2 =	stileid.u32  }
0x9a: {  	s1 =	rddreg [dreg:$0x1];
	p0 =	sne.s32 s2, $0x0  }
0x9b: {  	s3 =	rddreg [dreg:$0x2];
	[bflag:$0x3] =	sbarrier.arrive $0xFFFF;
	s2 =	simm.s32 @!p0 $0x1C05  }
0x9c: {  	[timem:s3], [sflag:s2] =	dma.local @!p0 [hbm:s0], s1  }
0x9d: {  	s0 =	simm.s32 @!p0 $0x5  }
0x9e: {  	_ =	swait.ge @!p0 [sflag:s0], s1  }
0x9f: {  	s1 =	ssub.s32 @!p0 $0x0, s1;
	[sflag:s0] =	ssyncset.done @!p0 $0x0  }
0xa0: {  	[sflag:s0] =	ssyncadd.s32 @!p0 s1  }
0xa1: {  	[bflag:$0x3] =	sbarrier.arrive $0xFFFF  }
0xa2: {  	_ =	shalt  }

// kernel: kernel.21.cloned.1.call-start
scs
__scs_entry_jumppad:
0x0: {  	(pc) =	sbr.rel $0x88, $3  }
0x1: {  	(tag) =	ssettag $0x0;
	lr =	simm.s32 $0x1  }
0x2: {  	[smem:$0x3F95] =	sst lr;
	_ =	strace $0xD0000000  }
0x3: {  	_ = 	snop  }
0x4: {  	_ = 	snop  }
0x5: {  	_ = 	snop  }
0x6: {  	_ = 	snop  }
0x7: {  	_ = 	snop  }
__scs_overlays_trampoline_lowered:
0x8: {  	[smem:$0x3FA4] =	sst s0  }
0x9: {  	[smem:$0x3FA5] =	sst s1  }
0xa: {  	[smem:$0x3FA6] =	sst s2  }
0xb: {  	[smem:$0x3FA7] =	sst s3  }
0xc: {  	[smem:$0x3FA8] =	sst s4  }
0xd: {  	[smem:$0x3FA9] =	sst s5  }
0xe: {  	[smem:$0x3FAA] =	sst s6  }
0xf: {  	[smem:$0x3FAB] =	sst s7  }
0x10: {  	[smem:$0x3FAC] =	sst s8  }
0x11: {  	[smem:$0x3FAD] =	sst s9;
	s0 =	simm.s32 @!p0 $0x0  }
0x12: {  	s1 =	sld [smem:$0x3F93];
	s0 =	simm.s32 @p0 $0x1  }
0x13: {  	[smem:$0x3FAE] =	sst s0;
	s0 =	simm.s32 @!p1 $0x0  }
0x14: {  	s2 =	sld [smem:$0x3F92];
	s0 =	simm.s32 @p1 $0x1  }
0x15: {  	[smem:$0x3FAF] =	sst s0;
	s0 =	simm.s32 @!p2 $0x0  }
0x16: {  	s3 =	sld [smem:$0x3FDB];
	s0 =	simm.s32 @p2 $0x1  }
0x17: {  	s4 =	simm.s32 $0x1BF5;
	[smem:$0x3FB1] =	sst s0  }
0x18: {  	s0 =	sld [smem:$0x3F94];
	_ =	swait.ge [sflag:s4], $0x0  }
0x19: {  	s7 =	sld [smem:$0x3F95]  }
0x1a: {  	s8 =	sadd.s32 $0xFFFFE003, lr  }
0x1b: {  	s9 =	sadd.s32 $0xFFFFFEF7, lr;
	s5 =	simm.s32 $0xFFFFFFFF;
	p2 =	slt.u32 s8, $0xFFFFF086  }
0x1c: {  	p1 =	slt.u32 s9, $0xF7A;
	s5 =	simm.s32 @!p2 $0x0  }
0x1d: {  	s5 =	simm.s32 @p1 $0x1;
	p0 =	seq.s32 s7, s2  }
0x1e: {  	s7 =	smul.u32 @!p0 $0xF7A, s2;
	p2 =	seq.s32 @!p0 s5, $0x0  }
0x1f: {  	s9 =	smul.u32 $0xF7A, s1;
	s8 =	simm.s32 @!p0 $0x1BF5;
	p2 =	por !p2, p0  }
0x20: {  	[sflag:s8] =	ssyncset.s32 @!p0 $0xFFFFF086;
	s6 =	sadd.s32 @!p0 s3, s7;
	s7 =	simm.s32 @!p0 $0x108  }
0x21: {  	s3 =	sadd.s32 s3, s9;
	s6 =	sadd.s32 @!p0 $0x88, s6;
	s7 =	simm.s32 @p2 $0x1082  }
0x22: {  	[simem:s7], [sflag:s8] =	dma.local @!p0 [hbm:s6], $0xF7A  }
0x23: {  	s9 =	sor.u32 $0xD0000000, s2;
	s6 =	simm.s32 $0x108;
	_ =	swait.ge @!p0 [sflag:s8], $0x0  }
0x24: {  	s3 =	sadd.s32 $0x88, s3;
	s6 =	simm.s32 @!p1 $0x1082;
	[sflag:s4] =	ssyncset.s32 $0xFFFFF086  }
0x25: {  	[simem:s6], [sflag:s4] =	dma.local [hbm:s3], $0xF7A  }
0x26: {  	[smem:$0x3F95] =	sst s1;
	(tag) =	ssettag s2;
	_ =	strace s9  }
0x27: {  	s1 =	sld [smem:$0x3FA5]  }
0x28: {  	s2 =	sld [smem:$0x3FA6]  }
0x29: {  	s4 =	sld [smem:$0x3FA8]  }
0x2a: {  	p0 =	seq.s32 s5, $0x0;
	s5 =	sld [smem:$0x3FA9]  }
0x2b: {  	s6 =	sld [smem:$0x3FAA]  }
0x2c: {  	s7 =	sld [smem:$0x3FAB]  }
0x2d: {  	s3 =	simm.s32 $0x108;
	s8 =	sld [smem:$0x3FAC]  }
0x2e: {  	s3 =	simm.s32 @!p0 $0x1082;
	s9 =	sld [smem:$0x3FAD]  }
0x2f: {  	lr =	sadd.s32 s0, s3;
	s0 =	sld [smem:$0x3FA4]  }
0x30: {  	s3 =	sld [smem:$0x3FA7]  }
0x31: {  	[smem:$0x3FB0] =	sst s10  }
0x32: {  	s10 =	sld [smem:$0x3FAE];
	_ =	sdelay $0x3  }
0x33: {  	p0 =	seq.s32 s10, $0x1;
	s10 =	sld [smem:$0x3FB0];
	_ =	sdelay $0x3  }
0x34: {  	[smem:$0x3FB0] =	sst s10  }
0x35: {  	s10 =	sld [smem:$0x3FAF];
	_ =	sdelay $0x3  }
0x36: {  	p1 =	seq.s32 s10, $0x1;
	s10 =	sld [smem:$0x3FB0];
	_ =	sdelay $0x3  }
0x37: {  	[smem:$0x3FB0] =	sst s10  }
0x38: {  	s10 =	sld [smem:$0x3FB1]  }
0x39: {  	_ = 	snop;
	(pc) =	sbr.ind lr, $3  }
0x3a: {  	_ = 	snop  }
0x3b: {  	_ = 	snop  }
0x3c: {  	p2 =	seq.s32 s10, $0x1;
	s10 =	sld [smem:$0x3FB0]  }
0x3d: {  	_ =	shalt  }
0x3e: {  	_ =	shalt  }
0x3f: {  	_ =	shalt  }
0x40: {  	_ =	shalt  }
0x41: {  	_ =	shalt  }
0x42: {  	_ =	shalt  }
0x43: {  	_ =	shalt  }
0x44: {  	_ =	shalt  }
0x45: {  	_ =	shalt  }
0x46: {  	_ =	shalt  }
0x47: {  	_ =	shalt  }
0x48: {  	_ =	shalt  }
0x49: {  	_ =	shalt  }
0x4a: {  	_ =	shalt  }
0x4b: {  	_ =	shalt  }
0x4c: {  	_ =	shalt  }
0x4d: {  	_ =	shalt  }
0x4e: {  	_ =	shalt  }
0x4f: {  	_ =	shalt  }
0x50: {  	_ =	shalt  }
0x51: {  	_ =	shalt  }
0x52: {  	_ =	shalt  }
0x53: {  	_ =	shalt  }
0x54: {  	_ =	shalt  }
0x55: {  	_ =	shalt  }
0x56: {  	_ =	shalt  }
0x57: {  	_ =	shalt  }
0x58: {  	_ =	shalt  }
0x59: {  	_ =	shalt  }
0x5a: {  	_ =	shalt  }
0x5b: {  	_ =	shalt  }
0x5c: {  	_ =	shalt  }
0x5d: {  	_ =	shalt  }
0x5e: {  	_ =	shalt  }
0x5f: {  	_ =	shalt  }
0x60: {  	_ =	shalt  }
0x61: {  	_ =	shalt  }
0x62: {  	_ =	shalt  }
0x63: {  	_ =	shalt  }
0x64: {  	_ =	shalt  }
0x65: {  	_ =	shalt  }
0x66: {  	_ =	shalt  }
0x67: {  	_ =	shalt  }
0x68: {  	_ =	shalt  }
0x69: {  	_ =	shalt  }
0x6a: {  	_ =	shalt  }
0x6b: {  	_ =	shalt  }
0x6c: {  	_ =	shalt  }
0x6d: {  	_ =	shalt  }
0x6e: {  	_ =	shalt  }
0x6f: {  	_ =	shalt  }
0x70: {  	_ =	shalt  }
0x71: {  	_ =	shalt  }
0x72: {  	_ =	shalt  }
0x73: {  	_ =	shalt  }
0x74: {  	_ =	shalt  }
0x75: {  	_ =	shalt  }
0x76: {  	_ =	shalt  }
0x77: {  	_ =	shalt  }
0x78: {  	_ =	shalt  }
0x79: {  	_ =	shalt  }
0x7a: {  	_ =	shalt  }
0x7b: {  	_ =	shalt  }
0x7c: {  	_ =	shalt  }
0x7d: {  	_ =	shalt  }
0x7e: {  	_ =	shalt  }
0x7f: {  	_ =	shalt  }
0x80: {  	_ =	shalt  }
0x81: {  	_ =	shalt  }
0x82: {  	_ =	shalt  }
0x83: {  	_ =	shalt  }
0x84: {  	_ =	shalt  }
0x85: {  	_ =	shalt  }
0x86: {  	_ =	shalt  }
0x87: {  	_ =	shalt  }
.Lfunc_end0:
.L_simem_size_0:
called_computation.3_lowered:
.L_overlay_start_0:
0x88: {  	s2 =	sld [smem:$0x3FD9]  }
0x89: {  	s3 =	sld [smem:$0x3FFE];
	_ =	sdelay $0x1  }
0x8a: {  	s1 =	srdreg.scid  }
0x8b: {  	s0 =	sand.u32 $0x1, s1  }
0x8c: {  	s16 =	sshll.u32 s0, $0xA;
	s2 =	sadd.s32 s3, s2  }
0x8d: {  	s2 =	sadd.s32 s2, s16  }
0x8e: {  	[smem:$0x3FBC] =	sst s2  }
0x8f: {  	_ = 	snop  }
0x90: {  	(tm) =	ssettm $0x1  }
0x91: {  	s17 =	sld [smem:$0x3FFB];
	_ =	sdelay $0x3  }
0x92: {  	_ =	strace s17  }
0x93: {  	s2 =	sld [smem:$0x3FFC];
	_ =	sdelay $0x3  }
0x94: {  	_ =	strace s2  }
0x95: {  	s2 =	sld [smem:$0x3FFD];
	_ =	sdelay $0x3  }
0x96: {  	_ =	strace s2  }
0x97: {  	_ =	strace $0x8FFFFFFF  }
0x98: {  	s18 =	sld [smem:$0x3FDB];
	_ =	sdelay $0x1  }
0x99: {  	s19 =	simm.s32 $_scs_section_size  }
0x9a: {  	s4 =	simm.s32 $_size__tile_overlayer_lowered;
	s5 =	simm.s32 $_tile_overlayer_lowered  }
0x9b: {  	s22 =	simm.s32 $0x1BFF;
	s21 =	sshll.u32 s5, $0x1;
	s2 =	sadd.s32 s19, s18  }
0x9c: {  	s6 =	simm.s32 $0x0;
	s20 =	sshll.u32 s4, $0x1;
	s4 =	sadd.s32 s21, s2  }
0x9d: {  	[timem:s6], [sflag:s22] =	dma.local [hbm:s4], s20  }
0x9e: {  	_ =	swait.ge [sflag:s22], s20  }
0x9f: {  	s3 =	ssub.s32 $0x0, s20;
	[sflag:s22] =	ssyncset.done $0x0  }
0xa0: {  	[sflag:s22] =	ssyncadd.s32 s3;
	_ =	sdelay $0x1  }
0xa1: {  	s23 =	simm.s32 $0x1B8B  }
0xa2: {  	_ =	swait.ge [sflag:s23], $0x1  }
0xa3: {  	[sflag:s23] =	ssyncset.done $0x0  }
0xa4: {  	s25 =	simm.s32 $0x1B8E;
	s24 =	sld [smem:$0x3FFE];
	[sflag:s23] =	ssyncadd.s32 $0xFFFFFFFF  }
0xa5: {  	s26 =	simm.s32 $execute0_lowered;
	[smem:$0x3FD2] =	sst s25  }
0xa6: {  	s4 =	sshll.u32 s26, $0x1;
	_ =	strace $0x8000004F;
	[dreg:$0x1] =	wrdreg $0xFFFFFFFF  }
0xa7: {  	s28 =	simm.s32 $_size_execute0_lowered;
	s2 =	sadd.s32 s2, s4;
	[dreg:$0x0] =	wrdreg $0x0  }
0xa8: {  	s4 =	sshll.u32 s28, $0x1;
	[dreg:$0x2] =	wrdreg s2  }
0xa9: {  	[dreg:$0x3] =	wrdreg s4  }
0xaa: {  	[dreg:$0x4] =	wrdreg $0xC0  }
0xab: {  	_ =	task [dreg:s6], $0x5FFFF  }
0xac: {  	[dreg:$0x1] =	wrdreg $0xFFFFFFFF  }
0xad: {  	[dreg:$0x0] =	wrdreg $0x60  }
0xae: {  	[dreg:$0x2] =	wrdreg s24  }
0xaf: {  	[dreg:$0x3] =	wrdreg $0xB7800  }
0xb0: {  	[dreg:$0x4] =	wrdreg $0x9  }
0xb1: {  	_ =	task.clear_ibuf [dreg:s6], $0x5FFFF;
	_ =	strace $0x9000004F  }
0xb2: {  	s29 =	simm.s32 $0x9;
	_ =	strace $0x80000051  }
0xb3: {  	_ =	swait.ge [sflag:s29], $0x1  }
0xb4: {  	[sflag:s29] =	ssyncadd.s32 $0xFFFFFFFF  }
0xb5: {  	_ =	strace $0x90000051  }
0xb6: {  	_ =	sfence  }
0xb7: {  	s30 =	sld [smem:$0x0];
	_ =	sdelay $0x2  }
0xb8: {  	s31 =	sshll.u32 s1, $0xD;
	s1 =	sshrl.u32 s1, $0x2  }
0xb9: {  	s3 =	sand.u32 $0x4000, s31;
	s1 =	sadd.s32 s1, s30  }
0xba: {  	s0 =	sor.u32 s3, s0;
	s1 =	sshll.u32 s1, $0x11  }
0xbb: {  	s0 =	sor.u32 s1, s0  }
0xbc: {  	s0 =	sadd.s32 $0x8F2B, s0  }
0xbd: {  	[sflag:s0] =	ssyncadd.remote.s32 $0x1  }
0xbe: {  	_ =	sfence.sel $0xFFFF  }
0xbf: {  	[dreg:$0x0] =	wrdreg $0xFFFFFFFF;
	(pc) =	sbr.abs _section_cstart, $3  }
0xc0: {  	[dreg:$0x1] =	wrdreg $0xFFFFFFFF  }
0xc1: {  	_ =	task.clear_ibuf [dreg:s6], $0x2FFFF;
	_ =	strace $0x9FFFFFFF  }
0xc2: {  	(tm) =	ssettm $0x7FFFFFFF  }
0xc3: {  	_ =	shalt  }
tec
execute0_lowered:
.L_overlay_start_1:
0x0: {  	(tag) =	ssettag $0x1  }
0x1: {  	s1 =	rddreg [dreg:$0x0];
	s3 =	srdreg.scid  }
0x2: {  	s0 =	stileid.u32;
	s2 =	rddreg [dreg:$0x1]  }
0x3: {  	s17 =	simm.s32 $0x6780;
	s18 =	simm.s32 $0x5;
	s28 =	simm.s32 $0x3  }
0x4: {  	s29 =	simm.s32 $0x4;
	s30 =	simm.s32 $0x6480;
	s31 =	simm.s32 $0x6500  }
0x5: {  	s5 =	sand.u32 $0x1, s3;
	s22 =	sshll.u32 s0, $0x1;
	s9 =	smul.u32 $0xA000, s0  }
0x6: {  	s4 =	sshrl.u32 s0, $0x2;
	s3 =	simm.s32 $0x0;
	s23 =	smul.u32 $0x3E80, s0  }
0x7: {  	s15 =	smul.u32 $0x7D000, s0;
	p0 =	sgt.u32 s0, $0xC;
	p1 =	sgt.u32 s0, $0x9  }
0x8: {  	s6 =	sor.u32 s5, s22;
	s4 =	smul.u32 $0x13C00, s4;
	[smem:$0x7FF] =	sst s3  }
0x9: {  	s8 =	smul.u32 $0x27100, s5;
	s24 =	ssub.s32 $0x2, s5;
	s22 =	simm.s32 $0x50  }
0xa: {  	s7 =	sshll.u32 s6, $0x7;
	_ =	strace $0x80000050;
	s6 =	sshll.u32 s6, $0xB  }
0xb: {  	s25 =	sshrl.u32 s9, $0x2;
	s26 =	sshrl.u32 s24, $0x1;
	s15 =	sshrl.u32 s15, $0x2  }
0xc: {  	s7 =	sand.u32 $0x380, s7;
	s14 =	sadd.s32 s6, s1;
	s5 =	sadd.s32 s25, s2  }
0xd: {  	s16 =	ssub.s32 s24, s26;
	s19 =	sadd.s32 s15, s2;
	s24 =	simm.s32 $0x1  }
0xe: {  	s26 =	simm.s32 $0x2;
	s7 =	sor.u32 s4, s7;
	s4 =	sadd.s32 $0x14000, s1  }
0xf: {  	s6 =	sadd.s32 $0x28000, s5;
	s9 =	sadd.s32 $0xA0000, s5;
	s10 =	sadd.s32 $0xC8000, s5  }
0x10: {  	s11 =	sadd.s32 $0xF0000, s5;
	s12 =	sadd.s32 $0x118000, s5;
	s14 =	sadd.s32 $0x4000, s14  }
0x11: {  	s16 =	smax.u32 s16, $0x1;
	s25 =	sshrl.u32 @!p1 s19, $0x3;
	s7 =	sshrl.u32 s7, $0x3  }
0x12: {  	s13 =	sadd.s32 s7, s1;
	s7 =	sadd.s32 s23, s8;
	s8 =	sadd.s32 $0x78000, s5  }
0x13: {  	s23 =	simm.s32 $0x8F80;
	s1 =	sadd.s32 s7, s1;
	s7 =	sadd.s32 $0x50000, s5  }
0x14: {  	v0 =	vimm.f32 $0.0e+00;
	s13 =	sadd.s32 $0x62200, s13;
	s15 =	sadd.s32 $0x6C000, s1;
	s1 =	simm.s32 $0x6580  }
.LBB2_1:
0x15: {  	s19 =	simm.s32 $0x0;
	s20 =	simm.s32 $0x200  }
.LBB2_2:
0x16: {  	p2 =	sne.s32 s20, $0x9E00;
	[tilespmem:s19+$0x67F0] =	vst v0  }
0x17: {  	[tilespmem:s19+$0x6780] =	vst v0  }
0x18: {  	[tilespmem:s19+$0x6790] =	vst v0  }
.Ltmp0:
0x19: {  	[tilespmem:s19+$0x67A0] =	vst v0;
	(pc) =	sbr.rel @p2 .LBB2_2-.Ltmp0, $4  }
0x1a: {  	[tilespmem:s19+$0x67B0] =	vst v0  }
0x1b: {  	[tilespmem:s19+$0x67C0] =	vst v0  }
0x1c: {  	[tilespmem:s19+$0x67D0] =	vst v0  }
0x1d: {  	[tilespmem:s19+$0x67E0] =	vst v0;
	s19 =	sshra.s32 s20, $0x2;
	s20 =	sadd.s32 $0x200, s20  }
0x1e: {  	[tilespmem:s19+$0x67F0] =	vst v0  }
0x1f: {  	[tilespmem:s19+$0x6780] =	vst v0  }
0x20: {  	[tilespmem:s19+$0x6790] =	vst v0  }
0x21: {  	[tilespmem:s19+$0x67A0] =	vst v0  }
0x22: {  	[tilespmem:s19+$0x67B0] =	vst v0  }
0x23: {  	[tilespmem:s19+$0x67C0] =	vst v0  }
0x24: {  	[tilespmem:s19+$0x67D0] =	vst v0  }
0x25: {  	[tilespmem:s19+$0x67E0] =	vst v0  }
0x26: {  	[spmem:s5] =	stream.linear.scatter [tilespmem:s17], [sflag:$0x5], $0x2800, $0x38;
	[tilespmem:$0x1F000] =	vst v63  }
0x27: {  	_ =	swait.ge [sflag:s18], $0x2800  }
0x28: {  	[sflag:s18] =	ssyncset.done $0x0  }
0x29: {  	[sflag:s18] =	ssyncadd.s32 $0xFFFFD800  }
0x2a: {  	[spmem:s6] =	stream.linear.scatter [tilespmem:s17], [sflag:$0x5], $0x2800, $0x38;
	[tilespmem:$0x1F000] =	vst v63  }
0x2b: {  	_ =	swait.ge [sflag:s18], $0x2800  }
0x2c: {  	[sflag:s18] =	ssyncset.done $0x0  }
0x2d: {  	[sflag:s18] =	ssyncadd.s32 $0xFFFFD800  }
0x2e: {  	[spmem:s7] =	stream.linear.scatter [tilespmem:s17], [sflag:$0x5], $0x2800, $0x38;
	[tilespmem:$0x1F000] =	vst v63  }
0x2f: {  	_ =	swait.ge [sflag:s18], $0x2800  }
0x30: {  	[sflag:s18] =	ssyncset.done $0x0  }
0x31: {  	[sflag:s18] =	ssyncadd.s32 $0xFFFFD800  }
0x32: {  	[spmem:s8] =	stream.linear.scatter [tilespmem:s17], [sflag:$0x5], $0x2800, $0x38;
	[tilespmem:$0x1F000] =	vst v63  }
0x33: {  	_ =	swait.ge [sflag:s18], $0x2800  }
0x34: {  	[sflag:s18] =	ssyncset.done $0x0  }
0x35: {  	[sflag:s18] =	ssyncadd.s32 $0xFFFFD800  }
0x36: {  	[spmem:s9] =	stream.linear.scatter [tilespmem:s17], [sflag:$0x5], $0x2800, $0x38;
	[tilespmem:$0x1F000] =	vst v63  }
0x37: {  	_ =	swait.ge [sflag:s18], $0x2800  }
0x38: {  	[sflag:s18] =	ssyncset.done $0x0  }
0x39: {  	[sflag:s18] =	ssyncadd.s32 $0xFFFFD800  }
0x3a: {  	[spmem:s10] =	stream.linear.scatter [tilespmem:s17], [sflag:$0x5], $0x2800, $0x38;
	[tilespmem:$0x1F000] =	vst v63  }
0x3b: {  	_ =	swait.ge [sflag:s18], $0x2800  }
0x3c: {  	[sflag:s18] =	ssyncset.done $0x0  }
0x3d: {  	[sflag:s18] =	ssyncadd.s32 $0xFFFFD800  }
0x3e: {  	[spmem:s11] =	stream.linear.scatter [tilespmem:s17], [sflag:$0x5], $0x2800, $0x38;
	[tilespmem:$0x1F000] =	vst v63  }
0x3f: {  	_ =	swait.ge [sflag:s18], $0x2800  }
0x40: {  	[sflag:s18] =	ssyncset.done $0x0  }
0x41: {  	s19 =	simm.s32 @!p0 $0x6780;
	[sflag:s18] =	ssyncadd.s32 $0xFFFFD800  }
0x42: {  	[spmem:s12] =	stream.linear.scatter @!p0 [tilespmem:s19], [sflag:$0x5], $0x2800, $0x38;
	[tilespmem:$0x1F000] =	vst v63  }
0x43: {  	s19 =	simm.s32 @!p0 $0x5  }
0x44: {  	_ =	swait.ge @!p0 [sflag:s19], $0x2800  }
0x45: {  	s0 =	simm.s32 $0x80;
	[sflag:s19] =	ssyncset.done @!p0 $0x0  }
0x46: {  	s20 =	simm.s32 $0x400;
	[sflag:s19] =	ssyncadd.s32 @!p0 $0xFFFFD800;
	s19 =	simm.s32 $0x0  }
0x47: {  	[tilespmem:s19], [sflag:$0x5] =	stream.strided.gather [hbm4b:s13+s0], $0x2780, s20, s0, $0x38;
	[tilespmem:$0x1F000] =	vst v63  }
0x48: {  	_ =	swait.ge [sflag:s18], $0x2780  }
0x49: {  	[sflag:s18] =	ssyncset.done $0x0  }
0x4a: {  	s21 =	simm.s32 $0x2780;
	[sflag:s18] =	ssyncadd.s32 $0xFFFFD880  }
0x4b: {  	[tilespmem:s21], [sflag:$0x5] =	stream.linear.gather [hbm4b:s14+s19], $0x3E80, $0x38;
	[tilespmem:$0x1F000] =	vst v63  }
0x4c: {  	_ =	swait.ge [sflag:s18], $0x3E80  }
0x4d: {  	[sflag:s18] =	ssyncset.done $0x0  }
0x4e: {  	[sflag:s18] =	ssyncadd.s32 $0xFFFFC180  }
0x4f: {  	[bflag:$0x0] =	sbarrier.arrive $0xFFFF  }
0x50: {  	[tilespmem:s17], [sflag:$0x1] =	stream.indirect.gather [hbm4b:s4+s22], $0x80, s19, s22, $0xb8;
	[tilespmem:$0x1F000] =	vst v63  }
0x51: {  	_ = 	snop  }
0x52: {  	[tilespmem:s23], [sflag:$0x2] =	stream.indirect.gather [hbm4b:s4+s22], $0x80, s22, s22, $0xb8;
	[tilespmem:$0x1F000] =	vst v63  }
0x53: {  	_ =	swait.ge [sflag:s24], $0x2800  }
0x54: {  	[sflag:s24] =	ssyncset.done $0x0  }
0x55: {  	s0 =	simm.s32 $0x2780;
	[sflag:s24] =	ssyncadd.s32 $0xFFFFD800  }
0x56: {  	[spmem:s2] =	stream.indirect.scatter.add.f32 [tilespmem:s17], [sflag:$0x3], $0x80, s0, s22, $0xb8;
	[tilespmem:$0x1F000] =	vst v63  }
0x57: {  	_ =	swait.ge [sflag:s26], $0x2800  }
0x58: {  	[sflag:s26] =	ssyncset.done $0x0  }
0x59: {  	s20 =	simm.s32 $0x2800;
	[sflag:s26] =	ssyncadd.s32 $0xFFFFD800  }
0x5a: {  	[spmem:s2] =	stream.indirect.scatter.add.f32 [tilespmem:s23], [sflag:$0x4], $0x80, s20, s22, $0xb8;
	[tilespmem:$0x1F000] =	vst v63  }
0x5b: {  	_ =	swait.ge [sflag:s28], $0x2800  }
0x5c: {  	[sflag:s28] =	ssyncset.done $0x0  }
0x5d: {  	s21 =	simm.s32 $0xA0;
	[sflag:s28] =	ssyncadd.s32 $0xFFFFD800  }
0x5e: {  	[tilespmem:s17], [sflag:$0x1] =	stream.indirect.gather [hbm4b:s4+s22], $0x80, s21, s22, $0xb8;
	[tilespmem:$0x1F000] =	vst v63  }
0x5f: {  	_ =	swait.ge [sflag:s29], $0x2800  }
0x60: {  	s19 =	simm.s32 $0x140;
	[sflag:s29] =	ssyncset.done $0x0  }
0x61: {  	s20 =	simm.s32 $0x400;
	s21 =	simm.s32 $0xF0;
	[sflag:s29] =	ssyncadd.s32 $0xFFFFD800  }
.LBB2_4:
0x62: {  	[tilespmem:s23], [sflag:$0x2] =	stream.indirect.gather [hbm4b:s4+s22], $0x80, s21, s22, $0xb8;
	[tilespmem:$0x1F000] =	vst v63  }
0x63: {  	s21 =	smov.u32 s20  }
0x64: {  	p2 =	sne.s32 s20, $0xF000;
	s20 =	sadd.s32 $0x400, s20;
	_ =	swait.ge [sflag:s24], $0x2800  }
0x65: {  	s21 =	sshra.s32 s21, $0x2;
	[sflag:s24] =	ssyncset.done $0x0  }
0x66: {  	s0 =	sadd.s32 $0x2780, s21;
	[sflag:s24] =	ssyncadd.s32 $0xFFFFD800  }
0x67: {  	[spmem:s2] =	stream.indirect.scatter.add.f32 [tilespmem:s17], [sflag:$0x3], $0x80, s0, s22, $0xb8;
	[tilespmem:$0x1F000] =	vst v63  }
0x68: {  	_ =	swait.ge [sflag:s26], $0x2800  }
0x69: {  	[sflag:s26] =	ssyncset.done $0x0  }
0x6a: {  	s0 =	sadd.s32 $0x2800, s21;
	[sflag:s26] =	ssyncadd.s32 $0xFFFFD800  }
0x6b: {  	[spmem:s2] =	stream.indirect.scatter.add.f32 [tilespmem:s23], [sflag:$0x4], $0x80, s0, s22, $0xb8;
	[tilespmem:$0x1F000] =	vst v63  }
0x6c: {  	_ =	swait.ge [sflag:s28], $0x2800  }
0x6d: {  	[sflag:s28] =	ssyncset.done $0x0  }
.Ltmp1:
0x6e: {  	[sflag:s28] =	ssyncadd.s32 $0xFFFFD800;
	(pc) =	sbr.rel @p2 .LBB2_4-.Ltmp1, $4  }
0x6f: {  	[tilespmem:s17], [sflag:$0x1] =	stream.indirect.gather [hbm4b:s4+s22], $0x80, s19, s22, $0xb8;
	[tilespmem:$0x1F000] =	vst v63  }
0x70: {  	_ =	swait.ge [sflag:s29], $0x2800  }
0x71: {  	[sflag:s29] =	ssyncset.done $0x0  }
0x72: {  	s21 =	sadd.s32 $0x50, s19;
	s19 =	sadd.s32 $0xA0, s19;
	[sflag:s29] =	ssyncadd.s32 $0xFFFFD800  }
0x73: {  	[tilespmem:s23], [sflag:$0x2] =	stream.indirect.gather [hbm4b:s4+s22], $0x80, s21, s22, $0xb8;
	[tilespmem:$0x1F000] =	vst v63  }
0x74: {  	_ =	swait.ge [sflag:s24], $0x2800  }
0x75: {  	[sflag:s24] =	ssyncset.done $0x0  }
0x76: {  	[sflag:s24] =	ssyncadd.s32 $0xFFFFD800  }
0x77: {  	[spmem:s2] =	stream.indirect.scatter.add.f32 [tilespmem:s17], [sflag:$0x3], $0x80, s30, s22, $0xb8;
	[tilespmem:$0x1F000] =	vst v63  }
0x78: {  	_ =	swait.ge [sflag:s26], $0x2800  }
0x79: {  	[sflag:s26] =	ssyncset.done $0x0  }
0x7a: {  	[sflag:s26] =	ssyncadd.s32 $0xFFFFD800  }
0x7b: {  	[spmem:s2] =	stream.indirect.scatter.add.f32 [tilespmem:s23], [sflag:$0x4], $0x80, s31, s22, $0xb8;
	[tilespmem:$0x1F000] =	vst v63  }
0x7c: {  	_ =	swait.ge [sflag:s28], $0x2800  }
0x7d: {  	[sflag:s28] =	ssyncset.done $0x0  }
0x7e: {  	[sflag:s28] =	ssyncadd.s32 $0xFFFFD800  }
0x7f: {  	[tilespmem:s17], [sflag:$0x1] =	stream.indirect.gather [hbm4b:s4+s22], $0x80, s19, s22, $0xb8;
	[tilespmem:$0x1F000] =	vst v63  }
0x80: {  	_ =	swait.ge [sflag:s24], $0x2800  }
0x81: {  	[sflag:s24] =	ssyncset.done $0x0  }
0x82: {  	[sflag:s24] =	ssyncadd.s32 $0xFFFFD800  }
0x83: {  	[spmem:s2] =	stream.indirect.scatter.add.f32 [tilespmem:s17], [sflag:$0x3], $0x80, s1, s22, $0xb8;
	[tilespmem:$0x1F000] =	vst v63  }
0x84: {  	_ =	swait.ge [sflag:s28], $0x2800  }
0x85: {  	[sflag:s28] =	ssyncset.done $0x0  }
0x86: {  	[sflag:s28] =	ssyncadd.s32 $0xFFFFD800  }
0x87: {  	_ =	swait.ge [sflag:s29], $0x2800  }
0x88: {  	s0 =	stileid.u32;
	[sflag:s29] =	ssyncset.done $0x0  }
0x89: {  	s3 =	sadd.s32 $0x1, s3;
	s0 =	sshll.u32 @!p1 s0, $0x6;
	[sflag:s29] =	ssyncadd.s32 $0xFFFFD800  }
0x8a: {  	p2 =	sne.s32 s3, s16;
	s0 =	sor.u32 @!p1 $0x1C05, s0;
	[bflag:$0x0] =	sbarrier.arrive $0xFFFF  }
0x8b: {  	[hbm:s15], [sflag:s0] =	dma.local @!p1 [spmem:s25], $0x3E80  }
.Ltmp2:
0x8c: {  	_ = 	snop;
	(pc) =	sbr.rel @p2 .LBB2_1-.Ltmp2, $4  }
0x8d: {  	s0 =	simm.s32 @!p1 $0x5  }
0x8e: {  	_ =	swait.ge @!p1 [sflag:s0], $0x3E80  }
0x8f: {  	[sflag:s0] =	ssyncset.done @!p1 $0x0  }
0x90: {  	[sflag:s0] =	ssyncadd.s32 @!p1 $0xFFFFC180  }
0x91: {  	_ =	sfence.sel $0x180000  }
0x92: {  	[bflag:$0x0] =	sbarrier.arrive $0xFFFF  }
0x93: {  	_ =	strace $0x90000050  }
0x94: {  	s0 =	stileid.u32;
	[bflag:$0x2] =	sbarrier.arrive $0xFFFF  }
0x95: {  	p0 =	sne.s32 s0, $0x0;
	s0 =	rddreg [dreg:$0x2]  }
0x96: {  	s0 =	sadd.s32 @!p0 $0x100000, s0  }
0x97: {  	[sflag:s0] =	ssyncadd.tile.s32 @!p0 $0x1;
	_ =	shalt  }
.Lfunc_end2:
_tile_overlayer_lowered:
.L_overlay_start_2:
0x98: {  	(tag) =	ssettag $0x2  }
0x99: {  	s0 =	rddreg [dreg:$0x0];
	s2 =	stileid.u32  }
0x9a: {  	s1 =	rddreg [dreg:$0x1];
	p0 =	sne.s32 s2, $0x0  }
0x9b: {  	s3 =	rddreg [dreg:$0x2];
	[bflag:$0x3] =	sbarrier.arrive $0xFFFF;
	s2 =	simm.s32 @!p0 $0x1C05  }
0x9c: {  	[timem:s3], [sflag:s2] =	dma.local @!p0 [hbm:s0], s1  }
0x9d: {  	s0 =	simm.s32 @!p0 $0x5  }
0x9e: {  	_ =	swait.ge @!p0 [sflag:s0], s1  }
0x9f: {  	s1 =	ssub.s32 @!p0 $0x0, s1;
	[sflag:s0] =	ssyncset.done @!p0 $0x0  }
0xa0: {  	[sflag:s0] =	ssyncadd.s32 @!p0 s1  }
0xa1: {  	[bflag:$0x3] =	sbarrier.arrive $0xFFFF  }
0xa2: {  	_ =	shalt  }

// kernel: kernel.24.cloned.1.call-start
scs
__scs_entry_jumppad:
0x0: {  	(pc) =	sbr.rel $0x88, $3  }
0x1: {  	(tag) =	ssettag $0x0;
	lr =	simm.s32 $0x1  }
0x2: {  	[smem:$0x3F95] =	sst lr;
	_ =	strace $0xD0000000  }
0x3: {  	_ = 	snop  }
0x4: {  	_ = 	snop  }
0x5: {  	_ = 	snop  }
0x6: {  	_ = 	snop  }
0x7: {  	_ = 	snop  }
__scs_overlays_trampoline_lowered:
0x8: {  	[smem:$0x3FA4] =	sst s0  }
0x9: {  	[smem:$0x3FA5] =	sst s1  }
0xa: {  	[smem:$0x3FA6] =	sst s2  }
0xb: {  	[smem:$0x3FA7] =	sst s3  }
0xc: {  	[smem:$0x3FA8] =	sst s4  }
0xd: {  	[smem:$0x3FA9] =	sst s5  }
0xe: {  	[smem:$0x3FAA] =	sst s6  }
0xf: {  	[smem:$0x3FAB] =	sst s7  }
0x10: {  	[smem:$0x3FAC] =	sst s8  }
0x11: {  	[smem:$0x3FAD] =	sst s9;
	s0 =	simm.s32 @!p0 $0x0  }
0x12: {  	s1 =	sld [smem:$0x3F93];
	s0 =	simm.s32 @p0 $0x1  }
0x13: {  	[smem:$0x3FAE] =	sst s0;
	s0 =	simm.s32 @!p1 $0x0  }
0x14: {  	s2 =	sld [smem:$0x3F92];
	s0 =	simm.s32 @p1 $0x1  }
0x15: {  	[smem:$0x3FAF] =	sst s0;
	s0 =	simm.s32 @!p2 $0x0  }
0x16: {  	s3 =	sld [smem:$0x3FDB];
	s0 =	simm.s32 @p2 $0x1  }
0x17: {  	s4 =	simm.s32 $0x1BF5;
	[smem:$0x3FB1] =	sst s0  }
0x18: {  	s0 =	sld [smem:$0x3F94];
	_ =	swait.ge [sflag:s4], $0x0  }
0x19: {  	s7 =	sld [smem:$0x3F95]  }
0x1a: {  	s8 =	sadd.s32 $0xFFFFE003, lr  }
0x1b: {  	s9 =	sadd.s32 $0xFFFFFEF7, lr;
	s5 =	simm.s32 $0xFFFFFFFF;
	p2 =	slt.u32 s8, $0xFFFFF086  }
0x1c: {  	p1 =	slt.u32 s9, $0xF7A;
	s5 =	simm.s32 @!p2 $0x0  }
0x1d: {  	s5 =	simm.s32 @p1 $0x1;
	p0 =	seq.s32 s7, s2  }
0x1e: {  	s7 =	smul.u32 @!p0 $0xF7A, s2;
	p2 =	seq.s32 @!p0 s5, $0x0  }
0x1f: {  	s9 =	smul.u32 $0xF7A, s1;
	s8 =	simm.s32 @!p0 $0x1BF5;
	p2 =	por !p2, p0  }
0x20: {  	[sflag:s8] =	ssyncset.s32 @!p0 $0xFFFFF086;
	s6 =	sadd.s32 @!p0 s3, s7;
	s7 =	simm.s32 @!p0 $0x108  }
0x21: {  	s3 =	sadd.s32 s3, s9;
	s6 =	sadd.s32 @!p0 $0x88, s6;
	s7 =	simm.s32 @p2 $0x1082  }
0x22: {  	[simem:s7], [sflag:s8] =	dma.local @!p0 [hbm:s6], $0xF7A  }
0x23: {  	s9 =	sor.u32 $0xD0000000, s2;
	s6 =	simm.s32 $0x108;
	_ =	swait.ge @!p0 [sflag:s8], $0x0  }
0x24: {  	s3 =	sadd.s32 $0x88, s3;
	s6 =	simm.s32 @!p1 $0x1082;
	[sflag:s4] =	ssyncset.s32 $0xFFFFF086  }
0x25: {  	[simem:s6], [sflag:s4] =	dma.local [hbm:s3], $0xF7A  }
0x26: {  	[smem:$0x3F95] =	sst s1;
	(tag) =	ssettag s2;
	_ =	strace s9  }
0x27: {  	s1 =	sld [smem:$0x3FA5]  }
0x28: {  	s2 =	sld [smem:$0x3FA6]  }
0x29: {  	s4 =	sld [smem:$0x3FA8]  }
0x2a: {  	p0 =	seq.s32 s5, $0x0;
	s5 =	sld [smem:$0x3FA9]  }
0x2b: {  	s6 =	sld [smem:$0x3FAA]  }
0x2c: {  	s7 =	sld [smem:$0x3FAB]  }
0x2d: {  	s3 =	simm.s32 $0x108;
	s8 =	sld [smem:$0x3FAC]  }
0x2e: {  	s3 =	simm.s32 @!p0 $0x1082;
	s9 =	sld [smem:$0x3FAD]  }
0x2f: {  	lr =	sadd.s32 s0, s3;
	s0 =	sld [smem:$0x3FA4]  }
0x30: {  	s3 =	sld [smem:$0x3FA7]  }
0x31: {  	[smem:$0x3FB0] =	sst s10  }
0x32: {  	s10 =	sld [smem:$0x3FAE];
	_ =	sdelay $0x3  }
0x33: {  	p0 =	seq.s32 s10, $0x1;
	s10 =	sld [smem:$0x3FB0];
	_ =	sdelay $0x3  }
0x34: {  	[smem:$0x3FB0] =	sst s10  }
0x35: {  	s10 =	sld [smem:$0x3FAF];
	_ =	sdelay $0x3  }
0x36: {  	p1 =	seq.s32 s10, $0x1;
	s10 =	sld [smem:$0x3FB0];
	_ =	sdelay $0x3  }
0x37: {  	[smem:$0x3FB0] =	sst s10  }
0x38: {  	s10 =	sld [smem:$0x3FB1]  }
0x39: {  	_ = 	snop;
	(pc) =	sbr.ind lr, $3  }
0x3a: {  	_ = 	snop  }
0x3b: {  	_ = 	snop  }
0x3c: {  	p2 =	seq.s32 s10, $0x1;
	s10 =	sld [smem:$0x3FB0]  }
0x3d: {  	_ =	shalt  }
0x3e: {  	_ =	shalt  }
0x3f: {  	_ =	shalt  }
0x40: {  	_ =	shalt  }
0x41: {  	_ =	shalt  }
0x42: {  	_ =	shalt  }
0x43: {  	_ =	shalt  }
0x44: {  	_ =	shalt  }
0x45: {  	_ =	shalt  }
0x46: {  	_ =	shalt  }
0x47: {  	_ =	shalt  }
0x48: {  	_ =	shalt  }
0x49: {  	_ =	shalt  }
0x4a: {  	_ =	shalt  }
0x4b: {  	_ =	shalt  }
0x4c: {  	_ =	shalt  }
0x4d: {  	_ =	shalt  }
0x4e: {  	_ =	shalt  }
0x4f: {  	_ =	shalt  }
0x50: {  	_ =	shalt  }
0x51: {  	_ =	shalt  }
0x52: {  	_ =	shalt  }
0x53: {  	_ =	shalt  }
0x54: {  	_ =	shalt  }
0x55: {  	_ =	shalt  }
0x56: {  	_ =	shalt  }
0x57: {  	_ =	shalt  }
0x58: {  	_ =	shalt  }
0x59: {  	_ =	shalt  }
0x5a: {  	_ =	shalt  }
0x5b: {  	_ =	shalt  }
0x5c: {  	_ =	shalt  }
0x5d: {  	_ =	shalt  }
0x5e: {  	_ =	shalt  }
0x5f: {  	_ =	shalt  }
0x60: {  	_ =	shalt  }
0x61: {  	_ =	shalt  }
0x62: {  	_ =	shalt  }
0x63: {  	_ =	shalt  }
0x64: {  	_ =	shalt  }
0x65: {  	_ =	shalt  }
0x66: {  	_ =	shalt  }
0x67: {  	_ =	shalt  }
0x68: {  	_ =	shalt  }
0x69: {  	_ =	shalt  }
0x6a: {  	_ =	shalt  }
0x6b: {  	_ =	shalt  }
0x6c: {  	_ =	shalt  }
0x6d: {  	_ =	shalt  }
0x6e: {  	_ =	shalt  }
0x6f: {  	_ =	shalt  }
0x70: {  	_ =	shalt  }
0x71: {  	_ =	shalt  }
0x72: {  	_ =	shalt  }
0x73: {  	_ =	shalt  }
0x74: {  	_ =	shalt  }
0x75: {  	_ =	shalt  }
0x76: {  	_ =	shalt  }
0x77: {  	_ =	shalt  }
0x78: {  	_ =	shalt  }
0x79: {  	_ =	shalt  }
0x7a: {  	_ =	shalt  }
0x7b: {  	_ =	shalt  }
0x7c: {  	_ =	shalt  }
0x7d: {  	_ =	shalt  }
0x7e: {  	_ =	shalt  }
0x7f: {  	_ =	shalt  }
0x80: {  	_ =	shalt  }
0x81: {  	_ =	shalt  }
0x82: {  	_ =	shalt  }
0x83: {  	_ =	shalt  }
0x84: {  	_ =	shalt  }
0x85: {  	_ =	shalt  }
0x86: {  	_ =	shalt  }
0x87: {  	_ =	shalt  }
.Lfunc_end0:
.L_simem_size_0:
called_computation.4_lowered:
.L_overlay_start_0:
0x88: {  	s2 =	sld [smem:$0x3FD9]  }
0x89: {  	s3 =	sld [smem:$0x3FFE];
	_ =	sdelay $0x1  }
0x8a: {  	s1 =	srdreg.scid  }
0x8b: {  	s0 =	sand.u32 $0x1, s1  }
0x8c: {  	s16 =	sshll.u32 s0, $0xA;
	s2 =	sadd.s32 s3, s2  }
0x8d: {  	s2 =	sadd.s32 s2, s16  }
0x8e: {  	[smem:$0x3FBC] =	sst s2  }
0x8f: {  	_ = 	snop  }
0x90: {  	(tm) =	ssettm $0x1  }
0x91: {  	s17 =	sld [smem:$0x3FFB];
	_ =	sdelay $0x3  }
0x92: {  	_ =	strace s17  }
0x93: {  	s2 =	sld [smem:$0x3FFC];
	_ =	sdelay $0x3  }
0x94: {  	_ =	strace s2  }
0x95: {  	s2 =	sld [smem:$0x3FFD];
	_ =	sdelay $0x3  }
0x96: {  	_ =	strace s2  }
0x97: {  	_ =	strace $0x8FFFFFFF  }
0x98: {  	s18 =	sld [smem:$0x3FDB];
	_ =	sdelay $0x1  }
0x99: {  	s19 =	simm.s32 $_scs_section_size  }
0x9a: {  	s4 =	simm.s32 $_size__tile_overlayer_lowered;
	s5 =	simm.s32 $_tile_overlayer_lowered  }
0x9b: {  	s22 =	simm.s32 $0x1BFF;
	s21 =	sshll.u32 s5, $0x1;
	s2 =	sadd.s32 s19, s18  }
0x9c: {  	s6 =	simm.s32 $0x0;
	s20 =	sshll.u32 s4, $0x1;
	s4 =	sadd.s32 s21, s2  }
0x9d: {  	[timem:s6], [sflag:s22] =	dma.local [hbm:s4], s20  }
0x9e: {  	_ =	swait.ge [sflag:s22], s20  }
0x9f: {  	s3 =	ssub.s32 $0x0, s20;
	[sflag:s22] =	ssyncset.done $0x0  }
0xa0: {  	[sflag:s22] =	ssyncadd.s32 s3;
	_ =	sdelay $0x1  }
0xa1: {  	s23 =	simm.s32 $0x1B8B  }
0xa2: {  	_ =	swait.ge [sflag:s23], $0x1  }
0xa3: {  	[sflag:s23] =	ssyncset.done $0x0  }
0xa4: {  	s25 =	simm.s32 $0x1B8E;
	s24 =	sld [smem:$0x3FFE];
	[sflag:s23] =	ssyncadd.s32 $0xFFFFFFFF  }
0xa5: {  	s26 =	simm.s32 $execute0_lowered;
	[smem:$0x3FD2] =	sst s25  }
0xa6: {  	s4 =	sshll.u32 s26, $0x1;
	_ =	strace $0x80000052;
	[dreg:$0x1] =	wrdreg $0xFFFFFFFF  }
0xa7: {  	s28 =	simm.s32 $_size_execute0_lowered;
	s2 =	sadd.s32 s2, s4;
	[dreg:$0x0] =	wrdreg $0x0  }
0xa8: {  	s4 =	sshll.u32 s28, $0x1;
	[dreg:$0x2] =	wrdreg s2  }
0xa9: {  	[dreg:$0x3] =	wrdreg s4  }
0xaa: {  	[dreg:$0x4] =	wrdreg $0xC0  }
0xab: {  	_ =	task [dreg:s6], $0x5FFFF  }
0xac: {  	[dreg:$0x1] =	wrdreg $0xFFFFFFFF  }
0xad: {  	[dreg:$0x0] =	wrdreg $0x60  }
0xae: {  	[dreg:$0x2] =	wrdreg s24  }
0xaf: {  	[dreg:$0x3] =	wrdreg $0xB7800  }
0xb0: {  	[dreg:$0x4] =	wrdreg $0x9  }
0xb1: {  	_ =	task.clear_ibuf [dreg:s6], $0x5FFFF;
	_ =	strace $0x90000052  }
0xb2: {  	s29 =	simm.s32 $0x9;
	_ =	strace $0x80000054  }
0xb3: {  	_ =	swait.ge [sflag:s29], $0x1  }
0xb4: {  	[sflag:s29] =	ssyncadd.s32 $0xFFFFFFFF  }
0xb5: {  	_ =	strace $0x90000054  }
0xb6: {  	_ =	sfence  }
0xb7: {  	s30 =	sld [smem:$0x0];
	_ =	sdelay $0x2  }
0xb8: {  	s31 =	sshll.u32 s1, $0xD;
	s1 =	sshrl.u32 s1, $0x2  }
0xb9: {  	s3 =	sand.u32 $0x4000, s31;
	s1 =	sadd.s32 s1, s30  }
0xba: {  	s0 =	sor.u32 s3, s0;
	s1 =	sshll.u32 s1, $0x11  }
0xbb: {  	s0 =	sor.u32 s1, s0  }
0xbc: {  	s0 =	sadd.s32 $0x8F2B, s0  }
0xbd: {  	[sflag:s0] =	ssyncadd.remote.s32 $0x1  }
0xbe: {  	_ =	sfence.sel $0xFFFF  }
0xbf: {  	[dreg:$0x0] =	wrdreg $0xFFFFFFFF;
	(pc) =	sbr.abs _section_cstart, $3  }
0xc0: {  	[dreg:$0x1] =	wrdreg $0xFFFFFFFF  }
0xc1: {  	_ =	task.clear_ibuf [dreg:s6], $0x2FFFF;
	_ =	strace $0x9FFFFFFF  }
0xc2: {  	(tm) =	ssettm $0x7FFFFFFF  }
0xc3: {  	_ =	shalt  }
tec
execute0_lowered:
.L_overlay_start_1:
0x0: {  	(tag) =	ssettag $0x1  }
0x1: {  	s1 =	rddreg [dreg:$0x0];
	s3 =	srdreg.scid  }
0x2: {  	s0 =	stileid.u32;
	s2 =	rddreg [dreg:$0x1]  }
0x3: {  	s17 =	simm.s32 $0x6780;
	s18 =	simm.s32 $0x5;
	s28 =	simm.s32 $0x3  }
0x4: {  	s29 =	simm.s32 $0x4;
	s30 =	simm.s32 $0x6480;
	s31 =	simm.s32 $0x6500  }
0x5: {  	s5 =	sand.u32 $0x1, s3;
	s22 =	sshll.u32 s0, $0x1;
	s9 =	smul.u32 $0xA000, s0  }
0x6: {  	s4 =	sshrl.u32 s0, $0x2;
	s3 =	simm.s32 $0x0;
	s23 =	smul.u32 $0x3E80, s0  }
0x7: {  	s15 =	smul.u32 $0x7D000, s0;
	p0 =	sgt.u32 s0, $0xC;
	p1 =	sgt.u32 s0, $0x9  }
0x8: {  	s6 =	sor.u32 s5, s22;
	s4 =	smul.u32 $0x13C00, s4;
	[smem:$0x7FF] =	sst s3  }
0x9: {  	s8 =	smul.u32 $0x27100, s5;
	s24 =	ssub.s32 $0x2, s5;
	s22 =	simm.s32 $0x50  }
0xa: {  	s7 =	sshll.u32 s6, $0x7;
	_ =	strace $0x80000053;
	s6 =	sshll.u32 s6, $0xB  }
0xb: {  	s25 =	sshrl.u32 s9, $0x2;
	s26 =	sshrl.u32 s24, $0x1;
	s15 =	sshrl.u32 s15, $0x2  }
0xc: {  	s7 =	sand.u32 $0x380, s7;
	s14 =	sadd.s32 s6, s1;
	s5 =	sadd.s32 s25, s2  }
0xd: {  	s16 =	ssub.s32 s24, s26;
	s19 =	sadd.s32 s15, s2;
	s24 =	simm.s32 $0x1  }
0xe: {  	s26 =	simm.s32 $0x2;
	s7 =	sor.u32 s4, s7;
	s4 =	sadd.s32 $0x14000, s1  }
0xf: {  	s6 =	sadd.s32 $0x28000, s5;
	s9 =	sadd.s32 $0xA0000, s5;
	s10 =	sadd.s32 $0xC8000, s5  }
0x10: {  	s11 =	sadd.s32 $0xF0000, s5;
	s12 =	sadd.s32 $0x118000, s5;
	s14 =	sadd.s32 $0x4000, s14  }
0x11: {  	s16 =	smax.u32 s16, $0x1;
	s25 =	sshrl.u32 @!p1 s19, $0x3;
	s7 =	sshrl.u32 s7, $0x3  }
0x12: {  	s13 =	sadd.s32 s7, s1;
	s7 =	sadd.s32 s23, s8;
	s8 =	sadd.s32 $0x78000, s5  }
0x13: {  	s23 =	simm.s32 $0x8F80;
	s1 =	sadd.s32 s7, s1;
	s7 =	sadd.s32 $0x50000, s5  }
0x14: {  	v0 =	vimm.f32 $0.0e+00;
	s13 =	sadd.s32 $0x62200, s13;
	s15 =	sadd.s32 $0x6C000, s1;
	s1 =	simm.s32 $0x6580  }
.LBB2_1:
0x15: {  	s19 =	simm.s32 $0x0;
	s20 =	simm.s32 $0x200  }
.LBB2_2:
0x16: {  	p2 =	sne.s32 s20, $0x9E00;
	[tilespmem:s19+$0x67F0] =	vst v0  }
0x17: {  	[tilespmem:s19+$0x6780] =	vst v0  }
0x18: {  	[tilespmem:s19+$0x6790] =	vst v0  }
.Ltmp0:
0x19: {  	[tilespmem:s19+$0x67A0] =	vst v0;
	(pc) =	sbr.rel @p2 .LBB2_2-.Ltmp0, $4  }
0x1a: {  	[tilespmem:s19+$0x67B0] =	vst v0  }
0x1b: {  	[tilespmem:s19+$0x67C0] =	vst v0  }
0x1c: {  	[tilespmem:s19+$0x67D0] =	vst v0  }
0x1d: {  	[tilespmem:s19+$0x67E0] =	vst v0;
	s19 =	sshra.s32 s20, $0x2;
	s20 =	sadd.s32 $0x200, s20  }
0x1e: {  	[tilespmem:s19+$0x67F0] =	vst v0  }
0x1f: {  	[tilespmem:s19+$0x6780] =	vst v0  }
0x20: {  	[tilespmem:s19+$0x6790] =	vst v0  }
0x21: {  	[tilespmem:s19+$0x67A0] =	vst v0  }
0x22: {  	[tilespmem:s19+$0x67B0] =	vst v0  }
0x23: {  	[tilespmem:s19+$0x67C0] =	vst v0  }
0x24: {  	[tilespmem:s19+$0x67D0] =	vst v0  }
0x25: {  	[tilespmem:s19+$0x67E0] =	vst v0  }
0x26: {  	[spmem:s5] =	stream.linear.scatter [tilespmem:s17], [sflag:$0x5], $0x2800, $0x38;
	[tilespmem:$0x1F000] =	vst v63  }
0x27: {  	_ =	swait.ge [sflag:s18], $0x2800  }
0x28: {  	[sflag:s18] =	ssyncset.done $0x0  }
0x29: {  	[sflag:s18] =	ssyncadd.s32 $0xFFFFD800  }
0x2a: {  	[spmem:s6] =	stream.linear.scatter [tilespmem:s17], [sflag:$0x5], $0x2800, $0x38;
	[tilespmem:$0x1F000] =	vst v63  }
0x2b: {  	_ =	swait.ge [sflag:s18], $0x2800  }
0x2c: {  	[sflag:s18] =	ssyncset.done $0x0  }
0x2d: {  	[sflag:s18] =	ssyncadd.s32 $0xFFFFD800  }
0x2e: {  	[spmem:s7] =	stream.linear.scatter [tilespmem:s17], [sflag:$0x5], $0x2800, $0x38;
	[tilespmem:$0x1F000] =	vst v63  }
0x2f: {  	_ =	swait.ge [sflag:s18], $0x2800  }
0x30: {  	[sflag:s18] =	ssyncset.done $0x0  }
0x31: {  	[sflag:s18] =	ssyncadd.s32 $0xFFFFD800  }
0x32: {  	[spmem:s8] =	stream.linear.scatter [tilespmem:s17], [sflag:$0x5], $0x2800, $0x38;
	[tilespmem:$0x1F000] =	vst v63  }
0x33: {  	_ =	swait.ge [sflag:s18], $0x2800  }
0x34: {  	[sflag:s18] =	ssyncset.done $0x0  }
0x35: {  	[sflag:s18] =	ssyncadd.s32 $0xFFFFD800  }
0x36: {  	[spmem:s9] =	stream.linear.scatter [tilespmem:s17], [sflag:$0x5], $0x2800, $0x38;
	[tilespmem:$0x1F000] =	vst v63  }
0x37: {  	_ =	swait.ge [sflag:s18], $0x2800  }
0x38: {  	[sflag:s18] =	ssyncset.done $0x0  }
0x39: {  	[sflag:s18] =	ssyncadd.s32 $0xFFFFD800  }
0x3a: {  	[spmem:s10] =	stream.linear.scatter [tilespmem:s17], [sflag:$0x5], $0x2800, $0x38;
	[tilespmem:$0x1F000] =	vst v63  }
0x3b: {  	_ =	swait.ge [sflag:s18], $0x2800  }
0x3c: {  	[sflag:s18] =	ssyncset.done $0x0  }
0x3d: {  	[sflag:s18] =	ssyncadd.s32 $0xFFFFD800  }
0x3e: {  	[spmem:s11] =	stream.linear.scatter [tilespmem:s17], [sflag:$0x5], $0x2800, $0x38;
	[tilespmem:$0x1F000] =	vst v63  }
0x3f: {  	_ =	swait.ge [sflag:s18], $0x2800  }
0x40: {  	[sflag:s18] =	ssyncset.done $0x0  }
0x41: {  	s19 =	simm.s32 @!p0 $0x6780;
	[sflag:s18] =	ssyncadd.s32 $0xFFFFD800  }
0x42: {  	[spmem:s12] =	stream.linear.scatter @!p0 [tilespmem:s19], [sflag:$0x5], $0x2800, $0x38;
	[tilespmem:$0x1F000] =	vst v63  }
0x43: {  	s19 =	simm.s32 @!p0 $0x5  }
0x44: {  	_ =	swait.ge @!p0 [sflag:s19], $0x2800  }
0x45: {  	s0 =	simm.s32 $0x80;
	[sflag:s19] =	ssyncset.done @!p0 $0x0  }
0x46: {  	s20 =	simm.s32 $0x400;
	[sflag:s19] =	ssyncadd.s32 @!p0 $0xFFFFD800;
	s19 =	simm.s32 $0x0  }
0x47: {  	[tilespmem:s19], [sflag:$0x5] =	stream.strided.gather [hbm4b:s13+s0], $0x2780, s20, s0, $0x38;
	[tilespmem:$0x1F000] =	vst v63  }
0x48: {  	_ =	swait.ge [sflag:s18], $0x2780  }
0x49: {  	[sflag:s18] =	ssyncset.done $0x0  }
0x4a: {  	s21 =	simm.s32 $0x2780;
	[sflag:s18] =	ssyncadd.s32 $0xFFFFD880  }
0x4b: {  	[tilespmem:s21], [sflag:$0x5] =	stream.linear.gather [hbm4b:s14+s19], $0x3E80, $0x38;
	[tilespmem:$0x1F000] =	vst v63  }
0x4c: {  	_ =	swait.ge [sflag:s18], $0x3E80  }
0x4d: {  	[sflag:s18] =	ssyncset.done $0x0  }
0x4e: {  	[sflag:s18] =	ssyncadd.s32 $0xFFFFC180  }
0x4f: {  	[bflag:$0x0] =	sbarrier.arrive $0xFFFF  }
0x50: {  	[tilespmem:s17], [sflag:$0x1] =	stream.indirect.gather [hbm4b:s4+s22], $0x80, s19, s22, $0xb8;
	[tilespmem:$0x1F000] =	vst v63  }
0x51: {  	_ = 	snop  }
0x52: {  	[tilespmem:s23], [sflag:$0x2] =	stream.indirect.gather [hbm4b:s4+s22], $0x80, s22, s22, $0xb8;
	[tilespmem:$0x1F000] =	vst v63  }
0x53: {  	_ =	swait.ge [sflag:s24], $0x2800  }
0x54: {  	[sflag:s24] =	ssyncset.done $0x0  }
0x55: {  	s0 =	simm.s32 $0x2780;
	[sflag:s24] =	ssyncadd.s32 $0xFFFFD800  }
0x56: {  	[spmem:s2] =	stream.indirect.scatter.add.f32 [tilespmem:s17], [sflag:$0x3], $0x80, s0, s22, $0xb8;
	[tilespmem:$0x1F000] =	vst v63  }
0x57: {  	_ =	swait.ge [sflag:s26], $0x2800  }
0x58: {  	[sflag:s26] =	ssyncset.done $0x0  }
0x59: {  	s20 =	simm.s32 $0x2800;
	[sflag:s26] =	ssyncadd.s32 $0xFFFFD800  }
0x5a: {  	[spmem:s2] =	stream.indirect.scatter.add.f32 [tilespmem:s23], [sflag:$0x4], $0x80, s20, s22, $0xb8;
	[tilespmem:$0x1F000] =	vst v63  }
0x5b: {  	_ =	swait.ge [sflag:s28], $0x2800  }
0x5c: {  	[sflag:s28] =	ssyncset.done $0x0  }
0x5d: {  	s21 =	simm.s32 $0xA0;
	[sflag:s28] =	ssyncadd.s32 $0xFFFFD800  }
0x5e: {  	[tilespmem:s17], [sflag:$0x1] =	stream.indirect.gather [hbm4b:s4+s22], $0x80, s21, s22, $0xb8;
	[tilespmem:$0x1F000] =	vst v63  }
0x5f: {  	_ =	swait.ge [sflag:s29], $0x2800  }
0x60: {  	s19 =	simm.s32 $0x140;
	[sflag:s29] =	ssyncset.done $0x0  }
0x61: {  	s20 =	simm.s32 $0x400;
	s21 =	simm.s32 $0xF0;
	[sflag:s29] =	ssyncadd.s32 $0xFFFFD800  }
.LBB2_4:
0x62: {  	[tilespmem:s23], [sflag:$0x2] =	stream.indirect.gather [hbm4b:s4+s22], $0x80, s21, s22, $0xb8;
	[tilespmem:$0x1F000] =	vst v63  }
0x63: {  	s21 =	smov.u32 s20  }
0x64: {  	p2 =	sne.s32 s20, $0xF000;
	s20 =	sadd.s32 $0x400, s20;
	_ =	swait.ge [sflag:s24], $0x2800  }
0x65: {  	s21 =	sshra.s32 s21, $0x2;
	[sflag:s24] =	ssyncset.done $0x0  }
0x66: {  	s0 =	sadd.s32 $0x2780, s21;
	[sflag:s24] =	ssyncadd.s32 $0xFFFFD800  }
0x67: {  	[spmem:s2] =	stream.indirect.scatter.add.f32 [tilespmem:s17], [sflag:$0x3], $0x80, s0, s22, $0xb8;
	[tilespmem:$0x1F000] =	vst v63  }
0x68: {  	_ =	swait.ge [sflag:s26], $0x2800  }
0x69: {  	[sflag:s26] =	ssyncset.done $0x0  }
0x6a: {  	s0 =	sadd.s32 $0x2800, s21;
	[sflag:s26] =	ssyncadd.s32 $0xFFFFD800  }
0x6b: {  	[spmem:s2] =	stream.indirect.scatter.add.f32 [tilespmem:s23], [sflag:$0x4], $0x80, s0, s22, $0xb8;
	[tilespmem:$0x1F000] =	vst v63  }
0x6c: {  	_ =	swait.ge [sflag:s28], $0x2800  }
0x6d: {  	[sflag:s28] =	ssyncset.done $0x0  }
.Ltmp1:
0x6e: {  	[sflag:s28] =	ssyncadd.s32 $0xFFFFD800;
	(pc) =	sbr.rel @p2 .LBB2_4-.Ltmp1, $4  }
0x6f: {  	[tilespmem:s17], [sflag:$0x1] =	stream.indirect.gather [hbm4b:s4+s22], $0x80, s19, s22, $0xb8;
	[tilespmem:$0x1F000] =	vst v63  }
0x70: {  	_ =	swait.ge [sflag:s29], $0x2800  }
0x71: {  	[sflag:s29] =	ssyncset.done $0x0  }
0x72: {  	s21 =	sadd.s32 $0x50, s19;
	s19 =	sadd.s32 $0xA0, s19;
	[sflag:s29] =	ssyncadd.s32 $0xFFFFD800  }
0x73: {  	[tilespmem:s23], [sflag:$0x2] =	stream.indirect.gather [hbm4b:s4+s22], $0x80, s21, s22, $0xb8;
	[tilespmem:$0x1F000] =	vst v63  }
0x74: {  	_ =	swait.ge [sflag:s24], $0x2800  }
0x75: {  	[sflag:s24] =	ssyncset.done $0x0  }
0x76: {  	[sflag:s24] =	ssyncadd.s32 $0xFFFFD800  }
0x77: {  	[spmem:s2] =	stream.indirect.scatter.add.f32 [tilespmem:s17], [sflag:$0x3], $0x80, s30, s22, $0xb8;
	[tilespmem:$0x1F000] =	vst v63  }
0x78: {  	_ =	swait.ge [sflag:s26], $0x2800  }
0x79: {  	[sflag:s26] =	ssyncset.done $0x0  }
0x7a: {  	[sflag:s26] =	ssyncadd.s32 $0xFFFFD800  }
0x7b: {  	[spmem:s2] =	stream.indirect.scatter.add.f32 [tilespmem:s23], [sflag:$0x4], $0x80, s31, s22, $0xb8;
	[tilespmem:$0x1F000] =	vst v63  }
0x7c: {  	_ =	swait.ge [sflag:s28], $0x2800  }
0x7d: {  	[sflag:s28] =	ssyncset.done $0x0  }
0x7e: {  	[sflag:s28] =	ssyncadd.s32 $0xFFFFD800  }
0x7f: {  	[tilespmem:s17], [sflag:$0x1] =	stream.indirect.gather [hbm4b:s4+s22], $0x80, s19, s22, $0xb8;
	[tilespmem:$0x1F000] =	vst v63  }
0x80: {  	_ =	swait.ge [sflag:s24], $0x2800  }
0x81: {  	[sflag:s24] =	ssyncset.done $0x0  }
0x82: {  	[sflag:s24] =	ssyncadd.s32 $0xFFFFD800  }
0x83: {  	[spmem:s2] =	stream.indirect.scatter.add.f32 [tilespmem:s17], [sflag:$0x3], $0x80, s1, s22, $0xb8;
	[tilespmem:$0x1F000] =	vst v63  }
0x84: {  	_ =	swait.ge [sflag:s28], $0x2800  }
0x85: {  	[sflag:s28] =	ssyncset.done $0x0  }
0x86: {  	[sflag:s28] =	ssyncadd.s32 $0xFFFFD800  }
0x87: {  	_ =	swait.ge [sflag:s29], $0x2800  }
0x88: {  	s0 =	stileid.u32;
	[sflag:s29] =	ssyncset.done $0x0  }
0x89: {  	s3 =	sadd.s32 $0x1, s3;
	s0 =	sshll.u32 @!p1 s0, $0x6;
	[sflag:s29] =	ssyncadd.s32 $0xFFFFD800  }
0x8a: {  	p2 =	sne.s32 s3, s16;
	s0 =	sor.u32 @!p1 $0x1C05, s0;
	[bflag:$0x0] =	sbarrier.arrive $0xFFFF  }
0x8b: {  	[hbm:s15], [sflag:s0] =	dma.local @!p1 [spmem:s25], $0x3E80  }
.Ltmp2:
0x8c: {  	_ = 	snop;
	(pc) =	sbr.rel @p2 .LBB2_1-.Ltmp2, $4  }
0x8d: {  	s0 =	simm.s32 @!p1 $0x5  }
0x8e: {  	_ =	swait.ge @!p1 [sflag:s0], $0x3E80  }
0x8f: {  	[sflag:s0] =	ssyncset.done @!p1 $0x0  }
0x90: {  	[sflag:s0] =	ssyncadd.s32 @!p1 $0xFFFFC180  }
0x91: {  	_ =	sfence.sel $0x180000  }
0x92: {  	[bflag:$0x0] =	sbarrier.arrive $0xFFFF  }
0x93: {  	_ =	strace $0x90000053  }
0x94: {  	s0 =	stileid.u32;
	[bflag:$0x2] =	sbarrier.arrive $0xFFFF  }
0x95: {  	p0 =	sne.s32 s0, $0x0;
	s0 =	rddreg [dreg:$0x2]  }
0x96: {  	s0 =	sadd.s32 @!p0 $0x100000, s0  }
0x97: {  	[sflag:s0] =	ssyncadd.tile.s32 @!p0 $0x1;
	_ =	shalt  }
.Lfunc_end2:
_tile_overlayer_lowered:
.L_overlay_start_2:
0x98: {  	(tag) =	ssettag $0x2  }
0x99: {  	s0 =	rddreg [dreg:$0x0];
	s2 =	stileid.u32  }
0x9a: {  	s1 =	rddreg [dreg:$0x1];
	p0 =	sne.s32 s2, $0x0  }
0x9b: {  	s3 =	rddreg [dreg:$0x2];
	[bflag:$0x3] =	sbarrier.arrive $0xFFFF;
	s2 =	simm.s32 @!p0 $0x1C05  }
0x9c: {  	[timem:s3], [sflag:s2] =	dma.local @!p0 [hbm:s0], s1  }
0x9d: {  	s0 =	simm.s32 @!p0 $0x5  }
0x9e: {  	_ =	swait.ge @!p0 [sflag:s0], s1  }
0x9f: {  	s1 =	ssub.s32 @!p0 $0x0, s1;
	[sflag:s0] =	ssyncset.done @!p0 $0x0  }
0xa0: {  	[sflag:s0] =	ssyncadd.s32 @!p0 s1  }
0xa1: {  	[bflag:$0x3] =	sbarrier.arrive $0xFFFF  }
0xa2: {  	_ =	shalt  }

</sc_bundles>
